<compile_context>
chip_gen: v7x
topology: tpu7x:2x2x1
jax: 0.10.2.dev20260603
libtpu: 0.0.44.dev20260713+nightly
codegen_flags: <defaults>
</compile_context>

<pallas_src>
import jax
import jax.numpy as jnp
from jax import lax
from jax.experimental import pallas as pl
from jax.experimental.pallas import tpu as pltpu
from jax.experimental.pallas import tpu_sc as plsc

N_TOKENS = 32768
D_IN = 1024
N_EXPERTS = 8


BT = 2048


def _tc_body(z_ref, w_ref, b_ref, out_ref):
    z = z_ref[...]
    w = w_ref[...]
    logits = lax.dot_general(z, w, (((1,), (1,)), ((), ())),
                             preferred_element_type=jnp.float32)
    logits = logits + b_ref[...]
    m = jnp.max(logits, axis=-1, keepdims=True)
    e = jnp.exp(logits - m)
    s = jnp.sum(e, axis=-1, keepdims=True)
    out_ref[...] = e / s


def _tc_router(z, W, b2, n):
    return pl.pallas_call(
        _tc_body,
        grid=(n // BT,),
        in_specs=[
            pl.BlockSpec((BT, D_IN), lambda i: (i, 0)),
            pl.BlockSpec((N_EXPERTS, D_IN), lambda i: (0, 0)),
            pl.BlockSpec((1, N_EXPERTS), lambda i: (0, 0)),
        ],
        out_specs=pl.BlockSpec((BT, N_EXPERTS), lambda i: (i, 0)),
        out_shape=jax.ShapeDtypeStruct((n, N_EXPERTS), jnp.float32),
    )(z, W, b2)



NW = 32
T_CH = 32
TG = 4


def _sc_body_for(n_sc, base):
    tpw = n_sc // NW
    n_chunks = tpw // T_CH

    def _sc_body(z_hbm, w_hbm, b_hbm, out_hbm,
                 zbuf0, zbuf1, wbuf, bbuf, red, sm, outstage, sem0, sem1):
        wid = lax.axis_index("s") * 2 + lax.axis_index("c")
        wbase = wid * tpw

        pltpu.sync_copy(w_hbm, wbuf)
        pltpu.sync_copy(b_hbm, bbuf)
        bvec = bbuf[...]

        iota = lax.iota(jnp.int32, 16)
        mask8 = iota < 8

        def z_src(c):
            return z_hbm.at[pl.ds(base + wbase + c * T_CH, T_CH), :]

        def start(c, buf, sem):
            pltpu.async_copy(z_src(c), buf, sem)

        def wait(c, buf, sem):
            pltpu.make_async_copy(z_src(c), buf, sem).wait()

        def fold_max(v):
            sm[pl.ds(0, 16)] = v
            r = jnp.maximum(v, sm[pl.ds(4, 16)])
            sm[pl.ds(0, 16)] = r
            r = jnp.maximum(r, sm[pl.ds(2, 16)])
            sm[pl.ds(0, 16)] = r
            r = jnp.maximum(r, sm[pl.ds(1, 16)])
            return r[0], r[8]

        def fold_sum(v):
            sm[pl.ds(0, 16)] = v
            r = v + sm[pl.ds(4, 16)]
            sm[pl.ds(0, 16)] = r
            r = r + sm[pl.ds(2, 16)]
            sm[pl.ds(0, 16)] = r
            r = r + sm[pl.ds(1, 16)]
            return r[0], r[8]

        def process(c, zbuf):
            def group(g, _):
                gbase = g * TG
                toks = [gbase + k for k in range(TG)]

                def dc_body(dc, accs):
                    off = dc * 16
                    wv = [wbuf[pl.ds(e * D_IN + off, 16)]
                          for e in range(N_EXPERTS)]
                    out = []
                    for k in range(TG):
                        zv = zbuf[toks[k], pl.ds(off, 16)]
                        out.append(tuple(accs[k][e] + zv * wv[e]
                                         for e in range(N_EXPERTS)))
                    return tuple(out)

                zero = jnp.zeros((16,), jnp.float32)
                init = tuple(tuple(zero for _ in range(N_EXPERTS))
                             for _ in range(TG))
                accs = lax.fori_loop(0, D_IN // 16, dc_body, init,
                                     unroll=False)

                for k in range(0, TG, 2):
                    v = jnp.zeros((16,), jnp.float32)
                    for kk in (k, k + 1):
                        for e in range(N_EXPERTS):
                            red[pl.ds(e * 16, 16)] = accs[kk][e]
                        for e in range(N_EXPERTS):
                            h = accs[kk][e] + red[pl.ds(e * 16 + 8, 16)]
                            red[pl.ds(e * 16, 16)] = h
                            q = h + red[pl.ds(e * 16 + 4, 16)]
                            red[pl.ds(e * 16, 16)] = q
                            r = q + red[pl.ds(e * 16 + 2, 16)]
                            s = r[0] + r[1]
                            lane = (kk - k) * 8 + e
                            v = jnp.where(iota == lane,
                                          jnp.full((16,), s), v)
                    v = v + bvec
                    m_a, m_b = fold_max(v)
                    m = jnp.where(mask8, jnp.full((16,), m_a),
                                  jnp.full((16,), m_b))
                    e_v = jnp.exp(v - m)
                    s_a, s_b = fold_sum(e_v)
                    d = jnp.where(mask8, jnp.full((16,), s_a),
                                  jnp.full((16,), s_b))
                    p = e_v / d
                    outstage[pl.ds((gbase + k) * N_EXPERTS, 16)] = p
                return 0

            lax.fori_loop(0, T_CH // TG, group, 0, unroll=False)
            tok0 = wbase + c * T_CH
            pltpu.sync_copy(outstage.at[pl.ds(0, T_CH * N_EXPERTS)],
                            out_hbm.at[pl.ds(tok0 * N_EXPERTS,
                                             T_CH * N_EXPERTS)])

        start(0, zbuf0, sem0)
        start(1, zbuf1, sem1)

        def chunk_pair(i, _):
            c0 = 2 * i
            wait(c0, zbuf0, sem0)
            process(c0, zbuf0)

            @pl.when(c0 + 2 < n_chunks)
            def _():
                start(c0 + 2, zbuf0, sem0)

            c1 = c0 + 1
            wait(c1, zbuf1, sem1)
            process(c1, zbuf1)

            @pl.when(c1 + 2 < n_chunks)
            def _():
                start(c1 + 2, zbuf1, sem1)
            return 0

        lax.fori_loop(0, n_chunks // 2, chunk_pair, 0, unroll=False)

    return _sc_body


_SC_SCRATCH = [
    pltpu.VMEM((T_CH, D_IN), jnp.float32),
    pltpu.VMEM((T_CH, D_IN), jnp.float32),
    pltpu.VMEM((N_EXPERTS * D_IN,), jnp.float32),
    pltpu.VMEM((16,), jnp.float32),
    pltpu.VMEM((N_EXPERTS * 16 + 16,), jnp.float32),
    pltpu.VMEM((32,), jnp.float32),
    pltpu.VMEM((T_CH * N_EXPERTS,), jnp.float32),
    pltpu.SemaphoreType.DMA,
    pltpu.SemaphoreType.DMA,
]


def _sc_router(z, W, b, n_sc, base):
    wf = W.reshape(N_EXPERTS * D_IN)
    b16 = jnp.concatenate([b, b])
    mesh = plsc.VectorSubcoreMesh(core_axis_name="c", subcore_axis_name="s")
    out = pl.kernel(
        _sc_body_for(n_sc, base),
        out_type=jax.ShapeDtypeStruct((n_sc * N_EXPERTS,), jnp.float32),
        mesh=mesh,
        scratch_types=_SC_SCRATCH,
    )(z, wf, b16)
    return out.reshape(n_sc, N_EXPERTS)



N_SC = 2048


def kernel(z, W, b):
    n = z.shape[0]
    b2 = b.reshape(1, N_EXPERTS)
    out_sc = _sc_router(z, W, b, N_SC, n - N_SC)
    out_tc = _tc_router(z, W, b2, n - N_SC)
    return jnp.concatenate([out_tc, out_sc], axis=0)

# --- scband reference (transcript-rebuilt; emitter-appended) ---
"""Pipeline reference for scband-router-2894807957600 (READ-ONLY COPY).

The authoritative reference and input builder live on the scoring server;
editing this copy changes nothing except your own understanding.
"""

import jax, jax.numpy as jnp
import numpy as np

D_IN = 1024
N_EXPERTS = 8
TAU = 1.0
NOISE_STD = 0.0
N_TOKENS = 32768


def setup_inputs(seed: int = 0) -> dict:
    key = jax.random.key(seed)
    k_z, k_w, k_b = jax.random.split(key, 3)
    z = jax.random.normal(k_z, (N_TOKENS, D_IN), dtype=jnp.float32)
    # nn.Linear default init: uniform(-1/sqrt(fan_in), 1/sqrt(fan_in))
    bound = 1.0 / np.sqrt(D_IN)
    W = jax.random.uniform(k_w, (N_EXPERTS, D_IN), dtype=jnp.float32, minval=-bound, maxval=bound)
    b = jax.random.uniform(k_b, (N_EXPERTS,), dtype=jnp.float32, minval=-bound, maxval=bound)
    return {"z": z, "W": W, "b": b}


def reference(z, W, b):
    logits = z @ W.T + b
    # train=True but noise_std == 0.0 -> no noise added (matches torch branch skip)
    if NOISE_STD > 0:
        noise = jax.random.normal(jax.random.key(123), logits.shape, dtype=logits.dtype)
        logits = logits + noise * NOISE_STD
    return jax.nn.softmax(logits / max(1e-06, TAU), axis=-1)

if __name__ == "__main__":
    import jax
    _d = setup_inputs()
    print(jax.jit(kernel)(*tuple(_d.values())))

</pallas_src>

<mosaic_0001>
#map = affine_map<(d0, d1) -> (0, 0)>
#map1 = affine_map<(d0, d1) -> (0)>
module attributes {stable_mosaic.version = 14 : i64} {
  func.func @_sc_body(%arg0: i32, %arg1: i32, %arg2: memref<32768x1024xf32, #tpu.memory_space<hbm>>, %arg3: memref<8192xf32, #tpu.memory_space<hbm>>, %arg4: memref<16xf32, #tpu.memory_space<hbm>>, %arg5: memref<16384xf32, #tpu.memory_space<hbm>>, %arg6: memref<32x1024xf32, #tpu.memory_space<vmem>>, %arg7: memref<32x1024xf32, #tpu.memory_space<vmem>>, %arg8: memref<8192xf32, #tpu.memory_space<vmem>>, %arg9: memref<16xf32, #tpu.memory_space<vmem>>, %arg10: memref<144xf32, #tpu.memory_space<vmem>>, %arg11: memref<32xf32, #tpu.memory_space<vmem>>, %arg12: memref<256xf32, #tpu.memory_space<vmem>>, %arg13: memref<!tpu.dma_semaphore, #tpu.memory_space<semaphore_mem>>, %arg14: memref<!tpu.dma_semaphore, #tpu.memory_space<semaphore_mem>>) attributes {dimension_semantics = [#tpu.dimension_semantics<core_parallel>, #tpu.dimension_semantics<subcore_parallel>], iteration_bounds = array<i64: 2, 16>, scalar_prefetch = 0 : i64, scratch_operands = 9 : i64, tpu.core_type = #tpu.core_type<sc_vector_subcore>, window_params = [{transform_indices = #map}, {transform_indices = #map1}, {transform_indices = #map1}, {transform_indices = #map1}]} {
    %mul3A = arith.constant 2 : i32
    %mul3A_0 = arith.muli %arg1, %mul3A : i32
    %add3A = arith.addi %mul3A_0, %arg0 : i32
    %mul3A_1 = arith.constant 64 : i32
    %mul3A_2 = arith.muli %add3A, %mul3A_1 : i32
    "tpu.region"() ({
      %run_scoped3A = tpu.sem_alloc : memref<!tpu.dma_semaphore, #tpu.memory_space<semaphore_mem>>
      tpu.enqueue_dma source(%arg3 : memref<8192xf32, #tpu.memory_space<hbm>>) target(%arg8 : memref<8192xf32, #tpu.memory_space<vmem>>) target_semaphore(%run_scoped3A : memref<!tpu.dma_semaphore, #tpu.memory_space<semaphore_mem>>)
      tpu.wait_dma2 semaphore(%run_scoped3A : memref<!tpu.dma_semaphore, #tpu.memory_space<semaphore_mem>>) src(%arg3 : memref<8192xf32, #tpu.memory_space<hbm>>) dst(%arg8 : memref<8192xf32, #tpu.memory_space<vmem>>)
      tpu.yield
    }) : () -> ()
    "tpu.region"() ({
      %run_scoped3A = tpu.sem_alloc : memref<!tpu.dma_semaphore, #tpu.memory_space<semaphore_mem>>
      tpu.enqueue_dma source(%arg4 : memref<16xf32, #tpu.memory_space<hbm>>) target(%arg9 : memref<16xf32, #tpu.memory_space<vmem>>) target_semaphore(%run_scoped3A : memref<!tpu.dma_semaphore, #tpu.memory_space<semaphore_mem>>)
      tpu.wait_dma2 semaphore(%run_scoped3A : memref<!tpu.dma_semaphore, #tpu.memory_space<semaphore_mem>>) src(%arg4 : memref<16xf32, #tpu.memory_space<hbm>>) dst(%arg9 : memref<16xf32, #tpu.memory_space<vmem>>)
      tpu.yield
    }) : () -> ()
    %get3A = arith.constant 0 : index
    %get3A_3 = tpu.vector_load %arg9[%get3A] {strides = array<i32>} : memref<16xf32, #tpu.memory_space<vmem>>, vector<16xf32>,
    %get3A_4 = vector.shape_cast %get3A_3 : vector<16xf32> to vector<16xf32>
    %iota3A = tpu.iota {dimensions = array<i32: 0>} : vector<16xi32>
    %lt3A = arith.constant 8 : i32
    %lt3A_5 = vector.broadcast %lt3A : i32 to vector<16xi32>
    %lt3A_6 = arith.cmpi slt, %iota3A, %lt3A_5 : vector<16xi32>
    %add3A_7 = arith.constant 30720 : i32
    %add3A_8 = arith.addi %add3A_7, %mul3A_2 : i32
    %add3A_9 = arith.constant 0 : i32
    %add3A_10 = arith.addi %add3A_8, %add3A_9 : i32
    %dma_start3A = arith.constant 0 : i32
    %dma_start3A_11 = tpu.memref_slice %arg2[%add3A_10, %dma_start3A] : memref<32768x1024xf32, #tpu.memory_space<hbm>> -> memref<32x1024xf32, #tpu.memory_space<hbm>>
    %dma_start3A_12 = arith.constant 0 : i32
    %dma_start3A_13 = tpu.memref_slice %arg2[%add3A_10, %dma_start3A_12] : memref<32768x1024xf32, #tpu.memory_space<hbm>> -> memref<32x1024xf32, #tpu.memory_space<hbm>>
    tpu.enqueue_dma source(%dma_start3A_13 : memref<32x1024xf32, #tpu.memory_space<hbm>>) target(%arg6 : memref<32x1024xf32, #tpu.memory_space<vmem>>) target_semaphore(%arg13 : memref<!tpu.dma_semaphore, #tpu.memory_space<semaphore_mem>>)
    %add3A_14 = arith.constant 30720 : i32
    %add3A_15 = arith.addi %add3A_14, %mul3A_2 : i32
    %add3A_16 = arith.constant 32 : i32
    %add3A_17 = arith.addi %add3A_15, %add3A_16 : i32
    %dma_start3A_18 = arith.constant 0 : i32
    %dma_start3A_19 = tpu.memref_slice %arg2[%add3A_17, %dma_start3A_18] : memref<32768x1024xf32, #tpu.memory_space<hbm>> -> memref<32x1024xf32, #tpu.memory_space<hbm>>
    %dma_start3A_20 = arith.constant 0 : i32
    %dma_start3A_21 = tpu.memref_slice %arg2[%add3A_17, %dma_start3A_20] : memref<32768x1024xf32, #tpu.memory_space<hbm>> -> memref<32x1024xf32, #tpu.memory_space<hbm>>
    tpu.enqueue_dma source(%dma_start3A_21 : memref<32x1024xf32, #tpu.memory_space<hbm>>) target(%arg7 : memref<32x1024xf32, #tpu.memory_space<vmem>>) target_semaphore(%arg14 : memref<!tpu.dma_semaphore, #tpu.memory_space<semaphore_mem>>)
    %scan3A = arith.constant 0 : i32
    %scan3A_22 = arith.constant 0 : i32
    %mul3A_23 = arith.constant 2 : i32
    %mul3A_24 = arith.muli %mul3A_23, %scan3A_22 : i32
    %add3A_25 = arith.constant 30720 : i32
    %add3A_26 = arith.addi %add3A_25, %mul3A_2 : i32
    %mul3A_27 = arith.constant 32 : i32
    %mul3A_28 = arith.muli %mul3A_24, %mul3A_27 : i32
    %add3A_29 = arith.addi %add3A_26, %mul3A_28 : i32
    %dma_wait3A = arith.constant 0 : i32
    %dma_wait3A_30 = tpu.memref_slice %arg2[%add3A_29, %dma_wait3A] : memref<32768x1024xf32, #tpu.memory_space<hbm>> -> memref<32x1024xf32, #tpu.memory_space<hbm>>
    %dma_wait3A_31 = arith.constant 0 : i32
    %dma_wait3A_32 = tpu.memref_slice %arg2[%add3A_29, %dma_wait3A_31] : memref<32768x1024xf32, #tpu.memory_space<hbm>> -> memref<32x1024xf32, #tpu.memory_space<hbm>>
    tpu.wait_dma2 semaphore(%arg13 : memref<!tpu.dma_semaphore, #tpu.memory_space<semaphore_mem>>) src(%dma_wait3A_32 : memref<32x1024xf32, #tpu.memory_space<hbm>>) dst(%arg6 : memref<32x1024xf32, #tpu.memory_space<vmem>>)
    %scan3A_33 = arith.constant 0 : i32
    %scan3A_34 = arith.constant 0 : i32
    %scan3A_35 = arith.constant 8 : i32
    %scan3A_36 = arith.addi %scan3A_34, %scan3A_35 : i32
    %scan3A_37 = arith.constant 1 : i32
    %scan3A_38 = scf.for %scan3A_82 = %scan3A_34 to %scan3A_36 step %scan3A_37 iter_args(%scan3A_83 = %scan3A_33) -> (i32)  : i32 {
      %mul3A_84 = arith.constant 4 : i32
      %mul3A_85 = arith.muli %scan3A_82, %mul3A_84 : i32
      %add3A_86 = arith.constant 0 : i32
      %add3A_87 = arith.addi %mul3A_85, %add3A_86 : i32
      %add3A_88 = arith.constant 1 : i32
      %add3A_89 = arith.addi %mul3A_85, %add3A_88 : i32
      %add3A_90 = arith.constant 2 : i32
      %add3A_91 = arith.addi %mul3A_85, %add3A_90 : i32
      %add3A_92 = arith.constant 3 : i32
      %add3A_93 = arith.addi %mul3A_85, %add3A_92 : i32
      %broadcast_in_dim3A = arith.constant 0.000000e+00 : f32
      %broadcast_in_dim3A_94 = vector.broadcast %broadcast_in_dim3A : f32 to vector<16xf32>
      %scan3A_95 = arith.constant 0 : i32
      %scan3A_96 = arith.constant 64 : i32
      %scan3A_97 = arith.addi %scan3A_95, %scan3A_96 : i32
      %scan3A_98 = arith.constant 1 : i32
      %scan3A_99:32 = scf.for %scan3A_1333 = %scan3A_95 to %scan3A_97 step %scan3A_98 iter_args(%scan3A_1334 = %broadcast_in_dim3A_94, %scan3A_1335 = %broadcast_in_dim3A_94, %scan3A_1336 = %broadcast_in_dim3A_94, %scan3A_1337 = %broadcast_in_dim3A_94, %scan3A_1338 = %broadcast_in_dim3A_94, %scan3A_1339 = %broadcast_in_dim3A_94, %scan3A_1340 = %broadcast_in_dim3A_94, %scan3A_1341 = %broadcast_in_dim3A_94, %scan3A_1342 = %broadcast_in_dim3A_94, %scan3A_1343 = %broadcast_in_dim3A_94, %scan3A_1344 = %broadcast_in_dim3A_94, %scan3A_1345 = %broadcast_in_dim3A_94, %scan3A_1346 = %broadcast_in_dim3A_94, %scan3A_1347 = %broadcast_in_dim3A_94, %scan3A_1348 = %broadcast_in_dim3A_94, %scan3A_1349 = %broadcast_in_dim3A_94, %scan3A_1350 = %broadcast_in_dim3A_94, %scan3A_1351 = %broadcast_in_dim3A_94, %scan3A_1352 = %broadcast_in_dim3A_94, %scan3A_1353 = %broadcast_in_dim3A_94, %scan3A_1354 = %broadcast_in_dim3A_94, %scan3A_1355 = %broadcast_in_dim3A_94, %scan3A_1356 = %broadcast_in_dim3A_94, %scan3A_1357 = %broadcast_in_dim3A_94, %scan3A_1358 = %broadcast_in_dim3A_94, %scan3A_1359 = %broadcast_in_dim3A_94, %scan3A_1360 = %broadcast_in_dim3A_94, %scan3A_1361 = %broadcast_in_dim3A_94, %scan3A_1362 = %broadcast_in_dim3A_94, %scan3A_1363 = %broadcast_in_dim3A_94, %scan3A_1364 = %broadcast_in_dim3A_94, %scan3A_1365 = %broadcast_in_dim3A_94) -> (vector<16xf32>, vector<16xf32>, vector<16xf32>, vector<16xf32>, vector<16xf32>, vector<16xf32>, vector<16xf32>, vector<16xf32>, vector<16xf32>, vector<16xf32>, vector<16xf32>, vector<16xf32>, vector<16xf32>, vector<16xf32>, vector<16xf32>, vector<16xf32>, vector<16xf32>, vector<16xf32>, vector<16xf32>, vector<16xf32>, vector<16xf32>, vector<16xf32>, vector<16xf32>, vector<16xf32>, vector<16xf32>, vector<16xf32>, vector<16xf32>, vector<16xf32>, vector<16xf32>, vector<16xf32>, vector<16xf32>, vector<16xf32>)  : i32 {
        %mul3A_1366 = arith.constant 16 : i32
        %mul3A_1367 = arith.muli %scan3A_1333, %mul3A_1366 : i32
        %add3A_1368 = arith.constant 0 : i32
        %add3A_1369 = arith.addi %add3A_1368, %mul3A_1367 : i32
        %get3A_1370 = arith.index_cast %add3A_1369 : i32 to index
        %get3A_1371 = tpu.vector_load %arg8[%get3A_1370] {strides = array<i32>} : memref<8192xf32, #tpu.memory_space<vmem>>, vector<16xf32>,
        %get3A_1372 = vector.shape_cast %get3A_1371 : vector<16xf32> to vector<16xf32>
        %add3A_1373 = arith.constant 1024 : i32
        %add3A_1374 = arith.addi %add3A_1373, %mul3A_1367 : i32
        %get3A_1375 = arith.index_cast %add3A_1374 : i32 to index
        %get3A_1376 = tpu.vector_load %arg8[%get3A_1375] {strides = array<i32>} : memref<8192xf32, #tpu.memory_space<vmem>>, vector<16xf32>,
        %get3A_1377 = vector.shape_cast %get3A_1376 : vector<16xf32> to vector<16xf32>
        %add3A_1378 = arith.constant 2048 : i32
        %add3A_1379 = arith.addi %add3A_1378, %mul3A_1367 : i32
        %get3A_1380 = arith.index_cast %add3A_1379 : i32 to index
        %get3A_1381 = tpu.vector_load %arg8[%get3A_1380] {strides = array<i32>} : memref<8192xf32, #tpu.memory_space<vmem>>, vector<16xf32>,
        %get3A_1382 = vector.shape_cast %get3A_1381 : vector<16xf32> to vector<16xf32>
        %add3A_1383 = arith.constant 3072 : i32
        %add3A_1384 = arith.addi %add3A_1383, %mul3A_1367 : i32
        %get3A_1385 = arith.index_cast %add3A_1384 : i32 to index
        %get3A_1386 = tpu.vector_load %arg8[%get3A_1385] {strides = array<i32>} : memref<8192xf32, #tpu.memory_space<vmem>>, vector<16xf32>,
        %get3A_1387 = vector.shape_cast %get3A_1386 : vector<16xf32> to vector<16xf32>
        %add3A_1388 = arith.constant 4096 : i32
        %add3A_1389 = arith.addi %add3A_1388, %mul3A_1367 : i32
        %get3A_1390 = arith.index_cast %add3A_1389 : i32 to index
        %get3A_1391 = tpu.vector_load %arg8[%get3A_1390] {strides = array<i32>} : memref<8192xf32, #tpu.memory_space<vmem>>, vector<16xf32>,
        %get3A_1392 = vector.shape_cast %get3A_1391 : vector<16xf32> to vector<16xf32>
        %add3A_1393 = arith.constant 5120 : i32
        %add3A_1394 = arith.addi %add3A_1393, %mul3A_1367 : i32
        %get3A_1395 = arith.index_cast %add3A_1394 : i32 to index
        %get3A_1396 = tpu.vector_load %arg8[%get3A_1395] {strides = array<i32>} : memref<8192xf32, #tpu.memory_space<vmem>>, vector<16xf32>,
        %get3A_1397 = vector.shape_cast %get3A_1396 : vector<16xf32> to vector<16xf32>
        %add3A_1398 = arith.constant 6144 : i32
        %add3A_1399 = arith.addi %add3A_1398, %mul3A_1367 : i32
        %get3A_1400 = arith.index_cast %add3A_1399 : i32 to index
        %get3A_1401 = tpu.vector_load %arg8[%get3A_1400] {strides = array<i32>} : memref<8192xf32, #tpu.memory_space<vmem>>, vector<16xf32>,
        %get3A_1402 = vector.shape_cast %get3A_1401 : vector<16xf32> to vector<16xf32>
        %add3A_1403 = arith.constant 7168 : i32
        %add3A_1404 = arith.addi %add3A_1403, %mul3A_1367 : i32
        %get3A_1405 = arith.index_cast %add3A_1404 : i32 to index
        %get3A_1406 = tpu.vector_load %arg8[%get3A_1405] {strides = array<i32>} : memref<8192xf32, #tpu.memory_space<vmem>>, vector<16xf32>,
        %get3A_1407 = vector.shape_cast %get3A_1406 : vector<16xf32> to vector<16xf32>
        %get3A_1408 = arith.index_cast %add3A_87 : i32 to index
        %get3A_1409 = arith.index_cast %mul3A_1367 : i32 to index
        %get3A_1410 = tpu.vector_load %arg6[%get3A_1408, %get3A_1409] {strides = array<i32>} : memref<32x1024xf32, #tpu.memory_space<vmem>>, vector<1x16xf32>,
        %get3A_1411 = vector.shape_cast %get3A_1410 : vector<1x16xf32> to vector<16xf32>
        %mul3A_1412 = arith.mulf %get3A_1411, %get3A_1372 : vector<16xf32>
        %add3A_1413 = arith.addf %scan3A_1334, %mul3A_1412 : vector<16xf32>
        %mul3A_1414 = arith.mulf %get3A_1411, %get3A_1377 : vector<16xf32>
        %add3A_1415 = arith.addf %scan3A_1335, %mul3A_1414 : vector<16xf32>
        %mul3A_1416 = arith.mulf %get3A_1411, %get3A_1382 : vector<16xf32>
        %add3A_1417 = arith.addf %scan3A_1336, %mul3A_1416 : vector<16xf32>
        %mul3A_1418 = arith.mulf %get3A_1411, %get3A_1387 : vector<16xf32>
        %add3A_1419 = arith.addf %scan3A_1337, %mul3A_1418 : vector<16xf32>
        %mul3A_1420 = arith.mulf %get3A_1411, %get3A_1392 : vector<16xf32>
        %add3A_1421 = arith.addf %scan3A_1338, %mul3A_1420 : vector<16xf32>
        %mul3A_1422 = arith.mulf %get3A_1411, %get3A_1397 : vector<16xf32>
        %add3A_1423 = arith.addf %scan3A_1339, %mul3A_1422 : vector<16xf32>
        %mul3A_1424 = arith.mulf %get3A_1411, %get3A_1402 : vector<16xf32>
        %add3A_1425 = arith.addf %scan3A_1340, %mul3A_1424 : vector<16xf32>
        %mul3A_1426 = arith.mulf %get3A_1411, %get3A_1407 : vector<16xf32>
        %add3A_1427 = arith.addf %scan3A_1341, %mul3A_1426 : vector<16xf32>
        %get3A_1428 = arith.index_cast %add3A_89 : i32 to index
        %get3A_1429 = arith.index_cast %mul3A_1367 : i32 to index
        %get3A_1430 = tpu.vector_load %arg6[%get3A_1428, %get3A_1429] {strides = array<i32>} : memref<32x1024xf32, #tpu.memory_space<vmem>>, vector<1x16xf32>,
        %get3A_1431 = vector.shape_cast %get3A_1430 : vector<1x16xf32> to vector<16xf32>
        %mul3A_1432 = arith.mulf %get3A_1431, %get3A_1372 : vector<16xf32>
        %add3A_1433 = arith.addf %scan3A_1342, %mul3A_1432 : vector<16xf32>
        %mul3A_1434 = arith.mulf %get3A_1431, %get3A_1377 : vector<16xf32>
        %add3A_1435 = arith.addf %scan3A_1343, %mul3A_1434 : vector<16xf32>
        %mul3A_1436 = arith.mulf %get3A_1431, %get3A_1382 : vector<16xf32>
        %add3A_1437 = arith.addf %scan3A_1344, %mul3A_1436 : vector<16xf32>
        %mul3A_1438 = arith.mulf %get3A_1431, %get3A_1387 : vector<16xf32>
        %add3A_1439 = arith.addf %scan3A_1345, %mul3A_1438 : vector<16xf32>
        %mul3A_1440 = arith.mulf %get3A_1431, %get3A_1392 : vector<16xf32>
        %add3A_1441 = arith.addf %scan3A_1346, %mul3A_1440 : vector<16xf32>
        %mul3A_1442 = arith.mulf %get3A_1431, %get3A_1397 : vector<16xf32>
        %add3A_1443 = arith.addf %scan3A_1347, %mul3A_1442 : vector<16xf32>
        %mul3A_1444 = arith.mulf %get3A_1431, %get3A_1402 : vector<16xf32>
        %add3A_1445 = arith.addf %scan3A_1348, %mul3A_1444 : vector<16xf32>
        %mul3A_1446 = arith.mulf %get3A_1431, %get3A_1407 : vector<16xf32>
        %add3A_1447 = arith.addf %scan3A_1349, %mul3A_1446 : vector<16xf32>
        %get3A_1448 = arith.index_cast %add3A_91 : i32 to index
        %get3A_1449 = arith.index_cast %mul3A_1367 : i32 to index
        %get3A_1450 = tpu.vector_load %arg6[%get3A_1448, %get3A_1449] {strides = array<i32>} : memref<32x1024xf32, #tpu.memory_space<vmem>>, vector<1x16xf32>,
        %get3A_1451 = vector.shape_cast %get3A_1450 : vector<1x16xf32> to vector<16xf32>
        %mul3A_1452 = arith.mulf %get3A_1451, %get3A_1372 : vector<16xf32>
        %add3A_1453 = arith.addf %scan3A_1350, %mul3A_1452 : vector<16xf32>
        %mul3A_1454 = arith.mulf %get3A_1451, %get3A_1377 : vector<16xf32>
        %add3A_1455 = arith.addf %scan3A_1351, %mul3A_1454 : vector<16xf32>
        %mul3A_1456 = arith.mulf %get3A_1451, %get3A_1382 : vector<16xf32>
        %add3A_1457 = arith.addf %scan3A_1352, %mul3A_1456 : vector<16xf32>
        %mul3A_1458 = arith.mulf %get3A_1451, %get3A_1387 : vector<16xf32>
        %add3A_1459 = arith.addf %scan3A_1353, %mul3A_1458 : vector<16xf32>
        %mul3A_1460 = arith.mulf %get3A_1451, %get3A_1392 : vector<16xf32>
        %add3A_1461 = arith.addf %scan3A_1354, %mul3A_1460 : vector<16xf32>
        %mul3A_1462 = arith.mulf %get3A_1451, %get3A_1397 : vector<16xf32>
        %add3A_1463 = arith.addf %scan3A_1355, %mul3A_1462 : vector<16xf32>
        %mul3A_1464 = arith.mulf %get3A_1451, %get3A_1402 : vector<16xf32>
        %add3A_1465 = arith.addf %scan3A_1356, %mul3A_1464 : vector<16xf32>
        %mul3A_1466 = arith.mulf %get3A_1451, %get3A_1407 : vector<16xf32>
        %add3A_1467 = arith.addf %scan3A_1357, %mul3A_1466 : vector<16xf32>
        %get3A_1468 = arith.index_cast %add3A_93 : i32 to index
        %get3A_1469 = arith.index_cast %mul3A_1367 : i32 to index
        %get3A_1470 = tpu.vector_load %arg6[%get3A_1468, %get3A_1469] {strides = array<i32>} : memref<32x1024xf32, #tpu.memory_space<vmem>>, vector<1x16xf32>,
        %get3A_1471 = vector.shape_cast %get3A_1470 : vector<1x16xf32> to vector<16xf32>
        %mul3A_1472 = arith.mulf %get3A_1471, %get3A_1372 : vector<16xf32>
        %add3A_1473 = arith.addf %scan3A_1358, %mul3A_1472 : vector<16xf32>
        %mul3A_1474 = arith.mulf %get3A_1471, %get3A_1377 : vector<16xf32>
        %add3A_1475 = arith.addf %scan3A_1359, %mul3A_1474 : vector<16xf32>
        %mul3A_1476 = arith.mulf %get3A_1471, %get3A_1382 : vector<16xf32>
        %add3A_1477 = arith.addf %scan3A_1360, %mul3A_1476 : vector<16xf32>
        %mul3A_1478 = arith.mulf %get3A_1471, %get3A_1387 : vector<16xf32>
        %add3A_1479 = arith.addf %scan3A_1361, %mul3A_1478 : vector<16xf32>
        %mul3A_1480 = arith.mulf %get3A_1471, %get3A_1392 : vector<16xf32>
        %add3A_1481 = arith.addf %scan3A_1362, %mul3A_1480 : vector<16xf32>
        %mul3A_1482 = arith.mulf %get3A_1471, %get3A_1397 : vector<16xf32>
        %add3A_1483 = arith.addf %scan3A_1363, %mul3A_1482 : vector<16xf32>
        %mul3A_1484 = arith.mulf %get3A_1471, %get3A_1402 : vector<16xf32>
        %add3A_1485 = arith.addf %scan3A_1364, %mul3A_1484 : vector<16xf32>
        %mul3A_1486 = arith.mulf %get3A_1471, %get3A_1407 : vector<16xf32>
        %add3A_1487 = arith.addf %scan3A_1365, %mul3A_1486 : vector<16xf32>
        scf.yield %add3A_1413, %add3A_1415, %add3A_1417, %add3A_1419, %add3A_1421, %add3A_1423, %add3A_1425, %add3A_1427, %add3A_1433, %add3A_1435, %add3A_1437, %add3A_1439, %add3A_1441, %add3A_1443, %add3A_1445, %add3A_1447, %add3A_1453, %add3A_1455, %add3A_1457, %add3A_1459, %add3A_1461, %add3A_1463, %add3A_1465, %add3A_1467, %add3A_1473, %add3A_1475, %add3A_1477, %add3A_1479, %add3A_1481, %add3A_1483, %add3A_1485, %add3A_1487 : vector<16xf32>, vector<16xf32>, vector<16xf32>, vector<16xf32>, vector<16xf32>, vector<16xf32>, vector<16xf32>, vector<16xf32>, vector<16xf32>, vector<16xf32>, vector<16xf32>, vector<16xf32>, vector<16xf32>, vector<16xf32>, vector<16xf32>, vector<16xf32>, vector<16xf32>, vector<16xf32>, vector<16xf32>, vector<16xf32>, vector<16xf32>, vector<16xf32>, vector<16xf32>, vector<16xf32>, vector<16xf32>, vector<16xf32>, vector<16xf32>, vector<16xf32>, vector<16xf32>, vector<16xf32>, vector<16xf32>, vector<16xf32>
      }
      %scan3A_100 = arith.constant 64 : i32
      %broadcast_in_dim3A_101 = arith.constant 0.000000e+00 : f32
      %broadcast_in_dim3A_102 = vector.broadcast %broadcast_in_dim3A_101 : f32 to vector<16xf32>
      %swap3A = arith.constant 0 : index
      %swap3A_103 = tpu.vector_load %arg10[%swap3A] {strides = array<i32>} : memref<144xf32, #tpu.memory_space<vmem>>, vector<16xf32>,
      %swap3A_104 = vector.shape_cast %swap3A_103 : vector<16xf32> to vector<16xf32>
      %swap3A_105 = vector.shape_cast %scan3A_99#0 : vector<16xf32> to vector<16xf32>
      tpu.vector_store %arg10[%swap3A], %swap3A_105 {strides = array<i32>} : memref<144xf32, #tpu.memory_space<vmem>>, vector<16xf32>,
      %swap3A_106 = arith.constant 16 : index
      %swap3A_107 = tpu.vector_load %arg10[%swap3A_106] {strides = array<i32>} : memref<144xf32, #tpu.memory_space<vmem>>, vector<16xf32>,
      %swap3A_108 = vector.shape_cast %swap3A_107 : vector<16xf32> to vector<16xf32>
      %swap3A_109 = vector.shape_cast %scan3A_99#1 : vector<16xf32> to vector<16xf32>
      tpu.vector_store %arg10[%swap3A_106], %swap3A_109 {strides = array<i32>} : memref<144xf32, #tpu.memory_space<vmem>>, vector<16xf32>,
      %swap3A_110 = arith.constant 32 : index
      %swap3A_111 = tpu.vector_load %arg10[%swap3A_110] {strides = array<i32>} : memref<144xf32, #tpu.memory_space<vmem>>, vector<16xf32>,
      %swap3A_112 = vector.shape_cast %swap3A_111 : vector<16xf32> to vector<16xf32>
      %swap3A_113 = vector.shape_cast %scan3A_99#2 : vector<16xf32> to vector<16xf32>
      tpu.vector_store %arg10[%swap3A_110], %swap3A_113 {strides = array<i32>} : memref<144xf32, #tpu.memory_space<vmem>>, vector<16xf32>,
      %swap3A_114 = arith.constant 48 : index
      %swap3A_115 = tpu.vector_load %arg10[%swap3A_114] {strides = array<i32>} : memref<144xf32, #tpu.memory_space<vmem>>, vector<16xf32>,
      %swap3A_116 = vector.shape_cast %swap3A_115 : vector<16xf32> to vector<16xf32>
      %swap3A_117 = vector.shape_cast %scan3A_99#3 : vector<16xf32> to vector<16xf32>
      tpu.vector_store %arg10[%swap3A_114], %swap3A_117 {strides = array<i32>} : memref<144xf32, #tpu.memory_space<vmem>>, vector<16xf32>,
      %swap3A_118 = arith.constant 64 : index
      %swap3A_119 = tpu.vector_load %arg10[%swap3A_118] {strides = array<i32>} : memref<144xf32, #tpu.memory_space<vmem>>, vector<16xf32>,
      %swap3A_120 = vector.shape_cast %swap3A_119 : vector<16xf32> to vector<16xf32>
      %swap3A_121 = vector.shape_cast %scan3A_99#4 : vector<16xf32> to vector<16xf32>
      tpu.vector_store %arg10[%swap3A_118], %swap3A_121 {strides = array<i32>} : memref<144xf32, #tpu.memory_space<vmem>>, vector<16xf32>,
      %swap3A_122 = arith.constant 80 : index
      %swap3A_123 = tpu.vector_load %arg10[%swap3A_122] {strides = array<i32>} : memref<144xf32, #tpu.memory_space<vmem>>, vector<16xf32>,
      %swap3A_124 = vector.shape_cast %swap3A_123 : vector<16xf32> to vector<16xf32>
      %swap3A_125 = vector.shape_cast %scan3A_99#5 : vector<16xf32> to vector<16xf32>
      tpu.vector_store %arg10[%swap3A_122], %swap3A_125 {strides = array<i32>} : memref<144xf32, #tpu.memory_space<vmem>>, vector<16xf32>,
      %swap3A_126 = arith.constant 96 : index
      %swap3A_127 = tpu.vector_load %arg10[%swap3A_126] {strides = array<i32>} : memref<144xf32, #tpu.memory_space<vmem>>, vector<16xf32>,
      %swap3A_128 = vector.shape_cast %swap3A_127 : vector<16xf32> to vector<16xf32>
      %swap3A_129 = vector.shape_cast %scan3A_99#6 : vector<16xf32> to vector<16xf32>
      tpu.vector_store %arg10[%swap3A_126], %swap3A_129 {strides = array<i32>} : memref<144xf32, #tpu.memory_space<vmem>>, vector<16xf32>,
      %swap3A_130 = arith.constant 112 : index
      %swap3A_131 = tpu.vector_load %arg10[%swap3A_130] {strides = array<i32>} : memref<144xf32, #tpu.memory_space<vmem>>, vector<16xf32>,
      %swap3A_132 = vector.shape_cast %swap3A_131 : vector<16xf32> to vector<16xf32>
      %swap3A_133 = vector.shape_cast %scan3A_99#7 : vector<16xf32> to vector<16xf32>
      tpu.vector_store %arg10[%swap3A_130], %swap3A_133 {strides = array<i32>} : memref<144xf32, #tpu.memory_space<vmem>>, vector<16xf32>,
      %get3A_134 = arith.constant 8 : index
      %get3A_135 = tpu.vector_load %arg10[%get3A_134] {strides = array<i32>} : memref<144xf32, #tpu.memory_space<vmem>>, vector<16xf32>,
      %get3A_136 = vector.shape_cast %get3A_135 : vector<16xf32> to vector<16xf32>
      %add3A_137 = arith.addf %scan3A_99#0, %get3A_136 : vector<16xf32>
      %swap3A_138 = arith.constant 0 : index
      %swap3A_139 = tpu.vector_load %arg10[%swap3A_138] {strides = array<i32>} : memref<144xf32, #tpu.memory_space<vmem>>, vector<16xf32>,
      %swap3A_140 = vector.shape_cast %swap3A_139 : vector<16xf32> to vector<16xf32>
      %swap3A_141 = vector.shape_cast %add3A_137 : vector<16xf32> to vector<16xf32>
      tpu.vector_store %arg10[%swap3A_138], %swap3A_141 {strides = array<i32>} : memref<144xf32, #tpu.memory_space<vmem>>, vector<16xf32>,
      %get3A_142 = arith.constant 4 : index
      %get3A_143 = tpu.vector_load %arg10[%get3A_142] {strides = array<i32>} : memref<144xf32, #tpu.memory_space<vmem>>, vector<16xf32>,
      %get3A_144 = vector.shape_cast %get3A_143 : vector<16xf32> to vector<16xf32>
      %add3A_145 = arith.addf %add3A_137, %get3A_144 : vector<16xf32>
      %swap3A_146 = arith.constant 0 : index
      %swap3A_147 = tpu.vector_load %arg10[%swap3A_146] {strides = array<i32>} : memref<144xf32, #tpu.memory_space<vmem>>, vector<16xf32>,
      %swap3A_148 = vector.shape_cast %swap3A_147 : vector<16xf32> to vector<16xf32>
      %swap3A_149 = vector.shape_cast %add3A_145 : vector<16xf32> to vector<16xf32>
      tpu.vector_store %arg10[%swap3A_146], %swap3A_149 {strides = array<i32>} : memref<144xf32, #tpu.memory_space<vmem>>, vector<16xf32>,
      %get3A_150 = arith.constant 2 : index
      %get3A_151 = tpu.vector_load %arg10[%get3A_150] {strides = array<i32>} : memref<144xf32, #tpu.memory_space<vmem>>, vector<16xf32>,
      %get3A_152 = vector.shape_cast %get3A_151 : vector<16xf32> to vector<16xf32>
      %add3A_153 = arith.addf %add3A_145, %get3A_152 : vector<16xf32>
      %slice3A = vector.extract_strided_slice %add3A_153 {offsets = [0], sizes = [1], strides = [1]} : vector<16xf32> to vector<1xf32>
      %squeeze3A = vector.extract %slice3A[0] : f32 from vector<1xf32>
      %slice3A_154 = vector.extract_strided_slice %add3A_153 {offsets = [1], sizes = [1], strides = [1]} : vector<16xf32> to vector<1xf32>
      %squeeze3A_155 = vector.extract %slice3A_154[0] : f32 from vector<1xf32>
      %add3A_156 = arith.addf %squeeze3A, %squeeze3A_155 : f32
      %eq3A = arith.constant 0 : i32
      %eq3A_157 = vector.broadcast %eq3A : i32 to vector<16xi32>
      %eq3A_158 = arith.cmpi eq, %iota3A, %eq3A_157 : vector<16xi32>
      %broadcast_in_dim3A_159 = vector.broadcast %add3A_156 : f32 to vector<16xf32>
      %select_n3A = arith.select %eq3A_158, %broadcast_in_dim3A_159, %broadcast_in_dim3A_102 : vector<16xi1>, vector<16xf32>
      %get3A_160 = arith.constant 24 : index
      %get3A_161 = tpu.vector_load %arg10[%get3A_160] {strides = array<i32>} : memref<144xf32, #tpu.memory_space<vmem>>, vector<16xf32>,
      %get3A_162 = vector.shape_cast %get3A_161 : vector<16xf32> to vector<16xf32>
      %add3A_163 = arith.addf %scan3A_99#1, %get3A_162 : vector<16xf32>
      %swap3A_164 = arith.constant 16 : index
      %swap3A_165 = tpu.vector_load %arg10[%swap3A_164] {strides = array<i32>} : memref<144xf32, #tpu.memory_space<vmem>>, vector<16xf32>,
      %swap3A_166 = vector.shape_cast %swap3A_165 : vector<16xf32> to vector<16xf32>
      %swap3A_167 = vector.shape_cast %add3A_163 : vector<16xf32> to vector<16xf32>
      tpu.vector_store %arg10[%swap3A_164], %swap3A_167 {strides = array<i32>} : memref<144xf32, #tpu.memory_space<vmem>>, vector<16xf32>,
      %get3A_168 = arith.constant 20 : index
      %get3A_169 = tpu.vector_load %arg10[%get3A_168] {strides = array<i32>} : memref<144xf32, #tpu.memory_space<vmem>>, vector<16xf32>,
      %get3A_170 = vector.shape_cast %get3A_169 : vector<16xf32> to vector<16xf32>
      %add3A_171 = arith.addf %add3A_163, %get3A_170 : vector<16xf32>
      %swap3A_172 = arith.constant 16 : index
      %swap3A_173 = tpu.vector_load %arg10[%swap3A_172] {strides = array<i32>} : memref<144xf32, #tpu.memory_space<vmem>>, vector<16xf32>,
      %swap3A_174 = vector.shape_cast %swap3A_173 : vector<16xf32> to vector<16xf32>
      %swap3A_175 = vector.shape_cast %add3A_171 : vector<16xf32> to vector<16xf32>
      tpu.vector_store %arg10[%swap3A_172], %swap3A_175 {strides = array<i32>} : memref<144xf32, #tpu.memory_space<vmem>>, vector<16xf32>,
      %get3A_176 = arith.constant 18 : index
      %get3A_177 = tpu.vector_load %arg10[%get3A_176] {strides = array<i32>} : memref<144xf32, #tpu.memory_space<vmem>>, vector<16xf32>,
      %get3A_178 = vector.shape_cast %get3A_177 : vector<16xf32> to vector<16xf32>
      %add3A_179 = arith.addf %add3A_171, %get3A_178 : vector<16xf32>
      %slice3A_180 = vector.extract_strided_slice %add3A_179 {offsets = [0], sizes = [1], strides = [1]} : vector<16xf32> to vector<1xf32>
      %squeeze3A_181 = vector.extract %slice3A_180[0] : f32 from vector<1xf32>
      %slice3A_182 = vector.extract_strided_slice %add3A_179 {offsets = [1], sizes = [1], strides = [1]} : vector<16xf32> to vector<1xf32>
      %squeeze3A_183 = vector.extract %slice3A_182[0] : f32 from vector<1xf32>
      %add3A_184 = arith.addf %squeeze3A_181, %squeeze3A_183 : f32
      %eq3A_185 = arith.constant 1 : i32
      %eq3A_186 = vector.broadcast %eq3A_185 : i32 to vector<16xi32>
      %eq3A_187 = arith.cmpi eq, %iota3A, %eq3A_186 : vector<16xi32>
      %broadcast_in_dim3A_188 = vector.broadcast %add3A_184 : f32 to vector<16xf32>
      %select_n3A_189 = arith.select %eq3A_187, %broadcast_in_dim3A_188, %select_n3A : vector<16xi1>, vector<16xf32>
      %get3A_190 = arith.constant 40 : index
      %get3A_191 = tpu.vector_load %arg10[%get3A_190] {strides = array<i32>} : memref<144xf32, #tpu.memory_space<vmem>>, vector<16xf32>,
      %get3A_192 = vector.shape_cast %get3A_191 : vector<16xf32> to vector<16xf32>
      %add3A_193 = arith.addf %scan3A_99#2, %get3A_192 : vector<16xf32>
      %swap3A_194 = arith.constant 32 : index
      %swap3A_195 = tpu.vector_load %arg10[%swap3A_194] {strides = array<i32>} : memref<144xf32, #tpu.memory_space<vmem>>, vector<16xf32>,
      %swap3A_196 = vector.shape_cast %swap3A_195 : vector<16xf32> to vector<16xf32>
      %swap3A_197 = vector.shape_cast %add3A_193 : vector<16xf32> to vector<16xf32>
      tpu.vector_store %arg10[%swap3A_194], %swap3A_197 {strides = array<i32>} : memref<144xf32, #tpu.memory_space<vmem>>, vector<16xf32>,
      %get3A_198 = arith.constant 36 : index
      %get3A_199 = tpu.vector_load %arg10[%get3A_198] {strides = array<i32>} : memref<144xf32, #tpu.memory_space<vmem>>, vector<16xf32>,
      %get3A_200 = vector.shape_cast %get3A_199 : vector<16xf32> to vector<16xf32>
      %add3A_201 = arith.addf %add3A_193, %get3A_200 : vector<16xf32>
      %swap3A_202 = arith.constant 32 : index
      %swap3A_203 = tpu.vector_load %arg10[%swap3A_202] {strides = array<i32>} : memref<144xf32, #tpu.memory_space<vmem>>, vector<16xf32>,
      %swap3A_204 = vector.shape_cast %swap3A_203 : vector<16xf32> to vector<16xf32>
      %swap3A_205 = vector.shape_cast %add3A_201 : vector<16xf32> to vector<16xf32>
      tpu.vector_store %arg10[%swap3A_202], %swap3A_205 {strides = array<i32>} : memref<144xf32, #tpu.memory_space<vmem>>, vector<16xf32>,
      %get3A_206 = arith.constant 34 : index
      %get3A_207 = tpu.vector_load %arg10[%get3A_206] {strides = array<i32>} : memref<144xf32, #tpu.memory_space<vmem>>, vector<16xf32>,
      %get3A_208 = vector.shape_cast %get3A_207 : vector<16xf32> to vector<16xf32>
      %add3A_209 = arith.addf %add3A_201, %get3A_208 : vector<16xf32>
      %slice3A_210 = vector.extract_strided_slice %add3A_209 {offsets = [0], sizes = [1], strides = [1]} : vector<16xf32> to vector<1xf32>
      %squeeze3A_211 = vector.extract %slice3A_210[0] : f32 from vector<1xf32>
      %slice3A_212 = vector.extract_strided_slice %add3A_209 {offsets = [1], sizes = [1], strides = [1]} : vector<16xf32> to vector<1xf32>
      %squeeze3A_213 = vector.extract %slice3A_212[0] : f32 from vector<1xf32>
      %add3A_214 = arith.addf %squeeze3A_211, %squeeze3A_213 : f32
      %eq3A_215 = arith.constant 2 : i32
      %eq3A_216 = vector.broadcast %eq3A_215 : i32 to vector<16xi32>
      %eq3A_217 = arith.cmpi eq, %iota3A, %eq3A_216 : vector<16xi32>
      %broadcast_in_dim3A_218 = vector.broadcast %add3A_214 : f32 to vector<16xf32>
      %select_n3A_219 = arith.select %eq3A_217, %broadcast_in_dim3A_218, %select_n3A_189 : vector<16xi1>, vector<16xf32>
      %get3A_220 = arith.constant 56 : index
      %get3A_221 = tpu.vector_load %arg10[%get3A_220] {strides = array<i32>} : memref<144xf32, #tpu.memory_space<vmem>>, vector<16xf32>,
      %get3A_222 = vector.shape_cast %get3A_221 : vector<16xf32> to vector<16xf32>
      %add3A_223 = arith.addf %scan3A_99#3, %get3A_222 : vector<16xf32>
      %swap3A_224 = arith.constant 48 : index
      %swap3A_225 = tpu.vector_load %arg10[%swap3A_224] {strides = array<i32>} : memref<144xf32, #tpu.memory_space<vmem>>, vector<16xf32>,
      %swap3A_226 = vector.shape_cast %swap3A_225 : vector<16xf32> to vector<16xf32>
      %swap3A_227 = vector.shape_cast %add3A_223 : vector<16xf32> to vector<16xf32>
      tpu.vector_store %arg10[%swap3A_224], %swap3A_227 {strides = array<i32>} : memref<144xf32, #tpu.memory_space<vmem>>, vector<16xf32>,
      %get3A_228 = arith.constant 52 : index
      %get3A_229 = tpu.vector_load %arg10[%get3A_228] {strides = array<i32>} : memref<144xf32, #tpu.memory_space<vmem>>, vector<16xf32>,
      %get3A_230 = vector.shape_cast %get3A_229 : vector<16xf32> to vector<16xf32>
      %add3A_231 = arith.addf %add3A_223, %get3A_230 : vector<16xf32>
      %swap3A_232 = arith.constant 48 : index
      %swap3A_233 = tpu.vector_load %arg10[%swap3A_232] {strides = array<i32>} : memref<144xf32, #tpu.memory_space<vmem>>, vector<16xf32>,
      %swap3A_234 = vector.shape_cast %swap3A_233 : vector<16xf32> to vector<16xf32>
      %swap3A_235 = vector.shape_cast %add3A_231 : vector<16xf32> to vector<16xf32>
      tpu.vector_store %arg10[%swap3A_232], %swap3A_235 {strides = array<i32>} : memref<144xf32, #tpu.memory_space<vmem>>, vector<16xf32>,
      %get3A_236 = arith.constant 50 : index
      %get3A_237 = tpu.vector_load %arg10[%get3A_236] {strides = array<i32>} : memref<144xf32, #tpu.memory_space<vmem>>, vector<16xf32>,
      %get3A_238 = vector.shape_cast %get3A_237 : vector<16xf32> to vector<16xf32>
      %add3A_239 = arith.addf %add3A_231, %get3A_238 : vector<16xf32>
      %slice3A_240 = vector.extract_strided_slice %add3A_239 {offsets = [0], sizes = [1], strides = [1]} : vector<16xf32> to vector<1xf32>
      %squeeze3A_241 = vector.extract %slice3A_240[0] : f32 from vector<1xf32>
      %slice3A_242 = vector.extract_strided_slice %add3A_239 {offsets = [1], sizes = [1], strides = [1]} : vector<16xf32> to vector<1xf32>
      %squeeze3A_243 = vector.extract %slice3A_242[0] : f32 from vector<1xf32>
      %add3A_244 = arith.addf %squeeze3A_241, %squeeze3A_243 : f32
      %eq3A_245 = arith.constant 3 : i32
      %eq3A_246 = vector.broadcast %eq3A_245 : i32 to vector<16xi32>
      %eq3A_247 = arith.cmpi eq, %iota3A, %eq3A_246 : vector<16xi32>
      %broadcast_in_dim3A_248 = vector.broadcast %add3A_244 : f32 to vector<16xf32>
      %select_n3A_249 = arith.select %eq3A_247, %broadcast_in_dim3A_248, %select_n3A_219 : vector<16xi1>, vector<16xf32>
      %get3A_250 = arith.constant 72 : index
      %get3A_251 = tpu.vector_load %arg10[%get3A_250] {strides = array<i32>} : memref<144xf32, #tpu.memory_space<vmem>>, vector<16xf32>,
      %get3A_252 = vector.shape_cast %get3A_251 : vector<16xf32> to vector<16xf32>
      %add3A_253 = arith.addf %scan3A_99#4, %get3A_252 : vector<16xf32>
      %swap3A_254 = arith.constant 64 : index
      %swap3A_255 = tpu.vector_load %arg10[%swap3A_254] {strides = array<i32>} : memref<144xf32, #tpu.memory_space<vmem>>, vector<16xf32>,
      %swap3A_256 = vector.shape_cast %swap3A_255 : vector<16xf32> to vector<16xf32>
      %swap3A_257 = vector.shape_cast %add3A_253 : vector<16xf32> to vector<16xf32>
      tpu.vector_store %arg10[%swap3A_254], %swap3A_257 {strides = array<i32>} : memref<144xf32, #tpu.memory_space<vmem>>, vector<16xf32>,
      %get3A_258 = arith.constant 68 : index
      %get3A_259 = tpu.vector_load %arg10[%get3A_258] {strides = array<i32>} : memref<144xf32, #tpu.memory_space<vmem>>, vector<16xf32>,
      %get3A_260 = vector.shape_cast %get3A_259 : vector<16xf32> to vector<16xf32>
      %add3A_261 = arith.addf %add3A_253, %get3A_260 : vector<16xf32>
      %swap3A_262 = arith.constant 64 : index
      %swap3A_263 = tpu.vector_load %arg10[%swap3A_262] {strides = array<i32>} : memref<144xf32, #tpu.memory_space<vmem>>, vector<16xf32>,
      %swap3A_264 = vector.shape_cast %swap3A_263 : vector<16xf32> to vector<16xf32>
      %swap3A_265 = vector.shape_cast %add3A_261 : vector<16xf32> to vector<16xf32>
      tpu.vector_store %arg10[%swap3A_262], %swap3A_265 {strides = array<i32>} : memref<144xf32, #tpu.memory_space<vmem>>, vector<16xf32>,
      %get3A_266 = arith.constant 66 : index
      %get3A_267 = tpu.vector_load %arg10[%get3A_266] {strides = array<i32>} : memref<144xf32, #tpu.memory_space<vmem>>, vector<16xf32>,
      %get3A_268 = vector.shape_cast %get3A_267 : vector<16xf32> to vector<16xf32>
      %add3A_269 = arith.addf %add3A_261, %get3A_268 : vector<16xf32>
      %slice3A_270 = vector.extract_strided_slice %add3A_269 {offsets = [0], sizes = [1], strides = [1]} : vector<16xf32> to vector<1xf32>
      %squeeze3A_271 = vector.extract %slice3A_270[0] : f32 from vector<1xf32>
      %slice3A_272 = vector.extract_strided_slice %add3A_269 {offsets = [1], sizes = [1], strides = [1]} : vector<16xf32> to vector<1xf32>
      %squeeze3A_273 = vector.extract %slice3A_272[0] : f32 from vector<1xf32>
      %add3A_274 = arith.addf %squeeze3A_271, %squeeze3A_273 : f32
      %eq3A_275 = arith.constant 4 : i32
      %eq3A_276 = vector.broadcast %eq3A_275 : i32 to vector<16xi32>
      %eq3A_277 = arith.cmpi eq, %iota3A, %eq3A_276 : vector<16xi32>
      %broadcast_in_dim3A_278 = vector.broadcast %add3A_274 : f32 to vector<16xf32>
      %select_n3A_279 = arith.select %eq3A_277, %broadcast_in_dim3A_278, %select_n3A_249 : vector<16xi1>, vector<16xf32>
      %get3A_280 = arith.constant 88 : index
      %get3A_281 = tpu.vector_load %arg10[%get3A_280] {strides = array<i32>} : memref<144xf32, #tpu.memory_space<vmem>>, vector<16xf32>,
      %get3A_282 = vector.shape_cast %get3A_281 : vector<16xf32> to vector<16xf32>
      %add3A_283 = arith.addf %scan3A_99#5, %get3A_282 : vector<16xf32>
      %swap3A_284 = arith.constant 80 : index
      %swap3A_285 = tpu.vector_load %arg10[%swap3A_284] {strides = array<i32>} : memref<144xf32, #tpu.memory_space<vmem>>, vector<16xf32>,
      %swap3A_286 = vector.shape_cast %swap3A_285 : vector<16xf32> to vector<16xf32>
      %swap3A_287 = vector.shape_cast %add3A_283 : vector<16xf32> to vector<16xf32>
      tpu.vector_store %arg10[%swap3A_284], %swap3A_287 {strides = array<i32>} : memref<144xf32, #tpu.memory_space<vmem>>, vector<16xf32>,
      %get3A_288 = arith.constant 84 : index
      %get3A_289 = tpu.vector_load %arg10[%get3A_288] {strides = array<i32>} : memref<144xf32, #tpu.memory_space<vmem>>, vector<16xf32>,
      %get3A_290 = vector.shape_cast %get3A_289 : vector<16xf32> to vector<16xf32>
      %add3A_291 = arith.addf %add3A_283, %get3A_290 : vector<16xf32>
      %swap3A_292 = arith.constant 80 : index
      %swap3A_293 = tpu.vector_load %arg10[%swap3A_292] {strides = array<i32>} : memref<144xf32, #tpu.memory_space<vmem>>, vector<16xf32>,
      %swap3A_294 = vector.shape_cast %swap3A_293 : vector<16xf32> to vector<16xf32>
      %swap3A_295 = vector.shape_cast %add3A_291 : vector<16xf32> to vector<16xf32>
      tpu.vector_store %arg10[%swap3A_292], %swap3A_295 {strides = array<i32>} : memref<144xf32, #tpu.memory_space<vmem>>, vector<16xf32>,
      %get3A_296 = arith.constant 82 : index
      %get3A_297 = tpu.vector_load %arg10[%get3A_296] {strides = array<i32>} : memref<144xf32, #tpu.memory_space<vmem>>, vector<16xf32>,
      %get3A_298 = vector.shape_cast %get3A_297 : vector<16xf32> to vector<16xf32>
      %add3A_299 = arith.addf %add3A_291, %get3A_298 : vector<16xf32>
      %slice3A_300 = vector.extract_strided_slice %add3A_299 {offsets = [0], sizes = [1], strides = [1]} : vector<16xf32> to vector<1xf32>
      %squeeze3A_301 = vector.extract %slice3A_300[0] : f32 from vector<1xf32>
      %slice3A_302 = vector.extract_strided_slice %add3A_299 {offsets = [1], sizes = [1], strides = [1]} : vector<16xf32> to vector<1xf32>
      %squeeze3A_303 = vector.extract %slice3A_302[0] : f32 from vector<1xf32>
      %add3A_304 = arith.addf %squeeze3A_301, %squeeze3A_303 : f32
      %eq3A_305 = arith.constant 5 : i32
      %eq3A_306 = vector.broadcast %eq3A_305 : i32 to vector<16xi32>
      %eq3A_307 = arith.cmpi eq, %iota3A, %eq3A_306 : vector<16xi32>
      %broadcast_in_dim3A_308 = vector.broadcast %add3A_304 : f32 to vector<16xf32>
      %select_n3A_309 = arith.select %eq3A_307, %broadcast_in_dim3A_308, %select_n3A_279 : vector<16xi1>, vector<16xf32>
      %get3A_310 = arith.constant 104 : index
      %get3A_311 = tpu.vector_load %arg10[%get3A_310] {strides = array<i32>} : memref<144xf32, #tpu.memory_space<vmem>>, vector<16xf32>,
      %get3A_312 = vector.shape_cast %get3A_311 : vector<16xf32> to vector<16xf32>
      %add3A_313 = arith.addf %scan3A_99#6, %get3A_312 : vector<16xf32>
      %swap3A_314 = arith.constant 96 : index
      %swap3A_315 = tpu.vector_load %arg10[%swap3A_314] {strides = array<i32>} : memref<144xf32, #tpu.memory_space<vmem>>, vector<16xf32>,
      %swap3A_316 = vector.shape_cast %swap3A_315 : vector<16xf32> to vector<16xf32>
      %swap3A_317 = vector.shape_cast %add3A_313 : vector<16xf32> to vector<16xf32>
      tpu.vector_store %arg10[%swap3A_314], %swap3A_317 {strides = array<i32>} : memref<144xf32, #tpu.memory_space<vmem>>, vector<16xf32>,
      %get3A_318 = arith.constant 100 : index
      %get3A_319 = tpu.vector_load %arg10[%get3A_318] {strides = array<i32>} : memref<144xf32, #tpu.memory_space<vmem>>, vector<16xf32>,
      %get3A_320 = vector.shape_cast %get3A_319 : vector<16xf32> to vector<16xf32>
      %add3A_321 = arith.addf %add3A_313, %get3A_320 : vector<16xf32>
      %swap3A_322 = arith.constant 96 : index
      %swap3A_323 = tpu.vector_load %arg10[%swap3A_322] {strides = array<i32>} : memref<144xf32, #tpu.memory_space<vmem>>, vector<16xf32>,
      %swap3A_324 = vector.shape_cast %swap3A_323 : vector<16xf32> to vector<16xf32>
      %swap3A_325 = vector.shape_cast %add3A_321 : vector<16xf32> to vector<16xf32>
      tpu.vector_store %arg10[%swap3A_322], %swap3A_325 {strides = array<i32>} : memref<144xf32, #tpu.memory_space<vmem>>, vector<16xf32>,
      %get3A_326 = arith.constant 98 : index
      %get3A_327 = tpu.vector_load %arg10[%get3A_326] {strides = array<i32>} : memref<144xf32, #tpu.memory_space<vmem>>, vector<16xf32>,
      %get3A_328 = vector.shape_cast %get3A_327 : vector<16xf32> to vector<16xf32>
      %add3A_329 = arith.addf %add3A_321, %get3A_328 : vector<16xf32>
      %slice3A_330 = vector.extract_strided_slice %add3A_329 {offsets = [0], sizes = [1], strides = [1]} : vector<16xf32> to vector<1xf32>
      %squeeze3A_331 = vector.extract %slice3A_330[0] : f32 from vector<1xf32>
      %slice3A_332 = vector.extract_strided_slice %add3A_329 {offsets = [1], sizes = [1], strides = [1]} : vector<16xf32> to vector<1xf32>
      %squeeze3A_333 = vector.extract %slice3A_332[0] : f32 from vector<1xf32>
      %add3A_334 = arith.addf %squeeze3A_331, %squeeze3A_333 : f32
      %eq3A_335 = arith.constant 6 : i32
      %eq3A_336 = vector.broadcast %eq3A_335 : i32 to vector<16xi32>
      %eq3A_337 = arith.cmpi eq, %iota3A, %eq3A_336 : vector<16xi32>
      %broadcast_in_dim3A_338 = vector.broadcast %add3A_334 : f32 to vector<16xf32>
      %select_n3A_339 = arith.select %eq3A_337, %broadcast_in_dim3A_338, %select_n3A_309 : vector<16xi1>, vector<16xf32>
      %get3A_340 = arith.constant 120 : index
      %get3A_341 = tpu.vector_load %arg10[%get3A_340] {strides = array<i32>} : memref<144xf32, #tpu.memory_space<vmem>>, vector<16xf32>,
      %get3A_342 = vector.shape_cast %get3A_341 : vector<16xf32> to vector<16xf32>
      %add3A_343 = arith.addf %scan3A_99#7, %get3A_342 : vector<16xf32>
      %swap3A_344 = arith.constant 112 : index
      %swap3A_345 = tpu.vector_load %arg10[%swap3A_344] {strides = array<i32>} : memref<144xf32, #tpu.memory_space<vmem>>, vector<16xf32>,
      %swap3A_346 = vector.shape_cast %swap3A_345 : vector<16xf32> to vector<16xf32>
      %swap3A_347 = vector.shape_cast %add3A_343 : vector<16xf32> to vector<16xf32>
      tpu.vector_store %arg10[%swap3A_344], %swap3A_347 {strides = array<i32>} : memref<144xf32, #tpu.memory_space<vmem>>, vector<16xf32>,
      %get3A_348 = arith.constant 116 : index
      %get3A_349 = tpu.vector_load %arg10[%get3A_348] {strides = array<i32>} : memref<144xf32, #tpu.memory_space<vmem>>, vector<16xf32>,
      %get3A_350 = vector.shape_cast %get3A_349 : vector<16xf32> to vector<16xf32>
      %add3A_351 = arith.addf %add3A_343, %get3A_350 : vector<16xf32>
      %swap3A_352 = arith.constant 112 : index
      %swap3A_353 = tpu.vector_load %arg10[%swap3A_352] {strides = array<i32>} : memref<144xf32, #tpu.memory_space<vmem>>, vector<16xf32>,
      %swap3A_354 = vector.shape_cast %swap3A_353 : vector<16xf32> to vector<16xf32>
      %swap3A_355 = vector.shape_cast %add3A_351 : vector<16xf32> to vector<16xf32>
      tpu.vector_store %arg10[%swap3A_352], %swap3A_355 {strides = array<i32>} : memref<144xf32, #tpu.memory_space<vmem>>, vector<16xf32>,
      %get3A_356 = arith.constant 114 : index
      %get3A_357 = tpu.vector_load %arg10[%get3A_356] {strides = array<i32>} : memref<144xf32, #tpu.memory_space<vmem>>, vector<16xf32>,
      %get3A_358 = vector.shape_cast %get3A_357 : vector<16xf32> to vector<16xf32>
      %add3A_359 = arith.addf %add3A_351, %get3A_358 : vector<16xf32>
      %slice3A_360 = vector.extract_strided_slice %add3A_359 {offsets = [0], sizes = [1], strides = [1]} : vector<16xf32> to vector<1xf32>
      %squeeze3A_361 = vector.extract %slice3A_360[0] : f32 from vector<1xf32>
      %slice3A_362 = vector.extract_strided_slice %add3A_359 {offsets = [1], sizes = [1], strides = [1]} : vector<16xf32> to vector<1xf32>
      %squeeze3A_363 = vector.extract %slice3A_362[0] : f32 from vector<1xf32>
      %add3A_364 = arith.addf %squeeze3A_361, %squeeze3A_363 : f32
      %eq3A_365 = arith.constant 7 : i32
      %eq3A_366 = vector.broadcast %eq3A_365 : i32 to vector<16xi32>
      %eq3A_367 = arith.cmpi eq, %iota3A, %eq3A_366 : vector<16xi32>
      %broadcast_in_dim3A_368 = vector.broadcast %add3A_364 : f32 to vector<16xf32>
      %select_n3A_369 = arith.select %eq3A_367, %broadcast_in_dim3A_368, %select_n3A_339 : vector<16xi1>, vector<16xf32>
      %swap3A_370 = arith.constant 0 : index
      %swap3A_371 = tpu.vector_load %arg10[%swap3A_370] {strides = array<i32>} : memref<144xf32, #tpu.memory_space<vmem>>, vector<16xf32>,
      %swap3A_372 = vector.shape_cast %swap3A_371 : vector<16xf32> to vector<16xf32>
      %swap3A_373 = vector.shape_cast %scan3A_99#8 : vector<16xf32> to vector<16xf32>
      tpu.vector_store %arg10[%swap3A_370], %swap3A_373 {strides = array<i32>} : memref<144xf32, #tpu.memory_space<vmem>>, vector<16xf32>,
      %swap3A_374 = arith.constant 16 : index
      %swap3A_375 = tpu.vector_load %arg10[%swap3A_374] {strides = array<i32>} : memref<144xf32, #tpu.memory_space<vmem>>, vector<16xf32>,
      %swap3A_376 = vector.shape_cast %swap3A_375 : vector<16xf32> to vector<16xf32>
      %swap3A_377 = vector.shape_cast %scan3A_99#9 : vector<16xf32> to vector<16xf32>
      tpu.vector_store %arg10[%swap3A_374], %swap3A_377 {strides = array<i32>} : memref<144xf32, #tpu.memory_space<vmem>>, vector<16xf32>,
      %swap3A_378 = arith.constant 32 : index
      %swap3A_379 = tpu.vector_load %arg10[%swap3A_378] {strides = array<i32>} : memref<144xf32, #tpu.memory_space<vmem>>, vector<16xf32>,
      %swap3A_380 = vector.shape_cast %swap3A_379 : vector<16xf32> to vector<16xf32>
      %swap3A_381 = vector.shape_cast %scan3A_99#10 : vector<16xf32> to vector<16xf32>
      tpu.vector_store %arg10[%swap3A_378], %swap3A_381 {strides = array<i32>} : memref<144xf32, #tpu.memory_space<vmem>>, vector<16xf32>,
      %swap3A_382 = arith.constant 48 : index
      %swap3A_383 = tpu.vector_load %arg10[%swap3A_382] {strides = array<i32>} : memref<144xf32, #tpu.memory_space<vmem>>, vector<16xf32>,
      %swap3A_384 = vector.shape_cast %swap3A_383 : vector<16xf32> to vector<16xf32>
      %swap3A_385 = vector.shape_cast %scan3A_99#11 : vector<16xf32> to vector<16xf32>
      tpu.vector_store %arg10[%swap3A_382], %swap3A_385 {strides = array<i32>} : memref<144xf32, #tpu.memory_space<vmem>>, vector<16xf32>,
      %swap3A_386 = arith.constant 64 : index
      %swap3A_387 = tpu.vector_load %arg10[%swap3A_386] {strides = array<i32>} : memref<144xf32, #tpu.memory_space<vmem>>, vector<16xf32>,
      %swap3A_388 = vector.shape_cast %swap3A_387 : vector<16xf32> to vector<16xf32>
      %swap3A_389 = vector.shape_cast %scan3A_99#12 : vector<16xf32> to vector<16xf32>
      tpu.vector_store %arg10[%swap3A_386], %swap3A_389 {strides = array<i32>} : memref<144xf32, #tpu.memory_space<vmem>>, vector<16xf32>,
      %swap3A_390 = arith.constant 80 : index
      %swap3A_391 = tpu.vector_load %arg10[%swap3A_390] {strides = array<i32>} : memref<144xf32, #tpu.memory_space<vmem>>, vector<16xf32>,
      %swap3A_392 = vector.shape_cast %swap3A_391 : vector<16xf32> to vector<16xf32>
      %swap3A_393 = vector.shape_cast %scan3A_99#13 : vector<16xf32> to vector<16xf32>
      tpu.vector_store %arg10[%swap3A_390], %swap3A_393 {strides = array<i32>} : memref<144xf32, #tpu.memory_space<vmem>>, vector<16xf32>,
      %swap3A_394 = arith.constant 96 : index
      %swap3A_395 = tpu.vector_load %arg10[%swap3A_394] {strides = array<i32>} : memref<144xf32, #tpu.memory_space<vmem>>, vector<16xf32>,
      %swap3A_396 = vector.shape_cast %swap3A_395 : vector<16xf32> to vector<16xf32>
      %swap3A_397 = vector.shape_cast %scan3A_99#14 : vector<16xf32> to vector<16xf32>
      tpu.vector_store %arg10[%swap3A_394], %swap3A_397 {strides = array<i32>} : memref<144xf32, #tpu.memory_space<vmem>>, vector<16xf32>,
      %swap3A_398 = arith.constant 112 : index
      %swap3A_399 = tpu.vector_load %arg10[%swap3A_398] {strides = array<i32>} : memref<144xf32, #tpu.memory_space<vmem>>, vector<16xf32>,
      %swap3A_400 = vector.shape_cast %swap3A_399 : vector<16xf32> to vector<16xf32>
      %swap3A_401 = vector.shape_cast %scan3A_99#15 : vector<16xf32> to vector<16xf32>
      tpu.vector_store %arg10[%swap3A_398], %swap3A_401 {strides = array<i32>} : memref<144xf32, #tpu.memory_space<vmem>>, vector<16xf32>,
      %get3A_402 = arith.constant 8 : index
      %get3A_403 = tpu.vector_load %arg10[%get3A_402] {strides = array<i32>} : memref<144xf32, #tpu.memory_space<vmem>>, vector<16xf32>,
      %get3A_404 = vector.shape_cast %get3A_403 : vector<16xf32> to vector<16xf32>
      %add3A_405 = arith.addf %scan3A_99#8, %get3A_404 : vector<16xf32>
      %swap3A_406 = arith.constant 0 : index
      %swap3A_407 = tpu.vector_load %arg10[%swap3A_406] {strides = array<i32>} : memref<144xf32, #tpu.memory_space<vmem>>, vector<16xf32>,
      %swap3A_408 = vector.shape_cast %swap3A_407 : vector<16xf32> to vector<16xf32>
      %swap3A_409 = vector.shape_cast %add3A_405 : vector<16xf32> to vector<16xf32>
      tpu.vector_store %arg10[%swap3A_406], %swap3A_409 {strides = array<i32>} : memref<144xf32, #tpu.memory_space<vmem>>, vector<16xf32>,
      %get3A_410 = arith.constant 4 : index
      %get3A_411 = tpu.vector_load %arg10[%get3A_410] {strides = array<i32>} : memref<144xf32, #tpu.memory_space<vmem>>, vector<16xf32>,
      %get3A_412 = vector.shape_cast %get3A_411 : vector<16xf32> to vector<16xf32>
      %add3A_413 = arith.addf %add3A_405, %get3A_412 : vector<16xf32>
      %swap3A_414 = arith.constant 0 : index
      %swap3A_415 = tpu.vector_load %arg10[%swap3A_414] {strides = array<i32>} : memref<144xf32, #tpu.memory_space<vmem>>, vector<16xf32>,
      %swap3A_416 = vector.shape_cast %swap3A_415 : vector<16xf32> to vector<16xf32>
      %swap3A_417 = vector.shape_cast %add3A_413 : vector<16xf32> to vector<16xf32>
      tpu.vector_store %arg10[%swap3A_414], %swap3A_417 {strides = array<i32>} : memref<144xf32, #tpu.memory_space<vmem>>, vector<16xf32>,
      %get3A_418 = arith.constant 2 : index
      %get3A_419 = tpu.vector_load %arg10[%get3A_418] {strides = array<i32>} : memref<144xf32, #tpu.memory_space<vmem>>, vector<16xf32>,
      %get3A_420 = vector.shape_cast %get3A_419 : vector<16xf32> to vector<16xf32>
      %add3A_421 = arith.addf %add3A_413, %get3A_420 : vector<16xf32>
      %slice3A_422 = vector.extract_strided_slice %add3A_421 {offsets = [0], sizes = [1], strides = [1]} : vector<16xf32> to vector<1xf32>
      %squeeze3A_423 = vector.extract %slice3A_422[0] : f32 from vector<1xf32>
      %slice3A_424 = vector.extract_strided_slice %add3A_421 {offsets = [1], sizes = [1], strides = [1]} : vector<16xf32> to vector<1xf32>
      %squeeze3A_425 = vector.extract %slice3A_424[0] : f32 from vector<1xf32>
      %add3A_426 = arith.addf %squeeze3A_423, %squeeze3A_425 : f32
      %eq3A_427 = arith.constant 8 : i32
      %eq3A_428 = vector.broadcast %eq3A_427 : i32 to vector<16xi32>
      %eq3A_429 = arith.cmpi eq, %iota3A, %eq3A_428 : vector<16xi32>
      %broadcast_in_dim3A_430 = vector.broadcast %add3A_426 : f32 to vector<16xf32>
      %select_n3A_431 = arith.select %eq3A_429, %broadcast_in_dim3A_430, %select_n3A_369 : vector<16xi1>, vector<16xf32>
      %get3A_432 = arith.constant 24 : index
      %get3A_433 = tpu.vector_load %arg10[%get3A_432] {strides = array<i32>} : memref<144xf32, #tpu.memory_space<vmem>>, vector<16xf32>,
      %get3A_434 = vector.shape_cast %get3A_433 : vector<16xf32> to vector<16xf32>
      %add3A_435 = arith.addf %scan3A_99#9, %get3A_434 : vector<16xf32>
      %swap3A_436 = arith.constant 16 : index
      %swap3A_437 = tpu.vector_load %arg10[%swap3A_436] {strides = array<i32>} : memref<144xf32, #tpu.memory_space<vmem>>, vector<16xf32>,
      %swap3A_438 = vector.shape_cast %swap3A_437 : vector<16xf32> to vector<16xf32>
      %swap3A_439 = vector.shape_cast %add3A_435 : vector<16xf32> to vector<16xf32>
      tpu.vector_store %arg10[%swap3A_436], %swap3A_439 {strides = array<i32>} : memref<144xf32, #tpu.memory_space<vmem>>, vector<16xf32>,
      %get3A_440 = arith.constant 20 : index
      %get3A_441 = tpu.vector_load %arg10[%get3A_440] {strides = array<i32>} : memref<144xf32, #tpu.memory_space<vmem>>, vector<16xf32>,
      %get3A_442 = vector.shape_cast %get3A_441 : vector<16xf32> to vector<16xf32>
      %add3A_443 = arith.addf %add3A_435, %get3A_442 : vector<16xf32>
      %swap3A_444 = arith.constant 16 : index
      %swap3A_445 = tpu.vector_load %arg10[%swap3A_444] {strides = array<i32>} : memref<144xf32, #tpu.memory_space<vmem>>, vector<16xf32>,
      %swap3A_446 = vector.shape_cast %swap3A_445 : vector<16xf32> to vector<16xf32>
      %swap3A_447 = vector.shape_cast %add3A_443 : vector<16xf32> to vector<16xf32>
      tpu.vector_store %arg10[%swap3A_444], %swap3A_447 {strides = array<i32>} : memref<144xf32, #tpu.memory_space<vmem>>, vector<16xf32>,
      %get3A_448 = arith.constant 18 : index
      %get3A_449 = tpu.vector_load %arg10[%get3A_448] {strides = array<i32>} : memref<144xf32, #tpu.memory_space<vmem>>, vector<16xf32>,
      %get3A_450 = vector.shape_cast %get3A_449 : vector<16xf32> to vector<16xf32>
      %add3A_451 = arith.addf %add3A_443, %get3A_450 : vector<16xf32>
      %slice3A_452 = vector.extract_strided_slice %add3A_451 {offsets = [0], sizes = [1], strides = [1]} : vector<16xf32> to vector<1xf32>
      %squeeze3A_453 = vector.extract %slice3A_452[0] : f32 from vector<1xf32>
      %slice3A_454 = vector.extract_strided_slice %add3A_451 {offsets = [1], sizes = [1], strides = [1]} : vector<16xf32> to vector<1xf32>
      %squeeze3A_455 = vector.extract %slice3A_454[0] : f32 from vector<1xf32>
      %add3A_456 = arith.addf %squeeze3A_453, %squeeze3A_455 : f32
      %eq3A_457 = arith.constant 9 : i32
      %eq3A_458 = vector.broadcast %eq3A_457 : i32 to vector<16xi32>
      %eq3A_459 = arith.cmpi eq, %iota3A, %eq3A_458 : vector<16xi32>
      %broadcast_in_dim3A_460 = vector.broadcast %add3A_456 : f32 to vector<16xf32>
      %select_n3A_461 = arith.select %eq3A_459, %broadcast_in_dim3A_460, %select_n3A_431 : vector<16xi1>, vector<16xf32>
      %get3A_462 = arith.constant 40 : index
      %get3A_463 = tpu.vector_load %arg10[%get3A_462] {strides = array<i32>} : memref<144xf32, #tpu.memory_space<vmem>>, vector<16xf32>,
      %get3A_464 = vector.shape_cast %get3A_463 : vector<16xf32> to vector<16xf32>
      %add3A_465 = arith.addf %scan3A_99#10, %get3A_464 : vector<16xf32>
      %swap3A_466 = arith.constant 32 : index
      %swap3A_467 = tpu.vector_load %arg10[%swap3A_466] {strides = array<i32>} : memref<144xf32, #tpu.memory_space<vmem>>, vector<16xf32>,
      %swap3A_468 = vector.shape_cast %swap3A_467 : vector<16xf32> to vector<16xf32>
      %swap3A_469 = vector.shape_cast %add3A_465 : vector<16xf32> to vector<16xf32>
      tpu.vector_store %arg10[%swap3A_466], %swap3A_469 {strides = array<i32>} : memref<144xf32, #tpu.memory_space<vmem>>, vector<16xf32>,
      %get3A_470 = arith.constant 36 : index
      %get3A_471 = tpu.vector_load %arg10[%get3A_470] {strides = array<i32>} : memref<144xf32, #tpu.memory_space<vmem>>, vector<16xf32>,
      %get3A_472 = vector.shape_cast %get3A_471 : vector<16xf32> to vector<16xf32>
      %add3A_473 = arith.addf %add3A_465, %get3A_472 : vector<16xf32>
      %swap3A_474 = arith.constant 32 : index
      %swap3A_475 = tpu.vector_load %arg10[%swap3A_474] {strides = array<i32>} : memref<144xf32, #tpu.memory_space<vmem>>, vector<16xf32>,
      %swap3A_476 = vector.shape_cast %swap3A_475 : vector<16xf32> to vector<16xf32>
      %swap3A_477 = vector.shape_cast %add3A_473 : vector<16xf32> to vector<16xf32>
      tpu.vector_store %arg10[%swap3A_474], %swap3A_477 {strides = array<i32>} : memref<144xf32, #tpu.memory_space<vmem>>, vector<16xf32>,
      %get3A_478 = arith.constant 34 : index
      %get3A_479 = tpu.vector_load %arg10[%get3A_478] {strides = array<i32>} : memref<144xf32, #tpu.memory_space<vmem>>, vector<16xf32>,
      %get3A_480 = vector.shape_cast %get3A_479 : vector<16xf32> to vector<16xf32>
      %add3A_481 = arith.addf %add3A_473, %get3A_480 : vector<16xf32>
      %slice3A_482 = vector.extract_strided_slice %add3A_481 {offsets = [0], sizes = [1], strides = [1]} : vector<16xf32> to vector<1xf32>
      %squeeze3A_483 = vector.extract %slice3A_482[0] : f32 from vector<1xf32>
      %slice3A_484 = vector.extract_strided_slice %add3A_481 {offsets = [1], sizes = [1], strides = [1]} : vector<16xf32> to vector<1xf32>
      %squeeze3A_485 = vector.extract %slice3A_484[0] : f32 from vector<1xf32>
      %add3A_486 = arith.addf %squeeze3A_483, %squeeze3A_485 : f32
      %eq3A_487 = arith.constant 10 : i32
      %eq3A_488 = vector.broadcast %eq3A_487 : i32 to vector<16xi32>
      %eq3A_489 = arith.cmpi eq, %iota3A, %eq3A_488 : vector<16xi32>
      %broadcast_in_dim3A_490 = vector.broadcast %add3A_486 : f32 to vector<16xf32>
      %select_n3A_491 = arith.select %eq3A_489, %broadcast_in_dim3A_490, %select_n3A_461 : vector<16xi1>, vector<16xf32>
      %get3A_492 = arith.constant 56 : index
      %get3A_493 = tpu.vector_load %arg10[%get3A_492] {strides = array<i32>} : memref<144xf32, #tpu.memory_space<vmem>>, vector<16xf32>,
      %get3A_494 = vector.shape_cast %get3A_493 : vector<16xf32> to vector<16xf32>
      %add3A_495 = arith.addf %scan3A_99#11, %get3A_494 : vector<16xf32>
      %swap3A_496 = arith.constant 48 : index
      %swap3A_497 = tpu.vector_load %arg10[%swap3A_496] {strides = array<i32>} : memref<144xf32, #tpu.memory_space<vmem>>, vector<16xf32>,
      %swap3A_498 = vector.shape_cast %swap3A_497 : vector<16xf32> to vector<16xf32>
      %swap3A_499 = vector.shape_cast %add3A_495 : vector<16xf32> to vector<16xf32>
      tpu.vector_store %arg10[%swap3A_496], %swap3A_499 {strides = array<i32>} : memref<144xf32, #tpu.memory_space<vmem>>, vector<16xf32>,
      %get3A_500 = arith.constant 52 : index
      %get3A_501 = tpu.vector_load %arg10[%get3A_500] {strides = array<i32>} : memref<144xf32, #tpu.memory_space<vmem>>, vector<16xf32>,
      %get3A_502 = vector.shape_cast %get3A_501 : vector<16xf32> to vector<16xf32>
      %add3A_503 = arith.addf %add3A_495, %get3A_502 : vector<16xf32>
      %swap3A_504 = arith.constant 48 : index
      %swap3A_505 = tpu.vector_load %arg10[%swap3A_504] {strides = array<i32>} : memref<144xf32, #tpu.memory_space<vmem>>, vector<16xf32>,
      %swap3A_506 = vector.shape_cast %swap3A_505 : vector<16xf32> to vector<16xf32>
      %swap3A_507 = vector.shape_cast %add3A_503 : vector<16xf32> to vector<16xf32>
      tpu.vector_store %arg10[%swap3A_504], %swap3A_507 {strides = array<i32>} : memref<144xf32, #tpu.memory_space<vmem>>, vector<16xf32>,
      %get3A_508 = arith.constant 50 : index
      %get3A_509 = tpu.vector_load %arg10[%get3A_508] {strides = array<i32>} : memref<144xf32, #tpu.memory_space<vmem>>, vector<16xf32>,
      %get3A_510 = vector.shape_cast %get3A_509 : vector<16xf32> to vector<16xf32>
      %add3A_511 = arith.addf %add3A_503, %get3A_510 : vector<16xf32>
      %slice3A_512 = vector.extract_strided_slice %add3A_511 {offsets = [0], sizes = [1], strides = [1]} : vector<16xf32> to vector<1xf32>
      %squeeze3A_513 = vector.extract %slice3A_512[0] : f32 from vector<1xf32>
      %slice3A_514 = vector.extract_strided_slice %add3A_511 {offsets = [1], sizes = [1], strides = [1]} : vector<16xf32> to vector<1xf32>
      %squeeze3A_515 = vector.extract %slice3A_514[0] : f32 from vector<1xf32>
      %add3A_516 = arith.addf %squeeze3A_513, %squeeze3A_515 : f32
      %eq3A_517 = arith.constant 11 : i32
      %eq3A_518 = vector.broadcast %eq3A_517 : i32 to vector<16xi32>
      %eq3A_519 = arith.cmpi eq, %iota3A, %eq3A_518 : vector<16xi32>
      %broadcast_in_dim3A_520 = vector.broadcast %add3A_516 : f32 to vector<16xf32>
      %select_n3A_521 = arith.select %eq3A_519, %broadcast_in_dim3A_520, %select_n3A_491 : vector<16xi1>, vector<16xf32>
      %get3A_522 = arith.constant 72 : index
      %get3A_523 = tpu.vector_load %arg10[%get3A_522] {strides = array<i32>} : memref<144xf32, #tpu.memory_space<vmem>>, vector<16xf32>,
      %get3A_524 = vector.shape_cast %get3A_523 : vector<16xf32> to vector<16xf32>
      %add3A_525 = arith.addf %scan3A_99#12, %get3A_524 : vector<16xf32>
      %swap3A_526 = arith.constant 64 : index
      %swap3A_527 = tpu.vector_load %arg10[%swap3A_526] {strides = array<i32>} : memref<144xf32, #tpu.memory_space<vmem>>, vector<16xf32>,
      %swap3A_528 = vector.shape_cast %swap3A_527 : vector<16xf32> to vector<16xf32>
      %swap3A_529 = vector.shape_cast %add3A_525 : vector<16xf32> to vector<16xf32>
      tpu.vector_store %arg10[%swap3A_526], %swap3A_529 {strides = array<i32>} : memref<144xf32, #tpu.memory_space<vmem>>, vector<16xf32>,
      %get3A_530 = arith.constant 68 : index
      %get3A_531 = tpu.vector_load %arg10[%get3A_530] {strides = array<i32>} : memref<144xf32, #tpu.memory_space<vmem>>, vector<16xf32>,
      %get3A_532 = vector.shape_cast %get3A_531 : vector<16xf32> to vector<16xf32>
      %add3A_533 = arith.addf %add3A_525, %get3A_532 : vector<16xf32>
      %swap3A_534 = arith.constant 64 : index
      %swap3A_535 = tpu.vector_load %arg10[%swap3A_534] {strides = array<i32>} : memref<144xf32, #tpu.memory_space<vmem>>, vector<16xf32>,
      %swap3A_536 = vector.shape_cast %swap3A_535 : vector<16xf32> to vector<16xf32>
      %swap3A_537 = vector.shape_cast %add3A_533 : vector<16xf32> to vector<16xf32>
      tpu.vector_store %arg10[%swap3A_534], %swap3A_537 {strides = array<i32>} : memref<144xf32, #tpu.memory_space<vmem>>, vector<16xf32>,
      %get3A_538 = arith.constant 66 : index
      %get3A_539 = tpu.vector_load %arg10[%get3A_538] {strides = array<i32>} : memref<144xf32, #tpu.memory_space<vmem>>, vector<16xf32>,
      %get3A_540 = vector.shape_cast %get3A_539 : vector<16xf32> to vector<16xf32>
      %add3A_541 = arith.addf %add3A_533, %get3A_540 : vector<16xf32>
      %slice3A_542 = vector.extract_strided_slice %add3A_541 {offsets = [0], sizes = [1], strides = [1]} : vector<16xf32> to vector<1xf32>
      %squeeze3A_543 = vector.extract %slice3A_542[0] : f32 from vector<1xf32>
      %slice3A_544 = vector.extract_strided_slice %add3A_541 {offsets = [1], sizes = [1], strides = [1]} : vector<16xf32> to vector<1xf32>
      %squeeze3A_545 = vector.extract %slice3A_544[0] : f32 from vector<1xf32>
      %add3A_546 = arith.addf %squeeze3A_543, %squeeze3A_545 : f32
      %eq3A_547 = arith.constant 12 : i32
      %eq3A_548 = vector.broadcast %eq3A_547 : i32 to vector<16xi32>
      %eq3A_549 = arith.cmpi eq, %iota3A, %eq3A_548 : vector<16xi32>
      %broadcast_in_dim3A_550 = vector.broadcast %add3A_546 : f32 to vector<16xf32>
      %select_n3A_551 = arith.select %eq3A_549, %broadcast_in_dim3A_550, %select_n3A_521 : vector<16xi1>, vector<16xf32>
      %get3A_552 = arith.constant 88 : index
      %get3A_553 = tpu.vector_load %arg10[%get3A_552] {strides = array<i32>} : memref<144xf32, #tpu.memory_space<vmem>>, vector<16xf32>,
      %get3A_554 = vector.shape_cast %get3A_553 : vector<16xf32> to vector<16xf32>
      %add3A_555 = arith.addf %scan3A_99#13, %get3A_554 : vector<16xf32>
      %swap3A_556 = arith.constant 80 : index
      %swap3A_557 = tpu.vector_load %arg10[%swap3A_556] {strides = array<i32>} : memref<144xf32, #tpu.memory_space<vmem>>, vector<16xf32>,
      %swap3A_558 = vector.shape_cast %swap3A_557 : vector<16xf32> to vector<16xf32>
      %swap3A_559 = vector.shape_cast %add3A_555 : vector<16xf32> to vector<16xf32>
      tpu.vector_store %arg10[%swap3A_556], %swap3A_559 {strides = array<i32>} : memref<144xf32, #tpu.memory_space<vmem>>, vector<16xf32>,
      %get3A_560 = arith.constant 84 : index
      %get3A_561 = tpu.vector_load %arg10[%get3A_560] {strides = array<i32>} : memref<144xf32, #tpu.memory_space<vmem>>, vector<16xf32>,
      %get3A_562 = vector.shape_cast %get3A_561 : vector<16xf32> to vector<16xf32>
      %add3A_563 = arith.addf %add3A_555, %get3A_562 : vector<16xf32>
      %swap3A_564 = arith.constant 80 : index
      %swap3A_565 = tpu.vector_load %arg10[%swap3A_564] {strides = array<i32>} : memref<144xf32, #tpu.memory_space<vmem>>, vector<16xf32>,
      %swap3A_566 = vector.shape_cast %swap3A_565 : vector<16xf32> to vector<16xf32>
      %swap3A_567 = vector.shape_cast %add3A_563 : vector<16xf32> to vector<16xf32>
      tpu.vector_store %arg10[%swap3A_564], %swap3A_567 {strides = array<i32>} : memref<144xf32, #tpu.memory_space<vmem>>, vector<16xf32>,
      %get3A_568 = arith.constant 82 : index
      %get3A_569 = tpu.vector_load %arg10[%get3A_568] {strides = array<i32>} : memref<144xf32, #tpu.memory_space<vmem>>, vector<16xf32>,
      %get3A_570 = vector.shape_cast %get3A_569 : vector<16xf32> to vector<16xf32>
      %add3A_571 = arith.addf %add3A_563, %get3A_570 : vector<16xf32>
      %slice3A_572 = vector.extract_strided_slice %add3A_571 {offsets = [0], sizes = [1], strides = [1]} : vector<16xf32> to vector<1xf32>
      %squeeze3A_573 = vector.extract %slice3A_572[0] : f32 from vector<1xf32>
      %slice3A_574 = vector.extract_strided_slice %add3A_571 {offsets = [1], sizes = [1], strides = [1]} : vector<16xf32> to vector<1xf32>
      %squeeze3A_575 = vector.extract %slice3A_574[0] : f32 from vector<1xf32>
      %add3A_576 = arith.addf %squeeze3A_573, %squeeze3A_575 : f32
      %eq3A_577 = arith.constant 13 : i32
      %eq3A_578 = vector.broadcast %eq3A_577 : i32 to vector<16xi32>
      %eq3A_579 = arith.cmpi eq, %iota3A, %eq3A_578 : vector<16xi32>
      %broadcast_in_dim3A_580 = vector.broadcast %add3A_576 : f32 to vector<16xf32>
      %select_n3A_581 = arith.select %eq3A_579, %broadcast_in_dim3A_580, %select_n3A_551 : vector<16xi1>, vector<16xf32>
      %get3A_582 = arith.constant 104 : index
      %get3A_583 = tpu.vector_load %arg10[%get3A_582] {strides = array<i32>} : memref<144xf32, #tpu.memory_space<vmem>>, vector<16xf32>,
      %get3A_584 = vector.shape_cast %get3A_583 : vector<16xf32> to vector<16xf32>
      %add3A_585 = arith.addf %scan3A_99#14, %get3A_584 : vector<16xf32>
      %swap3A_586 = arith.constant 96 : index
      %swap3A_587 = tpu.vector_load %arg10[%swap3A_586] {strides = array<i32>} : memref<144xf32, #tpu.memory_space<vmem>>, vector<16xf32>,
      %swap3A_588 = vector.shape_cast %swap3A_587 : vector<16xf32> to vector<16xf32>
      %swap3A_589 = vector.shape_cast %add3A_585 : vector<16xf32> to vector<16xf32>
      tpu.vector_store %arg10[%swap3A_586], %swap3A_589 {strides = array<i32>} : memref<144xf32, #tpu.memory_space<vmem>>, vector<16xf32>,
      %get3A_590 = arith.constant 100 : index
      %get3A_591 = tpu.vector_load %arg10[%get3A_590] {strides = array<i32>} : memref<144xf32, #tpu.memory_space<vmem>>, vector<16xf32>,
      %get3A_592 = vector.shape_cast %get3A_591 : vector<16xf32> to vector<16xf32>
      %add3A_593 = arith.addf %add3A_585, %get3A_592 : vector<16xf32>
      %swap3A_594 = arith.constant 96 : index
      %swap3A_595 = tpu.vector_load %arg10[%swap3A_594] {strides = array<i32>} : memref<144xf32, #tpu.memory_space<vmem>>, vector<16xf32>,
      %swap3A_596 = vector.shape_cast %swap3A_595 : vector<16xf32> to vector<16xf32>
      %swap3A_597 = vector.shape_cast %add3A_593 : vector<16xf32> to vector<16xf32>
      tpu.vector_store %arg10[%swap3A_594], %swap3A_597 {strides = array<i32>} : memref<144xf32, #tpu.memory_space<vmem>>, vector<16xf32>,
      %get3A_598 = arith.constant 98 : index
      %get3A_599 = tpu.vector_load %arg10[%get3A_598] {strides = array<i32>} : memref<144xf32, #tpu.memory_space<vmem>>, vector<16xf32>,
      %get3A_600 = vector.shape_cast %get3A_599 : vector<16xf32> to vector<16xf32>
      %add3A_601 = arith.addf %add3A_593, %get3A_600 : vector<16xf32>
      %slice3A_602 = vector.extract_strided_slice %add3A_601 {offsets = [0], sizes = [1], strides = [1]} : vector<16xf32> to vector<1xf32>
      %squeeze3A_603 = vector.extract %slice3A_602[0] : f32 from vector<1xf32>
      %slice3A_604 = vector.extract_strided_slice %add3A_601 {offsets = [1], sizes = [1], strides = [1]} : vector<16xf32> to vector<1xf32>
      %squeeze3A_605 = vector.extract %slice3A_604[0] : f32 from vector<1xf32>
      %add3A_606 = arith.addf %squeeze3A_603, %squeeze3A_605 : f32
      %eq3A_607 = arith.constant 14 : i32
      %eq3A_608 = vector.broadcast %eq3A_607 : i32 to vector<16xi32>
      %eq3A_609 = arith.cmpi eq, %iota3A, %eq3A_608 : vector<16xi32>
      %broadcast_in_dim3A_610 = vector.broadcast %add3A_606 : f32 to vector<16xf32>
      %select_n3A_611 = arith.select %eq3A_609, %broadcast_in_dim3A_610, %select_n3A_581 : vector<16xi1>, vector<16xf32>
      %get3A_612 = arith.constant 120 : index
      %get3A_613 = tpu.vector_load %arg10[%get3A_612] {strides = array<i32>} : memref<144xf32, #tpu.memory_space<vmem>>, vector<16xf32>,
      %get3A_614 = vector.shape_cast %get3A_613 : vector<16xf32> to vector<16xf32>
      %add3A_615 = arith.addf %scan3A_99#15, %get3A_614 : vector<16xf32>
      %swap3A_616 = arith.constant 112 : index
      %swap3A_617 = tpu.vector_load %arg10[%swap3A_616] {strides = array<i32>} : memref<144xf32, #tpu.memory_space<vmem>>, vector<16xf32>,
      %swap3A_618 = vector.shape_cast %swap3A_617 : vector<16xf32> to vector<16xf32>
      %swap3A_619 = vector.shape_cast %add3A_615 : vector<16xf32> to vector<16xf32>
      tpu.vector_store %arg10[%swap3A_616], %swap3A_619 {strides = array<i32>} : memref<144xf32, #tpu.memory_space<vmem>>, vector<16xf32>,
      %get3A_620 = arith.constant 116 : index
      %get3A_621 = tpu.vector_load %arg10[%get3A_620] {strides = array<i32>} : memref<144xf32, #tpu.memory_space<vmem>>, vector<16xf32>,
      %get3A_622 = vector.shape_cast %get3A_621 : vector<16xf32> to vector<16xf32>
      %add3A_623 = arith.addf %add3A_615, %get3A_622 : vector<16xf32>
      %swap3A_624 = arith.constant 112 : index
      %swap3A_625 = tpu.vector_load %arg10[%swap3A_624] {strides = array<i32>} : memref<144xf32, #tpu.memory_space<vmem>>, vector<16xf32>,
      %swap3A_626 = vector.shape_cast %swap3A_625 : vector<16xf32> to vector<16xf32>
      %swap3A_627 = vector.shape_cast %add3A_623 : vector<16xf32> to vector<16xf32>
      tpu.vector_store %arg10[%swap3A_624], %swap3A_627 {strides = array<i32>} : memref<144xf32, #tpu.memory_space<vmem>>, vector<16xf32>,
      %get3A_628 = arith.constant 114 : index
      %get3A_629 = tpu.vector_load %arg10[%get3A_628] {strides = array<i32>} : memref<144xf32, #tpu.memory_space<vmem>>, vector<16xf32>,
      %get3A_630 = vector.shape_cast %get3A_629 : vector<16xf32> to vector<16xf32>
      %add3A_631 = arith.addf %add3A_623, %get3A_630 : vector<16xf32>
      %slice3A_632 = vector.extract_strided_slice %add3A_631 {offsets = [0], sizes = [1], strides = [1]} : vector<16xf32> to vector<1xf32>
      %squeeze3A_633 = vector.extract %slice3A_632[0] : f32 from vector<1xf32>
      %slice3A_634 = vector.extract_strided_slice %add3A_631 {offsets = [1], sizes = [1], strides = [1]} : vector<16xf32> to vector<1xf32>
      %squeeze3A_635 = vector.extract %slice3A_634[0] : f32 from vector<1xf32>
      %add3A_636 = arith.addf %squeeze3A_633, %squeeze3A_635 : f32
      %eq3A_637 = arith.constant 15 : i32
      %eq3A_638 = vector.broadcast %eq3A_637 : i32 to vector<16xi32>
      %eq3A_639 = arith.cmpi eq, %iota3A, %eq3A_638 : vector<16xi32>
      %broadcast_in_dim3A_640 = vector.broadcast %add3A_636 : f32 to vector<16xf32>
      %select_n3A_641 = arith.select %eq3A_639, %broadcast_in_dim3A_640, %select_n3A_611 : vector<16xi1>, vector<16xf32>
      %add3A_642 = arith.addf %select_n3A_641, %get3A_4 : vector<16xf32>
      %swap3A_643 = arith.constant 0 : index
      %swap3A_644 = tpu.vector_load %arg11[%swap3A_643] {strides = array<i32>} : memref<32xf32, #tpu.memory_space<vmem>>, vector<16xf32>,
      %swap3A_645 = vector.shape_cast %swap3A_644 : vector<16xf32> to vector<16xf32>
      %swap3A_646 = vector.shape_cast %add3A_642 : vector<16xf32> to vector<16xf32>
      tpu.vector_store %arg11[%swap3A_643], %swap3A_646 {strides = array<i32>} : memref<32xf32, #tpu.memory_space<vmem>>, vector<16xf32>,
      %get3A_647 = arith.constant 4 : index
      %get3A_648 = tpu.vector_load %arg11[%get3A_647] {strides = array<i32>} : memref<32xf32, #tpu.memory_space<vmem>>, vector<16xf32>,
      %get3A_649 = vector.shape_cast %get3A_648 : vector<16xf32> to vector<16xf32>
      %max3A = arith.maximumf %add3A_642, %get3A_649 : vector<16xf32>
      %swap3A_650 = arith.constant 0 : index
      %swap3A_651 = tpu.vector_load %arg11[%swap3A_650] {strides = array<i32>} : memref<32xf32, #tpu.memory_space<vmem>>, vector<16xf32>,
      %swap3A_652 = vector.shape_cast %swap3A_651 : vector<16xf32> to vector<16xf32>
      %swap3A_653 = vector.shape_cast %max3A : vector<16xf32> to vector<16xf32>
      tpu.vector_store %arg11[%swap3A_650], %swap3A_653 {strides = array<i32>} : memref<32xf32, #tpu.memory_space<vmem>>, vector<16xf32>,
      %get3A_654 = arith.constant 2 : index
      %get3A_655 = tpu.vector_load %arg11[%get3A_654] {strides = array<i32>} : memref<32xf32, #tpu.memory_space<vmem>>, vector<16xf32>,
      %get3A_656 = vector.shape_cast %get3A_655 : vector<16xf32> to vector<16xf32>
      %max3A_657 = arith.maximumf %max3A, %get3A_656 : vector<16xf32>
      %swap3A_658 = arith.constant 0 : index
      %swap3A_659 = tpu.vector_load %arg11[%swap3A_658] {strides = array<i32>} : memref<32xf32, #tpu.memory_space<vmem>>, vector<16xf32>,
      %swap3A_660 = vector.shape_cast %swap3A_659 : vector<16xf32> to vector<16xf32>
      %swap3A_661 = vector.shape_cast %max3A_657 : vector<16xf32> to vector<16xf32>
      tpu.vector_store %arg11[%swap3A_658], %swap3A_661 {strides = array<i32>} : memref<32xf32, #tpu.memory_space<vmem>>, vector<16xf32>,
      %get3A_662 = arith.constant 1 : index
      %get3A_663 = tpu.vector_load %arg11[%get3A_662] {strides = array<i32>} : memref<32xf32, #tpu.memory_space<vmem>>, vector<16xf32>,
      %get3A_664 = vector.shape_cast %get3A_663 : vector<16xf32> to vector<16xf32>
      %max3A_665 = arith.maximumf %max3A_657, %get3A_664 : vector<16xf32>
      %slice3A_666 = vector.extract_strided_slice %max3A_665 {offsets = [0], sizes = [1], strides = [1]} : vector<16xf32> to vector<1xf32>
      %squeeze3A_667 = vector.extract %slice3A_666[0] : f32 from vector<1xf32>
      %slice3A_668 = vector.extract_strided_slice %max3A_665 {offsets = [8], sizes = [1], strides = [1]} : vector<16xf32> to vector<1xf32>
      %squeeze3A_669 = vector.extract %slice3A_668[0] : f32 from vector<1xf32>
      %broadcast_in_dim3A_670 = vector.broadcast %squeeze3A_667 : f32 to vector<16xf32>
      %broadcast_in_dim3A_671 = vector.broadcast %squeeze3A_669 : f32 to vector<16xf32>
      %select_n3A_672 = arith.select %lt3A_6, %broadcast_in_dim3A_670, %broadcast_in_dim3A_671 : vector<16xi1>, vector<16xf32>
      %sub3A = arith.subf %add3A_642, %select_n3A_672 : vector<16xf32>
      %exp3A = math.exp %sub3A : vector<16xf32>
      %swap3A_673 = arith.constant 0 : index
      %swap3A_674 = tpu.vector_load %arg11[%swap3A_673] {strides = array<i32>} : memref<32xf32, #tpu.memory_space<vmem>>, vector<16xf32>,
      %swap3A_675 = vector.shape_cast %swap3A_674 : vector<16xf32> to vector<16xf32>
      %swap3A_676 = vector.shape_cast %exp3A : vector<16xf32> to vector<16xf32>
      tpu.vector_store %arg11[%swap3A_673], %swap3A_676 {strides = array<i32>} : memref<32xf32, #tpu.memory_space<vmem>>, vector<16xf32>,
      %get3A_677 = arith.constant 4 : index
      %get3A_678 = tpu.vector_load %arg11[%get3A_677] {strides = array<i32>} : memref<32xf32, #tpu.memory_space<vmem>>, vector<16xf32>,
      %get3A_679 = vector.shape_cast %get3A_678 : vector<16xf32> to vector<16xf32>
      %add3A_680 = arith.addf %exp3A, %get3A_679 : vector<16xf32>
      %swap3A_681 = arith.constant 0 : index
      %swap3A_682 = tpu.vector_load %arg11[%swap3A_681] {strides = array<i32>} : memref<32xf32, #tpu.memory_space<vmem>>, vector<16xf32>,
      %swap3A_683 = vector.shape_cast %swap3A_682 : vector<16xf32> to vector<16xf32>
      %swap3A_684 = vector.shape_cast %add3A_680 : vector<16xf32> to vector<16xf32>
      tpu.vector_store %arg11[%swap3A_681], %swap3A_684 {strides = array<i32>} : memref<32xf32, #tpu.memory_space<vmem>>, vector<16xf32>,
      %get3A_685 = arith.constant 2 : index
      %get3A_686 = tpu.vector_load %arg11[%get3A_685] {strides = array<i32>} : memref<32xf32, #tpu.memory_space<vmem>>, vector<16xf32>,
      %get3A_687 = vector.shape_cast %get3A_686 : vector<16xf32> to vector<16xf32>
      %add3A_688 = arith.addf %add3A_680, %get3A_687 : vector<16xf32>
      %swap3A_689 = arith.constant 0 : index
      %swap3A_690 = tpu.vector_load %arg11[%swap3A_689] {strides = array<i32>} : memref<32xf32, #tpu.memory_space<vmem>>, vector<16xf32>,
      %swap3A_691 = vector.shape_cast %swap3A_690 : vector<16xf32> to vector<16xf32>
      %swap3A_692 = vector.shape_cast %add3A_688 : vector<16xf32> to vector<16xf32>
      tpu.vector_store %arg11[%swap3A_689], %swap3A_692 {strides = array<i32>} : memref<32xf32, #tpu.memory_space<vmem>>, vector<16xf32>,
      %get3A_693 = arith.constant 1 : index
      %get3A_694 = tpu.vector_load %arg11[%get3A_693] {strides = array<i32>} : memref<32xf32, #tpu.memory_space<vmem>>, vector<16xf32>,
      %get3A_695 = vector.shape_cast %get3A_694 : vector<16xf32> to vector<16xf32>
      %add3A_696 = arith.addf %add3A_688, %get3A_695 : vector<16xf32>
      %slice3A_697 = vector.extract_strided_slice %add3A_696 {offsets = [0], sizes = [1], strides = [1]} : vector<16xf32> to vector<1xf32>
      %squeeze3A_698 = vector.extract %slice3A_697[0] : f32 from vector<1xf32>
      %slice3A_699 = vector.extract_strided_slice %add3A_696 {offsets = [8], sizes = [1], strides = [1]} : vector<16xf32> to vector<1xf32>
      %squeeze3A_700 = vector.extract %slice3A_699[0] : f32 from vector<1xf32>
      %broadcast_in_dim3A_701 = vector.broadcast %squeeze3A_698 : f32 to vector<16xf32>
      %broadcast_in_dim3A_702 = vector.broadcast %squeeze3A_700 : f32 to vector<16xf32>
      %select_n3A_703 = arith.select %lt3A_6, %broadcast_in_dim3A_701, %broadcast_in_dim3A_702 : vector<16xi1>, vector<16xf32>
      %div3A = arith.divf %exp3A, %select_n3A_703 : vector<16xf32>
      %add3A_704 = arith.constant 0 : i32
      %add3A_705 = arith.addi %mul3A_85, %add3A_704 : i32
      %mul3A_706 = arith.constant 8 : i32
      %mul3A_707 = arith.muli %add3A_705, %mul3A_706 : i32
      %swap3A_708 = arith.index_cast %mul3A_707 : i32 to index
      %swap3A_709 = tpu.vector_load %arg12[%swap3A_708] {strides = array<i32>} : memref<256xf32, #tpu.memory_space<vmem>>, vector<16xf32>,
      %swap3A_710 = vector.shape_cast %swap3A_709 : vector<16xf32> to vector<16xf32>
      %swap3A_711 = vector.shape_cast %div3A : vector<16xf32> to vector<16xf32>
      tpu.vector_store %arg12[%swap3A_708], %swap3A_711 {strides = array<i32>} : memref<256xf32, #tpu.memory_space<vmem>>, vector<16xf32>,
      %broadcast_in_dim3A_712 = arith.constant 0.000000e+00 : f32
      %broadcast_in_dim3A_713 = vector.broadcast %broadcast_in_dim3A_712 : f32 to vector<16xf32>
      %swap3A_714 = arith.constant 0 : index
      %swap3A_715 = tpu.vector_load %arg10[%swap3A_714] {strides = array<i32>} : memref<144xf32, #tpu.memory_space<vmem>>, vector<16xf32>,
      %swap3A_716 = vector.shape_cast %swap3A_715 : vector<16xf32> to vector<16xf32>
      %swap3A_717 = vector.shape_cast %scan3A_99#16 : vector<16xf32> to vector<16xf32>
      tpu.vector_store %arg10[%swap3A_714], %swap3A_717 {strides = array<i32>} : memref<144xf32, #tpu.memory_space<vmem>>, vector<16xf32>,
      %swap3A_718 = arith.constant 16 : index
      %swap3A_719 = tpu.vector_load %arg10[%swap3A_718] {strides = array<i32>} : memref<144xf32, #tpu.memory_space<vmem>>, vector<16xf32>,
      %swap3A_720 = vector.shape_cast %swap3A_719 : vector<16xf32> to vector<16xf32>
      %swap3A_721 = vector.shape_cast %scan3A_99#17 : vector<16xf32> to vector<16xf32>
      tpu.vector_store %arg10[%swap3A_718], %swap3A_721 {strides = array<i32>} : memref<144xf32, #tpu.memory_space<vmem>>, vector<16xf32>,
      %swap3A_722 = arith.constant 32 : index
      %swap3A_723 = tpu.vector_load %arg10[%swap3A_722] {strides = array<i32>} : memref<144xf32, #tpu.memory_space<vmem>>, vector<16xf32>,
      %swap3A_724 = vector.shape_cast %swap3A_723 : vector<16xf32> to vector<16xf32>
      %swap3A_725 = vector.shape_cast %scan3A_99#18 : vector<16xf32> to vector<16xf32>
      tpu.vector_store %arg10[%swap3A_722], %swap3A_725 {strides = array<i32>} : memref<144xf32, #tpu.memory_space<vmem>>, vector<16xf32>,
      %swap3A_726 = arith.constant 48 : index
      %swap3A_727 = tpu.vector_load %arg10[%swap3A_726] {strides = array<i32>} : memref<144xf32, #tpu.memory_space<vmem>>, vector<16xf32>,
      %swap3A_728 = vector.shape_cast %swap3A_727 : vector<16xf32> to vector<16xf32>
      %swap3A_729 = vector.shape_cast %scan3A_99#19 : vector<16xf32> to vector<16xf32>
      tpu.vector_store %arg10[%swap3A_726], %swap3A_729 {strides = array<i32>} : memref<144xf32, #tpu.memory_space<vmem>>, vector<16xf32>,
      %swap3A_730 = arith.constant 64 : index
      %swap3A_731 = tpu.vector_load %arg10[%swap3A_730] {strides = array<i32>} : memref<144xf32, #tpu.memory_space<vmem>>, vector<16xf32>,
      %swap3A_732 = vector.shape_cast %swap3A_731 : vector<16xf32> to vector<16xf32>
      %swap3A_733 = vector.shape_cast %scan3A_99#20 : vector<16xf32> to vector<16xf32>
      tpu.vector_store %arg10[%swap3A_730], %swap3A_733 {strides = array<i32>} : memref<144xf32, #tpu.memory_space<vmem>>, vector<16xf32>,
      %swap3A_734 = arith.constant 80 : index
      %swap3A_735 = tpu.vector_load %arg10[%swap3A_734] {strides = array<i32>} : memref<144xf32, #tpu.memory_space<vmem>>, vector<16xf32>,
      %swap3A_736 = vector.shape_cast %swap3A_735 : vector<16xf32> to vector<16xf32>
      %swap3A_737 = vector.shape_cast %scan3A_99#21 : vector<16xf32> to vector<16xf32>
      tpu.vector_store %arg10[%swap3A_734], %swap3A_737 {strides = array<i32>} : memref<144xf32, #tpu.memory_space<vmem>>, vector<16xf32>,
      %swap3A_738 = arith.constant 96 : index
      %swap3A_739 = tpu.vector_load %arg10[%swap3A_738] {strides = array<i32>} : memref<144xf32, #tpu.memory_space<vmem>>, vector<16xf32>,
      %swap3A_740 = vector.shape_cast %swap3A_739 : vector<16xf32> to vector<16xf32>
      %swap3A_741 = vector.shape_cast %scan3A_99#22 : vector<16xf32> to vector<16xf32>
      tpu.vector_store %arg10[%swap3A_738], %swap3A_741 {strides = array<i32>} : memref<144xf32, #tpu.memory_space<vmem>>, vector<16xf32>,
      %swap3A_742 = arith.constant 112 : index
      %swap3A_743 = tpu.vector_load %arg10[%swap3A_742] {strides = array<i32>} : memref<144xf32, #tpu.memory_space<vmem>>, vector<16xf32>,
      %swap3A_744 = vector.shape_cast %swap3A_743 : vector<16xf32> to vector<16xf32>
      %swap3A_745 = vector.shape_cast %scan3A_99#23 : vector<16xf32> to vector<16xf32>
      tpu.vector_store %arg10[%swap3A_742], %swap3A_745 {strides = array<i32>} : memref<144xf32, #tpu.memory_space<vmem>>, vector<16xf32>,
      %get3A_746 = arith.constant 8 : index
      %get3A_747 = tpu.vector_load %arg10[%get3A_746] {strides = array<i32>} : memref<144xf32, #tpu.memory_space<vmem>>, vector<16xf32>,
      %get3A_748 = vector.shape_cast %get3A_747 : vector<16xf32> to vector<16xf32>
      %add3A_749 = arith.addf %scan3A_99#16, %get3A_748 : vector<16xf32>
      %swap3A_750 = arith.constant 0 : index
      %swap3A_751 = tpu.vector_load %arg10[%swap3A_750] {strides = array<i32>} : memref<144xf32, #tpu.memory_space<vmem>>, vector<16xf32>,
      %swap3A_752 = vector.shape_cast %swap3A_751 : vector<16xf32> to vector<16xf32>
      %swap3A_753 = vector.shape_cast %add3A_749 : vector<16xf32> to vector<16xf32>
      tpu.vector_store %arg10[%swap3A_750], %swap3A_753 {strides = array<i32>} : memref<144xf32, #tpu.memory_space<vmem>>, vector<16xf32>,
      %get3A_754 = arith.constant 4 : index
      %get3A_755 = tpu.vector_load %arg10[%get3A_754] {strides = array<i32>} : memref<144xf32, #tpu.memory_space<vmem>>, vector<16xf32>,
      %get3A_756 = vector.shape_cast %get3A_755 : vector<16xf32> to vector<16xf32>
      %add3A_757 = arith.addf %add3A_749, %get3A_756 : vector<16xf32>
      %swap3A_758 = arith.constant 0 : index
      %swap3A_759 = tpu.vector_load %arg10[%swap3A_758] {strides = array<i32>} : memref<144xf32, #tpu.memory_space<vmem>>, vector<16xf32>,
      %swap3A_760 = vector.shape_cast %swap3A_759 : vector<16xf32> to vector<16xf32>
      %swap3A_761 = vector.shape_cast %add3A_757 : vector<16xf32> to vector<16xf32>
      tpu.vector_store %arg10[%swap3A_758], %swap3A_761 {strides = array<i32>} : memref<144xf32, #tpu.memory_space<vmem>>, vector<16xf32>,
      %get3A_762 = arith.constant 2 : index
      %get3A_763 = tpu.vector_load %arg10[%get3A_762] {strides = array<i32>} : memref<144xf32, #tpu.memory_space<vmem>>, vector<16xf32>,
      %get3A_764 = vector.shape_cast %get3A_763 : vector<16xf32> to vector<16xf32>
      %add3A_765 = arith.addf %add3A_757, %get3A_764 : vector<16xf32>
      %slice3A_766 = vector.extract_strided_slice %add3A_765 {offsets = [0], sizes = [1], strides = [1]} : vector<16xf32> to vector<1xf32>
      %squeeze3A_767 = vector.extract %slice3A_766[0] : f32 from vector<1xf32>
      %slice3A_768 = vector.extract_strided_slice %add3A_765 {offsets = [1], sizes = [1], strides = [1]} : vector<16xf32> to vector<1xf32>
      %squeeze3A_769 = vector.extract %slice3A_768[0] : f32 from vector<1xf32>
      %add3A_770 = arith.addf %squeeze3A_767, %squeeze3A_769 : f32
      %eq3A_771 = arith.constant 0 : i32
      %eq3A_772 = vector.broadcast %eq3A_771 : i32 to vector<16xi32>
      %eq3A_773 = arith.cmpi eq, %iota3A, %eq3A_772 : vector<16xi32>
      %broadcast_in_dim3A_774 = vector.broadcast %add3A_770 : f32 to vector<16xf32>
      %select_n3A_775 = arith.select %eq3A_773, %broadcast_in_dim3A_774, %broadcast_in_dim3A_713 : vector<16xi1>, vector<16xf32>
      %get3A_776 = arith.constant 24 : index
      %get3A_777 = tpu.vector_load %arg10[%get3A_776] {strides = array<i32>} : memref<144xf32, #tpu.memory_space<vmem>>, vector<16xf32>,
      %get3A_778 = vector.shape_cast %get3A_777 : vector<16xf32> to vector<16xf32>
      %add3A_779 = arith.addf %scan3A_99#17, %get3A_778 : vector<16xf32>
      %swap3A_780 = arith.constant 16 : index
      %swap3A_781 = tpu.vector_load %arg10[%swap3A_780] {strides = array<i32>} : memref<144xf32, #tpu.memory_space<vmem>>, vector<16xf32>,
      %swap3A_782 = vector.shape_cast %swap3A_781 : vector<16xf32> to vector<16xf32>
      %swap3A_783 = vector.shape_cast %add3A_779 : vector<16xf32> to vector<16xf32>
      tpu.vector_store %arg10[%swap3A_780], %swap3A_783 {strides = array<i32>} : memref<144xf32, #tpu.memory_space<vmem>>, vector<16xf32>,
      %get3A_784 = arith.constant 20 : index
      %get3A_785 = tpu.vector_load %arg10[%get3A_784] {strides = array<i32>} : memref<144xf32, #tpu.memory_space<vmem>>, vector<16xf32>,
      %get3A_786 = vector.shape_cast %get3A_785 : vector<16xf32> to vector<16xf32>
      %add3A_787 = arith.addf %add3A_779, %get3A_786 : vector<16xf32>
      %swap3A_788 = arith.constant 16 : index
      %swap3A_789 = tpu.vector_load %arg10[%swap3A_788] {strides = array<i32>} : memref<144xf32, #tpu.memory_space<vmem>>, vector<16xf32>,
      %swap3A_790 = vector.shape_cast %swap3A_789 : vector<16xf32> to vector<16xf32>
      %swap3A_791 = vector.shape_cast %add3A_787 : vector<16xf32> to vector<16xf32>
      tpu.vector_store %arg10[%swap3A_788], %swap3A_791 {strides = array<i32>} : memref<144xf32, #tpu.memory_space<vmem>>, vector<16xf32>,
      %get3A_792 = arith.constant 18 : index
      %get3A_793 = tpu.vector_load %arg10[%get3A_792] {strides = array<i32>} : memref<144xf32, #tpu.memory_space<vmem>>, vector<16xf32>,
      %get3A_794 = vector.shape_cast %get3A_793 : vector<16xf32> to vector<16xf32>
      %add3A_795 = arith.addf %add3A_787, %get3A_794 : vector<16xf32>
      %slice3A_796 = vector.extract_strided_slice %add3A_795 {offsets = [0], sizes = [1], strides = [1]} : vector<16xf32> to vector<1xf32>
      %squeeze3A_797 = vector.extract %slice3A_796[0] : f32 from vector<1xf32>
      %slice3A_798 = vector.extract_strided_slice %add3A_795 {offsets = [1], sizes = [1], strides = [1]} : vector<16xf32> to vector<1xf32>
      %squeeze3A_799 = vector.extract %slice3A_798[0] : f32 from vector<1xf32>
      %add3A_800 = arith.addf %squeeze3A_797, %squeeze3A_799 : f32
      %eq3A_801 = arith.constant 1 : i32
      %eq3A_802 = vector.broadcast %eq3A_801 : i32 to vector<16xi32>
      %eq3A_803 = arith.cmpi eq, %iota3A, %eq3A_802 : vector<16xi32>
      %broadcast_in_dim3A_804 = vector.broadcast %add3A_800 : f32 to vector<16xf32>
      %select_n3A_805 = arith.select %eq3A_803, %broadcast_in_dim3A_804, %select_n3A_775 : vector<16xi1>, vector<16xf32>
      %get3A_806 = arith.constant 40 : index
      %get3A_807 = tpu.vector_load %arg10[%get3A_806] {strides = array<i32>} : memref<144xf32, #tpu.memory_space<vmem>>, vector<16xf32>,
      %get3A_808 = vector.shape_cast %get3A_807 : vector<16xf32> to vector<16xf32>
      %add3A_809 = arith.addf %scan3A_99#18, %get3A_808 : vector<16xf32>
      %swap3A_810 = arith.constant 32 : index
      %swap3A_811 = tpu.vector_load %arg10[%swap3A_810] {strides = array<i32>} : memref<144xf32, #tpu.memory_space<vmem>>, vector<16xf32>,
      %swap3A_812 = vector.shape_cast %swap3A_811 : vector<16xf32> to vector<16xf32>
      %swap3A_813 = vector.shape_cast %add3A_809 : vector<16xf32> to vector<16xf32>
      tpu.vector_store %arg10[%swap3A_810], %swap3A_813 {strides = array<i32>} : memref<144xf32, #tpu.memory_space<vmem>>, vector<16xf32>,
      %get3A_814 = arith.constant 36 : index
      %get3A_815 = tpu.vector_load %arg10[%get3A_814] {strides = array<i32>} : memref<144xf32, #tpu.memory_space<vmem>>, vector<16xf32>,
      %get3A_816 = vector.shape_cast %get3A_815 : vector<16xf32> to vector<16xf32>
      %add3A_817 = arith.addf %add3A_809, %get3A_816 : vector<16xf32>
      %swap3A_818 = arith.constant 32 : index
      %swap3A_819 = tpu.vector_load %arg10[%swap3A_818] {strides = array<i32>} : memref<144xf32, #tpu.memory_space<vmem>>, vector<16xf32>,
      %swap3A_820 = vector.shape_cast %swap3A_819 : vector<16xf32> to vector<16xf32>
      %swap3A_821 = vector.shape_cast %add3A_817 : vector<16xf32> to vector<16xf32>
      tpu.vector_store %arg10[%swap3A_818], %swap3A_821 {strides = array<i32>} : memref<144xf32, #tpu.memory_space<vmem>>, vector<16xf32>,
      %get3A_822 = arith.constant 34 : index
      %get3A_823 = tpu.vector_load %arg10[%get3A_822] {strides = array<i32>} : memref<144xf32, #tpu.memory_space<vmem>>, vector<16xf32>,
      %get3A_824 = vector.shape_cast %get3A_823 : vector<16xf32> to vector<16xf32>
      %add3A_825 = arith.addf %add3A_817, %get3A_824 : vector<16xf32>
      %slice3A_826 = vector.extract_strided_slice %add3A_825 {offsets = [0], sizes = [1], strides = [1]} : vector<16xf32> to vector<1xf32>
      %squeeze3A_827 = vector.extract %slice3A_826[0] : f32 from vector<1xf32>
      %slice3A_828 = vector.extract_strided_slice %add3A_825 {offsets = [1], sizes = [1], strides = [1]} : vector<16xf32> to vector<1xf32>
      %squeeze3A_829 = vector.extract %slice3A_828[0] : f32 from vector<1xf32>
      %add3A_830 = arith.addf %squeeze3A_827, %squeeze3A_829 : f32
      %eq3A_831 = arith.constant 2 : i32
      %eq3A_832 = vector.broadcast %eq3A_831 : i32 to vector<16xi32>
      %eq3A_833 = arith.cmpi eq, %iota3A, %eq3A_832 : vector<16xi32>
      %broadcast_in_dim3A_834 = vector.broadcast %add3A_830 : f32 to vector<16xf32>
      %select_n3A_835 = arith.select %eq3A_833, %broadcast_in_dim3A_834, %select_n3A_805 : vector<16xi1>, vector<16xf32>
      %get3A_836 = arith.constant 56 : index
      %get3A_837 = tpu.vector_load %arg10[%get3A_836] {strides = array<i32>} : memref<144xf32, #tpu.memory_space<vmem>>, vector<16xf32>,
      %get3A_838 = vector.shape_cast %get3A_837 : vector<16xf32> to vector<16xf32>
      %add3A_839 = arith.addf %scan3A_99#19, %get3A_838 : vector<16xf32>
      %swap3A_840 = arith.constant 48 : index
      %swap3A_841 = tpu.vector_load %arg10[%swap3A_840] {strides = array<i32>} : memref<144xf32, #tpu.memory_space<vmem>>, vector<16xf32>,
      %swap3A_842 = vector.shape_cast %swap3A_841 : vector<16xf32> to vector<16xf32>
      %swap3A_843 = vector.shape_cast %add3A_839 : vector<16xf32> to vector<16xf32>
      tpu.vector_store %arg10[%swap3A_840], %swap3A_843 {strides = array<i32>} : memref<144xf32, #tpu.memory_space<vmem>>, vector<16xf32>,
      %get3A_844 = arith.constant 52 : index
      %get3A_845 = tpu.vector_load %arg10[%get3A_844] {strides = array<i32>} : memref<144xf32, #tpu.memory_space<vmem>>, vector<16xf32>,
      %get3A_846 = vector.shape_cast %get3A_845 : vector<16xf32> to vector<16xf32>
      %add3A_847 = arith.addf %add3A_839, %get3A_846 : vector<16xf32>
      %swap3A_848 = arith.constant 48 : index
      %swap3A_849 = tpu.vector_load %arg10[%swap3A_848] {strides = array<i32>} : memref<144xf32, #tpu.memory_space<vmem>>, vector<16xf32>,
      %swap3A_850 = vector.shape_cast %swap3A_849 : vector<16xf32> to vector<16xf32>
      %swap3A_851 = vector.shape_cast %add3A_847 : vector<16xf32> to vector<16xf32>
      tpu.vector_store %arg10[%swap3A_848], %swap3A_851 {strides = array<i32>} : memref<144xf32, #tpu.memory_space<vmem>>, vector<16xf32>,
      %get3A_852 = arith.constant 50 : index
      %get3A_853 = tpu.vector_load %arg10[%get3A_852] {strides = array<i32>} : memref<144xf32, #tpu.memory_space<vmem>>, vector<16xf32>,
      %get3A_854 = vector.shape_cast %get3A_853 : vector<16xf32> to vector<16xf32>
      %add3A_855 = arith.addf %add3A_847, %get3A_854 : vector<16xf32>
      %slice3A_856 = vector.extract_strided_slice %add3A_855 {offsets = [0], sizes = [1], strides = [1]} : vector<16xf32> to vector<1xf32>
      %squeeze3A_857 = vector.extract %slice3A_856[0] : f32 from vector<1xf32>
      %slice3A_858 = vector.extract_strided_slice %add3A_855 {offsets = [1], sizes = [1], strides = [1]} : vector<16xf32> to vector<1xf32>
      %squeeze3A_859 = vector.extract %slice3A_858[0] : f32 from vector<1xf32>
      %add3A_860 = arith.addf %squeeze3A_857, %squeeze3A_859 : f32
      %eq3A_861 = arith.constant 3 : i32
      %eq3A_862 = vector.broadcast %eq3A_861 : i32 to vector<16xi32>
      %eq3A_863 = arith.cmpi eq, %iota3A, %eq3A_862 : vector<16xi32>
      %broadcast_in_dim3A_864 = vector.broadcast %add3A_860 : f32 to vector<16xf32>
      %select_n3A_865 = arith.select %eq3A_863, %broadcast_in_dim3A_864, %select_n3A_835 : vector<16xi1>, vector<16xf32>
      %get3A_866 = arith.constant 72 : index
      %get3A_867 = tpu.vector_load %arg10[%get3A_866] {strides = array<i32>} : memref<144xf32, #tpu.memory_space<vmem>>, vector<16xf32>,
      %get3A_868 = vector.shape_cast %get3A_867 : vector<16xf32> to vector<16xf32>
      %add3A_869 = arith.addf %scan3A_99#20, %get3A_868 : vector<16xf32>
      %swap3A_870 = arith.constant 64 : index
      %swap3A_871 = tpu.vector_load %arg10[%swap3A_870] {strides = array<i32>} : memref<144xf32, #tpu.memory_space<vmem>>, vector<16xf32>,
      %swap3A_872 = vector.shape_cast %swap3A_871 : vector<16xf32> to vector<16xf32>
      %swap3A_873 = vector.shape_cast %add3A_869 : vector<16xf32> to vector<16xf32>
      tpu.vector_store %arg10[%swap3A_870], %swap3A_873 {strides = array<i32>} : memref<144xf32, #tpu.memory_space<vmem>>, vector<16xf32>,
      %get3A_874 = arith.constant 68 : index
      %get3A_875 = tpu.vector_load %arg10[%get3A_874] {strides = array<i32>} : memref<144xf32, #tpu.memory_space<vmem>>, vector<16xf32>,
      %get3A_876 = vector.shape_cast %get3A_875 : vector<16xf32> to vector<16xf32>
      %add3A_877 = arith.addf %add3A_869, %get3A_876 : vector<16xf32>
      %swap3A_878 = arith.constant 64 : index
      %swap3A_879 = tpu.vector_load %arg10[%swap3A_878] {strides = array<i32>} : memref<144xf32, #tpu.memory_space<vmem>>, vector<16xf32>,
      %swap3A_880 = vector.shape_cast %swap3A_879 : vector<16xf32> to vector<16xf32>
      %swap3A_881 = vector.shape_cast %add3A_877 : vector<16xf32> to vector<16xf32>
      tpu.vector_store %arg10[%swap3A_878], %swap3A_881 {strides = array<i32>} : memref<144xf32, #tpu.memory_space<vmem>>, vector<16xf32>,
      %get3A_882 = arith.constant 66 : index
      %get3A_883 = tpu.vector_load %arg10[%get3A_882] {strides = array<i32>} : memref<144xf32, #tpu.memory_space<vmem>>, vector<16xf32>,
      %get3A_884 = vector.shape_cast %get3A_883 : vector<16xf32> to vector<16xf32>
      %add3A_885 = arith.addf %add3A_877, %get3A_884 : vector<16xf32>
      %slice3A_886 = vector.extract_strided_slice %add3A_885 {offsets = [0], sizes = [1], strides = [1]} : vector<16xf32> to vector<1xf32>
      %squeeze3A_887 = vector.extract %slice3A_886[0] : f32 from vector<1xf32>
      %slice3A_888 = vector.extract_strided_slice %add3A_885 {offsets = [1], sizes = [1], strides = [1]} : vector<16xf32> to vector<1xf32>
      %squeeze3A_889 = vector.extract %slice3A_888[0] : f32 from vector<1xf32>
      %add3A_890 = arith.addf %squeeze3A_887, %squeeze3A_889 : f32
      %eq3A_891 = arith.constant 4 : i32
      %eq3A_892 = vector.broadcast %eq3A_891 : i32 to vector<16xi32>
      %eq3A_893 = arith.cmpi eq, %iota3A, %eq3A_892 : vector<16xi32>
      %broadcast_in_dim3A_894 = vector.broadcast %add3A_890 : f32 to vector<16xf32>
      %select_n3A_895 = arith.select %eq3A_893, %broadcast_in_dim3A_894, %select_n3A_865 : vector<16xi1>, vector<16xf32>
      %get3A_896 = arith.constant 88 : index
      %get3A_897 = tpu.vector_load %arg10[%get3A_896] {strides = array<i32>} : memref<144xf32, #tpu.memory_space<vmem>>, vector<16xf32>,
      %get3A_898 = vector.shape_cast %get3A_897 : vector<16xf32> to vector<16xf32>
      %add3A_899 = arith.addf %scan3A_99#21, %get3A_898 : vector<16xf32>
      %swap3A_900 = arith.constant 80 : index
      %swap3A_901 = tpu.vector_load %arg10[%swap3A_900] {strides = array<i32>} : memref<144xf32, #tpu.memory_space<vmem>>, vector<16xf32>,
      %swap3A_902 = vector.shape_cast %swap3A_901 : vector<16xf32> to vector<16xf32>
      %swap3A_903 = vector.shape_cast %add3A_899 : vector<16xf32> to vector<16xf32>
      tpu.vector_store %arg10[%swap3A_900], %swap3A_903 {strides = array<i32>} : memref<144xf32, #tpu.memory_space<vmem>>, vector<16xf32>,
      %get3A_904 = arith.constant 84 : index
      %get3A_905 = tpu.vector_load %arg10[%get3A_904] {strides = array<i32>} : memref<144xf32, #tpu.memory_space<vmem>>, vector<16xf32>,
      %get3A_906 = vector.shape_cast %get3A_905 : vector<16xf32> to vector<16xf32>
      %add3A_907 = arith.addf %add3A_899, %get3A_906 : vector<16xf32>
      %swap3A_908 = arith.constant 80 : index
      %swap3A_909 = tpu.vector_load %arg10[%swap3A_908] {strides = array<i32>} : memref<144xf32, #tpu.memory_space<vmem>>, vector<16xf32>,
      %swap3A_910 = vector.shape_cast %swap3A_909 : vector<16xf32> to vector<16xf32>
      %swap3A_911 = vector.shape_cast %add3A_907 : vector<16xf32> to vector<16xf32>
      tpu.vector_store %arg10[%swap3A_908], %swap3A_911 {strides = array<i32>} : memref<144xf32, #tpu.memory_space<vmem>>, vector<16xf32>,
      %get3A_912 = arith.constant 82 : index
      %get3A_913 = tpu.vector_load %arg10[%get3A_912] {strides = array<i32>} : memref<144xf32, #tpu.memory_space<vmem>>, vector<16xf32>,
      %get3A_914 = vector.shape_cast %get3A_913 : vector<16xf32> to vector<16xf32>
      %add3A_915 = arith.addf %add3A_907, %get3A_914 : vector<16xf32>
      %slice3A_916 = vector.extract_strided_slice %add3A_915 {offsets = [0], sizes = [1], strides = [1]} : vector<16xf32> to vector<1xf32>
      %squeeze3A_917 = vector.extract %slice3A_916[0] : f32 from vector<1xf32>
      %slice3A_918 = vector.extract_strided_slice %add3A_915 {offsets = [1], sizes = [1], strides = [1]} : vector<16xf32> to vector<1xf32>
      %squeeze3A_919 = vector.extract %slice3A_918[0] : f32 from vector<1xf32>
      %add3A_920 = arith.addf %squeeze3A_917, %squeeze3A_919 : f32
      %eq3A_921 = arith.constant 5 : i32
      %eq3A_922 = vector.broadcast %eq3A_921 : i32 to vector<16xi32>
      %eq3A_923 = arith.cmpi eq, %iota3A, %eq3A_922 : vector<16xi32>
      %broadcast_in_dim3A_924 = vector.broadcast %add3A_920 : f32 to vector<16xf32>
      %select_n3A_925 = arith.select %eq3A_923, %broadcast_in_dim3A_924, %select_n3A_895 : vector<16xi1>, vector<16xf32>
      %get3A_926 = arith.constant 104 : index
      %get3A_927 = tpu.vector_load %arg10[%get3A_926] {strides = array<i32>} : memref<144xf32, #tpu.memory_space<vmem>>, vector<16xf32>,
      %get3A_928 = vector.shape_cast %get3A_927 : vector<16xf32> to vector<16xf32>
      %add3A_929 = arith.addf %scan3A_99#22, %get3A_928 : vector<16xf32>
      %swap3A_930 = arith.constant 96 : index
      %swap3A_931 = tpu.vector_load %arg10[%swap3A_930] {strides = array<i32>} : memref<144xf32, #tpu.memory_space<vmem>>, vector<16xf32>,
      %swap3A_932 = vector.shape_cast %swap3A_931 : vector<16xf32> to vector<16xf32>
      %swap3A_933 = vector.shape_cast %add3A_929 : vector<16xf32> to vector<16xf32>
      tpu.vector_store %arg10[%swap3A_930], %swap3A_933 {strides = array<i32>} : memref<144xf32, #tpu.memory_space<vmem>>, vector<16xf32>,
      %get3A_934 = arith.constant 100 : index
      %get3A_935 = tpu.vector_load %arg10[%get3A_934] {strides = array<i32>} : memref<144xf32, #tpu.memory_space<vmem>>, vector<16xf32>,
      %get3A_936 = vector.shape_cast %get3A_935 : vector<16xf32> to vector<16xf32>
      %add3A_937 = arith.addf %add3A_929, %get3A_936 : vector<16xf32>
      %swap3A_938 = arith.constant 96 : index
      %swap3A_939 = tpu.vector_load %arg10[%swap3A_938] {strides = array<i32>} : memref<144xf32, #tpu.memory_space<vmem>>, vector<16xf32>,
      %swap3A_940 = vector.shape_cast %swap3A_939 : vector<16xf32> to vector<16xf32>
      %swap3A_941 = vector.shape_cast %add3A_937 : vector<16xf32> to vector<16xf32>
      tpu.vector_store %arg10[%swap3A_938], %swap3A_941 {strides = array<i32>} : memref<144xf32, #tpu.memory_space<vmem>>, vector<16xf32>,
      %get3A_942 = arith.constant 98 : index
      %get3A_943 = tpu.vector_load %arg10[%get3A_942] {strides = array<i32>} : memref<144xf32, #tpu.memory_space<vmem>>, vector<16xf32>,
      %get3A_944 = vector.shape_cast %get3A_943 : vector<16xf32> to vector<16xf32>
      %add3A_945 = arith.addf %add3A_937, %get3A_944 : vector<16xf32>
      %slice3A_946 = vector.extract_strided_slice %add3A_945 {offsets = [0], sizes = [1], strides = [1]} : vector<16xf32> to vector<1xf32>
      %squeeze3A_947 = vector.extract %slice3A_946[0] : f32 from vector<1xf32>
      %slice3A_948 = vector.extract_strided_slice %add3A_945 {offsets = [1], sizes = [1], strides = [1]} : vector<16xf32> to vector<1xf32>
      %squeeze3A_949 = vector.extract %slice3A_948[0] : f32 from vector<1xf32>
      %add3A_950 = arith.addf %squeeze3A_947, %squeeze3A_949 : f32
      %eq3A_951 = arith.constant 6 : i32
      %eq3A_952 = vector.broadcast %eq3A_951 : i32 to vector<16xi32>
      %eq3A_953 = arith.cmpi eq, %iota3A, %eq3A_952 : vector<16xi32>
      %broadcast_in_dim3A_954 = vector.broadcast %add3A_950 : f32 to vector<16xf32>
      %select_n3A_955 = arith.select %eq3A_953, %broadcast_in_dim3A_954, %select_n3A_925 : vector<16xi1>, vector<16xf32>
      %get3A_956 = arith.constant 120 : index
      %get3A_957 = tpu.vector_load %arg10[%get3A_956] {strides = array<i32>} : memref<144xf32, #tpu.memory_space<vmem>>, vector<16xf32>,
      %get3A_958 = vector.shape_cast %get3A_957 : vector<16xf32> to vector<16xf32>
      %add3A_959 = arith.addf %scan3A_99#23, %get3A_958 : vector<16xf32>
      %swap3A_960 = arith.constant 112 : index
      %swap3A_961 = tpu.vector_load %arg10[%swap3A_960] {strides = array<i32>} : memref<144xf32, #tpu.memory_space<vmem>>, vector<16xf32>,
      %swap3A_962 = vector.shape_cast %swap3A_961 : vector<16xf32> to vector<16xf32>
      %swap3A_963 = vector.shape_cast %add3A_959 : vector<16xf32> to vector<16xf32>
      tpu.vector_store %arg10[%swap3A_960], %swap3A_963 {strides = array<i32>} : memref<144xf32, #tpu.memory_space<vmem>>, vector<16xf32>,
      %get3A_964 = arith.constant 116 : index
      %get3A_965 = tpu.vector_load %arg10[%get3A_964] {strides = array<i32>} : memref<144xf32, #tpu.memory_space<vmem>>, vector<16xf32>,
      %get3A_966 = vector.shape_cast %get3A_965 : vector<16xf32> to vector<16xf32>
      %add3A_967 = arith.addf %add3A_959, %get3A_966 : vector<16xf32>
      %swap3A_968 = arith.constant 112 : index
      %swap3A_969 = tpu.vector_load %arg10[%swap3A_968] {strides = array<i32>} : memref<144xf32, #tpu.memory_space<vmem>>, vector<16xf32>,
      %swap3A_970 = vector.shape_cast %swap3A_969 : vector<16xf32> to vector<16xf32>
      %swap3A_971 = vector.shape_cast %add3A_967 : vector<16xf32> to vector<16xf32>
      tpu.vector_store %arg10[%swap3A_968], %swap3A_971 {strides = array<i32>} : memref<144xf32, #tpu.memory_space<vmem>>, vector<16xf32>,
      %get3A_972 = arith.constant 114 : index
      %get3A_973 = tpu.vector_load %arg10[%get3A_972] {strides = array<i32>} : memref<144xf32, #tpu.memory_space<vmem>>, vector<16xf32>,
      %get3A_974 = vector.shape_cast %get3A_973 : vector<16xf32> to vector<16xf32>
      %add3A_975 = arith.addf %add3A_967, %get3A_974 : vector<16xf32>
      %slice3A_976 = vector.extract_strided_slice %add3A_975 {offsets = [0], sizes = [1], strides = [1]} : vector<16xf32> to vector<1xf32>
      %squeeze3A_977 = vector.extract %slice3A_976[0] : f32 from vector<1xf32>
      %slice3A_978 = vector.extract_strided_slice %add3A_975 {offsets = [1], sizes = [1], strides = [1]} : vector<16xf32> to vector<1xf32>
      %squeeze3A_979 = vector.extract %slice3A_978[0] : f32 from vector<1xf32>
      %add3A_980 = arith.addf %squeeze3A_977, %squeeze3A_979 : f32
      %eq3A_981 = arith.constant 7 : i32
      %eq3A_982 = vector.broadcast %eq3A_981 : i32 to vector<16xi32>
      %eq3A_983 = arith.cmpi eq, %iota3A, %eq3A_982 : vector<16xi32>
      %broadcast_in_dim3A_984 = vector.broadcast %add3A_980 : f32 to vector<16xf32>
      %select_n3A_985 = arith.select %eq3A_983, %broadcast_in_dim3A_984, %select_n3A_955 : vector<16xi1>, vector<16xf32>
      %swap3A_986 = arith.constant 0 : index
      %swap3A_987 = tpu.vector_load %arg10[%swap3A_986] {strides = array<i32>} : memref<144xf32, #tpu.memory_space<vmem>>, vector<16xf32>,
      %swap3A_988 = vector.shape_cast %swap3A_987 : vector<16xf32> to vector<16xf32>
      %swap3A_989 = vector.shape_cast %scan3A_99#24 : vector<16xf32> to vector<16xf32>
      tpu.vector_store %arg10[%swap3A_986], %swap3A_989 {strides = array<i32>} : memref<144xf32, #tpu.memory_space<vmem>>, vector<16xf32>,
      %swap3A_990 = arith.constant 16 : index
      %swap3A_991 = tpu.vector_load %arg10[%swap3A_990] {strides = array<i32>} : memref<144xf32, #tpu.memory_space<vmem>>, vector<16xf32>,
      %swap3A_992 = vector.shape_cast %swap3A_991 : vector<16xf32> to vector<16xf32>
      %swap3A_993 = vector.shape_cast %scan3A_99#25 : vector<16xf32> to vector<16xf32>
      tpu.vector_store %arg10[%swap3A_990], %swap3A_993 {strides = array<i32>} : memref<144xf32, #tpu.memory_space<vmem>>, vector<16xf32>,
      %swap3A_994 = arith.constant 32 : index
      %swap3A_995 = tpu.vector_load %arg10[%swap3A_994] {strides = array<i32>} : memref<144xf32, #tpu.memory_space<vmem>>, vector<16xf32>,
      %swap3A_996 = vector.shape_cast %swap3A_995 : vector<16xf32> to vector<16xf32>
      %swap3A_997 = vector.shape_cast %scan3A_99#26 : vector<16xf32> to vector<16xf32>
      tpu.vector_store %arg10[%swap3A_994], %swap3A_997 {strides = array<i32>} : memref<144xf32, #tpu.memory_space<vmem>>, vector<16xf32>,
      %swap3A_998 = arith.constant 48 : index
      %swap3A_999 = tpu.vector_load %arg10[%swap3A_998] {strides = array<i32>} : memref<144xf32, #tpu.memory_space<vmem>>, vector<16xf32>,
      %swap3A_1000 = vector.shape_cast %swap3A_999 : vector<16xf32> to vector<16xf32>
      %swap3A_1001 = vector.shape_cast %scan3A_99#27 : vector<16xf32> to vector<16xf32>
      tpu.vector_store %arg10[%swap3A_998], %swap3A_1001 {strides = array<i32>} : memref<144xf32, #tpu.memory_space<vmem>>, vector<16xf32>,
      %swap3A_1002 = arith.constant 64 : index
      %swap3A_1003 = tpu.vector_load %arg10[%swap3A_1002] {strides = array<i32>} : memref<144xf32, #tpu.memory_space<vmem>>, vector<16xf32>,
      %swap3A_1004 = vector.shape_cast %swap3A_1003 : vector<16xf32> to vector<16xf32>
      %swap3A_1005 = vector.shape_cast %scan3A_99#28 : vector<16xf32> to vector<16xf32>
      tpu.vector_store %arg10[%swap3A_1002], %swap3A_1005 {strides = array<i32>} : memref<144xf32, #tpu.memory_space<vmem>>, vector<16xf32>,
      %swap3A_1006 = arith.constant 80 : index
      %swap3A_1007 = tpu.vector_load %arg10[%swap3A_1006] {strides = array<i32>} : memref<144xf32, #tpu.memory_space<vmem>>, vector<16xf32>,
      %swap3A_1008 = vector.shape_cast %swap3A_1007 : vector<16xf32> to vector<16xf32>
      %swap3A_1009 = vector.shape_cast %scan3A_99#29 : vector<16xf32> to vector<16xf32>
      tpu.vector_store %arg10[%swap3A_1006], %swap3A_1009 {strides = array<i32>} : memref<144xf32, #tpu.memory_space<vmem>>, vector<16xf32>,
      %swap3A_1010 = arith.constant 96 : index
      %swap3A_1011 = tpu.vector_load %arg10[%swap3A_1010] {strides = array<i32>} : memref<144xf32, #tpu.memory_space<vmem>>, vector<16xf32>,
      %swap3A_1012 = vector.shape_cast %swap3A_1011 : vector<16xf32> to vector<16xf32>
      %swap3A_1013 = vector.shape_cast %scan3A_99#30 : vector<16xf32> to vector<16xf32>
      tpu.vector_store %arg10[%swap3A_1010], %swap3A_1013 {strides = array<i32>} : memref<144xf32, #tpu.memory_space<vmem>>, vector<16xf32>,
      %swap3A_1014 = arith.constant 112 : index
      %swap3A_1015 = tpu.vector_load %arg10[%swap3A_1014] {strides = array<i32>} : memref<144xf32, #tpu.memory_space<vmem>>, vector<16xf32>,
      %swap3A_1016 = vector.shape_cast %swap3A_1015 : vector<16xf32> to vector<16xf32>
      %swap3A_1017 = vector.shape_cast %scan3A_99#31 : vector<16xf32> to vector<16xf32>
      tpu.vector_store %arg10[%swap3A_1014], %swap3A_1017 {strides = array<i32>} : memref<144xf32, #tpu.memory_space<vmem>>, vector<16xf32>,
      %get3A_1018 = arith.constant 8 : index
      %get3A_1019 = tpu.vector_load %arg10[%get3A_1018] {strides = array<i32>} : memref<144xf32, #tpu.memory_space<vmem>>, vector<16xf32>,
      %get3A_1020 = vector.shape_cast %get3A_1019 : vector<16xf32> to vector<16xf32>
      %add3A_1021 = arith.addf %scan3A_99#24, %get3A_1020 : vector<16xf32>
      %swap3A_1022 = arith.constant 0 : index
      %swap3A_1023 = tpu.vector_load %arg10[%swap3A_1022] {strides = array<i32>} : memref<144xf32, #tpu.memory_space<vmem>>, vector<16xf32>,
      %swap3A_1024 = vector.shape_cast %swap3A_1023 : vector<16xf32> to vector<16xf32>
      %swap3A_1025 = vector.shape_cast %add3A_1021 : vector<16xf32> to vector<16xf32>
      tpu.vector_store %arg10[%swap3A_1022], %swap3A_1025 {strides = array<i32>} : memref<144xf32, #tpu.memory_space<vmem>>, vector<16xf32>,
      %get3A_1026 = arith.constant 4 : index
      %get3A_1027 = tpu.vector_load %arg10[%get3A_1026] {strides = array<i32>} : memref<144xf32, #tpu.memory_space<vmem>>, vector<16xf32>,
      %get3A_1028 = vector.shape_cast %get3A_1027 : vector<16xf32> to vector<16xf32>
      %add3A_1029 = arith.addf %add3A_1021, %get3A_1028 : vector<16xf32>
      %swap3A_1030 = arith.constant 0 : index
      %swap3A_1031 = tpu.vector_load %arg10[%swap3A_1030] {strides = array<i32>} : memref<144xf32, #tpu.memory_space<vmem>>, vector<16xf32>,
      %swap3A_1032 = vector.shape_cast %swap3A_1031 : vector<16xf32> to vector<16xf32>
      %swap3A_1033 = vector.shape_cast %add3A_1029 : vector<16xf32> to vector<16xf32>
      tpu.vector_store %arg10[%swap3A_1030], %swap3A_1033 {strides = array<i32>} : memref<144xf32, #tpu.memory_space<vmem>>, vector<16xf32>,
      %get3A_1034 = arith.constant 2 : index
      %get3A_1035 = tpu.vector_load %arg10[%get3A_1034] {strides = array<i32>} : memref<144xf32, #tpu.memory_space<vmem>>, vector<16xf32>,
      %get3A_1036 = vector.shape_cast %get3A_1035 : vector<16xf32> to vector<16xf32>
      %add3A_1037 = arith.addf %add3A_1029, %get3A_1036 : vector<16xf32>
      %slice3A_1038 = vector.extract_strided_slice %add3A_1037 {offsets = [0], sizes = [1], strides = [1]} : vector<16xf32> to vector<1xf32>
      %squeeze3A_1039 = vector.extract %slice3A_1038[0] : f32 from vector<1xf32>
      %slice3A_1040 = vector.extract_strided_slice %add3A_1037 {offsets = [1], sizes = [1], strides = [1]} : vector<16xf32> to vector<1xf32>
      %squeeze3A_1041 = vector.extract %slice3A_1040[0] : f32 from vector<1xf32>
      %add3A_1042 = arith.addf %squeeze3A_1039, %squeeze3A_1041 : f32
      %eq3A_1043 = arith.constant 8 : i32
      %eq3A_1044 = vector.broadcast %eq3A_1043 : i32 to vector<16xi32>
      %eq3A_1045 = arith.cmpi eq, %iota3A, %eq3A_1044 : vector<16xi32>
      %broadcast_in_dim3A_1046 = vector.broadcast %add3A_1042 : f32 to vector<16xf32>
      %select_n3A_1047 = arith.select %eq3A_1045, %broadcast_in_dim3A_1046, %select_n3A_985 : vector<16xi1>, vector<16xf32>
      %get3A_1048 = arith.constant 24 : index
      %get3A_1049 = tpu.vector_load %arg10[%get3A_1048] {strides = array<i32>} : memref<144xf32, #tpu.memory_space<vmem>>, vector<16xf32>,
      %get3A_1050 = vector.shape_cast %get3A_1049 : vector<16xf32> to vector<16xf32>
      %add3A_1051 = arith.addf %scan3A_99#25, %get3A_1050 : vector<16xf32>
      %swap3A_1052 = arith.constant 16 : index
      %swap3A_1053 = tpu.vector_load %arg10[%swap3A_1052] {strides = array<i32>} : memref<144xf32, #tpu.memory_space<vmem>>, vector<16xf32>,
      %swap3A_1054 = vector.shape_cast %swap3A_1053 : vector<16xf32> to vector<16xf32>
      %swap3A_1055 = vector.shape_cast %add3A_1051 : vector<16xf32> to vector<16xf32>
      tpu.vector_store %arg10[%swap3A_1052], %swap3A_1055 {strides = array<i32>} : memref<144xf32, #tpu.memory_space<vmem>>, vector<16xf32>,
      %get3A_1056 = arith.constant 20 : index
      %get3A_1057 = tpu.vector_load %arg10[%get3A_1056] {strides = array<i32>} : memref<144xf32, #tpu.memory_space<vmem>>, vector<16xf32>,
      %get3A_1058 = vector.shape_cast %get3A_1057 : vector<16xf32> to vector<16xf32>
      %add3A_1059 = arith.addf %add3A_1051, %get3A_1058 : vector<16xf32>
      %swap3A_1060 = arith.constant 16 : index
      %swap3A_1061 = tpu.vector_load %arg10[%swap3A_1060] {strides = array<i32>} : memref<144xf32, #tpu.memory_space<vmem>>, vector<16xf32>,
      %swap3A_1062 = vector.shape_cast %swap3A_1061 : vector<16xf32> to vector<16xf32>
      %swap3A_1063 = vector.shape_cast %add3A_1059 : vector<16xf32> to vector<16xf32>
      tpu.vector_store %arg10[%swap3A_1060], %swap3A_1063 {strides = array<i32>} : memref<144xf32, #tpu.memory_space<vmem>>, vector<16xf32>,
      %get3A_1064 = arith.constant 18 : index
      %get3A_1065 = tpu.vector_load %arg10[%get3A_1064] {strides = array<i32>} : memref<144xf32, #tpu.memory_space<vmem>>, vector<16xf32>,
      %get3A_1066 = vector.shape_cast %get3A_1065 : vector<16xf32> to vector<16xf32>
      %add3A_1067 = arith.addf %add3A_1059, %get3A_1066 : vector<16xf32>
      %slice3A_1068 = vector.extract_strided_slice %add3A_1067 {offsets = [0], sizes = [1], strides = [1]} : vector<16xf32> to vector<1xf32>
      %squeeze3A_1069 = vector.extract %slice3A_1068[0] : f32 from vector<1xf32>
      %slice3A_1070 = vector.extract_strided_slice %add3A_1067 {offsets = [1], sizes = [1], strides = [1]} : vector<16xf32> to vector<1xf32>
      %squeeze3A_1071 = vector.extract %slice3A_1070[0] : f32 from vector<1xf32>
      %add3A_1072 = arith.addf %squeeze3A_1069, %squeeze3A_1071 : f32
      %eq3A_1073 = arith.constant 9 : i32
      %eq3A_1074 = vector.broadcast %eq3A_1073 : i32 to vector<16xi32>
      %eq3A_1075 = arith.cmpi eq, %iota3A, %eq3A_1074 : vector<16xi32>
      %broadcast_in_dim3A_1076 = vector.broadcast %add3A_1072 : f32 to vector<16xf32>
      %select_n3A_1077 = arith.select %eq3A_1075, %broadcast_in_dim3A_1076, %select_n3A_1047 : vector<16xi1>, vector<16xf32>
      %get3A_1078 = arith.constant 40 : index
      %get3A_1079 = tpu.vector_load %arg10[%get3A_1078] {strides = array<i32>} : memref<144xf32, #tpu.memory_space<vmem>>, vector<16xf32>,
      %get3A_1080 = vector.shape_cast %get3A_1079 : vector<16xf32> to vector<16xf32>
      %add3A_1081 = arith.addf %scan3A_99#26, %get3A_1080 : vector<16xf32>
      %swap3A_1082 = arith.constant 32 : index
      %swap3A_1083 = tpu.vector_load %arg10[%swap3A_1082] {strides = array<i32>} : memref<144xf32, #tpu.memory_space<vmem>>, vector<16xf32>,
      %swap3A_1084 = vector.shape_cast %swap3A_1083 : vector<16xf32> to vector<16xf32>
      %swap3A_1085 = vector.shape_cast %add3A_1081 : vector<16xf32> to vector<16xf32>
      tpu.vector_store %arg10[%swap3A_1082], %swap3A_1085 {strides = array<i32>} : memref<144xf32, #tpu.memory_space<vmem>>, vector<16xf32>,
      %get3A_1086 = arith.constant 36 : index
      %get3A_1087 = tpu.vector_load %arg10[%get3A_1086] {strides = array<i32>} : memref<144xf32, #tpu.memory_space<vmem>>, vector<16xf32>,
      %get3A_1088 = vector.shape_cast %get3A_1087 : vector<16xf32> to vector<16xf32>
      %add3A_1089 = arith.addf %add3A_1081, %get3A_1088 : vector<16xf32>
      %swap3A_1090 = arith.constant 32 : index
      %swap3A_1091 = tpu.vector_load %arg10[%swap3A_1090] {strides = array<i32>} : memref<144xf32, #tpu.memory_space<vmem>>, vector<16xf32>,
      %swap3A_1092 = vector.shape_cast %swap3A_1091 : vector<16xf32> to vector<16xf32>
      %swap3A_1093 = vector.shape_cast %add3A_1089 : vector<16xf32> to vector<16xf32>
      tpu.vector_store %arg10[%swap3A_1090], %swap3A_1093 {strides = array<i32>} : memref<144xf32, #tpu.memory_space<vmem>>, vector<16xf32>,
      %get3A_1094 = arith.constant 34 : index
      %get3A_1095 = tpu.vector_load %arg10[%get3A_1094] {strides = array<i32>} : memref<144xf32, #tpu.memory_space<vmem>>, vector<16xf32>,
      %get3A_1096 = vector.shape_cast %get3A_1095 : vector<16xf32> to vector<16xf32>
      %add3A_1097 = arith.addf %add3A_1089, %get3A_1096 : vector<16xf32>
      %slice3A_1098 = vector.extract_strided_slice %add3A_1097 {offsets = [0], sizes = [1], strides = [1]} : vector<16xf32> to vector<1xf32>
      %squeeze3A_1099 = vector.extract %slice3A_1098[0] : f32 from vector<1xf32>
      %slice3A_1100 = vector.extract_strided_slice %add3A_1097 {offsets = [1], sizes = [1], strides = [1]} : vector<16xf32> to vector<1xf32>
      %squeeze3A_1101 = vector.extract %slice3A_1100[0] : f32 from vector<1xf32>
      %add3A_1102 = arith.addf %squeeze3A_1099, %squeeze3A_1101 : f32
      %eq3A_1103 = arith.constant 10 : i32
      %eq3A_1104 = vector.broadcast %eq3A_1103 : i32 to vector<16xi32>
      %eq3A_1105 = arith.cmpi eq, %iota3A, %eq3A_1104 : vector<16xi32>
      %broadcast_in_dim3A_1106 = vector.broadcast %add3A_1102 : f32 to vector<16xf32>
      %select_n3A_1107 = arith.select %eq3A_1105, %broadcast_in_dim3A_1106, %select_n3A_1077 : vector<16xi1>, vector<16xf32>
      %get3A_1108 = arith.constant 56 : index
      %get3A_1109 = tpu.vector_load %arg10[%get3A_1108] {strides = array<i32>} : memref<144xf32, #tpu.memory_space<vmem>>, vector<16xf32>,
      %get3A_1110 = vector.shape_cast %get3A_1109 : vector<16xf32> to vector<16xf32>
      %add3A_1111 = arith.addf %scan3A_99#27, %get3A_1110 : vector<16xf32>
      %swap3A_1112 = arith.constant 48 : index
      %swap3A_1113 = tpu.vector_load %arg10[%swap3A_1112] {strides = array<i32>} : memref<144xf32, #tpu.memory_space<vmem>>, vector<16xf32>,
      %swap3A_1114 = vector.shape_cast %swap3A_1113 : vector<16xf32> to vector<16xf32>
      %swap3A_1115 = vector.shape_cast %add3A_1111 : vector<16xf32> to vector<16xf32>
      tpu.vector_store %arg10[%swap3A_1112], %swap3A_1115 {strides = array<i32>} : memref<144xf32, #tpu.memory_space<vmem>>, vector<16xf32>,
      %get3A_1116 = arith.constant 52 : index
      %get3A_1117 = tpu.vector_load %arg10[%get3A_1116] {strides = array<i32>} : memref<144xf32, #tpu.memory_space<vmem>>, vector<16xf32>,
      %get3A_1118 = vector.shape_cast %get3A_1117 : vector<16xf32> to vector<16xf32>
      %add3A_1119 = arith.addf %add3A_1111, %get3A_1118 : vector<16xf32>
      %swap3A_1120 = arith.constant 48 : index
      %swap3A_1121 = tpu.vector_load %arg10[%swap3A_1120] {strides = array<i32>} : memref<144xf32, #tpu.memory_space<vmem>>, vector<16xf32>,
      %swap3A_1122 = vector.shape_cast %swap3A_1121 : vector<16xf32> to vector<16xf32>
      %swap3A_1123 = vector.shape_cast %add3A_1119 : vector<16xf32> to vector<16xf32>
      tpu.vector_store %arg10[%swap3A_1120], %swap3A_1123 {strides = array<i32>} : memref<144xf32, #tpu.memory_space<vmem>>, vector<16xf32>,
      %get3A_1124 = arith.constant 50 : index
      %get3A_1125 = tpu.vector_load %arg10[%get3A_1124] {strides = array<i32>} : memref<144xf32, #tpu.memory_space<vmem>>, vector<16xf32>,
      %get3A_1126 = vector.shape_cast %get3A_1125 : vector<16xf32> to vector<16xf32>
      %add3A_1127 = arith.addf %add3A_1119, %get3A_1126 : vector<16xf32>
      %slice3A_1128 = vector.extract_strided_slice %add3A_1127 {offsets = [0], sizes = [1], strides = [1]} : vector<16xf32> to vector<1xf32>
      %squeeze3A_1129 = vector.extract %slice3A_1128[0] : f32 from vector<1xf32>
      %slice3A_1130 = vector.extract_strided_slice %add3A_1127 {offsets = [1], sizes = [1], strides = [1]} : vector<16xf32> to vector<1xf32>
      %squeeze3A_1131 = vector.extract %slice3A_1130[0] : f32 from vector<1xf32>
      %add3A_1132 = arith.addf %squeeze3A_1129, %squeeze3A_1131 : f32
      %eq3A_1133 = arith.constant 11 : i32
      %eq3A_1134 = vector.broadcast %eq3A_1133 : i32 to vector<16xi32>
      %eq3A_1135 = arith.cmpi eq, %iota3A, %eq3A_1134 : vector<16xi32>
      %broadcast_in_dim3A_1136 = vector.broadcast %add3A_1132 : f32 to vector<16xf32>
      %select_n3A_1137 = arith.select %eq3A_1135, %broadcast_in_dim3A_1136, %select_n3A_1107 : vector<16xi1>, vector<16xf32>
      %get3A_1138 = arith.constant 72 : index
      %get3A_1139 = tpu.vector_load %arg10[%get3A_1138] {strides = array<i32>} : memref<144xf32, #tpu.memory_space<vmem>>, vector<16xf32>,
      %get3A_1140 = vector.shape_cast %get3A_1139 : vector<16xf32> to vector<16xf32>
      %add3A_1141 = arith.addf %scan3A_99#28, %get3A_1140 : vector<16xf32>
      %swap3A_1142 = arith.constant 64 : index
      %swap3A_1143 = tpu.vector_load %arg10[%swap3A_1142] {strides = array<i32>} : memref<144xf32, #tpu.memory_space<vmem>>, vector<16xf32>,
      %swap3A_1144 = vector.shape_cast %swap3A_1143 : vector<16xf32> to vector<16xf32>
      %swap3A_1145 = vector.shape_cast %add3A_1141 : vector<16xf32> to vector<16xf32>
      tpu.vector_store %arg10[%swap3A_1142], %swap3A_1145 {strides = array<i32>} : memref<144xf32, #tpu.memory_space<vmem>>, vector<16xf32>,
      %get3A_1146 = arith.constant 68 : index
      %get3A_1147 = tpu.vector_load %arg10[%get3A_1146] {strides = array<i32>} : memref<144xf32, #tpu.memory_space<vmem>>, vector<16xf32>,
      %get3A_1148 = vector.shape_cast %get3A_1147 : vector<16xf32> to vector<16xf32>
      %add3A_1149 = arith.addf %add3A_1141, %get3A_1148 : vector<16xf32>
      %swap3A_1150 = arith.constant 64 : index
      %swap3A_1151 = tpu.vector_load %arg10[%swap3A_1150] {strides = array<i32>} : memref<144xf32, #tpu.memory_space<vmem>>, vector<16xf32>,
      %swap3A_1152 = vector.shape_cast %swap3A_1151 : vector<16xf32> to vector<16xf32>
      %swap3A_1153 = vector.shape_cast %add3A_1149 : vector<16xf32> to vector<16xf32>
      tpu.vector_store %arg10[%swap3A_1150], %swap3A_1153 {strides = array<i32>} : memref<144xf32, #tpu.memory_space<vmem>>, vector<16xf32>,
      %get3A_1154 = arith.constant 66 : index
      %get3A_1155 = tpu.vector_load %arg10[%get3A_1154] {strides = array<i32>} : memref<144xf32, #tpu.memory_space<vmem>>, vector<16xf32>,
      %get3A_1156 = vector.shape_cast %get3A_1155 : vector<16xf32> to vector<16xf32>
      %add3A_1157 = arith.addf %add3A_1149, %get3A_1156 : vector<16xf32>
      %slice3A_1158 = vector.extract_strided_slice %add3A_1157 {offsets = [0], sizes = [1], strides = [1]} : vector<16xf32> to vector<1xf32>
      %squeeze3A_1159 = vector.extract %slice3A_1158[0] : f32 from vector<1xf32>
      %slice3A_1160 = vector.extract_strided_slice %add3A_1157 {offsets = [1], sizes = [1], strides = [1]} : vector<16xf32> to vector<1xf32>
      %squeeze3A_1161 = vector.extract %slice3A_1160[0] : f32 from vector<1xf32>
      %add3A_1162 = arith.addf %squeeze3A_1159, %squeeze3A_1161 : f32
      %eq3A_1163 = arith.constant 12 : i32
      %eq3A_1164 = vector.broadcast %eq3A_1163 : i32 to vector<16xi32>
      %eq3A_1165 = arith.cmpi eq, %iota3A, %eq3A_1164 : vector<16xi32>
      %broadcast_in_dim3A_1166 = vector.broadcast %add3A_1162 : f32 to vector<16xf32>
      %select_n3A_1167 = arith.select %eq3A_1165, %broadcast_in_dim3A_1166, %select_n3A_1137 : vector<16xi1>, vector<16xf32>
      %get3A_1168 = arith.constant 88 : index
      %get3A_1169 = tpu.vector_load %arg10[%get3A_1168] {strides = array<i32>} : memref<144xf32, #tpu.memory_space<vmem>>, vector<16xf32>,
      %get3A_1170 = vector.shape_cast %get3A_1169 : vector<16xf32> to vector<16xf32>
      %add3A_1171 = arith.addf %scan3A_99#29, %get3A_1170 : vector<16xf32>
      %swap3A_1172 = arith.constant 80 : index
      %swap3A_1173 = tpu.vector_load %arg10[%swap3A_1172] {strides = array<i32>} : memref<144xf32, #tpu.memory_space<vmem>>, vector<16xf32>,
      %swap3A_1174 = vector.shape_cast %swap3A_1173 : vector<16xf32> to vector<16xf32>
      %swap3A_1175 = vector.shape_cast %add3A_1171 : vector<16xf32> to vector<16xf32>
      tpu.vector_store %arg10[%swap3A_1172], %swap3A_1175 {strides = array<i32>} : memref<144xf32, #tpu.memory_space<vmem>>, vector<16xf32>,
      %get3A_1176 = arith.constant 84 : index
      %get3A_1177 = tpu.vector_load %arg10[%get3A_1176] {strides = array<i32>} : memref<144xf32, #tpu.memory_space<vmem>>, vector<16xf32>,
      %get3A_1178 = vector.shape_cast %get3A_1177 : vector<16xf32> to vector<16xf32>
      %add3A_1179 = arith.addf %add3A_1171, %get3A_1178 : vector<16xf32>
      %swap3A_1180 = arith.constant 80 : index
      %swap3A_1181 = tpu.vector_load %arg10[%swap3A_1180] {strides = array<i32>} : memref<144xf32, #tpu.memory_space<vmem>>, vector<16xf32>,
      %swap3A_1182 = vector.shape_cast %swap3A_1181 : vector<16xf32> to vector<16xf32>
      %swap3A_1183 = vector.shape_cast %add3A_1179 : vector<16xf32> to vector<16xf32>
      tpu.vector_store %arg10[%swap3A_1180], %swap3A_1183 {strides = array<i32>} : memref<144xf32, #tpu.memory_space<vmem>>, vector<16xf32>,
      %get3A_1184 = arith.constant 82 : index
      %get3A_1185 = tpu.vector_load %arg10[%get3A_1184] {strides = array<i32>} : memref<144xf32, #tpu.memory_space<vmem>>, vector<16xf32>,
      %get3A_1186 = vector.shape_cast %get3A_1185 : vector<16xf32> to vector<16xf32>
      %add3A_1187 = arith.addf %add3A_1179, %get3A_1186 : vector<16xf32>
      %slice3A_1188 = vector.extract_strided_slice %add3A_1187 {offsets = [0], sizes = [1], strides = [1]} : vector<16xf32> to vector<1xf32>
      %squeeze3A_1189 = vector.extract %slice3A_1188[0] : f32 from vector<1xf32>
      %slice3A_1190 = vector.extract_strided_slice %add3A_1187 {offsets = [1], sizes = [1], strides = [1]} : vector<16xf32> to vector<1xf32>
      %squeeze3A_1191 = vector.extract %slice3A_1190[0] : f32 from vector<1xf32>
      %add3A_1192 = arith.addf %squeeze3A_1189, %squeeze3A_1191 : f32
      %eq3A_1193 = arith.constant 13 : i32
      %eq3A_1194 = vector.broadcast %eq3A_1193 : i32 to vector<16xi32>
      %eq3A_1195 = arith.cmpi eq, %iota3A, %eq3A_1194 : vector<16xi32>
      %broadcast_in_dim3A_1196 = vector.broadcast %add3A_1192 : f32 to vector<16xf32>
      %select_n3A_1197 = arith.select %eq3A_1195, %broadcast_in_dim3A_1196, %select_n3A_1167 : vector<16xi1>, vector<16xf32>
      %get3A_1198 = arith.constant 104 : index
      %get3A_1199 = tpu.vector_load %arg10[%get3A_1198] {strides = array<i32>} : memref<144xf32, #tpu.memory_space<vmem>>, vector<16xf32>,
      %get3A_1200 = vector.shape_cast %get3A_1199 : vector<16xf32> to vector<16xf32>
      %add3A_1201 = arith.addf %scan3A_99#30, %get3A_1200 : vector<16xf32>
      %swap3A_1202 = arith.constant 96 : index
      %swap3A_1203 = tpu.vector_load %arg10[%swap3A_1202] {strides = array<i32>} : memref<144xf32, #tpu.memory_space<vmem>>, vector<16xf32>,
      %swap3A_1204 = vector.shape_cast %swap3A_1203 : vector<16xf32> to vector<16xf32>
      %swap3A_1205 = vector.shape_cast %add3A_1201 : vector<16xf32> to vector<16xf32>
      tpu.vector_store %arg10[%swap3A_1202], %swap3A_1205 {strides = array<i32>} : memref<144xf32, #tpu.memory_space<vmem>>, vector<16xf32>,
      %get3A_1206 = arith.constant 100 : index
      %get3A_1207 = tpu.vector_load %arg10[%get3A_1206] {strides = array<i32>} : memref<144xf32, #tpu.memory_space<vmem>>, vector<16xf32>,
      %get3A_1208 = vector.shape_cast %get3A_1207 : vector<16xf32> to vector<16xf32>
      %add3A_1209 = arith.addf %add3A_1201, %get3A_1208 : vector<16xf32>
      %swap3A_1210 = arith.constant 96 : index
      %swap3A_1211 = tpu.vector_load %arg10[%swap3A_1210] {strides = array<i32>} : memref<144xf32, #tpu.memory_space<vmem>>, vector<16xf32>,
      %swap3A_1212 = vector.shape_cast %swap3A_1211 : vector<16xf32> to vector<16xf32>
      %swap3A_1213 = vector.shape_cast %add3A_1209 : vector<16xf32> to vector<16xf32>
      tpu.vector_store %arg10[%swap3A_1210], %swap3A_1213 {strides = array<i32>} : memref<144xf32, #tpu.memory_space<vmem>>, vector<16xf32>,
      %get3A_1214 = arith.constant 98 : index
      %get3A_1215 = tpu.vector_load %arg10[%get3A_1214] {strides = array<i32>} : memref<144xf32, #tpu.memory_space<vmem>>, vector<16xf32>,
      %get3A_1216 = vector.shape_cast %get3A_1215 : vector<16xf32> to vector<16xf32>
      %add3A_1217 = arith.addf %add3A_1209, %get3A_1216 : vector<16xf32>
      %slice3A_1218 = vector.extract_strided_slice %add3A_1217 {offsets = [0], sizes = [1], strides = [1]} : vector<16xf32> to vector<1xf32>
      %squeeze3A_1219 = vector.extract %slice3A_1218[0] : f32 from vector<1xf32>
      %slice3A_1220 = vector.extract_strided_slice %add3A_1217 {offsets = [1], sizes = [1], strides = [1]} : vector<16xf32> to vector<1xf32>
      %squeeze3A_1221 = vector.extract %slice3A_1220[0] : f32 from vector<1xf32>
      %add3A_1222 = arith.addf %squeeze3A_1219, %squeeze3A_1221 : f32
      %eq3A_1223 = arith.constant 14 : i32
      %eq3A_1224 = vector.broadcast %eq3A_1223 : i32 to vector<16xi32>
      %eq3A_1225 = arith.cmpi eq, %iota3A, %eq3A_1224 : vector<16xi32>
      %broadcast_in_dim3A_1226 = vector.broadcast %add3A_1222 : f32 to vector<16xf32>
      %select_n3A_1227 = arith.select %eq3A_1225, %broadcast_in_dim3A_1226, %select_n3A_1197 : vector<16xi1>, vector<16xf32>
      %get3A_1228 = arith.constant 120 : index
      %get3A_1229 = tpu.vector_load %arg10[%get3A_1228] {strides = array<i32>} : memref<144xf32, #tpu.memory_space<vmem>>, vector<16xf32>,
      %get3A_1230 = vector.shape_cast %get3A_1229 : vector<16xf32> to vector<16xf32>
      %add3A_1231 = arith.addf %scan3A_99#31, %get3A_1230 : vector<16xf32>
      %swap3A_1232 = arith.constant 112 : index
      %swap3A_1233 = tpu.vector_load %arg10[%swap3A_1232] {strides = array<i32>} : memref<144xf32, #tpu.memory_space<vmem>>, vector<16xf32>,
      %swap3A_1234 = vector.shape_cast %swap3A_1233 : vector<16xf32> to vector<16xf32>
      %swap3A_1235 = vector.shape_cast %add3A_1231 : vector<16xf32> to vector<16xf32>
      tpu.vector_store %arg10[%swap3A_1232], %swap3A_1235 {strides = array<i32>} : memref<144xf32, #tpu.memory_space<vmem>>, vector<16xf32>,
      %get3A_1236 = arith.constant 116 : index
      %get3A_1237 = tpu.vector_load %arg10[%get3A_1236] {strides = array<i32>} : memref<144xf32, #tpu.memory_space<vmem>>, vector<16xf32>,
      %get3A_1238 = vector.shape_cast %get3A_1237 : vector<16xf32> to vector<16xf32>
      %add3A_1239 = arith.addf %add3A_1231, %get3A_1238 : vector<16xf32>
      %swap3A_1240 = arith.constant 112 : index
      %swap3A_1241 = tpu.vector_load %arg10[%swap3A_1240] {strides = array<i32>} : memref<144xf32, #tpu.memory_space<vmem>>, vector<16xf32>,
      %swap3A_1242 = vector.shape_cast %swap3A_1241 : vector<16xf32> to vector<16xf32>
      %swap3A_1243 = vector.shape_cast %add3A_1239 : vector<16xf32> to vector<16xf32>
      tpu.vector_store %arg10[%swap3A_1240], %swap3A_1243 {strides = array<i32>} : memref<144xf32, #tpu.memory_space<vmem>>, vector<16xf32>,
      %get3A_1244 = arith.constant 114 : index
      %get3A_1245 = tpu.vector_load %arg10[%get3A_1244] {strides = array<i32>} : memref<144xf32, #tpu.memory_space<vmem>>, vector<16xf32>,
      %get3A_1246 = vector.shape_cast %get3A_1245 : vector<16xf32> to vector<16xf32>
      %add3A_1247 = arith.addf %add3A_1239, %get3A_1246 : vector<16xf32>
      %slice3A_1248 = vector.extract_strided_slice %add3A_1247 {offsets = [0], sizes = [1], strides = [1]} : vector<16xf32> to vector<1xf32>
      %squeeze3A_1249 = vector.extract %slice3A_1248[0] : f32 from vector<1xf32>
      %slice3A_1250 = vector.extract_strided_slice %add3A_1247 {offsets = [1], sizes = [1], strides = [1]} : vector<16xf32> to vector<1xf32>
      %squeeze3A_1251 = vector.extract %slice3A_1250[0] : f32 from vector<1xf32>
      %add3A_1252 = arith.addf %squeeze3A_1249, %squeeze3A_1251 : f32
      %eq3A_1253 = arith.constant 15 : i32
      %eq3A_1254 = vector.broadcast %eq3A_1253 : i32 to vector<16xi32>
      %eq3A_1255 = arith.cmpi eq, %iota3A, %eq3A_1254 : vector<16xi32>
      %broadcast_in_dim3A_1256 = vector.broadcast %add3A_1252 : f32 to vector<16xf32>
      %select_n3A_1257 = arith.select %eq3A_1255, %broadcast_in_dim3A_1256, %select_n3A_1227 : vector<16xi1>, vector<16xf32>
      %add3A_1258 = arith.addf %select_n3A_1257, %get3A_4 : vector<16xf32>
      %swap3A_1259 = arith.constant 0 : index
      %swap3A_1260 = tpu.vector_load %arg11[%swap3A_1259] {strides = array<i32>} : memref<32xf32, #tpu.memory_space<vmem>>, vector<16xf32>,
      %swap3A_1261 = vector.shape_cast %swap3A_1260 : vector<16xf32> to vector<16xf32>
      %swap3A_1262 = vector.shape_cast %add3A_1258 : vector<16xf32> to vector<16xf32>
      tpu.vector_store %arg11[%swap3A_1259], %swap3A_1262 {strides = array<i32>} : memref<32xf32, #tpu.memory_space<vmem>>, vector<16xf32>,
      %get3A_1263 = arith.constant 4 : index
      %get3A_1264 = tpu.vector_load %arg11[%get3A_1263] {strides = array<i32>} : memref<32xf32, #tpu.memory_space<vmem>>, vector<16xf32>,
      %get3A_1265 = vector.shape_cast %get3A_1264 : vector<16xf32> to vector<16xf32>
      %max3A_1266 = arith.maximumf %add3A_1258, %get3A_1265 : vector<16xf32>
      %swap3A_1267 = arith.constant 0 : index
      %swap3A_1268 = tpu.vector_load %arg11[%swap3A_1267] {strides = array<i32>} : memref<32xf32, #tpu.memory_space<vmem>>, vector<16xf32>,
      %swap3A_1269 = vector.shape_cast %swap3A_1268 : vector<16xf32> to vector<16xf32>
      %swap3A_1270 = vector.shape_cast %max3A_1266 : vector<16xf32> to vector<16xf32>
      tpu.vector_store %arg11[%swap3A_1267], %swap3A_1270 {strides = array<i32>} : memref<32xf32, #tpu.memory_space<vmem>>, vector<16xf32>,
      %get3A_1271 = arith.constant 2 : index
      %get3A_1272 = tpu.vector_load %arg11[%get3A_1271] {strides = array<i32>} : memref<32xf32, #tpu.memory_space<vmem>>, vector<16xf32>,
      %get3A_1273 = vector.shape_cast %get3A_1272 : vector<16xf32> to vector<16xf32>
      %max3A_1274 = arith.maximumf %max3A_1266, %get3A_1273 : vector<16xf32>
      %swap3A_1275 = arith.constant 0 : index
      %swap3A_1276 = tpu.vector_load %arg11[%swap3A_1275] {strides = array<i32>} : memref<32xf32, #tpu.memory_space<vmem>>, vector<16xf32>,
      %swap3A_1277 = vector.shape_cast %swap3A_1276 : vector<16xf32> to vector<16xf32>
      %swap3A_1278 = vector.shape_cast %max3A_1274 : vector<16xf32> to vector<16xf32>
      tpu.vector_store %arg11[%swap3A_1275], %swap3A_1278 {strides = array<i32>} : memref<32xf32, #tpu.memory_space<vmem>>, vector<16xf32>,
      %get3A_1279 = arith.constant 1 : index
      %get3A_1280 = tpu.vector_load %arg11[%get3A_1279] {strides = array<i32>} : memref<32xf32, #tpu.memory_space<vmem>>, vector<16xf32>,
      %get3A_1281 = vector.shape_cast %get3A_1280 : vector<16xf32> to vector<16xf32>
      %max3A_1282 = arith.maximumf %max3A_1274, %get3A_1281 : vector<16xf32>
      %slice3A_1283 = vector.extract_strided_slice %max3A_1282 {offsets = [0], sizes = [1], strides = [1]} : vector<16xf32> to vector<1xf32>
      %squeeze3A_1284 = vector.extract %slice3A_1283[0] : f32 from vector<1xf32>
      %slice3A_1285 = vector.extract_strided_slice %max3A_1282 {offsets = [8], sizes = [1], strides = [1]} : vector<16xf32> to vector<1xf32>
      %squeeze3A_1286 = vector.extract %slice3A_1285[0] : f32 from vector<1xf32>
      %broadcast_in_dim3A_1287 = vector.broadcast %squeeze3A_1284 : f32 to vector<16xf32>
      %broadcast_in_dim3A_1288 = vector.broadcast %squeeze3A_1286 : f32 to vector<16xf32>
      %select_n3A_1289 = arith.select %lt3A_6, %broadcast_in_dim3A_1287, %broadcast_in_dim3A_1288 : vector<16xi1>, vector<16xf32>
      %sub3A_1290 = arith.subf %add3A_1258, %select_n3A_1289 : vector<16xf32>
      %exp3A_1291 = math.exp %sub3A_1290 : vector<16xf32>
      %swap3A_1292 = arith.constant 0 : index
      %swap3A_1293 = tpu.vector_load %arg11[%swap3A_1292] {strides = array<i32>} : memref<32xf32, #tpu.memory_space<vmem>>, vector<16xf32>,
      %swap3A_1294 = vector.shape_cast %swap3A_1293 : vector<16xf32> to vector<16xf32>
      %swap3A_1295 = vector.shape_cast %exp3A_1291 : vector<16xf32> to vector<16xf32>
      tpu.vector_store %arg11[%swap3A_1292], %swap3A_1295 {strides = array<i32>} : memref<32xf32, #tpu.memory_space<vmem>>, vector<16xf32>,
      %get3A_1296 = arith.constant 4 : index
      %get3A_1297 = tpu.vector_load %arg11[%get3A_1296] {strides = array<i32>} : memref<32xf32, #tpu.memory_space<vmem>>, vector<16xf32>,
      %get3A_1298 = vector.shape_cast %get3A_1297 : vector<16xf32> to vector<16xf32>
      %add3A_1299 = arith.addf %exp3A_1291, %get3A_1298 : vector<16xf32>
      %swap3A_1300 = arith.constant 0 : index
      %swap3A_1301 = tpu.vector_load %arg11[%swap3A_1300] {strides = array<i32>} : memref<32xf32, #tpu.memory_space<vmem>>, vector<16xf32>,
      %swap3A_1302 = vector.shape_cast %swap3A_1301 : vector<16xf32> to vector<16xf32>
      %swap3A_1303 = vector.shape_cast %add3A_1299 : vector<16xf32> to vector<16xf32>
      tpu.vector_store %arg11[%swap3A_1300], %swap3A_1303 {strides = array<i32>} : memref<32xf32, #tpu.memory_space<vmem>>, vector<16xf32>,
      %get3A_1304 = arith.constant 2 : index
      %get3A_1305 = tpu.vector_load %arg11[%get3A_1304] {strides = array<i32>} : memref<32xf32, #tpu.memory_space<vmem>>, vector<16xf32>,
      %get3A_1306 = vector.shape_cast %get3A_1305 : vector<16xf32> to vector<16xf32>
      %add3A_1307 = arith.addf %add3A_1299, %get3A_1306 : vector<16xf32>
      %swap3A_1308 = arith.constant 0 : index
      %swap3A_1309 = tpu.vector_load %arg11[%swap3A_1308] {strides = array<i32>} : memref<32xf32, #tpu.memory_space<vmem>>, vector<16xf32>,
      %swap3A_1310 = vector.shape_cast %swap3A_1309 : vector<16xf32> to vector<16xf32>
      %swap3A_1311 = vector.shape_cast %add3A_1307 : vector<16xf32> to vector<16xf32>
      tpu.vector_store %arg11[%swap3A_1308], %swap3A_1311 {strides = array<i32>} : memref<32xf32, #tpu.memory_space<vmem>>, vector<16xf32>,
      %get3A_1312 = arith.constant 1 : index
      %get3A_1313 = tpu.vector_load %arg11[%get3A_1312] {strides = array<i32>} : memref<32xf32, #tpu.memory_space<vmem>>, vector<16xf32>,
      %get3A_1314 = vector.shape_cast %get3A_1313 : vector<16xf32> to vector<16xf32>
      %add3A_1315 = arith.addf %add3A_1307, %get3A_1314 : vector<16xf32>
      %slice3A_1316 = vector.extract_strided_slice %add3A_1315 {offsets = [0], sizes = [1], strides = [1]} : vector<16xf32> to vector<1xf32>
      %squeeze3A_1317 = vector.extract %slice3A_1316[0] : f32 from vector<1xf32>
      %slice3A_1318 = vector.extract_strided_slice %add3A_1315 {offsets = [8], sizes = [1], strides = [1]} : vector<16xf32> to vector<1xf32>
      %squeeze3A_1319 = vector.extract %slice3A_1318[0] : f32 from vector<1xf32>
      %broadcast_in_dim3A_1320 = vector.broadcast %squeeze3A_1317 : f32 to vector<16xf32>
      %broadcast_in_dim3A_1321 = vector.broadcast %squeeze3A_1319 : f32 to vector<16xf32>
      %select_n3A_1322 = arith.select %lt3A_6, %broadcast_in_dim3A_1320, %broadcast_in_dim3A_1321 : vector<16xi1>, vector<16xf32>
      %div3A_1323 = arith.divf %exp3A_1291, %select_n3A_1322 : vector<16xf32>
      %add3A_1324 = arith.constant 2 : i32
      %add3A_1325 = arith.addi %mul3A_85, %add3A_1324 : i32
      %mul3A_1326 = arith.constant 8 : i32
      %mul3A_1327 = arith.muli %add3A_1325, %mul3A_1326 : i32
      %swap3A_1328 = arith.index_cast %mul3A_1327 : i32 to index
      %swap3A_1329 = tpu.vector_load %arg12[%swap3A_1328] {strides = array<i32>} : memref<256xf32, #tpu.memory_space<vmem>>, vector<16xf32>,
      %swap3A_1330 = vector.shape_cast %swap3A_1329 : vector<16xf32> to vector<16xf32>
      %swap3A_1331 = vector.shape_cast %div3A_1323 : vector<16xf32> to vector<16xf32>
      tpu.vector_store %arg12[%swap3A_1328], %swap3A_1331 {strides = array<i32>} : memref<256xf32, #tpu.memory_space<vmem>>, vector<16xf32>,
      %scan3A_1332 = arith.constant 0 : i32
      scf.yield %scan3A_1332 : i32
    }
    %scan3A_39 = arith.constant 8 : i32
    %mul3A_40 = arith.constant 32 : i32
    %mul3A_41 = arith.muli %mul3A_24, %mul3A_40 : i32
    %add3A_42 = arith.addi %mul3A_2, %mul3A_41 : i32
    %mul3A_43 = arith.constant 8 : i32
    %mul3A_44 = arith.muli %add3A_42, %mul3A_43 : i32
    "tpu.region"() ({
      %run_scoped3A = tpu.sem_alloc : memref<!tpu.dma_semaphore, #tpu.memory_space<semaphore_mem>>
      %dma_start3A_82 = arith.constant 0 : i32
      %dma_start3A_83 = tpu.memref_slice %arg12[%dma_start3A_82] : memref<256xf32, #tpu.memory_space<vmem>> -> memref<256xf32, #tpu.memory_space<vmem>>
      %dma_start3A_84 = tpu.memref_slice %arg5[%mul3A_44] : memref<16384xf32, #tpu.memory_space<hbm>> -> memref<256xf32, #tpu.memory_space<hbm>>
      %dma_start3A_85 = tpu.memref_slice %arg5[%mul3A_44] : memref<16384xf32, #tpu.memory_space<hbm>> -> memref<256xf32, #tpu.memory_space<hbm>>
      %dma_start3A_86 = arith.constant 0 : i32
      %dma_start3A_87 = tpu.memref_slice %arg12[%dma_start3A_86] : memref<256xf32, #tpu.memory_space<vmem>> -> memref<256xf32, #tpu.memory_space<vmem>>
      tpu.enqueue_dma source(%dma_start3A_87 : memref<256xf32, #tpu.memory_space<vmem>>) target(%dma_start3A_85 : memref<256xf32, #tpu.memory_space<hbm>>) target_semaphore(%run_scoped3A : memref<!tpu.dma_semaphore, #tpu.memory_space<semaphore_mem>>)
      %dma_wait3A_88 = arith.constant 0 : i32
      %dma_wait3A_89 = tpu.memref_slice %arg12[%dma_wait3A_88] : memref<256xf32, #tpu.memory_space<vmem>> -> memref<256xf32, #tpu.memory_space<vmem>>
      %dma_wait3A_90 = tpu.memref_slice %arg5[%mul3A_44] : memref<16384xf32, #tpu.memory_space<hbm>> -> memref<256xf32, #tpu.memory_space<hbm>>
      %dma_wait3A_91 = tpu.memref_slice %arg5[%mul3A_44] : memref<16384xf32, #tpu.memory_space<hbm>> -> memref<256xf32, #tpu.memory_space<hbm>>
      %dma_wait3A_92 = arith.constant 0 : i32
      %dma_wait3A_93 = tpu.memref_slice %arg12[%dma_wait3A_92] : memref<256xf32, #tpu.memory_space<vmem>> -> memref<256xf32, #tpu.memory_space<vmem>>
      tpu.wait_dma2 semaphore(%run_scoped3A : memref<!tpu.dma_semaphore, #tpu.memory_space<semaphore_mem>>) src(%dma_wait3A_93 : memref<256xf32, #tpu.memory_space<vmem>>) dst(%dma_wait3A_91 : memref<256xf32, #tpu.memory_space<hbm>>)
      tpu.yield
    }) : () -> ()
    %add3A_45 = arith.constant 2 : i32
    %add3A_46 = arith.addi %mul3A_24, %add3A_45 : i32
    %lt3A_47 = arith.constant 2 : i32
    %lt3A_48 = arith.cmpi slt, %add3A_46, %lt3A_47 : i32
    %convert_element_type3A = arith.extui %lt3A_48 : i1 to i32
    %cond3A = arith.constant 0 : i32
    %cond3A_49 = arith.cmpi ne, %convert_element_type3A, %cond3A : i32
    scf.if %cond3A_49 {
      %add3A_82 = arith.constant 2 : i32
      %add3A_83 = arith.addi %mul3A_24, %add3A_82 : i32
      %add3A_84 = arith.constant 30720 : i32
      %add3A_85 = arith.addi %add3A_84, %mul3A_2 : i32
      %mul3A_86 = arith.constant 32 : i32
      %mul3A_87 = arith.muli %add3A_83, %mul3A_86 : i32
      %add3A_88 = arith.addi %add3A_85, %mul3A_87 : i32
      %dma_start3A_89 = arith.constant 0 : i32
      %dma_start3A_90 = tpu.memref_slice %arg2[%add3A_88, %dma_start3A_89] : memref<32768x1024xf32, #tpu.memory_space<hbm>> -> memref<32x1024xf32, #tpu.memory_space<hbm>>
      %dma_start3A_91 = arith.constant 0 : i32
      %dma_start3A_92 = tpu.memref_slice %arg2[%add3A_88, %dma_start3A_91] : memref<32768x1024xf32, #tpu.memory_space<hbm>> -> memref<32x1024xf32, #tpu.memory_space<hbm>>
      tpu.enqueue_dma source(%dma_start3A_92 : memref<32x1024xf32, #tpu.memory_space<hbm>>) target(%arg6 : memref<32x1024xf32, #tpu.memory_space<vmem>>) target_semaphore(%arg13 : memref<!tpu.dma_semaphore, #tpu.memory_space<semaphore_mem>>)
    } else {
    }
    %add3A_50 = arith.constant 1 : i32
    %add3A_51 = arith.addi %mul3A_24, %add3A_50 : i32
    %add3A_52 = arith.constant 30720 : i32
    %add3A_53 = arith.addi %add3A_52, %mul3A_2 : i32
    %mul3A_54 = arith.constant 32 : i32
    %mul3A_55 = arith.muli %add3A_51, %mul3A_54 : i32
    %add3A_56 = arith.addi %add3A_53, %mul3A_55 : i32
    %dma_wait3A_57 = arith.constant 0 : i32
    %dma_wait3A_58 = tpu.memref_slice %arg2[%add3A_56, %dma_wait3A_57] : memref<32768x1024xf32, #tpu.memory_space<hbm>> -> memref<32x1024xf32, #tpu.memory_space<hbm>>
    %dma_wait3A_59 = arith.constant 0 : i32
    %dma_wait3A_60 = tpu.memref_slice %arg2[%add3A_56, %dma_wait3A_59] : memref<32768x1024xf32, #tpu.memory_space<hbm>> -> memref<32x1024xf32, #tpu.memory_space<hbm>>
    tpu.wait_dma2 semaphore(%arg14 : memref<!tpu.dma_semaphore, #tpu.memory_space<semaphore_mem>>) src(%dma_wait3A_60 : memref<32x1024xf32, #tpu.memory_space<hbm>>) dst(%arg7 : memref<32x1024xf32, #tpu.memory_space<vmem>>)
    %scan3A_61 = arith.constant 0 : i32
    %scan3A_62 = arith.constant 0 : i32
    %scan3A_63 = arith.constant 8 : i32
    %scan3A_64 = arith.addi %scan3A_62, %scan3A_63 : i32
    %scan3A_65 = arith.constant 1 : i32
    %scan3A_66 = scf.for %scan3A_82 = %scan3A_62 to %scan3A_64 step %scan3A_65 iter_args(%scan3A_83 = %scan3A_61) -> (i32)  : i32 {
      %mul3A_84 = arith.constant 4 : i32
      %mul3A_85 = arith.muli %scan3A_82, %mul3A_84 : i32
      %add3A_86 = arith.constant 0 : i32
      %add3A_87 = arith.addi %mul3A_85, %add3A_86 : i32
      %add3A_88 = arith.constant 1 : i32
      %add3A_89 = arith.addi %mul3A_85, %add3A_88 : i32
      %add3A_90 = arith.constant 2 : i32
      %add3A_91 = arith.addi %mul3A_85, %add3A_90 : i32
      %add3A_92 = arith.constant 3 : i32
      %add3A_93 = arith.addi %mul3A_85, %add3A_92 : i32
      %broadcast_in_dim3A = arith.constant 0.000000e+00 : f32
      %broadcast_in_dim3A_94 = vector.broadcast %broadcast_in_dim3A : f32 to vector<16xf32>
      %scan3A_95 = arith.constant 0 : i32
      %scan3A_96 = arith.constant 64 : i32
      %scan3A_97 = arith.addi %scan3A_95, %scan3A_96 : i32
      %scan3A_98 = arith.constant 1 : i32
      %scan3A_99:32 = scf.for %scan3A_1333 = %scan3A_95 to %scan3A_97 step %scan3A_98 iter_args(%scan3A_1334 = %broadcast_in_dim3A_94, %scan3A_1335 = %broadcast_in_dim3A_94, %scan3A_1336 = %broadcast_in_dim3A_94, %scan3A_1337 = %broadcast_in_dim3A_94, %scan3A_1338 = %broadcast_in_dim3A_94, %scan3A_1339 = %broadcast_in_dim3A_94, %scan3A_1340 = %broadcast_in_dim3A_94, %scan3A_1341 = %broadcast_in_dim3A_94, %scan3A_1342 = %broadcast_in_dim3A_94, %scan3A_1343 = %broadcast_in_dim3A_94, %scan3A_1344 = %broadcast_in_dim3A_94, %scan3A_1345 = %broadcast_in_dim3A_94, %scan3A_1346 = %broadcast_in_dim3A_94, %scan3A_1347 = %broadcast_in_dim3A_94, %scan3A_1348 = %broadcast_in_dim3A_94, %scan3A_1349 = %broadcast_in_dim3A_94, %scan3A_1350 = %broadcast_in_dim3A_94, %scan3A_1351 = %broadcast_in_dim3A_94, %scan3A_1352 = %broadcast_in_dim3A_94, %scan3A_1353 = %broadcast_in_dim3A_94, %scan3A_1354 = %broadcast_in_dim3A_94, %scan3A_1355 = %broadcast_in_dim3A_94, %scan3A_1356 = %broadcast_in_dim3A_94, %scan3A_1357 = %broadcast_in_dim3A_94, %scan3A_1358 = %broadcast_in_dim3A_94, %scan3A_1359 = %broadcast_in_dim3A_94, %scan3A_1360 = %broadcast_in_dim3A_94, %scan3A_1361 = %broadcast_in_dim3A_94, %scan3A_1362 = %broadcast_in_dim3A_94, %scan3A_1363 = %broadcast_in_dim3A_94, %scan3A_1364 = %broadcast_in_dim3A_94, %scan3A_1365 = %broadcast_in_dim3A_94) -> (vector<16xf32>, vector<16xf32>, vector<16xf32>, vector<16xf32>, vector<16xf32>, vector<16xf32>, vector<16xf32>, vector<16xf32>, vector<16xf32>, vector<16xf32>, vector<16xf32>, vector<16xf32>, vector<16xf32>, vector<16xf32>, vector<16xf32>, vector<16xf32>, vector<16xf32>, vector<16xf32>, vector<16xf32>, vector<16xf32>, vector<16xf32>, vector<16xf32>, vector<16xf32>, vector<16xf32>, vector<16xf32>, vector<16xf32>, vector<16xf32>, vector<16xf32>, vector<16xf32>, vector<16xf32>, vector<16xf32>, vector<16xf32>)  : i32 {
        %mul3A_1366 = arith.constant 16 : i32
        %mul3A_1367 = arith.muli %scan3A_1333, %mul3A_1366 : i32
        %add3A_1368 = arith.constant 0 : i32
        %add3A_1369 = arith.addi %add3A_1368, %mul3A_1367 : i32
        %get3A_1370 = arith.index_cast %add3A_1369 : i32 to index
        %get3A_1371 = tpu.vector_load %arg8[%get3A_1370] {strides = array<i32>} : memref<8192xf32, #tpu.memory_space<vmem>>, vector<16xf32>,
        %get3A_1372 = vector.shape_cast %get3A_1371 : vector<16xf32> to vector<16xf32>
        %add3A_1373 = arith.constant 1024 : i32
        %add3A_1374 = arith.addi %add3A_1373, %mul3A_1367 : i32
        %get3A_1375 = arith.index_cast %add3A_1374 : i32 to index
        %get3A_1376 = tpu.vector_load %arg8[%get3A_1375] {strides = array<i32>} : memref<8192xf32, #tpu.memory_space<vmem>>, vector<16xf32>,
        %get3A_1377 = vector.shape_cast %get3A_1376 : vector<16xf32> to vector<16xf32>
        %add3A_1378 = arith.constant 2048 : i32
        %add3A_1379 = arith.addi %add3A_1378, %mul3A_1367 : i32
        %get3A_1380 = arith.index_cast %add3A_1379 : i32 to index
        %get3A_1381 = tpu.vector_load %arg8[%get3A_1380] {strides = array<i32>} : memref<8192xf32, #tpu.memory_space<vmem>>, vector<16xf32>,
        %get3A_1382 = vector.shape_cast %get3A_1381 : vector<16xf32> to vector<16xf32>
        %add3A_1383 = arith.constant 3072 : i32
        %add3A_1384 = arith.addi %add3A_1383, %mul3A_1367 : i32
        %get3A_1385 = arith.index_cast %add3A_1384 : i32 to index
        %get3A_1386 = tpu.vector_load %arg8[%get3A_1385] {strides = array<i32>} : memref<8192xf32, #tpu.memory_space<vmem>>, vector<16xf32>,
        %get3A_1387 = vector.shape_cast %get3A_1386 : vector<16xf32> to vector<16xf32>
        %add3A_1388 = arith.constant 4096 : i32
        %add3A_1389 = arith.addi %add3A_1388, %mul3A_1367 : i32
        %get3A_1390 = arith.index_cast %add3A_1389 : i32 to index
        %get3A_1391 = tpu.vector_load %arg8[%get3A_1390] {strides = array<i32>} : memref<8192xf32, #tpu.memory_space<vmem>>, vector<16xf32>,
        %get3A_1392 = vector.shape_cast %get3A_1391 : vector<16xf32> to vector<16xf32>
        %add3A_1393 = arith.constant 5120 : i32
        %add3A_1394 = arith.addi %add3A_1393, %mul3A_1367 : i32
        %get3A_1395 = arith.index_cast %add3A_1394 : i32 to index
        %get3A_1396 = tpu.vector_load %arg8[%get3A_1395] {strides = array<i32>} : memref<8192xf32, #tpu.memory_space<vmem>>, vector<16xf32>,
        %get3A_1397 = vector.shape_cast %get3A_1396 : vector<16xf32> to vector<16xf32>
        %add3A_1398 = arith.constant 6144 : i32
        %add3A_1399 = arith.addi %add3A_1398, %mul3A_1367 : i32
        %get3A_1400 = arith.index_cast %add3A_1399 : i32 to index
        %get3A_1401 = tpu.vector_load %arg8[%get3A_1400] {strides = array<i32>} : memref<8192xf32, #tpu.memory_space<vmem>>, vector<16xf32>,
        %get3A_1402 = vector.shape_cast %get3A_1401 : vector<16xf32> to vector<16xf32>
        %add3A_1403 = arith.constant 7168 : i32
        %add3A_1404 = arith.addi %add3A_1403, %mul3A_1367 : i32
        %get3A_1405 = arith.index_cast %add3A_1404 : i32 to index
        %get3A_1406 = tpu.vector_load %arg8[%get3A_1405] {strides = array<i32>} : memref<8192xf32, #tpu.memory_space<vmem>>, vector<16xf32>,
        %get3A_1407 = vector.shape_cast %get3A_1406 : vector<16xf32> to vector<16xf32>
        %get3A_1408 = arith.index_cast %add3A_87 : i32 to index
        %get3A_1409 = arith.index_cast %mul3A_1367 : i32 to index
        %get3A_1410 = tpu.vector_load %arg7[%get3A_1408, %get3A_1409] {strides = array<i32>} : memref<32x1024xf32, #tpu.memory_space<vmem>>, vector<1x16xf32>,
        %get3A_1411 = vector.shape_cast %get3A_1410 : vector<1x16xf32> to vector<16xf32>
        %mul3A_1412 = arith.mulf %get3A_1411, %get3A_1372 : vector<16xf32>
        %add3A_1413 = arith.addf %scan3A_1334, %mul3A_1412 : vector<16xf32>
        %mul3A_1414 = arith.mulf %get3A_1411, %get3A_1377 : vector<16xf32>
        %add3A_1415 = arith.addf %scan3A_1335, %mul3A_1414 : vector<16xf32>
        %mul3A_1416 = arith.mulf %get3A_1411, %get3A_1382 : vector<16xf32>
        %add3A_1417 = arith.addf %scan3A_1336, %mul3A_1416 : vector<16xf32>
        %mul3A_1418 = arith.mulf %get3A_1411, %get3A_1387 : vector<16xf32>
        %add3A_1419 = arith.addf %scan3A_1337, %mul3A_1418 : vector<16xf32>
        %mul3A_1420 = arith.mulf %get3A_1411, %get3A_1392 : vector<16xf32>
        %add3A_1421 = arith.addf %scan3A_1338, %mul3A_1420 : vector<16xf32>
        %mul3A_1422 = arith.mulf %get3A_1411, %get3A_1397 : vector<16xf32>
        %add3A_1423 = arith.addf %scan3A_1339, %mul3A_1422 : vector<16xf32>
        %mul3A_1424 = arith.mulf %get3A_1411, %get3A_1402 : vector<16xf32>
        %add3A_1425 = arith.addf %scan3A_1340, %mul3A_1424 : vector<16xf32>
        %mul3A_1426 = arith.mulf %get3A_1411, %get3A_1407 : vector<16xf32>
        %add3A_1427 = arith.addf %scan3A_1341, %mul3A_1426 : vector<16xf32>
        %get3A_1428 = arith.index_cast %add3A_89 : i32 to index
        %get3A_1429 = arith.index_cast %mul3A_1367 : i32 to index
        %get3A_1430 = tpu.vector_load %arg7[%get3A_1428, %get3A_1429] {strides = array<i32>} : memref<32x1024xf32, #tpu.memory_space<vmem>>, vector<1x16xf32>,
        %get3A_1431 = vector.shape_cast %get3A_1430 : vector<1x16xf32> to vector<16xf32>
        %mul3A_1432 = arith.mulf %get3A_1431, %get3A_1372 : vector<16xf32>
        %add3A_1433 = arith.addf %scan3A_1342, %mul3A_1432 : vector<16xf32>
        %mul3A_1434 = arith.mulf %get3A_1431, %get3A_1377 : vector<16xf32>
        %add3A_1435 = arith.addf %scan3A_1343, %mul3A_1434 : vector<16xf32>
        %mul3A_1436 = arith.mulf %get3A_1431, %get3A_1382 : vector<16xf32>
        %add3A_1437 = arith.addf %scan3A_1344, %mul3A_1436 : vector<16xf32>
        %mul3A_1438 = arith.mulf %get3A_1431, %get3A_1387 : vector<16xf32>
        %add3A_1439 = arith.addf %scan3A_1345, %mul3A_1438 : vector<16xf32>
        %mul3A_1440 = arith.mulf %get3A_1431, %get3A_1392 : vector<16xf32>
        %add3A_1441 = arith.addf %scan3A_1346, %mul3A_1440 : vector<16xf32>
        %mul3A_1442 = arith.mulf %get3A_1431, %get3A_1397 : vector<16xf32>
        %add3A_1443 = arith.addf %scan3A_1347, %mul3A_1442 : vector<16xf32>
        %mul3A_1444 = arith.mulf %get3A_1431, %get3A_1402 : vector<16xf32>
        %add3A_1445 = arith.addf %scan3A_1348, %mul3A_1444 : vector<16xf32>
        %mul3A_1446 = arith.mulf %get3A_1431, %get3A_1407 : vector<16xf32>
        %add3A_1447 = arith.addf %scan3A_1349, %mul3A_1446 : vector<16xf32>
        %get3A_1448 = arith.index_cast %add3A_91 : i32 to index
        %get3A_1449 = arith.index_cast %mul3A_1367 : i32 to index
        %get3A_1450 = tpu.vector_load %arg7[%get3A_1448, %get3A_1449] {strides = array<i32>} : memref<32x1024xf32, #tpu.memory_space<vmem>>, vector<1x16xf32>,
        %get3A_1451 = vector.shape_cast %get3A_1450 : vector<1x16xf32> to vector<16xf32>
        %mul3A_1452 = arith.mulf %get3A_1451, %get3A_1372 : vector<16xf32>
        %add3A_1453 = arith.addf %scan3A_1350, %mul3A_1452 : vector<16xf32>
        %mul3A_1454 = arith.mulf %get3A_1451, %get3A_1377 : vector<16xf32>
        %add3A_1455 = arith.addf %scan3A_1351, %mul3A_1454 : vector<16xf32>
        %mul3A_1456 = arith.mulf %get3A_1451, %get3A_1382 : vector<16xf32>
        %add3A_1457 = arith.addf %scan3A_1352, %mul3A_1456 : vector<16xf32>
        %mul3A_1458 = arith.mulf %get3A_1451, %get3A_1387 : vector<16xf32>
        %add3A_1459 = arith.addf %scan3A_1353, %mul3A_1458 : vector<16xf32>
        %mul3A_1460 = arith.mulf %get3A_1451, %get3A_1392 : vector<16xf32>
        %add3A_1461 = arith.addf %scan3A_1354, %mul3A_1460 : vector<16xf32>
        %mul3A_1462 = arith.mulf %get3A_1451, %get3A_1397 : vector<16xf32>
        %add3A_1463 = arith.addf %scan3A_1355, %mul3A_1462 : vector<16xf32>
        %mul3A_1464 = arith.mulf %get3A_1451, %get3A_1402 : vector<16xf32>
        %add3A_1465 = arith.addf %scan3A_1356, %mul3A_1464 : vector<16xf32>
        %mul3A_1466 = arith.mulf %get3A_1451, %get3A_1407 : vector<16xf32>
        %add3A_1467 = arith.addf %scan3A_1357, %mul3A_1466 : vector<16xf32>
        %get3A_1468 = arith.index_cast %add3A_93 : i32 to index
        %get3A_1469 = arith.index_cast %mul3A_1367 : i32 to index
        %get3A_1470 = tpu.vector_load %arg7[%get3A_1468, %get3A_1469] {strides = array<i32>} : memref<32x1024xf32, #tpu.memory_space<vmem>>, vector<1x16xf32>,
        %get3A_1471 = vector.shape_cast %get3A_1470 : vector<1x16xf32> to vector<16xf32>
        %mul3A_1472 = arith.mulf %get3A_1471, %get3A_1372 : vector<16xf32>
        %add3A_1473 = arith.addf %scan3A_1358, %mul3A_1472 : vector<16xf32>
        %mul3A_1474 = arith.mulf %get3A_1471, %get3A_1377 : vector<16xf32>
        %add3A_1475 = arith.addf %scan3A_1359, %mul3A_1474 : vector<16xf32>
        %mul3A_1476 = arith.mulf %get3A_1471, %get3A_1382 : vector<16xf32>
        %add3A_1477 = arith.addf %scan3A_1360, %mul3A_1476 : vector<16xf32>
        %mul3A_1478 = arith.mulf %get3A_1471, %get3A_1387 : vector<16xf32>
        %add3A_1479 = arith.addf %scan3A_1361, %mul3A_1478 : vector<16xf32>
        %mul3A_1480 = arith.mulf %get3A_1471, %get3A_1392 : vector<16xf32>
        %add3A_1481 = arith.addf %scan3A_1362, %mul3A_1480 : vector<16xf32>
        %mul3A_1482 = arith.mulf %get3A_1471, %get3A_1397 : vector<16xf32>
        %add3A_1483 = arith.addf %scan3A_1363, %mul3A_1482 : vector<16xf32>
        %mul3A_1484 = arith.mulf %get3A_1471, %get3A_1402 : vector<16xf32>
        %add3A_1485 = arith.addf %scan3A_1364, %mul3A_1484 : vector<16xf32>
        %mul3A_1486 = arith.mulf %get3A_1471, %get3A_1407 : vector<16xf32>
        %add3A_1487 = arith.addf %scan3A_1365, %mul3A_1486 : vector<16xf32>
        scf.yield %add3A_1413, %add3A_1415, %add3A_1417, %add3A_1419, %add3A_1421, %add3A_1423, %add3A_1425, %add3A_1427, %add3A_1433, %add3A_1435, %add3A_1437, %add3A_1439, %add3A_1441, %add3A_1443, %add3A_1445, %add3A_1447, %add3A_1453, %add3A_1455, %add3A_1457, %add3A_1459, %add3A_1461, %add3A_1463, %add3A_1465, %add3A_1467, %add3A_1473, %add3A_1475, %add3A_1477, %add3A_1479, %add3A_1481, %add3A_1483, %add3A_1485, %add3A_1487 : vector<16xf32>, vector<16xf32>, vector<16xf32>, vector<16xf32>, vector<16xf32>, vector<16xf32>, vector<16xf32>, vector<16xf32>, vector<16xf32>, vector<16xf32>, vector<16xf32>, vector<16xf32>, vector<16xf32>, vector<16xf32>, vector<16xf32>, vector<16xf32>, vector<16xf32>, vector<16xf32>, vector<16xf32>, vector<16xf32>, vector<16xf32>, vector<16xf32>, vector<16xf32>, vector<16xf32>, vector<16xf32>, vector<16xf32>, vector<16xf32>, vector<16xf32>, vector<16xf32>, vector<16xf32>, vector<16xf32>, vector<16xf32>
      }
      %scan3A_100 = arith.constant 64 : i32
      %broadcast_in_dim3A_101 = arith.constant 0.000000e+00 : f32
      %broadcast_in_dim3A_102 = vector.broadcast %broadcast_in_dim3A_101 : f32 to vector<16xf32>
      %swap3A = arith.constant 0 : index
      %swap3A_103 = tpu.vector_load %arg10[%swap3A] {strides = array<i32>} : memref<144xf32, #tpu.memory_space<vmem>>, vector<16xf32>,
      %swap3A_104 = vector.shape_cast %swap3A_103 : vector<16xf32> to vector<16xf32>
      %swap3A_105 = vector.shape_cast %scan3A_99#0 : vector<16xf32> to vector<16xf32>
      tpu.vector_store %arg10[%swap3A], %swap3A_105 {strides = array<i32>} : memref<144xf32, #tpu.memory_space<vmem>>, vector<16xf32>,
      %swap3A_106 = arith.constant 16 : index
      %swap3A_107 = tpu.vector_load %arg10[%swap3A_106] {strides = array<i32>} : memref<144xf32, #tpu.memory_space<vmem>>, vector<16xf32>,
      %swap3A_108 = vector.shape_cast %swap3A_107 : vector<16xf32> to vector<16xf32>
      %swap3A_109 = vector.shape_cast %scan3A_99#1 : vector<16xf32> to vector<16xf32>
      tpu.vector_store %arg10[%swap3A_106], %swap3A_109 {strides = array<i32>} : memref<144xf32, #tpu.memory_space<vmem>>, vector<16xf32>,
      %swap3A_110 = arith.constant 32 : index
      %swap3A_111 = tpu.vector_load %arg10[%swap3A_110] {strides = array<i32>} : memref<144xf32, #tpu.memory_space<vmem>>, vector<16xf32>,
      %swap3A_112 = vector.shape_cast %swap3A_111 : vector<16xf32> to vector<16xf32>
      %swap3A_113 = vector.shape_cast %scan3A_99#2 : vector<16xf32> to vector<16xf32>
      tpu.vector_store %arg10[%swap3A_110], %swap3A_113 {strides = array<i32>} : memref<144xf32, #tpu.memory_space<vmem>>, vector<16xf32>,
      %swap3A_114 = arith.constant 48 : index
      %swap3A_115 = tpu.vector_load %arg10[%swap3A_114] {strides = array<i32>} : memref<144xf32, #tpu.memory_space<vmem>>, vector<16xf32>,
      %swap3A_116 = vector.shape_cast %swap3A_115 : vector<16xf32> to vector<16xf32>
      %swap3A_117 = vector.shape_cast %scan3A_99#3 : vector<16xf32> to vector<16xf32>
      tpu.vector_store %arg10[%swap3A_114], %swap3A_117 {strides = array<i32>} : memref<144xf32, #tpu.memory_space<vmem>>, vector<16xf32>,
      %swap3A_118 = arith.constant 64 : index
      %swap3A_119 = tpu.vector_load %arg10[%swap3A_118] {strides = array<i32>} : memref<144xf32, #tpu.memory_space<vmem>>, vector<16xf32>,
      %swap3A_120 = vector.shape_cast %swap3A_119 : vector<16xf32> to vector<16xf32>
      %swap3A_121 = vector.shape_cast %scan3A_99#4 : vector<16xf32> to vector<16xf32>
      tpu.vector_store %arg10[%swap3A_118], %swap3A_121 {strides = array<i32>} : memref<144xf32, #tpu.memory_space<vmem>>, vector<16xf32>,
      %swap3A_122 = arith.constant 80 : index
      %swap3A_123 = tpu.vector_load %arg10[%swap3A_122] {strides = array<i32>} : memref<144xf32, #tpu.memory_space<vmem>>, vector<16xf32>,
      %swap3A_124 = vector.shape_cast %swap3A_123 : vector<16xf32> to vector<16xf32>
      %swap3A_125 = vector.shape_cast %scan3A_99#5 : vector<16xf32> to vector<16xf32>
      tpu.vector_store %arg10[%swap3A_122], %swap3A_125 {strides = array<i32>} : memref<144xf32, #tpu.memory_space<vmem>>, vector<16xf32>,
      %swap3A_126 = arith.constant 96 : index
      %swap3A_127 = tpu.vector_load %arg10[%swap3A_126] {strides = array<i32>} : memref<144xf32, #tpu.memory_space<vmem>>, vector<16xf32>,
      %swap3A_128 = vector.shape_cast %swap3A_127 : vector<16xf32> to vector<16xf32>
      %swap3A_129 = vector.shape_cast %scan3A_99#6 : vector<16xf32> to vector<16xf32>
      tpu.vector_store %arg10[%swap3A_126], %swap3A_129 {strides = array<i32>} : memref<144xf32, #tpu.memory_space<vmem>>, vector<16xf32>,
      %swap3A_130 = arith.constant 112 : index
      %swap3A_131 = tpu.vector_load %arg10[%swap3A_130] {strides = array<i32>} : memref<144xf32, #tpu.memory_space<vmem>>, vector<16xf32>,
      %swap3A_132 = vector.shape_cast %swap3A_131 : vector<16xf32> to vector<16xf32>
      %swap3A_133 = vector.shape_cast %scan3A_99#7 : vector<16xf32> to vector<16xf32>
      tpu.vector_store %arg10[%swap3A_130], %swap3A_133 {strides = array<i32>} : memref<144xf32, #tpu.memory_space<vmem>>, vector<16xf32>,
      %get3A_134 = arith.constant 8 : index
      %get3A_135 = tpu.vector_load %arg10[%get3A_134] {strides = array<i32>} : memref<144xf32, #tpu.memory_space<vmem>>, vector<16xf32>,
      %get3A_136 = vector.shape_cast %get3A_135 : vector<16xf32> to vector<16xf32>
      %add3A_137 = arith.addf %scan3A_99#0, %get3A_136 : vector<16xf32>
      %swap3A_138 = arith.constant 0 : index
      %swap3A_139 = tpu.vector_load %arg10[%swap3A_138] {strides = array<i32>} : memref<144xf32, #tpu.memory_space<vmem>>, vector<16xf32>,
      %swap3A_140 = vector.shape_cast %swap3A_139 : vector<16xf32> to vector<16xf32>
      %swap3A_141 = vector.shape_cast %add3A_137 : vector<16xf32> to vector<16xf32>
      tpu.vector_store %arg10[%swap3A_138], %swap3A_141 {strides = array<i32>} : memref<144xf32, #tpu.memory_space<vmem>>, vector<16xf32>,
      %get3A_142 = arith.constant 4 : index
      %get3A_143 = tpu.vector_load %arg10[%get3A_142] {strides = array<i32>} : memref<144xf32, #tpu.memory_space<vmem>>, vector<16xf32>,
      %get3A_144 = vector.shape_cast %get3A_143 : vector<16xf32> to vector<16xf32>
      %add3A_145 = arith.addf %add3A_137, %get3A_144 : vector<16xf32>
      %swap3A_146 = arith.constant 0 : index
      %swap3A_147 = tpu.vector_load %arg10[%swap3A_146] {strides = array<i32>} : memref<144xf32, #tpu.memory_space<vmem>>, vector<16xf32>,
      %swap3A_148 = vector.shape_cast %swap3A_147 : vector<16xf32> to vector<16xf32>
      %swap3A_149 = vector.shape_cast %add3A_145 : vector<16xf32> to vector<16xf32>
      tpu.vector_store %arg10[%swap3A_146], %swap3A_149 {strides = array<i32>} : memref<144xf32, #tpu.memory_space<vmem>>, vector<16xf32>,
      %get3A_150 = arith.constant 2 : index
      %get3A_151 = tpu.vector_load %arg10[%get3A_150] {strides = array<i32>} : memref<144xf32, #tpu.memory_space<vmem>>, vector<16xf32>,
      %get3A_152 = vector.shape_cast %get3A_151 : vector<16xf32> to vector<16xf32>
      %add3A_153 = arith.addf %add3A_145, %get3A_152 : vector<16xf32>
      %slice3A = vector.extract_strided_slice %add3A_153 {offsets = [0], sizes = [1], strides = [1]} : vector<16xf32> to vector<1xf32>
      %squeeze3A = vector.extract %slice3A[0] : f32 from vector<1xf32>
      %slice3A_154 = vector.extract_strided_slice %add3A_153 {offsets = [1], sizes = [1], strides = [1]} : vector<16xf32> to vector<1xf32>
      %squeeze3A_155 = vector.extract %slice3A_154[0] : f32 from vector<1xf32>
      %add3A_156 = arith.addf %squeeze3A, %squeeze3A_155 : f32
      %eq3A = arith.constant 0 : i32
      %eq3A_157 = vector.broadcast %eq3A : i32 to vector<16xi32>
      %eq3A_158 = arith.cmpi eq, %iota3A, %eq3A_157 : vector<16xi32>
      %broadcast_in_dim3A_159 = vector.broadcast %add3A_156 : f32 to vector<16xf32>
      %select_n3A = arith.select %eq3A_158, %broadcast_in_dim3A_159, %broadcast_in_dim3A_102 : vector<16xi1>, vector<16xf32>
      %get3A_160 = arith.constant 24 : index
      %get3A_161 = tpu.vector_load %arg10[%get3A_160] {strides = array<i32>} : memref<144xf32, #tpu.memory_space<vmem>>, vector<16xf32>,
      %get3A_162 = vector.shape_cast %get3A_161 : vector<16xf32> to vector<16xf32>
      %add3A_163 = arith.addf %scan3A_99#1, %get3A_162 : vector<16xf32>
      %swap3A_164 = arith.constant 16 : index
      %swap3A_165 = tpu.vector_load %arg10[%swap3A_164] {strides = array<i32>} : memref<144xf32, #tpu.memory_space<vmem>>, vector<16xf32>,
      %swap3A_166 = vector.shape_cast %swap3A_165 : vector<16xf32> to vector<16xf32>
      %swap3A_167 = vector.shape_cast %add3A_163 : vector<16xf32> to vector<16xf32>
      tpu.vector_store %arg10[%swap3A_164], %swap3A_167 {strides = array<i32>} : memref<144xf32, #tpu.memory_space<vmem>>, vector<16xf32>,
      %get3A_168 = arith.constant 20 : index
      %get3A_169 = tpu.vector_load %arg10[%get3A_168] {strides = array<i32>} : memref<144xf32, #tpu.memory_space<vmem>>, vector<16xf32>,
      %get3A_170 = vector.shape_cast %get3A_169 : vector<16xf32> to vector<16xf32>
      %add3A_171 = arith.addf %add3A_163, %get3A_170 : vector<16xf32>
      %swap3A_172 = arith.constant 16 : index
      %swap3A_173 = tpu.vector_load %arg10[%swap3A_172] {strides = array<i32>} : memref<144xf32, #tpu.memory_space<vmem>>, vector<16xf32>,
      %swap3A_174 = vector.shape_cast %swap3A_173 : vector<16xf32> to vector<16xf32>
      %swap3A_175 = vector.shape_cast %add3A_171 : vector<16xf32> to vector<16xf32>
      tpu.vector_store %arg10[%swap3A_172], %swap3A_175 {strides = array<i32>} : memref<144xf32, #tpu.memory_space<vmem>>, vector<16xf32>,
      %get3A_176 = arith.constant 18 : index
      %get3A_177 = tpu.vector_load %arg10[%get3A_176] {strides = array<i32>} : memref<144xf32, #tpu.memory_space<vmem>>, vector<16xf32>,
      %get3A_178 = vector.shape_cast %get3A_177 : vector<16xf32> to vector<16xf32>
      %add3A_179 = arith.addf %add3A_171, %get3A_178 : vector<16xf32>
      %slice3A_180 = vector.extract_strided_slice %add3A_179 {offsets = [0], sizes = [1], strides = [1]} : vector<16xf32> to vector<1xf32>
      %squeeze3A_181 = vector.extract %slice3A_180[0] : f32 from vector<1xf32>
      %slice3A_182 = vector.extract_strided_slice %add3A_179 {offsets = [1], sizes = [1], strides = [1]} : vector<16xf32> to vector<1xf32>
      %squeeze3A_183 = vector.extract %slice3A_182[0] : f32 from vector<1xf32>
      %add3A_184 = arith.addf %squeeze3A_181, %squeeze3A_183 : f32
      %eq3A_185 = arith.constant 1 : i32
      %eq3A_186 = vector.broadcast %eq3A_185 : i32 to vector<16xi32>
      %eq3A_187 = arith.cmpi eq, %iota3A, %eq3A_186 : vector<16xi32>
      %broadcast_in_dim3A_188 = vector.broadcast %add3A_184 : f32 to vector<16xf32>
      %select_n3A_189 = arith.select %eq3A_187, %broadcast_in_dim3A_188, %select_n3A : vector<16xi1>, vector<16xf32>
      %get3A_190 = arith.constant 40 : index
      %get3A_191 = tpu.vector_load %arg10[%get3A_190] {strides = array<i32>} : memref<144xf32, #tpu.memory_space<vmem>>, vector<16xf32>,
      %get3A_192 = vector.shape_cast %get3A_191 : vector<16xf32> to vector<16xf32>
      %add3A_193 = arith.addf %scan3A_99#2, %get3A_192 : vector<16xf32>
      %swap3A_194 = arith.constant 32 : index
      %swap3A_195 = tpu.vector_load %arg10[%swap3A_194] {strides = array<i32>} : memref<144xf32, #tpu.memory_space<vmem>>, vector<16xf32>,
      %swap3A_196 = vector.shape_cast %swap3A_195 : vector<16xf32> to vector<16xf32>
      %swap3A_197 = vector.shape_cast %add3A_193 : vector<16xf32> to vector<16xf32>
      tpu.vector_store %arg10[%swap3A_194], %swap3A_197 {strides = array<i32>} : memref<144xf32, #tpu.memory_space<vmem>>, vector<16xf32>,
      %get3A_198 = arith.constant 36 : index
      %get3A_199 = tpu.vector_load %arg10[%get3A_198] {strides = array<i32>} : memref<144xf32, #tpu.memory_space<vmem>>, vector<16xf32>,
      %get3A_200 = vector.shape_cast %get3A_199 : vector<16xf32> to vector<16xf32>
      %add3A_201 = arith.addf %add3A_193, %get3A_200 : vector<16xf32>
      %swap3A_202 = arith.constant 32 : index
      %swap3A_203 = tpu.vector_load %arg10[%swap3A_202] {strides = array<i32>} : memref<144xf32, #tpu.memory_space<vmem>>, vector<16xf32>,
      %swap3A_204 = vector.shape_cast %swap3A_203 : vector<16xf32> to vector<16xf32>
      %swap3A_205 = vector.shape_cast %add3A_201 : vector<16xf32> to vector<16xf32>
      tpu.vector_store %arg10[%swap3A_202], %swap3A_205 {strides = array<i32>} : memref<144xf32, #tpu.memory_space<vmem>>, vector<16xf32>,
      %get3A_206 = arith.constant 34 : index
      %get3A_207 = tpu.vector_load %arg10[%get3A_206] {strides = array<i32>} : memref<144xf32, #tpu.memory_space<vmem>>, vector<16xf32>,
      %get3A_208 = vector.shape_cast %get3A_207 : vector<16xf32> to vector<16xf32>
      %add3A_209 = arith.addf %add3A_201, %get3A_208 : vector<16xf32>
      %slice3A_210 = vector.extract_strided_slice %add3A_209 {offsets = [0], sizes = [1], strides = [1]} : vector<16xf32> to vector<1xf32>
      %squeeze3A_211 = vector.extract %slice3A_210[0] : f32 from vector<1xf32>
      %slice3A_212 = vector.extract_strided_slice %add3A_209 {offsets = [1], sizes = [1], strides = [1]} : vector<16xf32> to vector<1xf32>
      %squeeze3A_213 = vector.extract %slice3A_212[0] : f32 from vector<1xf32>
      %add3A_214 = arith.addf %squeeze3A_211, %squeeze3A_213 : f32
      %eq3A_215 = arith.constant 2 : i32
      %eq3A_216 = vector.broadcast %eq3A_215 : i32 to vector<16xi32>
      %eq3A_217 = arith.cmpi eq, %iota3A, %eq3A_216 : vector<16xi32>
      %broadcast_in_dim3A_218 = vector.broadcast %add3A_214 : f32 to vector<16xf32>
      %select_n3A_219 = arith.select %eq3A_217, %broadcast_in_dim3A_218, %select_n3A_189 : vector<16xi1>, vector<16xf32>
      %get3A_220 = arith.constant 56 : index
      %get3A_221 = tpu.vector_load %arg10[%get3A_220] {strides = array<i32>} : memref<144xf32, #tpu.memory_space<vmem>>, vector<16xf32>,
      %get3A_222 = vector.shape_cast %get3A_221 : vector<16xf32> to vector<16xf32>
      %add3A_223 = arith.addf %scan3A_99#3, %get3A_222 : vector<16xf32>
      %swap3A_224 = arith.constant 48 : index
      %swap3A_225 = tpu.vector_load %arg10[%swap3A_224] {strides = array<i32>} : memref<144xf32, #tpu.memory_space<vmem>>, vector<16xf32>,
      %swap3A_226 = vector.shape_cast %swap3A_225 : vector<16xf32> to vector<16xf32>
      %swap3A_227 = vector.shape_cast %add3A_223 : vector<16xf32> to vector<16xf32>
      tpu.vector_store %arg10[%swap3A_224], %swap3A_227 {strides = array<i32>} : memref<144xf32, #tpu.memory_space<vmem>>, vector<16xf32>,
      %get3A_228 = arith.constant 52 : index
      %get3A_229 = tpu.vector_load %arg10[%get3A_228] {strides = array<i32>} : memref<144xf32, #tpu.memory_space<vmem>>, vector<16xf32>,
      %get3A_230 = vector.shape_cast %get3A_229 : vector<16xf32> to vector<16xf32>
      %add3A_231 = arith.addf %add3A_223, %get3A_230 : vector<16xf32>
      %swap3A_232 = arith.constant 48 : index
      %swap3A_233 = tpu.vector_load %arg10[%swap3A_232] {strides = array<i32>} : memref<144xf32, #tpu.memory_space<vmem>>, vector<16xf32>,
      %swap3A_234 = vector.shape_cast %swap3A_233 : vector<16xf32> to vector<16xf32>
      %swap3A_235 = vector.shape_cast %add3A_231 : vector<16xf32> to vector<16xf32>
      tpu.vector_store %arg10[%swap3A_232], %swap3A_235 {strides = array<i32>} : memref<144xf32, #tpu.memory_space<vmem>>, vector<16xf32>,
      %get3A_236 = arith.constant 50 : index
      %get3A_237 = tpu.vector_load %arg10[%get3A_236] {strides = array<i32>} : memref<144xf32, #tpu.memory_space<vmem>>, vector<16xf32>,
      %get3A_238 = vector.shape_cast %get3A_237 : vector<16xf32> to vector<16xf32>
      %add3A_239 = arith.addf %add3A_231, %get3A_238 : vector<16xf32>
      %slice3A_240 = vector.extract_strided_slice %add3A_239 {offsets = [0], sizes = [1], strides = [1]} : vector<16xf32> to vector<1xf32>
      %squeeze3A_241 = vector.extract %slice3A_240[0] : f32 from vector<1xf32>
      %slice3A_242 = vector.extract_strided_slice %add3A_239 {offsets = [1], sizes = [1], strides = [1]} : vector<16xf32> to vector<1xf32>
      %squeeze3A_243 = vector.extract %slice3A_242[0] : f32 from vector<1xf32>
      %add3A_244 = arith.addf %squeeze3A_241, %squeeze3A_243 : f32
      %eq3A_245 = arith.constant 3 : i32
      %eq3A_246 = vector.broadcast %eq3A_245 : i32 to vector<16xi32>
      %eq3A_247 = arith.cmpi eq, %iota3A, %eq3A_246 : vector<16xi32>
      %broadcast_in_dim3A_248 = vector.broadcast %add3A_244 : f32 to vector<16xf32>
      %select_n3A_249 = arith.select %eq3A_247, %broadcast_in_dim3A_248, %select_n3A_219 : vector<16xi1>, vector<16xf32>
      %get3A_250 = arith.constant 72 : index
      %get3A_251 = tpu.vector_load %arg10[%get3A_250] {strides = array<i32>} : memref<144xf32, #tpu.memory_space<vmem>>, vector<16xf32>,
      %get3A_252 = vector.shape_cast %get3A_251 : vector<16xf32> to vector<16xf32>
      %add3A_253 = arith.addf %scan3A_99#4, %get3A_252 : vector<16xf32>
      %swap3A_254 = arith.constant 64 : index
      %swap3A_255 = tpu.vector_load %arg10[%swap3A_254] {strides = array<i32>} : memref<144xf32, #tpu.memory_space<vmem>>, vector<16xf32>,
      %swap3A_256 = vector.shape_cast %swap3A_255 : vector<16xf32> to vector<16xf32>
      %swap3A_257 = vector.shape_cast %add3A_253 : vector<16xf32> to vector<16xf32>
      tpu.vector_store %arg10[%swap3A_254], %swap3A_257 {strides = array<i32>} : memref<144xf32, #tpu.memory_space<vmem>>, vector<16xf32>,
      %get3A_258 = arith.constant 68 : index
      %get3A_259 = tpu.vector_load %arg10[%get3A_258] {strides = array<i32>} : memref<144xf32, #tpu.memory_space<vmem>>, vector<16xf32>,
      %get3A_260 = vector.shape_cast %get3A_259 : vector<16xf32> to vector<16xf32>
      %add3A_261 = arith.addf %add3A_253, %get3A_260 : vector<16xf32>
      %swap3A_262 = arith.constant 64 : index
      %swap3A_263 = tpu.vector_load %arg10[%swap3A_262] {strides = array<i32>} : memref<144xf32, #tpu.memory_space<vmem>>, vector<16xf32>,
      %swap3A_264 = vector.shape_cast %swap3A_263 : vector<16xf32> to vector<16xf32>
      %swap3A_265 = vector.shape_cast %add3A_261 : vector<16xf32> to vector<16xf32>
      tpu.vector_store %arg10[%swap3A_262], %swap3A_265 {strides = array<i32>} : memref<144xf32, #tpu.memory_space<vmem>>, vector<16xf32>,
      %get3A_266 = arith.constant 66 : index
      %get3A_267 = tpu.vector_load %arg10[%get3A_266] {strides = array<i32>} : memref<144xf32, #tpu.memory_space<vmem>>, vector<16xf32>,
      %get3A_268 = vector.shape_cast %get3A_267 : vector<16xf32> to vector<16xf32>
      %add3A_269 = arith.addf %add3A_261, %get3A_268 : vector<16xf32>
      %slice3A_270 = vector.extract_strided_slice %add3A_269 {offsets = [0], sizes = [1], strides = [1]} : vector<16xf32> to vector<1xf32>
      %squeeze3A_271 = vector.extract %slice3A_270[0] : f32 from vector<1xf32>
      %slice3A_272 = vector.extract_strided_slice %add3A_269 {offsets = [1], sizes = [1], strides = [1]} : vector<16xf32> to vector<1xf32>
      %squeeze3A_273 = vector.extract %slice3A_272[0] : f32 from vector<1xf32>
      %add3A_274 = arith.addf %squeeze3A_271, %squeeze3A_273 : f32
      %eq3A_275 = arith.constant 4 : i32
      %eq3A_276 = vector.broadcast %eq3A_275 : i32 to vector<16xi32>
      %eq3A_277 = arith.cmpi eq, %iota3A, %eq3A_276 : vector<16xi32>
      %broadcast_in_dim3A_278 = vector.broadcast %add3A_274 : f32 to vector<16xf32>
      %select_n3A_279 = arith.select %eq3A_277, %broadcast_in_dim3A_278, %select_n3A_249 : vector<16xi1>, vector<16xf32>
      %get3A_280 = arith.constant 88 : index
      %get3A_281 = tpu.vector_load %arg10[%get3A_280] {strides = array<i32>} : memref<144xf32, #tpu.memory_space<vmem>>, vector<16xf32>,
      %get3A_282 = vector.shape_cast %get3A_281 : vector<16xf32> to vector<16xf32>
      %add3A_283 = arith.addf %scan3A_99#5, %get3A_282 : vector<16xf32>
      %swap3A_284 = arith.constant 80 : index
      %swap3A_285 = tpu.vector_load %arg10[%swap3A_284] {strides = array<i32>} : memref<144xf32, #tpu.memory_space<vmem>>, vector<16xf32>,
      %swap3A_286 = vector.shape_cast %swap3A_285 : vector<16xf32> to vector<16xf32>
      %swap3A_287 = vector.shape_cast %add3A_283 : vector<16xf32> to vector<16xf32>
      tpu.vector_store %arg10[%swap3A_284], %swap3A_287 {strides = array<i32>} : memref<144xf32, #tpu.memory_space<vmem>>, vector<16xf32>,
      %get3A_288 = arith.constant 84 : index
      %get3A_289 = tpu.vector_load %arg10[%get3A_288] {strides = array<i32>} : memref<144xf32, #tpu.memory_space<vmem>>, vector<16xf32>,
      %get3A_290 = vector.shape_cast %get3A_289 : vector<16xf32> to vector<16xf32>
      %add3A_291 = arith.addf %add3A_283, %get3A_290 : vector<16xf32>
      %swap3A_292 = arith.constant 80 : index
      %swap3A_293 = tpu.vector_load %arg10[%swap3A_292] {strides = array<i32>} : memref<144xf32, #tpu.memory_space<vmem>>, vector<16xf32>,
      %swap3A_294 = vector.shape_cast %swap3A_293 : vector<16xf32> to vector<16xf32>
      %swap3A_295 = vector.shape_cast %add3A_291 : vector<16xf32> to vector<16xf32>
      tpu.vector_store %arg10[%swap3A_292], %swap3A_295 {strides = array<i32>} : memref<144xf32, #tpu.memory_space<vmem>>, vector<16xf32>,
      %get3A_296 = arith.constant 82 : index
      %get3A_297 = tpu.vector_load %arg10[%get3A_296] {strides = array<i32>} : memref<144xf32, #tpu.memory_space<vmem>>, vector<16xf32>,
      %get3A_298 = vector.shape_cast %get3A_297 : vector<16xf32> to vector<16xf32>
      %add3A_299 = arith.addf %add3A_291, %get3A_298 : vector<16xf32>
      %slice3A_300 = vector.extract_strided_slice %add3A_299 {offsets = [0], sizes = [1], strides = [1]} : vector<16xf32> to vector<1xf32>
      %squeeze3A_301 = vector.extract %slice3A_300[0] : f32 from vector<1xf32>
      %slice3A_302 = vector.extract_strided_slice %add3A_299 {offsets = [1], sizes = [1], strides = [1]} : vector<16xf32> to vector<1xf32>
      %squeeze3A_303 = vector.extract %slice3A_302[0] : f32 from vector<1xf32>
      %add3A_304 = arith.addf %squeeze3A_301, %squeeze3A_303 : f32
      %eq3A_305 = arith.constant 5 : i32
      %eq3A_306 = vector.broadcast %eq3A_305 : i32 to vector<16xi32>
      %eq3A_307 = arith.cmpi eq, %iota3A, %eq3A_306 : vector<16xi32>
      %broadcast_in_dim3A_308 = vector.broadcast %add3A_304 : f32 to vector<16xf32>
      %select_n3A_309 = arith.select %eq3A_307, %broadcast_in_dim3A_308, %select_n3A_279 : vector<16xi1>, vector<16xf32>
      %get3A_310 = arith.constant 104 : index
      %get3A_311 = tpu.vector_load %arg10[%get3A_310] {strides = array<i32>} : memref<144xf32, #tpu.memory_space<vmem>>, vector<16xf32>,
      %get3A_312 = vector.shape_cast %get3A_311 : vector<16xf32> to vector<16xf32>
      %add3A_313 = arith.addf %scan3A_99#6, %get3A_312 : vector<16xf32>
      %swap3A_314 = arith.constant 96 : index
      %swap3A_315 = tpu.vector_load %arg10[%swap3A_314] {strides = array<i32>} : memref<144xf32, #tpu.memory_space<vmem>>, vector<16xf32>,
      %swap3A_316 = vector.shape_cast %swap3A_315 : vector<16xf32> to vector<16xf32>
      %swap3A_317 = vector.shape_cast %add3A_313 : vector<16xf32> to vector<16xf32>
      tpu.vector_store %arg10[%swap3A_314], %swap3A_317 {strides = array<i32>} : memref<144xf32, #tpu.memory_space<vmem>>, vector<16xf32>,
      %get3A_318 = arith.constant 100 : index
      %get3A_319 = tpu.vector_load %arg10[%get3A_318] {strides = array<i32>} : memref<144xf32, #tpu.memory_space<vmem>>, vector<16xf32>,
      %get3A_320 = vector.shape_cast %get3A_319 : vector<16xf32> to vector<16xf32>
      %add3A_321 = arith.addf %add3A_313, %get3A_320 : vector<16xf32>
      %swap3A_322 = arith.constant 96 : index
      %swap3A_323 = tpu.vector_load %arg10[%swap3A_322] {strides = array<i32>} : memref<144xf32, #tpu.memory_space<vmem>>, vector<16xf32>,
      %swap3A_324 = vector.shape_cast %swap3A_323 : vector<16xf32> to vector<16xf32>
      %swap3A_325 = vector.shape_cast %add3A_321 : vector<16xf32> to vector<16xf32>
      tpu.vector_store %arg10[%swap3A_322], %swap3A_325 {strides = array<i32>} : memref<144xf32, #tpu.memory_space<vmem>>, vector<16xf32>,
      %get3A_326 = arith.constant 98 : index
      %get3A_327 = tpu.vector_load %arg10[%get3A_326] {strides = array<i32>} : memref<144xf32, #tpu.memory_space<vmem>>, vector<16xf32>,
      %get3A_328 = vector.shape_cast %get3A_327 : vector<16xf32> to vector<16xf32>
      %add3A_329 = arith.addf %add3A_321, %get3A_328 : vector<16xf32>
      %slice3A_330 = vector.extract_strided_slice %add3A_329 {offsets = [0], sizes = [1], strides = [1]} : vector<16xf32> to vector<1xf32>
      %squeeze3A_331 = vector.extract %slice3A_330[0] : f32 from vector<1xf32>
      %slice3A_332 = vector.extract_strided_slice %add3A_329 {offsets = [1], sizes = [1], strides = [1]} : vector<16xf32> to vector<1xf32>
      %squeeze3A_333 = vector.extract %slice3A_332[0] : f32 from vector<1xf32>
      %add3A_334 = arith.addf %squeeze3A_331, %squeeze3A_333 : f32
      %eq3A_335 = arith.constant 6 : i32
      %eq3A_336 = vector.broadcast %eq3A_335 : i32 to vector<16xi32>
      %eq3A_337 = arith.cmpi eq, %iota3A, %eq3A_336 : vector<16xi32>
      %broadcast_in_dim3A_338 = vector.broadcast %add3A_334 : f32 to vector<16xf32>
      %select_n3A_339 = arith.select %eq3A_337, %broadcast_in_dim3A_338, %select_n3A_309 : vector<16xi1>, vector<16xf32>
      %get3A_340 = arith.constant 120 : index
      %get3A_341 = tpu.vector_load %arg10[%get3A_340] {strides = array<i32>} : memref<144xf32, #tpu.memory_space<vmem>>, vector<16xf32>,
      %get3A_342 = vector.shape_cast %get3A_341 : vector<16xf32> to vector<16xf32>
      %add3A_343 = arith.addf %scan3A_99#7, %get3A_342 : vector<16xf32>
      %swap3A_344 = arith.constant 112 : index
      %swap3A_345 = tpu.vector_load %arg10[%swap3A_344] {strides = array<i32>} : memref<144xf32, #tpu.memory_space<vmem>>, vector<16xf32>,
      %swap3A_346 = vector.shape_cast %swap3A_345 : vector<16xf32> to vector<16xf32>
      %swap3A_347 = vector.shape_cast %add3A_343 : vector<16xf32> to vector<16xf32>
      tpu.vector_store %arg10[%swap3A_344], %swap3A_347 {strides = array<i32>} : memref<144xf32, #tpu.memory_space<vmem>>, vector<16xf32>,
      %get3A_348 = arith.constant 116 : index
      %get3A_349 = tpu.vector_load %arg10[%get3A_348] {strides = array<i32>} : memref<144xf32, #tpu.memory_space<vmem>>, vector<16xf32>,
      %get3A_350 = vector.shape_cast %get3A_349 : vector<16xf32> to vector<16xf32>
      %add3A_351 = arith.addf %add3A_343, %get3A_350 : vector<16xf32>
      %swap3A_352 = arith.constant 112 : index
      %swap3A_353 = tpu.vector_load %arg10[%swap3A_352] {strides = array<i32>} : memref<144xf32, #tpu.memory_space<vmem>>, vector<16xf32>,
      %swap3A_354 = vector.shape_cast %swap3A_353 : vector<16xf32> to vector<16xf32>
      %swap3A_355 = vector.shape_cast %add3A_351 : vector<16xf32> to vector<16xf32>
      tpu.vector_store %arg10[%swap3A_352], %swap3A_355 {strides = array<i32>} : memref<144xf32, #tpu.memory_space<vmem>>, vector<16xf32>,
      %get3A_356 = arith.constant 114 : index
      %get3A_357 = tpu.vector_load %arg10[%get3A_356] {strides = array<i32>} : memref<144xf32, #tpu.memory_space<vmem>>, vector<16xf32>,
      %get3A_358 = vector.shape_cast %get3A_357 : vector<16xf32> to vector<16xf32>
      %add3A_359 = arith.addf %add3A_351, %get3A_358 : vector<16xf32>
      %slice3A_360 = vector.extract_strided_slice %add3A_359 {offsets = [0], sizes = [1], strides = [1]} : vector<16xf32> to vector<1xf32>
      %squeeze3A_361 = vector.extract %slice3A_360[0] : f32 from vector<1xf32>
      %slice3A_362 = vector.extract_strided_slice %add3A_359 {offsets = [1], sizes = [1], strides = [1]} : vector<16xf32> to vector<1xf32>
      %squeeze3A_363 = vector.extract %slice3A_362[0] : f32 from vector<1xf32>
      %add3A_364 = arith.addf %squeeze3A_361, %squeeze3A_363 : f32
      %eq3A_365 = arith.constant 7 : i32
      %eq3A_366 = vector.broadcast %eq3A_365 : i32 to vector<16xi32>
      %eq3A_367 = arith.cmpi eq, %iota3A, %eq3A_366 : vector<16xi32>
      %broadcast_in_dim3A_368 = vector.broadcast %add3A_364 : f32 to vector<16xf32>
      %select_n3A_369 = arith.select %eq3A_367, %broadcast_in_dim3A_368, %select_n3A_339 : vector<16xi1>, vector<16xf32>
      %swap3A_370 = arith.constant 0 : index
      %swap3A_371 = tpu.vector_load %arg10[%swap3A_370] {strides = array<i32>} : memref<144xf32, #tpu.memory_space<vmem>>, vector<16xf32>,
      %swap3A_372 = vector.shape_cast %swap3A_371 : vector<16xf32> to vector<16xf32>
      %swap3A_373 = vector.shape_cast %scan3A_99#8 : vector<16xf32> to vector<16xf32>
      tpu.vector_store %arg10[%swap3A_370], %swap3A_373 {strides = array<i32>} : memref<144xf32, #tpu.memory_space<vmem>>, vector<16xf32>,
      %swap3A_374 = arith.constant 16 : index
      %swap3A_375 = tpu.vector_load %arg10[%swap3A_374] {strides = array<i32>} : memref<144xf32, #tpu.memory_space<vmem>>, vector<16xf32>,
      %swap3A_376 = vector.shape_cast %swap3A_375 : vector<16xf32> to vector<16xf32>
      %swap3A_377 = vector.shape_cast %scan3A_99#9 : vector<16xf32> to vector<16xf32>
      tpu.vector_store %arg10[%swap3A_374], %swap3A_377 {strides = array<i32>} : memref<144xf32, #tpu.memory_space<vmem>>, vector<16xf32>,
      %swap3A_378 = arith.constant 32 : index
      %swap3A_379 = tpu.vector_load %arg10[%swap3A_378] {strides = array<i32>} : memref<144xf32, #tpu.memory_space<vmem>>, vector<16xf32>,
      %swap3A_380 = vector.shape_cast %swap3A_379 : vector<16xf32> to vector<16xf32>
      %swap3A_381 = vector.shape_cast %scan3A_99#10 : vector<16xf32> to vector<16xf32>
      tpu.vector_store %arg10[%swap3A_378], %swap3A_381 {strides = array<i32>} : memref<144xf32, #tpu.memory_space<vmem>>, vector<16xf32>,
      %swap3A_382 = arith.constant 48 : index
      %swap3A_383 = tpu.vector_load %arg10[%swap3A_382] {strides = array<i32>} : memref<144xf32, #tpu.memory_space<vmem>>, vector<16xf32>,
      %swap3A_384 = vector.shape_cast %swap3A_383 : vector<16xf32> to vector<16xf32>
      %swap3A_385 = vector.shape_cast %scan3A_99#11 : vector<16xf32> to vector<16xf32>
      tpu.vector_store %arg10[%swap3A_382], %swap3A_385 {strides = array<i32>} : memref<144xf32, #tpu.memory_space<vmem>>, vector<16xf32>,
      %swap3A_386 = arith.constant 64 : index
      %swap3A_387 = tpu.vector_load %arg10[%swap3A_386] {strides = array<i32>} : memref<144xf32, #tpu.memory_space<vmem>>, vector<16xf32>,
      %swap3A_388 = vector.shape_cast %swap3A_387 : vector<16xf32> to vector<16xf32>
      %swap3A_389 = vector.shape_cast %scan3A_99#12 : vector<16xf32> to vector<16xf32>
      tpu.vector_store %arg10[%swap3A_386], %swap3A_389 {strides = array<i32>} : memref<144xf32, #tpu.memory_space<vmem>>, vector<16xf32>,
      %swap3A_390 = arith.constant 80 : index
      %swap3A_391 = tpu.vector_load %arg10[%swap3A_390] {strides = array<i32>} : memref<144xf32, #tpu.memory_space<vmem>>, vector<16xf32>,
      %swap3A_392 = vector.shape_cast %swap3A_391 : vector<16xf32> to vector<16xf32>
      %swap3A_393 = vector.shape_cast %scan3A_99#13 : vector<16xf32> to vector<16xf32>
      tpu.vector_store %arg10[%swap3A_390], %swap3A_393 {strides = array<i32>} : memref<144xf32, #tpu.memory_space<vmem>>, vector<16xf32>,
      %swap3A_394 = arith.constant 96 : index
      %swap3A_395 = tpu.vector_load %arg10[%swap3A_394] {strides = array<i32>} : memref<144xf32, #tpu.memory_space<vmem>>, vector<16xf32>,
      %swap3A_396 = vector.shape_cast %swap3A_395 : vector<16xf32> to vector<16xf32>
      %swap3A_397 = vector.shape_cast %scan3A_99#14 : vector<16xf32> to vector<16xf32>
      tpu.vector_store %arg10[%swap3A_394], %swap3A_397 {strides = array<i32>} : memref<144xf32, #tpu.memory_space<vmem>>, vector<16xf32>,
      %swap3A_398 = arith.constant 112 : index
      %swap3A_399 = tpu.vector_load %arg10[%swap3A_398] {strides = array<i32>} : memref<144xf32, #tpu.memory_space<vmem>>, vector<16xf32>,
      %swap3A_400 = vector.shape_cast %swap3A_399 : vector<16xf32> to vector<16xf32>
      %swap3A_401 = vector.shape_cast %scan3A_99#15 : vector<16xf32> to vector<16xf32>
      tpu.vector_store %arg10[%swap3A_398], %swap3A_401 {strides = array<i32>} : memref<144xf32, #tpu.memory_space<vmem>>, vector<16xf32>,
      %get3A_402 = arith.constant 8 : index
      %get3A_403 = tpu.vector_load %arg10[%get3A_402] {strides = array<i32>} : memref<144xf32, #tpu.memory_space<vmem>>, vector<16xf32>,
      %get3A_404 = vector.shape_cast %get3A_403 : vector<16xf32> to vector<16xf32>
      %add3A_405 = arith.addf %scan3A_99#8, %get3A_404 : vector<16xf32>
      %swap3A_406 = arith.constant 0 : index
      %swap3A_407 = tpu.vector_load %arg10[%swap3A_406] {strides = array<i32>} : memref<144xf32, #tpu.memory_space<vmem>>, vector<16xf32>,
      %swap3A_408 = vector.shape_cast %swap3A_407 : vector<16xf32> to vector<16xf32>
      %swap3A_409 = vector.shape_cast %add3A_405 : vector<16xf32> to vector<16xf32>
      tpu.vector_store %arg10[%swap3A_406], %swap3A_409 {strides = array<i32>} : memref<144xf32, #tpu.memory_space<vmem>>, vector<16xf32>,
      %get3A_410 = arith.constant 4 : index
      %get3A_411 = tpu.vector_load %arg10[%get3A_410] {strides = array<i32>} : memref<144xf32, #tpu.memory_space<vmem>>, vector<16xf32>,
      %get3A_412 = vector.shape_cast %get3A_411 : vector<16xf32> to vector<16xf32>
      %add3A_413 = arith.addf %add3A_405, %get3A_412 : vector<16xf32>
      %swap3A_414 = arith.constant 0 : index
      %swap3A_415 = tpu.vector_load %arg10[%swap3A_414] {strides = array<i32>} : memref<144xf32, #tpu.memory_space<vmem>>, vector<16xf32>,
      %swap3A_416 = vector.shape_cast %swap3A_415 : vector<16xf32> to vector<16xf32>
      %swap3A_417 = vector.shape_cast %add3A_413 : vector<16xf32> to vector<16xf32>
      tpu.vector_store %arg10[%swap3A_414], %swap3A_417 {strides = array<i32>} : memref<144xf32, #tpu.memory_space<vmem>>, vector<16xf32>,
      %get3A_418 = arith.constant 2 : index
      %get3A_419 = tpu.vector_load %arg10[%get3A_418] {strides = array<i32>} : memref<144xf32, #tpu.memory_space<vmem>>, vector<16xf32>,
      %get3A_420 = vector.shape_cast %get3A_419 : vector<16xf32> to vector<16xf32>
      %add3A_421 = arith.addf %add3A_413, %get3A_420 : vector<16xf32>
      %slice3A_422 = vector.extract_strided_slice %add3A_421 {offsets = [0], sizes = [1], strides = [1]} : vector<16xf32> to vector<1xf32>
      %squeeze3A_423 = vector.extract %slice3A_422[0] : f32 from vector<1xf32>
      %slice3A_424 = vector.extract_strided_slice %add3A_421 {offsets = [1], sizes = [1], strides = [1]} : vector<16xf32> to vector<1xf32>
      %squeeze3A_425 = vector.extract %slice3A_424[0] : f32 from vector<1xf32>
      %add3A_426 = arith.addf %squeeze3A_423, %squeeze3A_425 : f32
      %eq3A_427 = arith.constant 8 : i32
      %eq3A_428 = vector.broadcast %eq3A_427 : i32 to vector<16xi32>
      %eq3A_429 = arith.cmpi eq, %iota3A, %eq3A_428 : vector<16xi32>
      %broadcast_in_dim3A_430 = vector.broadcast %add3A_426 : f32 to vector<16xf32>
      %select_n3A_431 = arith.select %eq3A_429, %broadcast_in_dim3A_430, %select_n3A_369 : vector<16xi1>, vector<16xf32>
      %get3A_432 = arith.constant 24 : index
      %get3A_433 = tpu.vector_load %arg10[%get3A_432] {strides = array<i32>} : memref<144xf32, #tpu.memory_space<vmem>>, vector<16xf32>,
      %get3A_434 = vector.shape_cast %get3A_433 : vector<16xf32> to vector<16xf32>
      %add3A_435 = arith.addf %scan3A_99#9, %get3A_434 : vector<16xf32>
      %swap3A_436 = arith.constant 16 : index
      %swap3A_437 = tpu.vector_load %arg10[%swap3A_436] {strides = array<i32>} : memref<144xf32, #tpu.memory_space<vmem>>, vector<16xf32>,
      %swap3A_438 = vector.shape_cast %swap3A_437 : vector<16xf32> to vector<16xf32>
      %swap3A_439 = vector.shape_cast %add3A_435 : vector<16xf32> to vector<16xf32>
      tpu.vector_store %arg10[%swap3A_436], %swap3A_439 {strides = array<i32>} : memref<144xf32, #tpu.memory_space<vmem>>, vector<16xf32>,
      %get3A_440 = arith.constant 20 : index
      %get3A_441 = tpu.vector_load %arg10[%get3A_440] {strides = array<i32>} : memref<144xf32, #tpu.memory_space<vmem>>, vector<16xf32>,
      %get3A_442 = vector.shape_cast %get3A_441 : vector<16xf32> to vector<16xf32>
      %add3A_443 = arith.addf %add3A_435, %get3A_442 : vector<16xf32>
      %swap3A_444 = arith.constant 16 : index
      %swap3A_445 = tpu.vector_load %arg10[%swap3A_444] {strides = array<i32>} : memref<144xf32, #tpu.memory_space<vmem>>, vector<16xf32>,
      %swap3A_446 = vector.shape_cast %swap3A_445 : vector<16xf32> to vector<16xf32>
      %swap3A_447 = vector.shape_cast %add3A_443 : vector<16xf32> to vector<16xf32>
      tpu.vector_store %arg10[%swap3A_444], %swap3A_447 {strides = array<i32>} : memref<144xf32, #tpu.memory_space<vmem>>, vector<16xf32>,
      %get3A_448 = arith.constant 18 : index
      %get3A_449 = tpu.vector_load %arg10[%get3A_448] {strides = array<i32>} : memref<144xf32, #tpu.memory_space<vmem>>, vector<16xf32>,
      %get3A_450 = vector.shape_cast %get3A_449 : vector<16xf32> to vector<16xf32>
      %add3A_451 = arith.addf %add3A_443, %get3A_450 : vector<16xf32>
      %slice3A_452 = vector.extract_strided_slice %add3A_451 {offsets = [0], sizes = [1], strides = [1]} : vector<16xf32> to vector<1xf32>
      %squeeze3A_453 = vector.extract %slice3A_452[0] : f32 from vector<1xf32>
      %slice3A_454 = vector.extract_strided_slice %add3A_451 {offsets = [1], sizes = [1], strides = [1]} : vector<16xf32> to vector<1xf32>
      %squeeze3A_455 = vector.extract %slice3A_454[0] : f32 from vector<1xf32>
      %add3A_456 = arith.addf %squeeze3A_453, %squeeze3A_455 : f32
      %eq3A_457 = arith.constant 9 : i32
      %eq3A_458 = vector.broadcast %eq3A_457 : i32 to vector<16xi32>
      %eq3A_459 = arith.cmpi eq, %iota3A, %eq3A_458 : vector<16xi32>
      %broadcast_in_dim3A_460 = vector.broadcast %add3A_456 : f32 to vector<16xf32>
      %select_n3A_461 = arith.select %eq3A_459, %broadcast_in_dim3A_460, %select_n3A_431 : vector<16xi1>, vector<16xf32>
      %get3A_462 = arith.constant 40 : index
      %get3A_463 = tpu.vector_load %arg10[%get3A_462] {strides = array<i32>} : memref<144xf32, #tpu.memory_space<vmem>>, vector<16xf32>,
      %get3A_464 = vector.shape_cast %get3A_463 : vector<16xf32> to vector<16xf32>
      %add3A_465 = arith.addf %scan3A_99#10, %get3A_464 : vector<16xf32>
      %swap3A_466 = arith.constant 32 : index
      %swap3A_467 = tpu.vector_load %arg10[%swap3A_466] {strides = array<i32>} : memref<144xf32, #tpu.memory_space<vmem>>, vector<16xf32>,
      %swap3A_468 = vector.shape_cast %swap3A_467 : vector<16xf32> to vector<16xf32>
      %swap3A_469 = vector.shape_cast %add3A_465 : vector<16xf32> to vector<16xf32>
      tpu.vector_store %arg10[%swap3A_466], %swap3A_469 {strides = array<i32>} : memref<144xf32, #tpu.memory_space<vmem>>, vector<16xf32>,
      %get3A_470 = arith.constant 36 : index
      %get3A_471 = tpu.vector_load %arg10[%get3A_470] {strides = array<i32>} : memref<144xf32, #tpu.memory_space<vmem>>, vector<16xf32>,
      %get3A_472 = vector.shape_cast %get3A_471 : vector<16xf32> to vector<16xf32>
      %add3A_473 = arith.addf %add3A_465, %get3A_472 : vector<16xf32>
      %swap3A_474 = arith.constant 32 : index
      %swap3A_475 = tpu.vector_load %arg10[%swap3A_474] {strides = array<i32>} : memref<144xf32, #tpu.memory_space<vmem>>, vector<16xf32>,
      %swap3A_476 = vector.shape_cast %swap3A_475 : vector<16xf32> to vector<16xf32>
      %swap3A_477 = vector.shape_cast %add3A_473 : vector<16xf32> to vector<16xf32>
      tpu.vector_store %arg10[%swap3A_474], %swap3A_477 {strides = array<i32>} : memref<144xf32, #tpu.memory_space<vmem>>, vector<16xf32>,
      %get3A_478 = arith.constant 34 : index
      %get3A_479 = tpu.vector_load %arg10[%get3A_478] {strides = array<i32>} : memref<144xf32, #tpu.memory_space<vmem>>, vector<16xf32>,
      %get3A_480 = vector.shape_cast %get3A_479 : vector<16xf32> to vector<16xf32>
      %add3A_481 = arith.addf %add3A_473, %get3A_480 : vector<16xf32>
      %slice3A_482 = vector.extract_strided_slice %add3A_481 {offsets = [0], sizes = [1], strides = [1]} : vector<16xf32> to vector<1xf32>
      %squeeze3A_483 = vector.extract %slice3A_482[0] : f32 from vector<1xf32>
      %slice3A_484 = vector.extract_strided_slice %add3A_481 {offsets = [1], sizes = [1], strides = [1]} : vector<16xf32> to vector<1xf32>
      %squeeze3A_485 = vector.extract %slice3A_484[0] : f32 from vector<1xf32>
      %add3A_486 = arith.addf %squeeze3A_483, %squeeze3A_485 : f32
      %eq3A_487 = arith.constant 10 : i32
      %eq3A_488 = vector.broadcast %eq3A_487 : i32 to vector<16xi32>
      %eq3A_489 = arith.cmpi eq, %iota3A, %eq3A_488 : vector<16xi32>
      %broadcast_in_dim3A_490 = vector.broadcast %add3A_486 : f32 to vector<16xf32>
      %select_n3A_491 = arith.select %eq3A_489, %broadcast_in_dim3A_490, %select_n3A_461 : vector<16xi1>, vector<16xf32>
      %get3A_492 = arith.constant 56 : index
      %get3A_493 = tpu.vector_load %arg10[%get3A_492] {strides = array<i32>} : memref<144xf32, #tpu.memory_space<vmem>>, vector<16xf32>,
      %get3A_494 = vector.shape_cast %get3A_493 : vector<16xf32> to vector<16xf32>
      %add3A_495 = arith.addf %scan3A_99#11, %get3A_494 : vector<16xf32>
      %swap3A_496 = arith.constant 48 : index
      %swap3A_497 = tpu.vector_load %arg10[%swap3A_496] {strides = array<i32>} : memref<144xf32, #tpu.memory_space<vmem>>, vector<16xf32>,
      %swap3A_498 = vector.shape_cast %swap3A_497 : vector<16xf32> to vector<16xf32>
      %swap3A_499 = vector.shape_cast %add3A_495 : vector<16xf32> to vector<16xf32>
      tpu.vector_store %arg10[%swap3A_496], %swap3A_499 {strides = array<i32>} : memref<144xf32, #tpu.memory_space<vmem>>, vector<16xf32>,
      %get3A_500 = arith.constant 52 : index
      %get3A_501 = tpu.vector_load %arg10[%get3A_500] {strides = array<i32>} : memref<144xf32, #tpu.memory_space<vmem>>, vector<16xf32>,
      %get3A_502 = vector.shape_cast %get3A_501 : vector<16xf32> to vector<16xf32>
      %add3A_503 = arith.addf %add3A_495, %get3A_502 : vector<16xf32>
      %swap3A_504 = arith.constant 48 : index
      %swap3A_505 = tpu.vector_load %arg10[%swap3A_504] {strides = array<i32>} : memref<144xf32, #tpu.memory_space<vmem>>, vector<16xf32>,
      %swap3A_506 = vector.shape_cast %swap3A_505 : vector<16xf32> to vector<16xf32>
      %swap3A_507 = vector.shape_cast %add3A_503 : vector<16xf32> to vector<16xf32>
      tpu.vector_store %arg10[%swap3A_504], %swap3A_507 {strides = array<i32>} : memref<144xf32, #tpu.memory_space<vmem>>, vector<16xf32>,
      %get3A_508 = arith.constant 50 : index
      %get3A_509 = tpu.vector_load %arg10[%get3A_508] {strides = array<i32>} : memref<144xf32, #tpu.memory_space<vmem>>, vector<16xf32>,
      %get3A_510 = vector.shape_cast %get3A_509 : vector<16xf32> to vector<16xf32>
      %add3A_511 = arith.addf %add3A_503, %get3A_510 : vector<16xf32>
      %slice3A_512 = vector.extract_strided_slice %add3A_511 {offsets = [0], sizes = [1], strides = [1]} : vector<16xf32> to vector<1xf32>
      %squeeze3A_513 = vector.extract %slice3A_512[0] : f32 from vector<1xf32>
      %slice3A_514 = vector.extract_strided_slice %add3A_511 {offsets = [1], sizes = [1], strides = [1]} : vector<16xf32> to vector<1xf32>
      %squeeze3A_515 = vector.extract %slice3A_514[0] : f32 from vector<1xf32>
      %add3A_516 = arith.addf %squeeze3A_513, %squeeze3A_515 : f32
      %eq3A_517 = arith.constant 11 : i32
      %eq3A_518 = vector.broadcast %eq3A_517 : i32 to vector<16xi32>
      %eq3A_519 = arith.cmpi eq, %iota3A, %eq3A_518 : vector<16xi32>
      %broadcast_in_dim3A_520 = vector.broadcast %add3A_516 : f32 to vector<16xf32>
      %select_n3A_521 = arith.select %eq3A_519, %broadcast_in_dim3A_520, %select_n3A_491 : vector<16xi1>, vector<16xf32>
      %get3A_522 = arith.constant 72 : index
      %get3A_523 = tpu.vector_load %arg10[%get3A_522] {strides = array<i32>} : memref<144xf32, #tpu.memory_space<vmem>>, vector<16xf32>,
      %get3A_524 = vector.shape_cast %get3A_523 : vector<16xf32> to vector<16xf32>
      %add3A_525 = arith.addf %scan3A_99#12, %get3A_524 : vector<16xf32>
      %swap3A_526 = arith.constant 64 : index
      %swap3A_527 = tpu.vector_load %arg10[%swap3A_526] {strides = array<i32>} : memref<144xf32, #tpu.memory_space<vmem>>, vector<16xf32>,
      %swap3A_528 = vector.shape_cast %swap3A_527 : vector<16xf32> to vector<16xf32>
      %swap3A_529 = vector.shape_cast %add3A_525 : vector<16xf32> to vector<16xf32>
      tpu.vector_store %arg10[%swap3A_526], %swap3A_529 {strides = array<i32>} : memref<144xf32, #tpu.memory_space<vmem>>, vector<16xf32>,
      %get3A_530 = arith.constant 68 : index
      %get3A_531 = tpu.vector_load %arg10[%get3A_530] {strides = array<i32>} : memref<144xf32, #tpu.memory_space<vmem>>, vector<16xf32>,
      %get3A_532 = vector.shape_cast %get3A_531 : vector<16xf32> to vector<16xf32>
      %add3A_533 = arith.addf %add3A_525, %get3A_532 : vector<16xf32>
      %swap3A_534 = arith.constant 64 : index
      %swap3A_535 = tpu.vector_load %arg10[%swap3A_534] {strides = array<i32>} : memref<144xf32, #tpu.memory_space<vmem>>, vector<16xf32>,
      %swap3A_536 = vector.shape_cast %swap3A_535 : vector<16xf32> to vector<16xf32>
      %swap3A_537 = vector.shape_cast %add3A_533 : vector<16xf32> to vector<16xf32>
      tpu.vector_store %arg10[%swap3A_534], %swap3A_537 {strides = array<i32>} : memref<144xf32, #tpu.memory_space<vmem>>, vector<16xf32>,
      %get3A_538 = arith.constant 66 : index
      %get3A_539 = tpu.vector_load %arg10[%get3A_538] {strides = array<i32>} : memref<144xf32, #tpu.memory_space<vmem>>, vector<16xf32>,
      %get3A_540 = vector.shape_cast %get3A_539 : vector<16xf32> to vector<16xf32>
      %add3A_541 = arith.addf %add3A_533, %get3A_540 : vector<16xf32>
      %slice3A_542 = vector.extract_strided_slice %add3A_541 {offsets = [0], sizes = [1], strides = [1]} : vector<16xf32> to vector<1xf32>
      %squeeze3A_543 = vector.extract %slice3A_542[0] : f32 from vector<1xf32>
      %slice3A_544 = vector.extract_strided_slice %add3A_541 {offsets = [1], sizes = [1], strides = [1]} : vector<16xf32> to vector<1xf32>
      %squeeze3A_545 = vector.extract %slice3A_544[0] : f32 from vector<1xf32>
      %add3A_546 = arith.addf %squeeze3A_543, %squeeze3A_545 : f32
      %eq3A_547 = arith.constant 12 : i32
      %eq3A_548 = vector.broadcast %eq3A_547 : i32 to vector<16xi32>
      %eq3A_549 = arith.cmpi eq, %iota3A, %eq3A_548 : vector<16xi32>
      %broadcast_in_dim3A_550 = vector.broadcast %add3A_546 : f32 to vector<16xf32>
      %select_n3A_551 = arith.select %eq3A_549, %broadcast_in_dim3A_550, %select_n3A_521 : vector<16xi1>, vector<16xf32>
      %get3A_552 = arith.constant 88 : index
      %get3A_553 = tpu.vector_load %arg10[%get3A_552] {strides = array<i32>} : memref<144xf32, #tpu.memory_space<vmem>>, vector<16xf32>,
      %get3A_554 = vector.shape_cast %get3A_553 : vector<16xf32> to vector<16xf32>
      %add3A_555 = arith.addf %scan3A_99#13, %get3A_554 : vector<16xf32>
      %swap3A_556 = arith.constant 80 : index
      %swap3A_557 = tpu.vector_load %arg10[%swap3A_556] {strides = array<i32>} : memref<144xf32, #tpu.memory_space<vmem>>, vector<16xf32>,
      %swap3A_558 = vector.shape_cast %swap3A_557 : vector<16xf32> to vector<16xf32>
      %swap3A_559 = vector.shape_cast %add3A_555 : vector<16xf32> to vector<16xf32>
      tpu.vector_store %arg10[%swap3A_556], %swap3A_559 {strides = array<i32>} : memref<144xf32, #tpu.memory_space<vmem>>, vector<16xf32>,
      %get3A_560 = arith.constant 84 : index
      %get3A_561 = tpu.vector_load %arg10[%get3A_560] {strides = array<i32>} : memref<144xf32, #tpu.memory_space<vmem>>, vector<16xf32>,
      %get3A_562 = vector.shape_cast %get3A_561 : vector<16xf32> to vector<16xf32>
      %add3A_563 = arith.addf %add3A_555, %get3A_562 : vector<16xf32>
      %swap3A_564 = arith.constant 80 : index
      %swap3A_565 = tpu.vector_load %arg10[%swap3A_564] {strides = array<i32>} : memref<144xf32, #tpu.memory_space<vmem>>, vector<16xf32>,
      %swap3A_566 = vector.shape_cast %swap3A_565 : vector<16xf32> to vector<16xf32>
      %swap3A_567 = vector.shape_cast %add3A_563 : vector<16xf32> to vector<16xf32>
      tpu.vector_store %arg10[%swap3A_564], %swap3A_567 {strides = array<i32>} : memref<144xf32, #tpu.memory_space<vmem>>, vector<16xf32>,
      %get3A_568 = arith.constant 82 : index
      %get3A_569 = tpu.vector_load %arg10[%get3A_568] {strides = array<i32>} : memref<144xf32, #tpu.memory_space<vmem>>, vector<16xf32>,
      %get3A_570 = vector.shape_cast %get3A_569 : vector<16xf32> to vector<16xf32>
      %add3A_571 = arith.addf %add3A_563, %get3A_570 : vector<16xf32>
      %slice3A_572 = vector.extract_strided_slice %add3A_571 {offsets = [0], sizes = [1], strides = [1]} : vector<16xf32> to vector<1xf32>
      %squeeze3A_573 = vector.extract %slice3A_572[0] : f32 from vector<1xf32>
      %slice3A_574 = vector.extract_strided_slice %add3A_571 {offsets = [1], sizes = [1], strides = [1]} : vector<16xf32> to vector<1xf32>
      %squeeze3A_575 = vector.extract %slice3A_574[0] : f32 from vector<1xf32>
      %add3A_576 = arith.addf %squeeze3A_573, %squeeze3A_575 : f32
      %eq3A_577 = arith.constant 13 : i32
      %eq3A_578 = vector.broadcast %eq3A_577 : i32 to vector<16xi32>
      %eq3A_579 = arith.cmpi eq, %iota3A, %eq3A_578 : vector<16xi32>
      %broadcast_in_dim3A_580 = vector.broadcast %add3A_576 : f32 to vector<16xf32>
      %select_n3A_581 = arith.select %eq3A_579, %broadcast_in_dim3A_580, %select_n3A_551 : vector<16xi1>, vector<16xf32>
      %get3A_582 = arith.constant 104 : index
      %get3A_583 = tpu.vector_load %arg10[%get3A_582] {strides = array<i32>} : memref<144xf32, #tpu.memory_space<vmem>>, vector<16xf32>,
      %get3A_584 = vector.shape_cast %get3A_583 : vector<16xf32> to vector<16xf32>
      %add3A_585 = arith.addf %scan3A_99#14, %get3A_584 : vector<16xf32>
      %swap3A_586 = arith.constant 96 : index
      %swap3A_587 = tpu.vector_load %arg10[%swap3A_586] {strides = array<i32>} : memref<144xf32, #tpu.memory_space<vmem>>, vector<16xf32>,
      %swap3A_588 = vector.shape_cast %swap3A_587 : vector<16xf32> to vector<16xf32>
      %swap3A_589 = vector.shape_cast %add3A_585 : vector<16xf32> to vector<16xf32>
      tpu.vector_store %arg10[%swap3A_586], %swap3A_589 {strides = array<i32>} : memref<144xf32, #tpu.memory_space<vmem>>, vector<16xf32>,
      %get3A_590 = arith.constant 100 : index
      %get3A_591 = tpu.vector_load %arg10[%get3A_590] {strides = array<i32>} : memref<144xf32, #tpu.memory_space<vmem>>, vector<16xf32>,
      %get3A_592 = vector.shape_cast %get3A_591 : vector<16xf32> to vector<16xf32>
      %add3A_593 = arith.addf %add3A_585, %get3A_592 : vector<16xf32>
      %swap3A_594 = arith.constant 96 : index
      %swap3A_595 = tpu.vector_load %arg10[%swap3A_594] {strides = array<i32>} : memref<144xf32, #tpu.memory_space<vmem>>, vector<16xf32>,
      %swap3A_596 = vector.shape_cast %swap3A_595 : vector<16xf32> to vector<16xf32>
      %swap3A_597 = vector.shape_cast %add3A_593 : vector<16xf32> to vector<16xf32>
      tpu.vector_store %arg10[%swap3A_594], %swap3A_597 {strides = array<i32>} : memref<144xf32, #tpu.memory_space<vmem>>, vector<16xf32>,
      %get3A_598 = arith.constant 98 : index
      %get3A_599 = tpu.vector_load %arg10[%get3A_598] {strides = array<i32>} : memref<144xf32, #tpu.memory_space<vmem>>, vector<16xf32>,
      %get3A_600 = vector.shape_cast %get3A_599 : vector<16xf32> to vector<16xf32>
      %add3A_601 = arith.addf %add3A_593, %get3A_600 : vector<16xf32>
      %slice3A_602 = vector.extract_strided_slice %add3A_601 {offsets = [0], sizes = [1], strides = [1]} : vector<16xf32> to vector<1xf32>
      %squeeze3A_603 = vector.extract %slice3A_602[0] : f32 from vector<1xf32>
      %slice3A_604 = vector.extract_strided_slice %add3A_601 {offsets = [1], sizes = [1], strides = [1]} : vector<16xf32> to vector<1xf32>
      %squeeze3A_605 = vector.extract %slice3A_604[0] : f32 from vector<1xf32>
      %add3A_606 = arith.addf %squeeze3A_603, %squeeze3A_605 : f32
      %eq3A_607 = arith.constant 14 : i32
      %eq3A_608 = vector.broadcast %eq3A_607 : i32 to vector<16xi32>
      %eq3A_609 = arith.cmpi eq, %iota3A, %eq3A_608 : vector<16xi32>
      %broadcast_in_dim3A_610 = vector.broadcast %add3A_606 : f32 to vector<16xf32>
      %select_n3A_611 = arith.select %eq3A_609, %broadcast_in_dim3A_610, %select_n3A_581 : vector<16xi1>, vector<16xf32>
      %get3A_612 = arith.constant 120 : index
      %get3A_613 = tpu.vector_load %arg10[%get3A_612] {strides = array<i32>} : memref<144xf32, #tpu.memory_space<vmem>>, vector<16xf32>,
      %get3A_614 = vector.shape_cast %get3A_613 : vector<16xf32> to vector<16xf32>
      %add3A_615 = arith.addf %scan3A_99#15, %get3A_614 : vector<16xf32>
      %swap3A_616 = arith.constant 112 : index
      %swap3A_617 = tpu.vector_load %arg10[%swap3A_616] {strides = array<i32>} : memref<144xf32, #tpu.memory_space<vmem>>, vector<16xf32>,
      %swap3A_618 = vector.shape_cast %swap3A_617 : vector<16xf32> to vector<16xf32>
      %swap3A_619 = vector.shape_cast %add3A_615 : vector<16xf32> to vector<16xf32>
      tpu.vector_store %arg10[%swap3A_616], %swap3A_619 {strides = array<i32>} : memref<144xf32, #tpu.memory_space<vmem>>, vector<16xf32>,
      %get3A_620 = arith.constant 116 : index
      %get3A_621 = tpu.vector_load %arg10[%get3A_620] {strides = array<i32>} : memref<144xf32, #tpu.memory_space<vmem>>, vector<16xf32>,
      %get3A_622 = vector.shape_cast %get3A_621 : vector<16xf32> to vector<16xf32>
      %add3A_623 = arith.addf %add3A_615, %get3A_622 : vector<16xf32>
      %swap3A_624 = arith.constant 112 : index
      %swap3A_625 = tpu.vector_load %arg10[%swap3A_624] {strides = array<i32>} : memref<144xf32, #tpu.memory_space<vmem>>, vector<16xf32>,
      %swap3A_626 = vector.shape_cast %swap3A_625 : vector<16xf32> to vector<16xf32>
      %swap3A_627 = vector.shape_cast %add3A_623 : vector<16xf32> to vector<16xf32>
      tpu.vector_store %arg10[%swap3A_624], %swap3A_627 {strides = array<i32>} : memref<144xf32, #tpu.memory_space<vmem>>, vector<16xf32>,
      %get3A_628 = arith.constant 114 : index
      %get3A_629 = tpu.vector_load %arg10[%get3A_628] {strides = array<i32>} : memref<144xf32, #tpu.memory_space<vmem>>, vector<16xf32>,
      %get3A_630 = vector.shape_cast %get3A_629 : vector<16xf32> to vector<16xf32>
      %add3A_631 = arith.addf %add3A_623, %get3A_630 : vector<16xf32>
      %slice3A_632 = vector.extract_strided_slice %add3A_631 {offsets = [0], sizes = [1], strides = [1]} : vector<16xf32> to vector<1xf32>
      %squeeze3A_633 = vector.extract %slice3A_632[0] : f32 from vector<1xf32>
      %slice3A_634 = vector.extract_strided_slice %add3A_631 {offsets = [1], sizes = [1], strides = [1]} : vector<16xf32> to vector<1xf32>
      %squeeze3A_635 = vector.extract %slice3A_634[0] : f32 from vector<1xf32>
      %add3A_636 = arith.addf %squeeze3A_633, %squeeze3A_635 : f32
      %eq3A_637 = arith.constant 15 : i32
      %eq3A_638 = vector.broadcast %eq3A_637 : i32 to vector<16xi32>
      %eq3A_639 = arith.cmpi eq, %iota3A, %eq3A_638 : vector<16xi32>
      %broadcast_in_dim3A_640 = vector.broadcast %add3A_636 : f32 to vector<16xf32>
      %select_n3A_641 = arith.select %eq3A_639, %broadcast_in_dim3A_640, %select_n3A_611 : vector<16xi1>, vector<16xf32>
      %add3A_642 = arith.addf %select_n3A_641, %get3A_4 : vector<16xf32>
      %swap3A_643 = arith.constant 0 : index
      %swap3A_644 = tpu.vector_load %arg11[%swap3A_643] {strides = array<i32>} : memref<32xf32, #tpu.memory_space<vmem>>, vector<16xf32>,
      %swap3A_645 = vector.shape_cast %swap3A_644 : vector<16xf32> to vector<16xf32>
      %swap3A_646 = vector.shape_cast %add3A_642 : vector<16xf32> to vector<16xf32>
      tpu.vector_store %arg11[%swap3A_643], %swap3A_646 {strides = array<i32>} : memref<32xf32, #tpu.memory_space<vmem>>, vector<16xf32>,
      %get3A_647 = arith.constant 4 : index
      %get3A_648 = tpu.vector_load %arg11[%get3A_647] {strides = array<i32>} : memref<32xf32, #tpu.memory_space<vmem>>, vector<16xf32>,
      %get3A_649 = vector.shape_cast %get3A_648 : vector<16xf32> to vector<16xf32>
      %max3A = arith.maximumf %add3A_642, %get3A_649 : vector<16xf32>
      %swap3A_650 = arith.constant 0 : index
      %swap3A_651 = tpu.vector_load %arg11[%swap3A_650] {strides = array<i32>} : memref<32xf32, #tpu.memory_space<vmem>>, vector<16xf32>,
      %swap3A_652 = vector.shape_cast %swap3A_651 : vector<16xf32> to vector<16xf32>
      %swap3A_653 = vector.shape_cast %max3A : vector<16xf32> to vector<16xf32>
      tpu.vector_store %arg11[%swap3A_650], %swap3A_653 {strides = array<i32>} : memref<32xf32, #tpu.memory_space<vmem>>, vector<16xf32>,
      %get3A_654 = arith.constant 2 : index
      %get3A_655 = tpu.vector_load %arg11[%get3A_654] {strides = array<i32>} : memref<32xf32, #tpu.memory_space<vmem>>, vector<16xf32>,
      %get3A_656 = vector.shape_cast %get3A_655 : vector<16xf32> to vector<16xf32>
      %max3A_657 = arith.maximumf %max3A, %get3A_656 : vector<16xf32>
      %swap3A_658 = arith.constant 0 : index
      %swap3A_659 = tpu.vector_load %arg11[%swap3A_658] {strides = array<i32>} : memref<32xf32, #tpu.memory_space<vmem>>, vector<16xf32>,
      %swap3A_660 = vector.shape_cast %swap3A_659 : vector<16xf32> to vector<16xf32>
      %swap3A_661 = vector.shape_cast %max3A_657 : vector<16xf32> to vector<16xf32>
      tpu.vector_store %arg11[%swap3A_658], %swap3A_661 {strides = array<i32>} : memref<32xf32, #tpu.memory_space<vmem>>, vector<16xf32>,
      %get3A_662 = arith.constant 1 : index
      %get3A_663 = tpu.vector_load %arg11[%get3A_662] {strides = array<i32>} : memref<32xf32, #tpu.memory_space<vmem>>, vector<16xf32>,
      %get3A_664 = vector.shape_cast %get3A_663 : vector<16xf32> to vector<16xf32>
      %max3A_665 = arith.maximumf %max3A_657, %get3A_664 : vector<16xf32>
      %slice3A_666 = vector.extract_strided_slice %max3A_665 {offsets = [0], sizes = [1], strides = [1]} : vector<16xf32> to vector<1xf32>
      %squeeze3A_667 = vector.extract %slice3A_666[0] : f32 from vector<1xf32>
      %slice3A_668 = vector.extract_strided_slice %max3A_665 {offsets = [8], sizes = [1], strides = [1]} : vector<16xf32> to vector<1xf32>
      %squeeze3A_669 = vector.extract %slice3A_668[0] : f32 from vector<1xf32>
      %broadcast_in_dim3A_670 = vector.broadcast %squeeze3A_667 : f32 to vector<16xf32>
      %broadcast_in_dim3A_671 = vector.broadcast %squeeze3A_669 : f32 to vector<16xf32>
      %select_n3A_672 = arith.select %lt3A_6, %broadcast_in_dim3A_670, %broadcast_in_dim3A_671 : vector<16xi1>, vector<16xf32>
      %sub3A = arith.subf %add3A_642, %select_n3A_672 : vector<16xf32>
      %exp3A = math.exp %sub3A : vector<16xf32>
      %swap3A_673 = arith.constant 0 : index
      %swap3A_674 = tpu.vector_load %arg11[%swap3A_673] {strides = array<i32>} : memref<32xf32, #tpu.memory_space<vmem>>, vector<16xf32>,
      %swap3A_675 = vector.shape_cast %swap3A_674 : vector<16xf32> to vector<16xf32>
      %swap3A_676 = vector.shape_cast %exp3A : vector<16xf32> to vector<16xf32>
      tpu.vector_store %arg11[%swap3A_673], %swap3A_676 {strides = array<i32>} : memref<32xf32, #tpu.memory_space<vmem>>, vector<16xf32>,
      %get3A_677 = arith.constant 4 : index
      %get3A_678 = tpu.vector_load %arg11[%get3A_677] {strides = array<i32>} : memref<32xf32, #tpu.memory_space<vmem>>, vector<16xf32>,
      %get3A_679 = vector.shape_cast %get3A_678 : vector<16xf32> to vector<16xf32>
      %add3A_680 = arith.addf %exp3A, %get3A_679 : vector<16xf32>
      %swap3A_681 = arith.constant 0 : index
      %swap3A_682 = tpu.vector_load %arg11[%swap3A_681] {strides = array<i32>} : memref<32xf32, #tpu.memory_space<vmem>>, vector<16xf32>,
      %swap3A_683 = vector.shape_cast %swap3A_682 : vector<16xf32> to vector<16xf32>
      %swap3A_684 = vector.shape_cast %add3A_680 : vector<16xf32> to vector<16xf32>
      tpu.vector_store %arg11[%swap3A_681], %swap3A_684 {strides = array<i32>} : memref<32xf32, #tpu.memory_space<vmem>>, vector<16xf32>,
      %get3A_685 = arith.constant 2 : index
      %get3A_686 = tpu.vector_load %arg11[%get3A_685] {strides = array<i32>} : memref<32xf32, #tpu.memory_space<vmem>>, vector<16xf32>,
      %get3A_687 = vector.shape_cast %get3A_686 : vector<16xf32> to vector<16xf32>
      %add3A_688 = arith.addf %add3A_680, %get3A_687 : vector<16xf32>
      %swap3A_689 = arith.constant 0 : index
      %swap3A_690 = tpu.vector_load %arg11[%swap3A_689] {strides = array<i32>} : memref<32xf32, #tpu.memory_space<vmem>>, vector<16xf32>,
      %swap3A_691 = vector.shape_cast %swap3A_690 : vector<16xf32> to vector<16xf32>
      %swap3A_692 = vector.shape_cast %add3A_688 : vector<16xf32> to vector<16xf32>
      tpu.vector_store %arg11[%swap3A_689], %swap3A_692 {strides = array<i32>} : memref<32xf32, #tpu.memory_space<vmem>>, vector<16xf32>,
      %get3A_693 = arith.constant 1 : index
      %get3A_694 = tpu.vector_load %arg11[%get3A_693] {strides = array<i32>} : memref<32xf32, #tpu.memory_space<vmem>>, vector<16xf32>,
      %get3A_695 = vector.shape_cast %get3A_694 : vector<16xf32> to vector<16xf32>
      %add3A_696 = arith.addf %add3A_688, %get3A_695 : vector<16xf32>
      %slice3A_697 = vector.extract_strided_slice %add3A_696 {offsets = [0], sizes = [1], strides = [1]} : vector<16xf32> to vector<1xf32>
      %squeeze3A_698 = vector.extract %slice3A_697[0] : f32 from vector<1xf32>
      %slice3A_699 = vector.extract_strided_slice %add3A_696 {offsets = [8], sizes = [1], strides = [1]} : vector<16xf32> to vector<1xf32>
      %squeeze3A_700 = vector.extract %slice3A_699[0] : f32 from vector<1xf32>
      %broadcast_in_dim3A_701 = vector.broadcast %squeeze3A_698 : f32 to vector<16xf32>
      %broadcast_in_dim3A_702 = vector.broadcast %squeeze3A_700 : f32 to vector<16xf32>
      %select_n3A_703 = arith.select %lt3A_6, %broadcast_in_dim3A_701, %broadcast_in_dim3A_702 : vector<16xi1>, vector<16xf32>
      %div3A = arith.divf %exp3A, %select_n3A_703 : vector<16xf32>
      %add3A_704 = arith.constant 0 : i32
      %add3A_705 = arith.addi %mul3A_85, %add3A_704 : i32
      %mul3A_706 = arith.constant 8 : i32
      %mul3A_707 = arith.muli %add3A_705, %mul3A_706 : i32
      %swap3A_708 = arith.index_cast %mul3A_707 : i32 to index
      %swap3A_709 = tpu.vector_load %arg12[%swap3A_708] {strides = array<i32>} : memref<256xf32, #tpu.memory_space<vmem>>, vector<16xf32>,
      %swap3A_710 = vector.shape_cast %swap3A_709 : vector<16xf32> to vector<16xf32>
      %swap3A_711 = vector.shape_cast %div3A : vector<16xf32> to vector<16xf32>
      tpu.vector_store %arg12[%swap3A_708], %swap3A_711 {strides = array<i32>} : memref<256xf32, #tpu.memory_space<vmem>>, vector<16xf32>,
      %broadcast_in_dim3A_712 = arith.constant 0.000000e+00 : f32
      %broadcast_in_dim3A_713 = vector.broadcast %broadcast_in_dim3A_712 : f32 to vector<16xf32>
      %swap3A_714 = arith.constant 0 : index
      %swap3A_715 = tpu.vector_load %arg10[%swap3A_714] {strides = array<i32>} : memref<144xf32, #tpu.memory_space<vmem>>, vector<16xf32>,
      %swap3A_716 = vector.shape_cast %swap3A_715 : vector<16xf32> to vector<16xf32>
      %swap3A_717 = vector.shape_cast %scan3A_99#16 : vector<16xf32> to vector<16xf32>
      tpu.vector_store %arg10[%swap3A_714], %swap3A_717 {strides = array<i32>} : memref<144xf32, #tpu.memory_space<vmem>>, vector<16xf32>,
      %swap3A_718 = arith.constant 16 : index
      %swap3A_719 = tpu.vector_load %arg10[%swap3A_718] {strides = array<i32>} : memref<144xf32, #tpu.memory_space<vmem>>, vector<16xf32>,
      %swap3A_720 = vector.shape_cast %swap3A_719 : vector<16xf32> to vector<16xf32>
      %swap3A_721 = vector.shape_cast %scan3A_99#17 : vector<16xf32> to vector<16xf32>
      tpu.vector_store %arg10[%swap3A_718], %swap3A_721 {strides = array<i32>} : memref<144xf32, #tpu.memory_space<vmem>>, vector<16xf32>,
      %swap3A_722 = arith.constant 32 : index
      %swap3A_723 = tpu.vector_load %arg10[%swap3A_722] {strides = array<i32>} : memref<144xf32, #tpu.memory_space<vmem>>, vector<16xf32>,
      %swap3A_724 = vector.shape_cast %swap3A_723 : vector<16xf32> to vector<16xf32>
      %swap3A_725 = vector.shape_cast %scan3A_99#18 : vector<16xf32> to vector<16xf32>
      tpu.vector_store %arg10[%swap3A_722], %swap3A_725 {strides = array<i32>} : memref<144xf32, #tpu.memory_space<vmem>>, vector<16xf32>,
      %swap3A_726 = arith.constant 48 : index
      %swap3A_727 = tpu.vector_load %arg10[%swap3A_726] {strides = array<i32>} : memref<144xf32, #tpu.memory_space<vmem>>, vector<16xf32>,
      %swap3A_728 = vector.shape_cast %swap3A_727 : vector<16xf32> to vector<16xf32>
      %swap3A_729 = vector.shape_cast %scan3A_99#19 : vector<16xf32> to vector<16xf32>
      tpu.vector_store %arg10[%swap3A_726], %swap3A_729 {strides = array<i32>} : memref<144xf32, #tpu.memory_space<vmem>>, vector<16xf32>,
      %swap3A_730 = arith.constant 64 : index
      %swap3A_731 = tpu.vector_load %arg10[%swap3A_730] {strides = array<i32>} : memref<144xf32, #tpu.memory_space<vmem>>, vector<16xf32>,
      %swap3A_732 = vector.shape_cast %swap3A_731 : vector<16xf32> to vector<16xf32>
      %swap3A_733 = vector.shape_cast %scan3A_99#20 : vector<16xf32> to vector<16xf32>
      tpu.vector_store %arg10[%swap3A_730], %swap3A_733 {strides = array<i32>} : memref<144xf32, #tpu.memory_space<vmem>>, vector<16xf32>,
      %swap3A_734 = arith.constant 80 : index
      %swap3A_735 = tpu.vector_load %arg10[%swap3A_734] {strides = array<i32>} : memref<144xf32, #tpu.memory_space<vmem>>, vector<16xf32>,
      %swap3A_736 = vector.shape_cast %swap3A_735 : vector<16xf32> to vector<16xf32>
      %swap3A_737 = vector.shape_cast %scan3A_99#21 : vector<16xf32> to vector<16xf32>
      tpu.vector_store %arg10[%swap3A_734], %swap3A_737 {strides = array<i32>} : memref<144xf32, #tpu.memory_space<vmem>>, vector<16xf32>,
      %swap3A_738 = arith.constant 96 : index
      %swap3A_739 = tpu.vector_load %arg10[%swap3A_738] {strides = array<i32>} : memref<144xf32, #tpu.memory_space<vmem>>, vector<16xf32>,
      %swap3A_740 = vector.shape_cast %swap3A_739 : vector<16xf32> to vector<16xf32>
      %swap3A_741 = vector.shape_cast %scan3A_99#22 : vector<16xf32> to vector<16xf32>
      tpu.vector_store %arg10[%swap3A_738], %swap3A_741 {strides = array<i32>} : memref<144xf32, #tpu.memory_space<vmem>>, vector<16xf32>,
      %swap3A_742 = arith.constant 112 : index
      %swap3A_743 = tpu.vector_load %arg10[%swap3A_742] {strides = array<i32>} : memref<144xf32, #tpu.memory_space<vmem>>, vector<16xf32>,
      %swap3A_744 = vector.shape_cast %swap3A_743 : vector<16xf32> to vector<16xf32>
      %swap3A_745 = vector.shape_cast %scan3A_99#23 : vector<16xf32> to vector<16xf32>
      tpu.vector_store %arg10[%swap3A_742], %swap3A_745 {strides = array<i32>} : memref<144xf32, #tpu.memory_space<vmem>>, vector<16xf32>,
      %get3A_746 = arith.constant 8 : index
      %get3A_747 = tpu.vector_load %arg10[%get3A_746] {strides = array<i32>} : memref<144xf32, #tpu.memory_space<vmem>>, vector<16xf32>,
      %get3A_748 = vector.shape_cast %get3A_747 : vector<16xf32> to vector<16xf32>
      %add3A_749 = arith.addf %scan3A_99#16, %get3A_748 : vector<16xf32>
      %swap3A_750 = arith.constant 0 : index
      %swap3A_751 = tpu.vector_load %arg10[%swap3A_750] {strides = array<i32>} : memref<144xf32, #tpu.memory_space<vmem>>, vector<16xf32>,
      %swap3A_752 = vector.shape_cast %swap3A_751 : vector<16xf32> to vector<16xf32>
      %swap3A_753 = vector.shape_cast %add3A_749 : vector<16xf32> to vector<16xf32>
      tpu.vector_store %arg10[%swap3A_750], %swap3A_753 {strides = array<i32>} : memref<144xf32, #tpu.memory_space<vmem>>, vector<16xf32>,
      %get3A_754 = arith.constant 4 : index
      %get3A_755 = tpu.vector_load %arg10[%get3A_754] {strides = array<i32>} : memref<144xf32, #tpu.memory_space<vmem>>, vector<16xf32>,
      %get3A_756 = vector.shape_cast %get3A_755 : vector<16xf32> to vector<16xf32>
      %add3A_757 = arith.addf %add3A_749, %get3A_756 : vector<16xf32>
      %swap3A_758 = arith.constant 0 : index
      %swap3A_759 = tpu.vector_load %arg10[%swap3A_758] {strides = array<i32>} : memref<144xf32, #tpu.memory_space<vmem>>, vector<16xf32>,
      %swap3A_760 = vector.shape_cast %swap3A_759 : vector<16xf32> to vector<16xf32>
      %swap3A_761 = vector.shape_cast %add3A_757 : vector<16xf32> to vector<16xf32>
      tpu.vector_store %arg10[%swap3A_758], %swap3A_761 {strides = array<i32>} : memref<144xf32, #tpu.memory_space<vmem>>, vector<16xf32>,
      %get3A_762 = arith.constant 2 : index
      %get3A_763 = tpu.vector_load %arg10[%get3A_762] {strides = array<i32>} : memref<144xf32, #tpu.memory_space<vmem>>, vector<16xf32>,
      %get3A_764 = vector.shape_cast %get3A_763 : vector<16xf32> to vector<16xf32>
      %add3A_765 = arith.addf %add3A_757, %get3A_764 : vector<16xf32>
      %slice3A_766 = vector.extract_strided_slice %add3A_765 {offsets = [0], sizes = [1], strides = [1]} : vector<16xf32> to vector<1xf32>
      %squeeze3A_767 = vector.extract %slice3A_766[0] : f32 from vector<1xf32>
      %slice3A_768 = vector.extract_strided_slice %add3A_765 {offsets = [1], sizes = [1], strides = [1]} : vector<16xf32> to vector<1xf32>
      %squeeze3A_769 = vector.extract %slice3A_768[0] : f32 from vector<1xf32>
      %add3A_770 = arith.addf %squeeze3A_767, %squeeze3A_769 : f32
      %eq3A_771 = arith.constant 0 : i32
      %eq3A_772 = vector.broadcast %eq3A_771 : i32 to vector<16xi32>
      %eq3A_773 = arith.cmpi eq, %iota3A, %eq3A_772 : vector<16xi32>
      %broadcast_in_dim3A_774 = vector.broadcast %add3A_770 : f32 to vector<16xf32>
      %select_n3A_775 = arith.select %eq3A_773, %broadcast_in_dim3A_774, %broadcast_in_dim3A_713 : vector<16xi1>, vector<16xf32>
      %get3A_776 = arith.constant 24 : index
      %get3A_777 = tpu.vector_load %arg10[%get3A_776] {strides = array<i32>} : memref<144xf32, #tpu.memory_space<vmem>>, vector<16xf32>,
      %get3A_778 = vector.shape_cast %get3A_777 : vector<16xf32> to vector<16xf32>
      %add3A_779 = arith.addf %scan3A_99#17, %get3A_778 : vector<16xf32>
      %swap3A_780 = arith.constant 16 : index
      %swap3A_781 = tpu.vector_load %arg10[%swap3A_780] {strides = array<i32>} : memref<144xf32, #tpu.memory_space<vmem>>, vector<16xf32>,
      %swap3A_782 = vector.shape_cast %swap3A_781 : vector<16xf32> to vector<16xf32>
      %swap3A_783 = vector.shape_cast %add3A_779 : vector<16xf32> to vector<16xf32>
      tpu.vector_store %arg10[%swap3A_780], %swap3A_783 {strides = array<i32>} : memref<144xf32, #tpu.memory_space<vmem>>, vector<16xf32>,
      %get3A_784 = arith.constant 20 : index
      %get3A_785 = tpu.vector_load %arg10[%get3A_784] {strides = array<i32>} : memref<144xf32, #tpu.memory_space<vmem>>, vector<16xf32>,
      %get3A_786 = vector.shape_cast %get3A_785 : vector<16xf32> to vector<16xf32>
      %add3A_787 = arith.addf %add3A_779, %get3A_786 : vector<16xf32>
      %swap3A_788 = arith.constant 16 : index
      %swap3A_789 = tpu.vector_load %arg10[%swap3A_788] {strides = array<i32>} : memref<144xf32, #tpu.memory_space<vmem>>, vector<16xf32>,
      %swap3A_790 = vector.shape_cast %swap3A_789 : vector<16xf32> to vector<16xf32>
      %swap3A_791 = vector.shape_cast %add3A_787 : vector<16xf32> to vector<16xf32>
      tpu.vector_store %arg10[%swap3A_788], %swap3A_791 {strides = array<i32>} : memref<144xf32, #tpu.memory_space<vmem>>, vector<16xf32>,
      %get3A_792 = arith.constant 18 : index
      %get3A_793 = tpu.vector_load %arg10[%get3A_792] {strides = array<i32>} : memref<144xf32, #tpu.memory_space<vmem>>, vector<16xf32>,
      %get3A_794 = vector.shape_cast %get3A_793 : vector<16xf32> to vector<16xf32>
      %add3A_795 = arith.addf %add3A_787, %get3A_794 : vector<16xf32>
      %slice3A_796 = vector.extract_strided_slice %add3A_795 {offsets = [0], sizes = [1], strides = [1]} : vector<16xf32> to vector<1xf32>
      %squeeze3A_797 = vector.extract %slice3A_796[0] : f32 from vector<1xf32>
      %slice3A_798 = vector.extract_strided_slice %add3A_795 {offsets = [1], sizes = [1], strides = [1]} : vector<16xf32> to vector<1xf32>
      %squeeze3A_799 = vector.extract %slice3A_798[0] : f32 from vector<1xf32>
      %add3A_800 = arith.addf %squeeze3A_797, %squeeze3A_799 : f32
      %eq3A_801 = arith.constant 1 : i32
      %eq3A_802 = vector.broadcast %eq3A_801 : i32 to vector<16xi32>
      %eq3A_803 = arith.cmpi eq, %iota3A, %eq3A_802 : vector<16xi32>
      %broadcast_in_dim3A_804 = vector.broadcast %add3A_800 : f32 to vector<16xf32>
      %select_n3A_805 = arith.select %eq3A_803, %broadcast_in_dim3A_804, %select_n3A_775 : vector<16xi1>, vector<16xf32>
      %get3A_806 = arith.constant 40 : index
      %get3A_807 = tpu.vector_load %arg10[%get3A_806] {strides = array<i32>} : memref<144xf32, #tpu.memory_space<vmem>>, vector<16xf32>,
      %get3A_808 = vector.shape_cast %get3A_807 : vector<16xf32> to vector<16xf32>
      %add3A_809 = arith.addf %scan3A_99#18, %get3A_808 : vector<16xf32>
      %swap3A_810 = arith.constant 32 : index
      %swap3A_811 = tpu.vector_load %arg10[%swap3A_810] {strides = array<i32>} : memref<144xf32, #tpu.memory_space<vmem>>, vector<16xf32>,
      %swap3A_812 = vector.shape_cast %swap3A_811 : vector<16xf32> to vector<16xf32>
      %swap3A_813 = vector.shape_cast %add3A_809 : vector<16xf32> to vector<16xf32>
      tpu.vector_store %arg10[%swap3A_810], %swap3A_813 {strides = array<i32>} : memref<144xf32, #tpu.memory_space<vmem>>, vector<16xf32>,
      %get3A_814 = arith.constant 36 : index
      %get3A_815 = tpu.vector_load %arg10[%get3A_814] {strides = array<i32>} : memref<144xf32, #tpu.memory_space<vmem>>, vector<16xf32>,
      %get3A_816 = vector.shape_cast %get3A_815 : vector<16xf32> to vector<16xf32>
      %add3A_817 = arith.addf %add3A_809, %get3A_816 : vector<16xf32>
      %swap3A_818 = arith.constant 32 : index
      %swap3A_819 = tpu.vector_load %arg10[%swap3A_818] {strides = array<i32>} : memref<144xf32, #tpu.memory_space<vmem>>, vector<16xf32>,
      %swap3A_820 = vector.shape_cast %swap3A_819 : vector<16xf32> to vector<16xf32>
      %swap3A_821 = vector.shape_cast %add3A_817 : vector<16xf32> to vector<16xf32>
      tpu.vector_store %arg10[%swap3A_818], %swap3A_821 {strides = array<i32>} : memref<144xf32, #tpu.memory_space<vmem>>, vector<16xf32>,
      %get3A_822 = arith.constant 34 : index
      %get3A_823 = tpu.vector_load %arg10[%get3A_822] {strides = array<i32>} : memref<144xf32, #tpu.memory_space<vmem>>, vector<16xf32>,
      %get3A_824 = vector.shape_cast %get3A_823 : vector<16xf32> to vector<16xf32>
      %add3A_825 = arith.addf %add3A_817, %get3A_824 : vector<16xf32>
      %slice3A_826 = vector.extract_strided_slice %add3A_825 {offsets = [0], sizes = [1], strides = [1]} : vector<16xf32> to vector<1xf32>
      %squeeze3A_827 = vector.extract %slice3A_826[0] : f32 from vector<1xf32>
      %slice3A_828 = vector.extract_strided_slice %add3A_825 {offsets = [1], sizes = [1], strides = [1]} : vector<16xf32> to vector<1xf32>
      %squeeze3A_829 = vector.extract %slice3A_828[0] : f32 from vector<1xf32>
      %add3A_830 = arith.addf %squeeze3A_827, %squeeze3A_829 : f32
      %eq3A_831 = arith.constant 2 : i32
      %eq3A_832 = vector.broadcast %eq3A_831 : i32 to vector<16xi32>
      %eq3A_833 = arith.cmpi eq, %iota3A, %eq3A_832 : vector<16xi32>
      %broadcast_in_dim3A_834 = vector.broadcast %add3A_830 : f32 to vector<16xf32>
      %select_n3A_835 = arith.select %eq3A_833, %broadcast_in_dim3A_834, %select_n3A_805 : vector<16xi1>, vector<16xf32>
      %get3A_836 = arith.constant 56 : index
      %get3A_837 = tpu.vector_load %arg10[%get3A_836] {strides = array<i32>} : memref<144xf32, #tpu.memory_space<vmem>>, vector<16xf32>,
      %get3A_838 = vector.shape_cast %get3A_837 : vector<16xf32> to vector<16xf32>
      %add3A_839 = arith.addf %scan3A_99#19, %get3A_838 : vector<16xf32>
      %swap3A_840 = arith.constant 48 : index
      %swap3A_841 = tpu.vector_load %arg10[%swap3A_840] {strides = array<i32>} : memref<144xf32, #tpu.memory_space<vmem>>, vector<16xf32>,
      %swap3A_842 = vector.shape_cast %swap3A_841 : vector<16xf32> to vector<16xf32>
      %swap3A_843 = vector.shape_cast %add3A_839 : vector<16xf32> to vector<16xf32>
      tpu.vector_store %arg10[%swap3A_840], %swap3A_843 {strides = array<i32>} : memref<144xf32, #tpu.memory_space<vmem>>, vector<16xf32>,
      %get3A_844 = arith.constant 52 : index
      %get3A_845 = tpu.vector_load %arg10[%get3A_844] {strides = array<i32>} : memref<144xf32, #tpu.memory_space<vmem>>, vector<16xf32>,
      %get3A_846 = vector.shape_cast %get3A_845 : vector<16xf32> to vector<16xf32>
      %add3A_847 = arith.addf %add3A_839, %get3A_846 : vector<16xf32>
      %swap3A_848 = arith.constant 48 : index
      %swap3A_849 = tpu.vector_load %arg10[%swap3A_848] {strides = array<i32>} : memref<144xf32, #tpu.memory_space<vmem>>, vector<16xf32>,
      %swap3A_850 = vector.shape_cast %swap3A_849 : vector<16xf32> to vector<16xf32>
      %swap3A_851 = vector.shape_cast %add3A_847 : vector<16xf32> to vector<16xf32>
      tpu.vector_store %arg10[%swap3A_848], %swap3A_851 {strides = array<i32>} : memref<144xf32, #tpu.memory_space<vmem>>, vector<16xf32>,
      %get3A_852 = arith.constant 50 : index
      %get3A_853 = tpu.vector_load %arg10[%get3A_852] {strides = array<i32>} : memref<144xf32, #tpu.memory_space<vmem>>, vector<16xf32>,
      %get3A_854 = vector.shape_cast %get3A_853 : vector<16xf32> to vector<16xf32>
      %add3A_855 = arith.addf %add3A_847, %get3A_854 : vector<16xf32>
      %slice3A_856 = vector.extract_strided_slice %add3A_855 {offsets = [0], sizes = [1], strides = [1]} : vector<16xf32> to vector<1xf32>
      %squeeze3A_857 = vector.extract %slice3A_856[0] : f32 from vector<1xf32>
      %slice3A_858 = vector.extract_strided_slice %add3A_855 {offsets = [1], sizes = [1], strides = [1]} : vector<16xf32> to vector<1xf32>
      %squeeze3A_859 = vector.extract %slice3A_858[0] : f32 from vector<1xf32>
      %add3A_860 = arith.addf %squeeze3A_857, %squeeze3A_859 : f32
      %eq3A_861 = arith.constant 3 : i32
      %eq3A_862 = vector.broadcast %eq3A_861 : i32 to vector<16xi32>
      %eq3A_863 = arith.cmpi eq, %iota3A, %eq3A_862 : vector<16xi32>
      %broadcast_in_dim3A_864 = vector.broadcast %add3A_860 : f32 to vector<16xf32>
      %select_n3A_865 = arith.select %eq3A_863, %broadcast_in_dim3A_864, %select_n3A_835 : vector<16xi1>, vector<16xf32>
      %get3A_866 = arith.constant 72 : index
      %get3A_867 = tpu.vector_load %arg10[%get3A_866] {strides = array<i32>} : memref<144xf32, #tpu.memory_space<vmem>>, vector<16xf32>,
      %get3A_868 = vector.shape_cast %get3A_867 : vector<16xf32> to vector<16xf32>
      %add3A_869 = arith.addf %scan3A_99#20, %get3A_868 : vector<16xf32>
      %swap3A_870 = arith.constant 64 : index
      %swap3A_871 = tpu.vector_load %arg10[%swap3A_870] {strides = array<i32>} : memref<144xf32, #tpu.memory_space<vmem>>, vector<16xf32>,
      %swap3A_872 = vector.shape_cast %swap3A_871 : vector<16xf32> to vector<16xf32>
      %swap3A_873 = vector.shape_cast %add3A_869 : vector<16xf32> to vector<16xf32>
      tpu.vector_store %arg10[%swap3A_870], %swap3A_873 {strides = array<i32>} : memref<144xf32, #tpu.memory_space<vmem>>, vector<16xf32>,
      %get3A_874 = arith.constant 68 : index
      %get3A_875 = tpu.vector_load %arg10[%get3A_874] {strides = array<i32>} : memref<144xf32, #tpu.memory_space<vmem>>, vector<16xf32>,
      %get3A_876 = vector.shape_cast %get3A_875 : vector<16xf32> to vector<16xf32>
      %add3A_877 = arith.addf %add3A_869, %get3A_876 : vector<16xf32>
      %swap3A_878 = arith.constant 64 : index
      %swap3A_879 = tpu.vector_load %arg10[%swap3A_878] {strides = array<i32>} : memref<144xf32, #tpu.memory_space<vmem>>, vector<16xf32>,
      %swap3A_880 = vector.shape_cast %swap3A_879 : vector<16xf32> to vector<16xf32>
      %swap3A_881 = vector.shape_cast %add3A_877 : vector<16xf32> to vector<16xf32>
      tpu.vector_store %arg10[%swap3A_878], %swap3A_881 {strides = array<i32>} : memref<144xf32, #tpu.memory_space<vmem>>, vector<16xf32>,
      %get3A_882 = arith.constant 66 : index
      %get3A_883 = tpu.vector_load %arg10[%get3A_882] {strides = array<i32>} : memref<144xf32, #tpu.memory_space<vmem>>, vector<16xf32>,
      %get3A_884 = vector.shape_cast %get3A_883 : vector<16xf32> to vector<16xf32>
      %add3A_885 = arith.addf %add3A_877, %get3A_884 : vector<16xf32>
      %slice3A_886 = vector.extract_strided_slice %add3A_885 {offsets = [0], sizes = [1], strides = [1]} : vector<16xf32> to vector<1xf32>
      %squeeze3A_887 = vector.extract %slice3A_886[0] : f32 from vector<1xf32>
      %slice3A_888 = vector.extract_strided_slice %add3A_885 {offsets = [1], sizes = [1], strides = [1]} : vector<16xf32> to vector<1xf32>
      %squeeze3A_889 = vector.extract %slice3A_888[0] : f32 from vector<1xf32>
      %add3A_890 = arith.addf %squeeze3A_887, %squeeze3A_889 : f32
      %eq3A_891 = arith.constant 4 : i32
      %eq3A_892 = vector.broadcast %eq3A_891 : i32 to vector<16xi32>
      %eq3A_893 = arith.cmpi eq, %iota3A, %eq3A_892 : vector<16xi32>
      %broadcast_in_dim3A_894 = vector.broadcast %add3A_890 : f32 to vector<16xf32>
      %select_n3A_895 = arith.select %eq3A_893, %broadcast_in_dim3A_894, %select_n3A_865 : vector<16xi1>, vector<16xf32>
      %get3A_896 = arith.constant 88 : index
      %get3A_897 = tpu.vector_load %arg10[%get3A_896] {strides = array<i32>} : memref<144xf32, #tpu.memory_space<vmem>>, vector<16xf32>,
      %get3A_898 = vector.shape_cast %get3A_897 : vector<16xf32> to vector<16xf32>
      %add3A_899 = arith.addf %scan3A_99#21, %get3A_898 : vector<16xf32>
      %swap3A_900 = arith.constant 80 : index
      %swap3A_901 = tpu.vector_load %arg10[%swap3A_900] {strides = array<i32>} : memref<144xf32, #tpu.memory_space<vmem>>, vector<16xf32>,
      %swap3A_902 = vector.shape_cast %swap3A_901 : vector<16xf32> to vector<16xf32>
      %swap3A_903 = vector.shape_cast %add3A_899 : vector<16xf32> to vector<16xf32>
      tpu.vector_store %arg10[%swap3A_900], %swap3A_903 {strides = array<i32>} : memref<144xf32, #tpu.memory_space<vmem>>, vector<16xf32>,
      %get3A_904 = arith.constant 84 : index
      %get3A_905 = tpu.vector_load %arg10[%get3A_904] {strides = array<i32>} : memref<144xf32, #tpu.memory_space<vmem>>, vector<16xf32>,
      %get3A_906 = vector.shape_cast %get3A_905 : vector<16xf32> to vector<16xf32>
      %add3A_907 = arith.addf %add3A_899, %get3A_906 : vector<16xf32>
      %swap3A_908 = arith.constant 80 : index
      %swap3A_909 = tpu.vector_load %arg10[%swap3A_908] {strides = array<i32>} : memref<144xf32, #tpu.memory_space<vmem>>, vector<16xf32>,
      %swap3A_910 = vector.shape_cast %swap3A_909 : vector<16xf32> to vector<16xf32>
      %swap3A_911 = vector.shape_cast %add3A_907 : vector<16xf32> to vector<16xf32>
      tpu.vector_store %arg10[%swap3A_908], %swap3A_911 {strides = array<i32>} : memref<144xf32, #tpu.memory_space<vmem>>, vector<16xf32>,
      %get3A_912 = arith.constant 82 : index
      %get3A_913 = tpu.vector_load %arg10[%get3A_912] {strides = array<i32>} : memref<144xf32, #tpu.memory_space<vmem>>, vector<16xf32>,
      %get3A_914 = vector.shape_cast %get3A_913 : vector<16xf32> to vector<16xf32>
      %add3A_915 = arith.addf %add3A_907, %get3A_914 : vector<16xf32>
      %slice3A_916 = vector.extract_strided_slice %add3A_915 {offsets = [0], sizes = [1], strides = [1]} : vector<16xf32> to vector<1xf32>
      %squeeze3A_917 = vector.extract %slice3A_916[0] : f32 from vector<1xf32>
      %slice3A_918 = vector.extract_strided_slice %add3A_915 {offsets = [1], sizes = [1], strides = [1]} : vector<16xf32> to vector<1xf32>
      %squeeze3A_919 = vector.extract %slice3A_918[0] : f32 from vector<1xf32>
      %add3A_920 = arith.addf %squeeze3A_917, %squeeze3A_919 : f32
      %eq3A_921 = arith.constant 5 : i32
      %eq3A_922 = vector.broadcast %eq3A_921 : i32 to vector<16xi32>
      %eq3A_923 = arith.cmpi eq, %iota3A, %eq3A_922 : vector<16xi32>
      %broadcast_in_dim3A_924 = vector.broadcast %add3A_920 : f32 to vector<16xf32>
      %select_n3A_925 = arith.select %eq3A_923, %broadcast_in_dim3A_924, %select_n3A_895 : vector<16xi1>, vector<16xf32>
      %get3A_926 = arith.constant 104 : index
      %get3A_927 = tpu.vector_load %arg10[%get3A_926] {strides = array<i32>} : memref<144xf32, #tpu.memory_space<vmem>>, vector<16xf32>,
      %get3A_928 = vector.shape_cast %get3A_927 : vector<16xf32> to vector<16xf32>
      %add3A_929 = arith.addf %scan3A_99#22, %get3A_928 : vector<16xf32>
      %swap3A_930 = arith.constant 96 : index
      %swap3A_931 = tpu.vector_load %arg10[%swap3A_930] {strides = array<i32>} : memref<144xf32, #tpu.memory_space<vmem>>, vector<16xf32>,
      %swap3A_932 = vector.shape_cast %swap3A_931 : vector<16xf32> to vector<16xf32>
      %swap3A_933 = vector.shape_cast %add3A_929 : vector<16xf32> to vector<16xf32>
      tpu.vector_store %arg10[%swap3A_930], %swap3A_933 {strides = array<i32>} : memref<144xf32, #tpu.memory_space<vmem>>, vector<16xf32>,
      %get3A_934 = arith.constant 100 : index
      %get3A_935 = tpu.vector_load %arg10[%get3A_934] {strides = array<i32>} : memref<144xf32, #tpu.memory_space<vmem>>, vector<16xf32>,
      %get3A_936 = vector.shape_cast %get3A_935 : vector<16xf32> to vector<16xf32>
      %add3A_937 = arith.addf %add3A_929, %get3A_936 : vector<16xf32>
      %swap3A_938 = arith.constant 96 : index
      %swap3A_939 = tpu.vector_load %arg10[%swap3A_938] {strides = array<i32>} : memref<144xf32, #tpu.memory_space<vmem>>, vector<16xf32>,
      %swap3A_940 = vector.shape_cast %swap3A_939 : vector<16xf32> to vector<16xf32>
      %swap3A_941 = vector.shape_cast %add3A_937 : vector<16xf32> to vector<16xf32>
      tpu.vector_store %arg10[%swap3A_938], %swap3A_941 {strides = array<i32>} : memref<144xf32, #tpu.memory_space<vmem>>, vector<16xf32>,
      %get3A_942 = arith.constant 98 : index
      %get3A_943 = tpu.vector_load %arg10[%get3A_942] {strides = array<i32>} : memref<144xf32, #tpu.memory_space<vmem>>, vector<16xf32>,
      %get3A_944 = vector.shape_cast %get3A_943 : vector<16xf32> to vector<16xf32>
      %add3A_945 = arith.addf %add3A_937, %get3A_944 : vector<16xf32>
      %slice3A_946 = vector.extract_strided_slice %add3A_945 {offsets = [0], sizes = [1], strides = [1]} : vector<16xf32> to vector<1xf32>
      %squeeze3A_947 = vector.extract %slice3A_946[0] : f32 from vector<1xf32>
      %slice3A_948 = vector.extract_strided_slice %add3A_945 {offsets = [1], sizes = [1], strides = [1]} : vector<16xf32> to vector<1xf32>
      %squeeze3A_949 = vector.extract %slice3A_948[0] : f32 from vector<1xf32>
      %add3A_950 = arith.addf %squeeze3A_947, %squeeze3A_949 : f32
      %eq3A_951 = arith.constant 6 : i32
      %eq3A_952 = vector.broadcast %eq3A_951 : i32 to vector<16xi32>
      %eq3A_953 = arith.cmpi eq, %iota3A, %eq3A_952 : vector<16xi32>
      %broadcast_in_dim3A_954 = vector.broadcast %add3A_950 : f32 to vector<16xf32>
      %select_n3A_955 = arith.select %eq3A_953, %broadcast_in_dim3A_954, %select_n3A_925 : vector<16xi1>, vector<16xf32>
      %get3A_956 = arith.constant 120 : index
      %get3A_957 = tpu.vector_load %arg10[%get3A_956] {strides = array<i32>} : memref<144xf32, #tpu.memory_space<vmem>>, vector<16xf32>,
      %get3A_958 = vector.shape_cast %get3A_957 : vector<16xf32> to vector<16xf32>
      %add3A_959 = arith.addf %scan3A_99#23, %get3A_958 : vector<16xf32>
      %swap3A_960 = arith.constant 112 : index
      %swap3A_961 = tpu.vector_load %arg10[%swap3A_960] {strides = array<i32>} : memref<144xf32, #tpu.memory_space<vmem>>, vector<16xf32>,
      %swap3A_962 = vector.shape_cast %swap3A_961 : vector<16xf32> to vector<16xf32>
      %swap3A_963 = vector.shape_cast %add3A_959 : vector<16xf32> to vector<16xf32>
      tpu.vector_store %arg10[%swap3A_960], %swap3A_963 {strides = array<i32>} : memref<144xf32, #tpu.memory_space<vmem>>, vector<16xf32>,
      %get3A_964 = arith.constant 116 : index
      %get3A_965 = tpu.vector_load %arg10[%get3A_964] {strides = array<i32>} : memref<144xf32, #tpu.memory_space<vmem>>, vector<16xf32>,
      %get3A_966 = vector.shape_cast %get3A_965 : vector<16xf32> to vector<16xf32>
      %add3A_967 = arith.addf %add3A_959, %get3A_966 : vector<16xf32>
      %swap3A_968 = arith.constant 112 : index
      %swap3A_969 = tpu.vector_load %arg10[%swap3A_968] {strides = array<i32>} : memref<144xf32, #tpu.memory_space<vmem>>, vector<16xf32>,
      %swap3A_970 = vector.shape_cast %swap3A_969 : vector<16xf32> to vector<16xf32>
      %swap3A_971 = vector.shape_cast %add3A_967 : vector<16xf32> to vector<16xf32>
      tpu.vector_store %arg10[%swap3A_968], %swap3A_971 {strides = array<i32>} : memref<144xf32, #tpu.memory_space<vmem>>, vector<16xf32>,
      %get3A_972 = arith.constant 114 : index
      %get3A_973 = tpu.vector_load %arg10[%get3A_972] {strides = array<i32>} : memref<144xf32, #tpu.memory_space<vmem>>, vector<16xf32>,
      %get3A_974 = vector.shape_cast %get3A_973 : vector<16xf32> to vector<16xf32>
      %add3A_975 = arith.addf %add3A_967, %get3A_974 : vector<16xf32>
      %slice3A_976 = vector.extract_strided_slice %add3A_975 {offsets = [0], sizes = [1], strides = [1]} : vector<16xf32> to vector<1xf32>
      %squeeze3A_977 = vector.extract %slice3A_976[0] : f32 from vector<1xf32>
      %slice3A_978 = vector.extract_strided_slice %add3A_975 {offsets = [1], sizes = [1], strides = [1]} : vector<16xf32> to vector<1xf32>
      %squeeze3A_979 = vector.extract %slice3A_978[0] : f32 from vector<1xf32>
      %add3A_980 = arith.addf %squeeze3A_977, %squeeze3A_979 : f32
      %eq3A_981 = arith.constant 7 : i32
      %eq3A_982 = vector.broadcast %eq3A_981 : i32 to vector<16xi32>
      %eq3A_983 = arith.cmpi eq, %iota3A, %eq3A_982 : vector<16xi32>
      %broadcast_in_dim3A_984 = vector.broadcast %add3A_980 : f32 to vector<16xf32>
      %select_n3A_985 = arith.select %eq3A_983, %broadcast_in_dim3A_984, %select_n3A_955 : vector<16xi1>, vector<16xf32>
      %swap3A_986 = arith.constant 0 : index
      %swap3A_987 = tpu.vector_load %arg10[%swap3A_986] {strides = array<i32>} : memref<144xf32, #tpu.memory_space<vmem>>, vector<16xf32>,
      %swap3A_988 = vector.shape_cast %swap3A_987 : vector<16xf32> to vector<16xf32>
      %swap3A_989 = vector.shape_cast %scan3A_99#24 : vector<16xf32> to vector<16xf32>
      tpu.vector_store %arg10[%swap3A_986], %swap3A_989 {strides = array<i32>} : memref<144xf32, #tpu.memory_space<vmem>>, vector<16xf32>,
      %swap3A_990 = arith.constant 16 : index
      %swap3A_991 = tpu.vector_load %arg10[%swap3A_990] {strides = array<i32>} : memref<144xf32, #tpu.memory_space<vmem>>, vector<16xf32>,
      %swap3A_992 = vector.shape_cast %swap3A_991 : vector<16xf32> to vector<16xf32>
      %swap3A_993 = vector.shape_cast %scan3A_99#25 : vector<16xf32> to vector<16xf32>
      tpu.vector_store %arg10[%swap3A_990], %swap3A_993 {strides = array<i32>} : memref<144xf32, #tpu.memory_space<vmem>>, vector<16xf32>,
      %swap3A_994 = arith.constant 32 : index
      %swap3A_995 = tpu.vector_load %arg10[%swap3A_994] {strides = array<i32>} : memref<144xf32, #tpu.memory_space<vmem>>, vector<16xf32>,
      %swap3A_996 = vector.shape_cast %swap3A_995 : vector<16xf32> to vector<16xf32>
      %swap3A_997 = vector.shape_cast %scan3A_99#26 : vector<16xf32> to vector<16xf32>
      tpu.vector_store %arg10[%swap3A_994], %swap3A_997 {strides = array<i32>} : memref<144xf32, #tpu.memory_space<vmem>>, vector<16xf32>,
      %swap3A_998 = arith.constant 48 : index
      %swap3A_999 = tpu.vector_load %arg10[%swap3A_998] {strides = array<i32>} : memref<144xf32, #tpu.memory_space<vmem>>, vector<16xf32>,
      %swap3A_1000 = vector.shape_cast %swap3A_999 : vector<16xf32> to vector<16xf32>
      %swap3A_1001 = vector.shape_cast %scan3A_99#27 : vector<16xf32> to vector<16xf32>
      tpu.vector_store %arg10[%swap3A_998], %swap3A_1001 {strides = array<i32>} : memref<144xf32, #tpu.memory_space<vmem>>, vector<16xf32>,
      %swap3A_1002 = arith.constant 64 : index
      %swap3A_1003 = tpu.vector_load %arg10[%swap3A_1002] {strides = array<i32>} : memref<144xf32, #tpu.memory_space<vmem>>, vector<16xf32>,
      %swap3A_1004 = vector.shape_cast %swap3A_1003 : vector<16xf32> to vector<16xf32>
      %swap3A_1005 = vector.shape_cast %scan3A_99#28 : vector<16xf32> to vector<16xf32>
      tpu.vector_store %arg10[%swap3A_1002], %swap3A_1005 {strides = array<i32>} : memref<144xf32, #tpu.memory_space<vmem>>, vector<16xf32>,
      %swap3A_1006 = arith.constant 80 : index
      %swap3A_1007 = tpu.vector_load %arg10[%swap3A_1006] {strides = array<i32>} : memref<144xf32, #tpu.memory_space<vmem>>, vector<16xf32>,
      %swap3A_1008 = vector.shape_cast %swap3A_1007 : vector<16xf32> to vector<16xf32>
      %swap3A_1009 = vector.shape_cast %scan3A_99#29 : vector<16xf32> to vector<16xf32>
      tpu.vector_store %arg10[%swap3A_1006], %swap3A_1009 {strides = array<i32>} : memref<144xf32, #tpu.memory_space<vmem>>, vector<16xf32>,
      %swap3A_1010 = arith.constant 96 : index
      %swap3A_1011 = tpu.vector_load %arg10[%swap3A_1010] {strides = array<i32>} : memref<144xf32, #tpu.memory_space<vmem>>, vector<16xf32>,
      %swap3A_1012 = vector.shape_cast %swap3A_1011 : vector<16xf32> to vector<16xf32>
      %swap3A_1013 = vector.shape_cast %scan3A_99#30 : vector<16xf32> to vector<16xf32>
      tpu.vector_store %arg10[%swap3A_1010], %swap3A_1013 {strides = array<i32>} : memref<144xf32, #tpu.memory_space<vmem>>, vector<16xf32>,
      %swap3A_1014 = arith.constant 112 : index
      %swap3A_1015 = tpu.vector_load %arg10[%swap3A_1014] {strides = array<i32>} : memref<144xf32, #tpu.memory_space<vmem>>, vector<16xf32>,
      %swap3A_1016 = vector.shape_cast %swap3A_1015 : vector<16xf32> to vector<16xf32>
      %swap3A_1017 = vector.shape_cast %scan3A_99#31 : vector<16xf32> to vector<16xf32>
      tpu.vector_store %arg10[%swap3A_1014], %swap3A_1017 {strides = array<i32>} : memref<144xf32, #tpu.memory_space<vmem>>, vector<16xf32>,
      %get3A_1018 = arith.constant 8 : index
      %get3A_1019 = tpu.vector_load %arg10[%get3A_1018] {strides = array<i32>} : memref<144xf32, #tpu.memory_space<vmem>>, vector<16xf32>,
      %get3A_1020 = vector.shape_cast %get3A_1019 : vector<16xf32> to vector<16xf32>
      %add3A_1021 = arith.addf %scan3A_99#24, %get3A_1020 : vector<16xf32>
      %swap3A_1022 = arith.constant 0 : index
      %swap3A_1023 = tpu.vector_load %arg10[%swap3A_1022] {strides = array<i32>} : memref<144xf32, #tpu.memory_space<vmem>>, vector<16xf32>,
      %swap3A_1024 = vector.shape_cast %swap3A_1023 : vector<16xf32> to vector<16xf32>
      %swap3A_1025 = vector.shape_cast %add3A_1021 : vector<16xf32> to vector<16xf32>
      tpu.vector_store %arg10[%swap3A_1022], %swap3A_1025 {strides = array<i32>} : memref<144xf32, #tpu.memory_space<vmem>>, vector<16xf32>,
      %get3A_1026 = arith.constant 4 : index
      %get3A_1027 = tpu.vector_load %arg10[%get3A_1026] {strides = array<i32>} : memref<144xf32, #tpu.memory_space<vmem>>, vector<16xf32>,
      %get3A_1028 = vector.shape_cast %get3A_1027 : vector<16xf32> to vector<16xf32>
      %add3A_1029 = arith.addf %add3A_1021, %get3A_1028 : vector<16xf32>
      %swap3A_1030 = arith.constant 0 : index
      %swap3A_1031 = tpu.vector_load %arg10[%swap3A_1030] {strides = array<i32>} : memref<144xf32, #tpu.memory_space<vmem>>, vector<16xf32>,
      %swap3A_1032 = vector.shape_cast %swap3A_1031 : vector<16xf32> to vector<16xf32>
      %swap3A_1033 = vector.shape_cast %add3A_1029 : vector<16xf32> to vector<16xf32>
      tpu.vector_store %arg10[%swap3A_1030], %swap3A_1033 {strides = array<i32>} : memref<144xf32, #tpu.memory_space<vmem>>, vector<16xf32>,
      %get3A_1034 = arith.constant 2 : index
      %get3A_1035 = tpu.vector_load %arg10[%get3A_1034] {strides = array<i32>} : memref<144xf32, #tpu.memory_space<vmem>>, vector<16xf32>,
      %get3A_1036 = vector.shape_cast %get3A_1035 : vector<16xf32> to vector<16xf32>
      %add3A_1037 = arith.addf %add3A_1029, %get3A_1036 : vector<16xf32>
      %slice3A_1038 = vector.extract_strided_slice %add3A_1037 {offsets = [0], sizes = [1], strides = [1]} : vector<16xf32> to vector<1xf32>
      %squeeze3A_1039 = vector.extract %slice3A_1038[0] : f32 from vector<1xf32>
      %slice3A_1040 = vector.extract_strided_slice %add3A_1037 {offsets = [1], sizes = [1], strides = [1]} : vector<16xf32> to vector<1xf32>
      %squeeze3A_1041 = vector.extract %slice3A_1040[0] : f32 from vector<1xf32>
      %add3A_1042 = arith.addf %squeeze3A_1039, %squeeze3A_1041 : f32
      %eq3A_1043 = arith.constant 8 : i32
      %eq3A_1044 = vector.broadcast %eq3A_1043 : i32 to vector<16xi32>
      %eq3A_1045 = arith.cmpi eq, %iota3A, %eq3A_1044 : vector<16xi32>
      %broadcast_in_dim3A_1046 = vector.broadcast %add3A_1042 : f32 to vector<16xf32>
      %select_n3A_1047 = arith.select %eq3A_1045, %broadcast_in_dim3A_1046, %select_n3A_985 : vector<16xi1>, vector<16xf32>
      %get3A_1048 = arith.constant 24 : index
      %get3A_1049 = tpu.vector_load %arg10[%get3A_1048] {strides = array<i32>} : memref<144xf32, #tpu.memory_space<vmem>>, vector<16xf32>,
      %get3A_1050 = vector.shape_cast %get3A_1049 : vector<16xf32> to vector<16xf32>
      %add3A_1051 = arith.addf %scan3A_99#25, %get3A_1050 : vector<16xf32>
      %swap3A_1052 = arith.constant 16 : index
      %swap3A_1053 = tpu.vector_load %arg10[%swap3A_1052] {strides = array<i32>} : memref<144xf32, #tpu.memory_space<vmem>>, vector<16xf32>,
      %swap3A_1054 = vector.shape_cast %swap3A_1053 : vector<16xf32> to vector<16xf32>
      %swap3A_1055 = vector.shape_cast %add3A_1051 : vector<16xf32> to vector<16xf32>
      tpu.vector_store %arg10[%swap3A_1052], %swap3A_1055 {strides = array<i32>} : memref<144xf32, #tpu.memory_space<vmem>>, vector<16xf32>,
      %get3A_1056 = arith.constant 20 : index
      %get3A_1057 = tpu.vector_load %arg10[%get3A_1056] {strides = array<i32>} : memref<144xf32, #tpu.memory_space<vmem>>, vector<16xf32>,
      %get3A_1058 = vector.shape_cast %get3A_1057 : vector<16xf32> to vector<16xf32>
      %add3A_1059 = arith.addf %add3A_1051, %get3A_1058 : vector<16xf32>
      %swap3A_1060 = arith.constant 16 : index
      %swap3A_1061 = tpu.vector_load %arg10[%swap3A_1060] {strides = array<i32>} : memref<144xf32, #tpu.memory_space<vmem>>, vector<16xf32>,
      %swap3A_1062 = vector.shape_cast %swap3A_1061 : vector<16xf32> to vector<16xf32>
      %swap3A_1063 = vector.shape_cast %add3A_1059 : vector<16xf32> to vector<16xf32>
      tpu.vector_store %arg10[%swap3A_1060], %swap3A_1063 {strides = array<i32>} : memref<144xf32, #tpu.memory_space<vmem>>, vector<16xf32>,
      %get3A_1064 = arith.constant 18 : index
      %get3A_1065 = tpu.vector_load %arg10[%get3A_1064] {strides = array<i32>} : memref<144xf32, #tpu.memory_space<vmem>>, vector<16xf32>,
      %get3A_1066 = vector.shape_cast %get3A_1065 : vector<16xf32> to vector<16xf32>
      %add3A_1067 = arith.addf %add3A_1059, %get3A_1066 : vector<16xf32>
      %slice3A_1068 = vector.extract_strided_slice %add3A_1067 {offsets = [0], sizes = [1], strides = [1]} : vector<16xf32> to vector<1xf32>
      %squeeze3A_1069 = vector.extract %slice3A_1068[0] : f32 from vector<1xf32>
      %slice3A_1070 = vector.extract_strided_slice %add3A_1067 {offsets = [1], sizes = [1], strides = [1]} : vector<16xf32> to vector<1xf32>
      %squeeze3A_1071 = vector.extract %slice3A_1070[0] : f32 from vector<1xf32>
      %add3A_1072 = arith.addf %squeeze3A_1069, %squeeze3A_1071 : f32
      %eq3A_1073 = arith.constant 9 : i32
      %eq3A_1074 = vector.broadcast %eq3A_1073 : i32 to vector<16xi32>
      %eq3A_1075 = arith.cmpi eq, %iota3A, %eq3A_1074 : vector<16xi32>
      %broadcast_in_dim3A_1076 = vector.broadcast %add3A_1072 : f32 to vector<16xf32>
      %select_n3A_1077 = arith.select %eq3A_1075, %broadcast_in_dim3A_1076, %select_n3A_1047 : vector<16xi1>, vector<16xf32>
      %get3A_1078 = arith.constant 40 : index
      %get3A_1079 = tpu.vector_load %arg10[%get3A_1078] {strides = array<i32>} : memref<144xf32, #tpu.memory_space<vmem>>, vector<16xf32>,
      %get3A_1080 = vector.shape_cast %get3A_1079 : vector<16xf32> to vector<16xf32>
      %add3A_1081 = arith.addf %scan3A_99#26, %get3A_1080 : vector<16xf32>
      %swap3A_1082 = arith.constant 32 : index
      %swap3A_1083 = tpu.vector_load %arg10[%swap3A_1082] {strides = array<i32>} : memref<144xf32, #tpu.memory_space<vmem>>, vector<16xf32>,
      %swap3A_1084 = vector.shape_cast %swap3A_1083 : vector<16xf32> to vector<16xf32>
      %swap3A_1085 = vector.shape_cast %add3A_1081 : vector<16xf32> to vector<16xf32>
      tpu.vector_store %arg10[%swap3A_1082], %swap3A_1085 {strides = array<i32>} : memref<144xf32, #tpu.memory_space<vmem>>, vector<16xf32>,
      %get3A_1086 = arith.constant 36 : index
      %get3A_1087 = tpu.vector_load %arg10[%get3A_1086] {strides = array<i32>} : memref<144xf32, #tpu.memory_space<vmem>>, vector<16xf32>,
      %get3A_1088 = vector.shape_cast %get3A_1087 : vector<16xf32> to vector<16xf32>
      %add3A_1089 = arith.addf %add3A_1081, %get3A_1088 : vector<16xf32>
      %swap3A_1090 = arith.constant 32 : index
      %swap3A_1091 = tpu.vector_load %arg10[%swap3A_1090] {strides = array<i32>} : memref<144xf32, #tpu.memory_space<vmem>>, vector<16xf32>,
      %swap3A_1092 = vector.shape_cast %swap3A_1091 : vector<16xf32> to vector<16xf32>
      %swap3A_1093 = vector.shape_cast %add3A_1089 : vector<16xf32> to vector<16xf32>
      tpu.vector_store %arg10[%swap3A_1090], %swap3A_1093 {strides = array<i32>} : memref<144xf32, #tpu.memory_space<vmem>>, vector<16xf32>,
      %get3A_1094 = arith.constant 34 : index
      %get3A_1095 = tpu.vector_load %arg10[%get3A_1094] {strides = array<i32>} : memref<144xf32, #tpu.memory_space<vmem>>, vector<16xf32>,
      %get3A_1096 = vector.shape_cast %get3A_1095 : vector<16xf32> to vector<16xf32>
      %add3A_1097 = arith.addf %add3A_1089, %get3A_1096 : vector<16xf32>
      %slice3A_1098 = vector.extract_strided_slice %add3A_1097 {offsets = [0], sizes = [1], strides = [1]} : vector<16xf32> to vector<1xf32>
      %squeeze3A_1099 = vector.extract %slice3A_1098[0] : f32 from vector<1xf32>
      %slice3A_1100 = vector.extract_strided_slice %add3A_1097 {offsets = [1], sizes = [1], strides = [1]} : vector<16xf32> to vector<1xf32>
      %squeeze3A_1101 = vector.extract %slice3A_1100[0] : f32 from vector<1xf32>
      %add3A_1102 = arith.addf %squeeze3A_1099, %squeeze3A_1101 : f32
      %eq3A_1103 = arith.constant 10 : i32
      %eq3A_1104 = vector.broadcast %eq3A_1103 : i32 to vector<16xi32>
      %eq3A_1105 = arith.cmpi eq, %iota3A, %eq3A_1104 : vector<16xi32>
      %broadcast_in_dim3A_1106 = vector.broadcast %add3A_1102 : f32 to vector<16xf32>
      %select_n3A_1107 = arith.select %eq3A_1105, %broadcast_in_dim3A_1106, %select_n3A_1077 : vector<16xi1>, vector<16xf32>
      %get3A_1108 = arith.constant 56 : index
      %get3A_1109 = tpu.vector_load %arg10[%get3A_1108] {strides = array<i32>} : memref<144xf32, #tpu.memory_space<vmem>>, vector<16xf32>,
      %get3A_1110 = vector.shape_cast %get3A_1109 : vector<16xf32> to vector<16xf32>
      %add3A_1111 = arith.addf %scan3A_99#27, %get3A_1110 : vector<16xf32>
      %swap3A_1112 = arith.constant 48 : index
      %swap3A_1113 = tpu.vector_load %arg10[%swap3A_1112] {strides = array<i32>} : memref<144xf32, #tpu.memory_space<vmem>>, vector<16xf32>,
      %swap3A_1114 = vector.shape_cast %swap3A_1113 : vector<16xf32> to vector<16xf32>
      %swap3A_1115 = vector.shape_cast %add3A_1111 : vector<16xf32> to vector<16xf32>
      tpu.vector_store %arg10[%swap3A_1112], %swap3A_1115 {strides = array<i32>} : memref<144xf32, #tpu.memory_space<vmem>>, vector<16xf32>,
      %get3A_1116 = arith.constant 52 : index
      %get3A_1117 = tpu.vector_load %arg10[%get3A_1116] {strides = array<i32>} : memref<144xf32, #tpu.memory_space<vmem>>, vector<16xf32>,
      %get3A_1118 = vector.shape_cast %get3A_1117 : vector<16xf32> to vector<16xf32>
      %add3A_1119 = arith.addf %add3A_1111, %get3A_1118 : vector<16xf32>
      %swap3A_1120 = arith.constant 48 : index
      %swap3A_1121 = tpu.vector_load %arg10[%swap3A_1120] {strides = array<i32>} : memref<144xf32, #tpu.memory_space<vmem>>, vector<16xf32>,
      %swap3A_1122 = vector.shape_cast %swap3A_1121 : vector<16xf32> to vector<16xf32>
      %swap3A_1123 = vector.shape_cast %add3A_1119 : vector<16xf32> to vector<16xf32>
      tpu.vector_store %arg10[%swap3A_1120], %swap3A_1123 {strides = array<i32>} : memref<144xf32, #tpu.memory_space<vmem>>, vector<16xf32>,
      %get3A_1124 = arith.constant 50 : index
      %get3A_1125 = tpu.vector_load %arg10[%get3A_1124] {strides = array<i32>} : memref<144xf32, #tpu.memory_space<vmem>>, vector<16xf32>,
      %get3A_1126 = vector.shape_cast %get3A_1125 : vector<16xf32> to vector<16xf32>
      %add3A_1127 = arith.addf %add3A_1119, %get3A_1126 : vector<16xf32>
      %slice3A_1128 = vector.extract_strided_slice %add3A_1127 {offsets = [0], sizes = [1], strides = [1]} : vector<16xf32> to vector<1xf32>
      %squeeze3A_1129 = vector.extract %slice3A_1128[0] : f32 from vector<1xf32>
      %slice3A_1130 = vector.extract_strided_slice %add3A_1127 {offsets = [1], sizes = [1], strides = [1]} : vector<16xf32> to vector<1xf32>
      %squeeze3A_1131 = vector.extract %slice3A_1130[0] : f32 from vector<1xf32>
      %add3A_1132 = arith.addf %squeeze3A_1129, %squeeze3A_1131 : f32
      %eq3A_1133 = arith.constant 11 : i32
      %eq3A_1134 = vector.broadcast %eq3A_1133 : i32 to vector<16xi32>
      %eq3A_1135 = arith.cmpi eq, %iota3A, %eq3A_1134 : vector<16xi32>
      %broadcast_in_dim3A_1136 = vector.broadcast %add3A_1132 : f32 to vector<16xf32>
      %select_n3A_1137 = arith.select %eq3A_1135, %broadcast_in_dim3A_1136, %select_n3A_1107 : vector<16xi1>, vector<16xf32>
      %get3A_1138 = arith.constant 72 : index
      %get3A_1139 = tpu.vector_load %arg10[%get3A_1138] {strides = array<i32>} : memref<144xf32, #tpu.memory_space<vmem>>, vector<16xf32>,
      %get3A_1140 = vector.shape_cast %get3A_1139 : vector<16xf32> to vector<16xf32>
      %add3A_1141 = arith.addf %scan3A_99#28, %get3A_1140 : vector<16xf32>
      %swap3A_1142 = arith.constant 64 : index
      %swap3A_1143 = tpu.vector_load %arg10[%swap3A_1142] {strides = array<i32>} : memref<144xf32, #tpu.memory_space<vmem>>, vector<16xf32>,
      %swap3A_1144 = vector.shape_cast %swap3A_1143 : vector<16xf32> to vector<16xf32>
      %swap3A_1145 = vector.shape_cast %add3A_1141 : vector<16xf32> to vector<16xf32>
      tpu.vector_store %arg10[%swap3A_1142], %swap3A_1145 {strides = array<i32>} : memref<144xf32, #tpu.memory_space<vmem>>, vector<16xf32>,
      %get3A_1146 = arith.constant 68 : index
      %get3A_1147 = tpu.vector_load %arg10[%get3A_1146] {strides = array<i32>} : memref<144xf32, #tpu.memory_space<vmem>>, vector<16xf32>,
      %get3A_1148 = vector.shape_cast %get3A_1147 : vector<16xf32> to vector<16xf32>
      %add3A_1149 = arith.addf %add3A_1141, %get3A_1148 : vector<16xf32>
      %swap3A_1150 = arith.constant 64 : index
      %swap3A_1151 = tpu.vector_load %arg10[%swap3A_1150] {strides = array<i32>} : memref<144xf32, #tpu.memory_space<vmem>>, vector<16xf32>,
      %swap3A_1152 = vector.shape_cast %swap3A_1151 : vector<16xf32> to vector<16xf32>
      %swap3A_1153 = vector.shape_cast %add3A_1149 : vector<16xf32> to vector<16xf32>
      tpu.vector_store %arg10[%swap3A_1150], %swap3A_1153 {strides = array<i32>} : memref<144xf32, #tpu.memory_space<vmem>>, vector<16xf32>,
      %get3A_1154 = arith.constant 66 : index
      %get3A_1155 = tpu.vector_load %arg10[%get3A_1154] {strides = array<i32>} : memref<144xf32, #tpu.memory_space<vmem>>, vector<16xf32>,
      %get3A_1156 = vector.shape_cast %get3A_1155 : vector<16xf32> to vector<16xf32>
      %add3A_1157 = arith.addf %add3A_1149, %get3A_1156 : vector<16xf32>
      %slice3A_1158 = vector.extract_strided_slice %add3A_1157 {offsets = [0], sizes = [1], strides = [1]} : vector<16xf32> to vector<1xf32>
      %squeeze3A_1159 = vector.extract %slice3A_1158[0] : f32 from vector<1xf32>
      %slice3A_1160 = vector.extract_strided_slice %add3A_1157 {offsets = [1], sizes = [1], strides = [1]} : vector<16xf32> to vector<1xf32>
      %squeeze3A_1161 = vector.extract %slice3A_1160[0] : f32 from vector<1xf32>
      %add3A_1162 = arith.addf %squeeze3A_1159, %squeeze3A_1161 : f32
      %eq3A_1163 = arith.constant 12 : i32
      %eq3A_1164 = vector.broadcast %eq3A_1163 : i32 to vector<16xi32>
      %eq3A_1165 = arith.cmpi eq, %iota3A, %eq3A_1164 : vector<16xi32>
      %broadcast_in_dim3A_1166 = vector.broadcast %add3A_1162 : f32 to vector<16xf32>
      %select_n3A_1167 = arith.select %eq3A_1165, %broadcast_in_dim3A_1166, %select_n3A_1137 : vector<16xi1>, vector<16xf32>
      %get3A_1168 = arith.constant 88 : index
      %get3A_1169 = tpu.vector_load %arg10[%get3A_1168] {strides = array<i32>} : memref<144xf32, #tpu.memory_space<vmem>>, vector<16xf32>,
      %get3A_1170 = vector.shape_cast %get3A_1169 : vector<16xf32> to vector<16xf32>
      %add3A_1171 = arith.addf %scan3A_99#29, %get3A_1170 : vector<16xf32>
      %swap3A_1172 = arith.constant 80 : index
      %swap3A_1173 = tpu.vector_load %arg10[%swap3A_1172] {strides = array<i32>} : memref<144xf32, #tpu.memory_space<vmem>>, vector<16xf32>,
      %swap3A_1174 = vector.shape_cast %swap3A_1173 : vector<16xf32> to vector<16xf32>
      %swap3A_1175 = vector.shape_cast %add3A_1171 : vector<16xf32> to vector<16xf32>
      tpu.vector_store %arg10[%swap3A_1172], %swap3A_1175 {strides = array<i32>} : memref<144xf32, #tpu.memory_space<vmem>>, vector<16xf32>,
      %get3A_1176 = arith.constant 84 : index
      %get3A_1177 = tpu.vector_load %arg10[%get3A_1176] {strides = array<i32>} : memref<144xf32, #tpu.memory_space<vmem>>, vector<16xf32>,
      %get3A_1178 = vector.shape_cast %get3A_1177 : vector<16xf32> to vector<16xf32>
      %add3A_1179 = arith.addf %add3A_1171, %get3A_1178 : vector<16xf32>
      %swap3A_1180 = arith.constant 80 : index
      %swap3A_1181 = tpu.vector_load %arg10[%swap3A_1180] {strides = array<i32>} : memref<144xf32, #tpu.memory_space<vmem>>, vector<16xf32>,
      %swap3A_1182 = vector.shape_cast %swap3A_1181 : vector<16xf32> to vector<16xf32>
      %swap3A_1183 = vector.shape_cast %add3A_1179 : vector<16xf32> to vector<16xf32>
      tpu.vector_store %arg10[%swap3A_1180], %swap3A_1183 {strides = array<i32>} : memref<144xf32, #tpu.memory_space<vmem>>, vector<16xf32>,
      %get3A_1184 = arith.constant 82 : index
      %get3A_1185 = tpu.vector_load %arg10[%get3A_1184] {strides = array<i32>} : memref<144xf32, #tpu.memory_space<vmem>>, vector<16xf32>,
      %get3A_1186 = vector.shape_cast %get3A_1185 : vector<16xf32> to vector<16xf32>
      %add3A_1187 = arith.addf %add3A_1179, %get3A_1186 : vector<16xf32>
      %slice3A_1188 = vector.extract_strided_slice %add3A_1187 {offsets = [0], sizes = [1], strides = [1]} : vector<16xf32> to vector<1xf32>
      %squeeze3A_1189 = vector.extract %slice3A_1188[0] : f32 from vector<1xf32>
      %slice3A_1190 = vector.extract_strided_slice %add3A_1187 {offsets = [1], sizes = [1], strides = [1]} : vector<16xf32> to vector<1xf32>
      %squeeze3A_1191 = vector.extract %slice3A_1190[0] : f32 from vector<1xf32>
      %add3A_1192 = arith.addf %squeeze3A_1189, %squeeze3A_1191 : f32
      %eq3A_1193 = arith.constant 13 : i32
      %eq3A_1194 = vector.broadcast %eq3A_1193 : i32 to vector<16xi32>
      %eq3A_1195 = arith.cmpi eq, %iota3A, %eq3A_1194 : vector<16xi32>
      %broadcast_in_dim3A_1196 = vector.broadcast %add3A_1192 : f32 to vector<16xf32>
      %select_n3A_1197 = arith.select %eq3A_1195, %broadcast_in_dim3A_1196, %select_n3A_1167 : vector<16xi1>, vector<16xf32>
      %get3A_1198 = arith.constant 104 : index
      %get3A_1199 = tpu.vector_load %arg10[%get3A_1198] {strides = array<i32>} : memref<144xf32, #tpu.memory_space<vmem>>, vector<16xf32>,
      %get3A_1200 = vector.shape_cast %get3A_1199 : vector<16xf32> to vector<16xf32>
      %add3A_1201 = arith.addf %scan3A_99#30, %get3A_1200 : vector<16xf32>
      %swap3A_1202 = arith.constant 96 : index
      %swap3A_1203 = tpu.vector_load %arg10[%swap3A_1202] {strides = array<i32>} : memref<144xf32, #tpu.memory_space<vmem>>, vector<16xf32>,
      %swap3A_1204 = vector.shape_cast %swap3A_1203 : vector<16xf32> to vector<16xf32>
      %swap3A_1205 = vector.shape_cast %add3A_1201 : vector<16xf32> to vector<16xf32>
      tpu.vector_store %arg10[%swap3A_1202], %swap3A_1205 {strides = array<i32>} : memref<144xf32, #tpu.memory_space<vmem>>, vector<16xf32>,
      %get3A_1206 = arith.constant 100 : index
      %get3A_1207 = tpu.vector_load %arg10[%get3A_1206] {strides = array<i32>} : memref<144xf32, #tpu.memory_space<vmem>>, vector<16xf32>,
      %get3A_1208 = vector.shape_cast %get3A_1207 : vector<16xf32> to vector<16xf32>
      %add3A_1209 = arith.addf %add3A_1201, %get3A_1208 : vector<16xf32>
      %swap3A_1210 = arith.constant 96 : index
      %swap3A_1211 = tpu.vector_load %arg10[%swap3A_1210] {strides = array<i32>} : memref<144xf32, #tpu.memory_space<vmem>>, vector<16xf32>,
      %swap3A_1212 = vector.shape_cast %swap3A_1211 : vector<16xf32> to vector<16xf32>
      %swap3A_1213 = vector.shape_cast %add3A_1209 : vector<16xf32> to vector<16xf32>
      tpu.vector_store %arg10[%swap3A_1210], %swap3A_1213 {strides = array<i32>} : memref<144xf32, #tpu.memory_space<vmem>>, vector<16xf32>,
      %get3A_1214 = arith.constant 98 : index
      %get3A_1215 = tpu.vector_load %arg10[%get3A_1214] {strides = array<i32>} : memref<144xf32, #tpu.memory_space<vmem>>, vector<16xf32>,
      %get3A_1216 = vector.shape_cast %get3A_1215 : vector<16xf32> to vector<16xf32>
      %add3A_1217 = arith.addf %add3A_1209, %get3A_1216 : vector<16xf32>
      %slice3A_1218 = vector.extract_strided_slice %add3A_1217 {offsets = [0], sizes = [1], strides = [1]} : vector<16xf32> to vector<1xf32>
      %squeeze3A_1219 = vector.extract %slice3A_1218[0] : f32 from vector<1xf32>
      %slice3A_1220 = vector.extract_strided_slice %add3A_1217 {offsets = [1], sizes = [1], strides = [1]} : vector<16xf32> to vector<1xf32>
      %squeeze3A_1221 = vector.extract %slice3A_1220[0] : f32 from vector<1xf32>
      %add3A_1222 = arith.addf %squeeze3A_1219, %squeeze3A_1221 : f32
      %eq3A_1223 = arith.constant 14 : i32
      %eq3A_1224 = vector.broadcast %eq3A_1223 : i32 to vector<16xi32>
      %eq3A_1225 = arith.cmpi eq, %iota3A, %eq3A_1224 : vector<16xi32>
      %broadcast_in_dim3A_1226 = vector.broadcast %add3A_1222 : f32 to vector<16xf32>
      %select_n3A_1227 = arith.select %eq3A_1225, %broadcast_in_dim3A_1226, %select_n3A_1197 : vector<16xi1>, vector<16xf32>
      %get3A_1228 = arith.constant 120 : index
      %get3A_1229 = tpu.vector_load %arg10[%get3A_1228] {strides = array<i32>} : memref<144xf32, #tpu.memory_space<vmem>>, vector<16xf32>,
      %get3A_1230 = vector.shape_cast %get3A_1229 : vector<16xf32> to vector<16xf32>
      %add3A_1231 = arith.addf %scan3A_99#31, %get3A_1230 : vector<16xf32>
      %swap3A_1232 = arith.constant 112 : index
      %swap3A_1233 = tpu.vector_load %arg10[%swap3A_1232] {strides = array<i32>} : memref<144xf32, #tpu.memory_space<vmem>>, vector<16xf32>,
      %swap3A_1234 = vector.shape_cast %swap3A_1233 : vector<16xf32> to vector<16xf32>
      %swap3A_1235 = vector.shape_cast %add3A_1231 : vector<16xf32> to vector<16xf32>
      tpu.vector_store %arg10[%swap3A_1232], %swap3A_1235 {strides = array<i32>} : memref<144xf32, #tpu.memory_space<vmem>>, vector<16xf32>,
      %get3A_1236 = arith.constant 116 : index
      %get3A_1237 = tpu.vector_load %arg10[%get3A_1236] {strides = array<i32>} : memref<144xf32, #tpu.memory_space<vmem>>, vector<16xf32>,
      %get3A_1238 = vector.shape_cast %get3A_1237 : vector<16xf32> to vector<16xf32>
      %add3A_1239 = arith.addf %add3A_1231, %get3A_1238 : vector<16xf32>
      %swap3A_1240 = arith.constant 112 : index
      %swap3A_1241 = tpu.vector_load %arg10[%swap3A_1240] {strides = array<i32>} : memref<144xf32, #tpu.memory_space<vmem>>, vector<16xf32>,
      %swap3A_1242 = vector.shape_cast %swap3A_1241 : vector<16xf32> to vector<16xf32>
      %swap3A_1243 = vector.shape_cast %add3A_1239 : vector<16xf32> to vector<16xf32>
      tpu.vector_store %arg10[%swap3A_1240], %swap3A_1243 {strides = array<i32>} : memref<144xf32, #tpu.memory_space<vmem>>, vector<16xf32>,
      %get3A_1244 = arith.constant 114 : index
      %get3A_1245 = tpu.vector_load %arg10[%get3A_1244] {strides = array<i32>} : memref<144xf32, #tpu.memory_space<vmem>>, vector<16xf32>,
      %get3A_1246 = vector.shape_cast %get3A_1245 : vector<16xf32> to vector<16xf32>
      %add3A_1247 = arith.addf %add3A_1239, %get3A_1246 : vector<16xf32>
      %slice3A_1248 = vector.extract_strided_slice %add3A_1247 {offsets = [0], sizes = [1], strides = [1]} : vector<16xf32> to vector<1xf32>
      %squeeze3A_1249 = vector.extract %slice3A_1248[0] : f32 from vector<1xf32>
      %slice3A_1250 = vector.extract_strided_slice %add3A_1247 {offsets = [1], sizes = [1], strides = [1]} : vector<16xf32> to vector<1xf32>
      %squeeze3A_1251 = vector.extract %slice3A_1250[0] : f32 from vector<1xf32>
      %add3A_1252 = arith.addf %squeeze3A_1249, %squeeze3A_1251 : f32
      %eq3A_1253 = arith.constant 15 : i32
      %eq3A_1254 = vector.broadcast %eq3A_1253 : i32 to vector<16xi32>
      %eq3A_1255 = arith.cmpi eq, %iota3A, %eq3A_1254 : vector<16xi32>
      %broadcast_in_dim3A_1256 = vector.broadcast %add3A_1252 : f32 to vector<16xf32>
      %select_n3A_1257 = arith.select %eq3A_1255, %broadcast_in_dim3A_1256, %select_n3A_1227 : vector<16xi1>, vector<16xf32>
      %add3A_1258 = arith.addf %select_n3A_1257, %get3A_4 : vector<16xf32>
      %swap3A_1259 = arith.constant 0 : index
      %swap3A_1260 = tpu.vector_load %arg11[%swap3A_1259] {strides = array<i32>} : memref<32xf32, #tpu.memory_space<vmem>>, vector<16xf32>,
      %swap3A_1261 = vector.shape_cast %swap3A_1260 : vector<16xf32> to vector<16xf32>
      %swap3A_1262 = vector.shape_cast %add3A_1258 : vector<16xf32> to vector<16xf32>
      tpu.vector_store %arg11[%swap3A_1259], %swap3A_1262 {strides = array<i32>} : memref<32xf32, #tpu.memory_space<vmem>>, vector<16xf32>,
      %get3A_1263 = arith.constant 4 : index
      %get3A_1264 = tpu.vector_load %arg11[%get3A_1263] {strides = array<i32>} : memref<32xf32, #tpu.memory_space<vmem>>, vector<16xf32>,
      %get3A_1265 = vector.shape_cast %get3A_1264 : vector<16xf32> to vector<16xf32>
      %max3A_1266 = arith.maximumf %add3A_1258, %get3A_1265 : vector<16xf32>
      %swap3A_1267 = arith.constant 0 : index
      %swap3A_1268 = tpu.vector_load %arg11[%swap3A_1267] {strides = array<i32>} : memref<32xf32, #tpu.memory_space<vmem>>, vector<16xf32>,
      %swap3A_1269 = vector.shape_cast %swap3A_1268 : vector<16xf32> to vector<16xf32>
      %swap3A_1270 = vector.shape_cast %max3A_1266 : vector<16xf32> to vector<16xf32>
      tpu.vector_store %arg11[%swap3A_1267], %swap3A_1270 {strides = array<i32>} : memref<32xf32, #tpu.memory_space<vmem>>, vector<16xf32>,
      %get3A_1271 = arith.constant 2 : index
      %get3A_1272 = tpu.vector_load %arg11[%get3A_1271] {strides = array<i32>} : memref<32xf32, #tpu.memory_space<vmem>>, vector<16xf32>,
      %get3A_1273 = vector.shape_cast %get3A_1272 : vector<16xf32> to vector<16xf32>
      %max3A_1274 = arith.maximumf %max3A_1266, %get3A_1273 : vector<16xf32>
      %swap3A_1275 = arith.constant 0 : index
      %swap3A_1276 = tpu.vector_load %arg11[%swap3A_1275] {strides = array<i32>} : memref<32xf32, #tpu.memory_space<vmem>>, vector<16xf32>,
      %swap3A_1277 = vector.shape_cast %swap3A_1276 : vector<16xf32> to vector<16xf32>
      %swap3A_1278 = vector.shape_cast %max3A_1274 : vector<16xf32> to vector<16xf32>
      tpu.vector_store %arg11[%swap3A_1275], %swap3A_1278 {strides = array<i32>} : memref<32xf32, #tpu.memory_space<vmem>>, vector<16xf32>,
      %get3A_1279 = arith.constant 1 : index
      %get3A_1280 = tpu.vector_load %arg11[%get3A_1279] {strides = array<i32>} : memref<32xf32, #tpu.memory_space<vmem>>, vector<16xf32>,
      %get3A_1281 = vector.shape_cast %get3A_1280 : vector<16xf32> to vector<16xf32>
      %max3A_1282 = arith.maximumf %max3A_1274, %get3A_1281 : vector<16xf32>
      %slice3A_1283 = vector.extract_strided_slice %max3A_1282 {offsets = [0], sizes = [1], strides = [1]} : vector<16xf32> to vector<1xf32>
      %squeeze3A_1284 = vector.extract %slice3A_1283[0] : f32 from vector<1xf32>
      %slice3A_1285 = vector.extract_strided_slice %max3A_1282 {offsets = [8], sizes = [1], strides = [1]} : vector<16xf32> to vector<1xf32>
      %squeeze3A_1286 = vector.extract %slice3A_1285[0] : f32 from vector<1xf32>
      %broadcast_in_dim3A_1287 = vector.broadcast %squeeze3A_1284 : f32 to vector<16xf32>
      %broadcast_in_dim3A_1288 = vector.broadcast %squeeze3A_1286 : f32 to vector<16xf32>
      %select_n3A_1289 = arith.select %lt3A_6, %broadcast_in_dim3A_1287, %broadcast_in_dim3A_1288 : vector<16xi1>, vector<16xf32>
      %sub3A_1290 = arith.subf %add3A_1258, %select_n3A_1289 : vector<16xf32>
      %exp3A_1291 = math.exp %sub3A_1290 : vector<16xf32>
      %swap3A_1292 = arith.constant 0 : index
      %swap3A_1293 = tpu.vector_load %arg11[%swap3A_1292] {strides = array<i32>} : memref<32xf32, #tpu.memory_space<vmem>>, vector<16xf32>,
      %swap3A_1294 = vector.shape_cast %swap3A_1293 : vector<16xf32> to vector<16xf32>
      %swap3A_1295 = vector.shape_cast %exp3A_1291 : vector<16xf32> to vector<16xf32>
      tpu.vector_store %arg11[%swap3A_1292], %swap3A_1295 {strides = array<i32>} : memref<32xf32, #tpu.memory_space<vmem>>, vector<16xf32>,
      %get3A_1296 = arith.constant 4 : index
      %get3A_1297 = tpu.vector_load %arg11[%get3A_1296] {strides = array<i32>} : memref<32xf32, #tpu.memory_space<vmem>>, vector<16xf32>,
      %get3A_1298 = vector.shape_cast %get3A_1297 : vector<16xf32> to vector<16xf32>
      %add3A_1299 = arith.addf %exp3A_1291, %get3A_1298 : vector<16xf32>
      %swap3A_1300 = arith.constant 0 : index
      %swap3A_1301 = tpu.vector_load %arg11[%swap3A_1300] {strides = array<i32>} : memref<32xf32, #tpu.memory_space<vmem>>, vector<16xf32>,
      %swap3A_1302 = vector.shape_cast %swap3A_1301 : vector<16xf32> to vector<16xf32>
      %swap3A_1303 = vector.shape_cast %add3A_1299 : vector<16xf32> to vector<16xf32>
      tpu.vector_store %arg11[%swap3A_1300], %swap3A_1303 {strides = array<i32>} : memref<32xf32, #tpu.memory_space<vmem>>, vector<16xf32>,
      %get3A_1304 = arith.constant 2 : index
      %get3A_1305 = tpu.vector_load %arg11[%get3A_1304] {strides = array<i32>} : memref<32xf32, #tpu.memory_space<vmem>>, vector<16xf32>,
      %get3A_1306 = vector.shape_cast %get3A_1305 : vector<16xf32> to vector<16xf32>
      %add3A_1307 = arith.addf %add3A_1299, %get3A_1306 : vector<16xf32>
      %swap3A_1308 = arith.constant 0 : index
      %swap3A_1309 = tpu.vector_load %arg11[%swap3A_1308] {strides = array<i32>} : memref<32xf32, #tpu.memory_space<vmem>>, vector<16xf32>,
      %swap3A_1310 = vector.shape_cast %swap3A_1309 : vector<16xf32> to vector<16xf32>
      %swap3A_1311 = vector.shape_cast %add3A_1307 : vector<16xf32> to vector<16xf32>
      tpu.vector_store %arg11[%swap3A_1308], %swap3A_1311 {strides = array<i32>} : memref<32xf32, #tpu.memory_space<vmem>>, vector<16xf32>,
      %get3A_1312 = arith.constant 1 : index
      %get3A_1313 = tpu.vector_load %arg11[%get3A_1312] {strides = array<i32>} : memref<32xf32, #tpu.memory_space<vmem>>, vector<16xf32>,
      %get3A_1314 = vector.shape_cast %get3A_1313 : vector<16xf32> to vector<16xf32>
      %add3A_1315 = arith.addf %add3A_1307, %get3A_1314 : vector<16xf32>
      %slice3A_1316 = vector.extract_strided_slice %add3A_1315 {offsets = [0], sizes = [1], strides = [1]} : vector<16xf32> to vector<1xf32>
      %squeeze3A_1317 = vector.extract %slice3A_1316[0] : f32 from vector<1xf32>
      %slice3A_1318 = vector.extract_strided_slice %add3A_1315 {offsets = [8], sizes = [1], strides = [1]} : vector<16xf32> to vector<1xf32>
      %squeeze3A_1319 = vector.extract %slice3A_1318[0] : f32 from vector<1xf32>
      %broadcast_in_dim3A_1320 = vector.broadcast %squeeze3A_1317 : f32 to vector<16xf32>
      %broadcast_in_dim3A_1321 = vector.broadcast %squeeze3A_1319 : f32 to vector<16xf32>
      %select_n3A_1322 = arith.select %lt3A_6, %broadcast_in_dim3A_1320, %broadcast_in_dim3A_1321 : vector<16xi1>, vector<16xf32>
      %div3A_1323 = arith.divf %exp3A_1291, %select_n3A_1322 : vector<16xf32>
      %add3A_1324 = arith.constant 2 : i32
      %add3A_1325 = arith.addi %mul3A_85, %add3A_1324 : i32
      %mul3A_1326 = arith.constant 8 : i32
      %mul3A_1327 = arith.muli %add3A_1325, %mul3A_1326 : i32
      %swap3A_1328 = arith.index_cast %mul3A_1327 : i32 to index
      %swap3A_1329 = tpu.vector_load %arg12[%swap3A_1328] {strides = array<i32>} : memref<256xf32, #tpu.memory_space<vmem>>, vector<16xf32>,
      %swap3A_1330 = vector.shape_cast %swap3A_1329 : vector<16xf32> to vector<16xf32>
      %swap3A_1331 = vector.shape_cast %div3A_1323 : vector<16xf32> to vector<16xf32>
      tpu.vector_store %arg12[%swap3A_1328], %swap3A_1331 {strides = array<i32>} : memref<256xf32, #tpu.memory_space<vmem>>, vector<16xf32>,
      %scan3A_1332 = arith.constant 0 : i32
      scf.yield %scan3A_1332 : i32
    }
    %scan3A_67 = arith.constant 8 : i32
    %mul3A_68 = arith.constant 32 : i32
    %mul3A_69 = arith.muli %add3A_51, %mul3A_68 : i32
    %add3A_70 = arith.addi %mul3A_2, %mul3A_69 : i32
    %mul3A_71 = arith.constant 8 : i32
    %mul3A_72 = arith.muli %add3A_70, %mul3A_71 : i32
    "tpu.region"() ({
      %run_scoped3A = tpu.sem_alloc : memref<!tpu.dma_semaphore, #tpu.memory_space<semaphore_mem>>
      %dma_start3A_82 = arith.constant 0 : i32
      %dma_start3A_83 = tpu.memref_slice %arg12[%dma_start3A_82] : memref<256xf32, #tpu.memory_space<vmem>> -> memref<256xf32, #tpu.memory_space<vmem>>
      %dma_start3A_84 = tpu.memref_slice %arg5[%mul3A_72] : memref<16384xf32, #tpu.memory_space<hbm>> -> memref<256xf32, #tpu.memory_space<hbm>>
      %dma_start3A_85 = tpu.memref_slice %arg5[%mul3A_72] : memref<16384xf32, #tpu.memory_space<hbm>> -> memref<256xf32, #tpu.memory_space<hbm>>
      %dma_start3A_86 = arith.constant 0 : i32
      %dma_start3A_87 = tpu.memref_slice %arg12[%dma_start3A_86] : memref<256xf32, #tpu.memory_space<vmem>> -> memref<256xf32, #tpu.memory_space<vmem>>
      tpu.enqueue_dma source(%dma_start3A_87 : memref<256xf32, #tpu.memory_space<vmem>>) target(%dma_start3A_85 : memref<256xf32, #tpu.memory_space<hbm>>) target_semaphore(%run_scoped3A : memref<!tpu.dma_semaphore, #tpu.memory_space<semaphore_mem>>)
      %dma_wait3A_88 = arith.constant 0 : i32
      %dma_wait3A_89 = tpu.memref_slice %arg12[%dma_wait3A_88] : memref<256xf32, #tpu.memory_space<vmem>> -> memref<256xf32, #tpu.memory_space<vmem>>
      %dma_wait3A_90 = tpu.memref_slice %arg5[%mul3A_72] : memref<16384xf32, #tpu.memory_space<hbm>> -> memref<256xf32, #tpu.memory_space<hbm>>
      %dma_wait3A_91 = tpu.memref_slice %arg5[%mul3A_72] : memref<16384xf32, #tpu.memory_space<hbm>> -> memref<256xf32, #tpu.memory_space<hbm>>
      %dma_wait3A_92 = arith.constant 0 : i32
      %dma_wait3A_93 = tpu.memref_slice %arg12[%dma_wait3A_92] : memref<256xf32, #tpu.memory_space<vmem>> -> memref<256xf32, #tpu.memory_space<vmem>>
      tpu.wait_dma2 semaphore(%run_scoped3A : memref<!tpu.dma_semaphore, #tpu.memory_space<semaphore_mem>>) src(%dma_wait3A_93 : memref<256xf32, #tpu.memory_space<vmem>>) dst(%dma_wait3A_91 : memref<256xf32, #tpu.memory_space<hbm>>)
      tpu.yield
    }) : () -> ()
    %add3A_73 = arith.constant 2 : i32
    %add3A_74 = arith.addi %add3A_51, %add3A_73 : i32
    %lt3A_75 = arith.constant 2 : i32
    %lt3A_76 = arith.cmpi slt, %add3A_74, %lt3A_75 : i32
    %convert_element_type3A_77 = arith.extui %lt3A_76 : i1 to i32
    %cond3A_78 = arith.constant 0 : i32
    %cond3A_79 = arith.cmpi ne, %convert_element_type3A_77, %cond3A_78 : i32
    scf.if %cond3A_79 {
      %add3A_82 = arith.constant 2 : i32
      %add3A_83 = arith.addi %add3A_51, %add3A_82 : i32
      %add3A_84 = arith.constant 30720 : i32
      %add3A_85 = arith.addi %add3A_84, %mul3A_2 : i32
      %mul3A_86 = arith.constant 32 : i32
      %mul3A_87 = arith.muli %add3A_83, %mul3A_86 : i32
      %add3A_88 = arith.addi %add3A_85, %mul3A_87 : i32
      %dma_start3A_89 = arith.constant 0 : i32
      %dma_start3A_90 = tpu.memref_slice %arg2[%add3A_88, %dma_start3A_89] : memref<32768x1024xf32, #tpu.memory_space<hbm>> -> memref<32x1024xf32, #tpu.memory_space<hbm>>
      %dma_start3A_91 = arith.constant 0 : i32
      %dma_start3A_92 = tpu.memref_slice %arg2[%add3A_88, %dma_start3A_91] : memref<32768x1024xf32, #tpu.memory_space<hbm>> -> memref<32x1024xf32, #tpu.memory_space<hbm>>
      tpu.enqueue_dma source(%dma_start3A_92 : memref<32x1024xf32, #tpu.memory_space<hbm>>) target(%arg7 : memref<32x1024xf32, #tpu.memory_space<vmem>>) target_semaphore(%arg14 : memref<!tpu.dma_semaphore, #tpu.memory_space<semaphore_mem>>)
    } else {
    }
    %scan3A_80 = arith.constant 0 : i32
    %scan3A_81 = arith.constant 1 : i32
    return
  }
}

module attributes {stable_mosaic.version = 14 : i64} {
  func.func @_tc_body(%arg0: i32, %arg1: memref<2048x1024xf32, #tpu.memory_space<vmem>>, %arg2: memref<8x1024xf32, #tpu.memory_space<vmem>>, %arg3: memref<1x8xf32, #tpu.memory_space<vmem>>, %arg4: memref<2048x8xf32, #tpu.memory_space<vmem>>) attributes {dimension_semantics = [#tpu.dimension_semantics<arbitrary>], iteration_bounds = array<i64: 15>, scalar_prefetch = 0 : i64, scratch_operands = 0 : i64, tpu.core_type = #tpu.core_type<tc>, window_params = [{transform_indices = @transform_0, window_bounds = array<i64: 2048, 1024>}, {pipeline_mode = #tpu.pipeline_mode<synchronous>, transform_indices = @transform_1, window_bounds = array<i64: 8, 1024>}, {pipeline_mode = #tpu.pipeline_mode<synchronous>, transform_indices = @transform_2, window_bounds = array<i64: 1, 8>}, {transform_indices = @transform_3, window_bounds = array<i64: 2048, 8>}]} {
    %get3A = arith.constant 0 : index
    %get3A_0 = arith.constant 0 : index
    %get3A_1 = vector.load %arg1[%get3A, %get3A_0] : memref<2048x1024xf32, #tpu.memory_space<vmem>>, vector<2048x1024xf32>
    %get3A_2 = arith.constant 0 : index
    %get3A_3 = arith.constant 0 : index
    %get3A_4 = vector.load %arg2[%get3A_2, %get3A_3] : memref<8x1024xf32, #tpu.memory_space<vmem>>, vector<8x1024xf32>
    %dot_general3A = arith.constant dense<0.000000e+00> : vector<2048x8xf32>
    %dot_general3A_5 = tpu.matmul %get3A_1, %get3A_4, %dot_general3A {dimension_numbers = #tpu.dot_dimension_numbers<[1], [1], [0], [0], [0, 0, 1, 0], [], []>, transpose_lhs_hint = false} : vector<2048x1024xf32>, vector<8x1024xf32>, vector<2048x8xf32> -> vector<2048x8xf32>
    %get3A_6 = arith.constant 0 : index
    %get3A_7 = arith.constant 0 : index
    %get3A_8 = vector.load %arg3[%get3A_6, %get3A_7] : memref<1x8xf32, #tpu.memory_space<vmem>>, vector<1x8xf32>
    %add3A = vector.broadcast %get3A_8 : vector<1x8xf32> to vector<2048x8xf32>
    %add3A_9 = arith.addf %dot_general3A_5, %add3A : vector<2048x8xf32>
    %reduce_max3A = arith.constant dense<0xFF800000> : vector<2048xf32>
    %reduce_max3A_10 = vector.multi_reduction <maximumf>, %add3A_9, %reduce_max3A [1] : vector<2048x8xf32> to vector<2048xf32>
    %broadcast_in_dim3A = vector.shape_cast %reduce_max3A_10 : vector<2048xf32> to vector<2048x1xf32>
    %sub3A = vector.broadcast %broadcast_in_dim3A : vector<2048x1xf32> to vector<2048x8xf32>
    %sub3A_11 = arith.subf %add3A_9, %sub3A : vector<2048x8xf32>
    %exp3A = math.exp %sub3A_11 : vector<2048x8xf32>
    %reduce_sum3A = arith.constant dense<0.000000e+00> : vector<2048xf32>
    %reduce_sum3A_12 = vector.multi_reduction <add>, %exp3A, %reduce_sum3A [1] : vector<2048x8xf32> to vector<2048xf32>
    %broadcast_in_dim3A_13 = vector.shape_cast %reduce_sum3A_12 : vector<2048xf32> to vector<2048x1xf32>
    %div3A = vector.broadcast %broadcast_in_dim3A_13 : vector<2048x1xf32> to vector<2048x8xf32>
    %div3A_14 = arith.divf %exp3A, %div3A : vector<2048x8xf32>
    %swap3A = arith.constant 0 : index
    %swap3A_15 = arith.constant 0 : index
    %swap3A_16 = vector.load %arg4[%swap3A, %swap3A_15] : memref<2048x8xf32, #tpu.memory_space<vmem>>, vector<2048x8xf32>
    tpu.vector_store %arg4[%swap3A, %swap3A_15], %div3A_14 {strides = array<i32>} : memref<2048x8xf32, #tpu.memory_space<vmem>>, vector<2048x8xf32>,
    return
  }
  func.func @transform_0(%arg0: i32) -> (i32, i32) {
    %c0_i32 = arith.constant 0 : i32
    %c0_i32_0 = arith.constant 0 : i32
    return %arg0, %c0_i32 : i32, i32
  }
  func.func @transform_1(%arg0: i32) -> (i32, i32) {
    %c0_i32 = arith.constant 0 : i32
    %c0_i32_0 = arith.constant 0 : i32
    %c0_i32_1 = arith.constant 0 : i32
    return %c0_i32, %c0_i32_0 : i32, i32
  }
  func.func @transform_2(%arg0: i32) -> (i32, i32) {
    %c0_i32 = arith.constant 0 : i32
    %c0_i32_0 = arith.constant 0 : i32
    %c0_i32_1 = arith.constant 0 : i32
    return %c0_i32, %c0_i32_0 : i32, i32
  }
  func.func @transform_3(%arg0: i32) -> (i32, i32) {
    %c0_i32 = arith.constant 0 : i32
    %c0_i32_0 = arith.constant 0 : i32
    return %arg0, %c0_i32 : i32, i32
  }
}

</mosaic_0001>

<sc_bundles>
// kernel: kernel.4.cloned.1.call-start
scs
__scs_entry_jumppad:
0x0: {  	(pc) =	sbr.rel $0x88, $3  }
0x1: {  	(tag) =	ssettag $0x0;
	lr =	simm.s32 $0x1  }
0x2: {  	[smem:$0x3F9E] =	sst lr;
	_ =	strace $0xD0000000  }
0x3: {  	_ = 	snop  }
0x4: {  	_ = 	snop  }
0x5: {  	_ = 	snop  }
0x6: {  	_ = 	snop  }
0x7: {  	_ = 	snop  }
__scs_overlays_trampoline_lowered:
0x8: {  	[smem:$0x3FAD] =	sst s0  }
0x9: {  	[smem:$0x3FAE] =	sst s1  }
0xa: {  	[smem:$0x3FAF] =	sst s2  }
0xb: {  	[smem:$0x3FB0] =	sst s3  }
0xc: {  	[smem:$0x3FB1] =	sst s4  }
0xd: {  	[smem:$0x3FB2] =	sst s5  }
0xe: {  	[smem:$0x3FB3] =	sst s6  }
0xf: {  	[smem:$0x3FB4] =	sst s7  }
0x10: {  	[smem:$0x3FB5] =	sst s8  }
0x11: {  	[smem:$0x3FB6] =	sst s9;
	s0 =	simm.s32 @!p0 $0x0  }
0x12: {  	s1 =	sld [smem:$0x3F9C];
	s0 =	simm.s32 @p0 $0x1  }
0x13: {  	[smem:$0x3FB7] =	sst s0;
	s0 =	simm.s32 @!p1 $0x0  }
0x14: {  	s2 =	sld [smem:$0x3F9B];
	s0 =	simm.s32 @p1 $0x1  }
0x15: {  	[smem:$0x3FB8] =	sst s0;
	s0 =	simm.s32 @!p2 $0x0  }
0x16: {  	s3 =	sld [smem:$0x3FDB];
	s0 =	simm.s32 @p2 $0x1  }
0x17: {  	s4 =	simm.s32 $0x1BF5;
	[smem:$0x3FBA] =	sst s0  }
0x18: {  	s0 =	sld [smem:$0x3F9D];
	_ =	swait.ge [sflag:s4], $0x0  }
0x19: {  	s7 =	sld [smem:$0x3F9E]  }
0x1a: {  	s8 =	sadd.s32 $0xFFFFE003, lr  }
0x1b: {  	s9 =	sadd.s32 $0xFFFFFEF7, lr;
	s5 =	simm.s32 $0xFFFFFFFF;
	p2 =	slt.u32 s8, $0xFFFFF086  }
0x1c: {  	p1 =	slt.u32 s9, $0xF7A;
	s5 =	simm.s32 @!p2 $0x0  }
0x1d: {  	s5 =	simm.s32 @p1 $0x1;
	p0 =	seq.s32 s7, s2  }
0x1e: {  	s7 =	smul.u32 @!p0 $0xF7A, s2;
	p2 =	seq.s32 @!p0 s5, $0x0  }
0x1f: {  	s9 =	smul.u32 $0xF7A, s1;
	s8 =	simm.s32 @!p0 $0x1BF5;
	p2 =	por !p2, p0  }
0x20: {  	[sflag:s8] =	ssyncset.s32 @!p0 $0xFFFFF086;
	s6 =	sadd.s32 @!p0 s3, s7;
	s7 =	simm.s32 @!p0 $0x108  }
0x21: {  	s3 =	sadd.s32 s3, s9;
	s6 =	sadd.s32 @!p0 $0x88, s6;
	s7 =	simm.s32 @p2 $0x1082  }
0x22: {  	[simem:s7], [sflag:s8] =	dma.local @!p0 [hbm:s6], $0xF7A  }
0x23: {  	s9 =	sor.u32 $0xD0000000, s2;
	s6 =	simm.s32 $0x108;
	_ =	swait.ge @!p0 [sflag:s8], $0x0  }
0x24: {  	s3 =	sadd.s32 $0x88, s3;
	s6 =	simm.s32 @!p1 $0x1082;
	[sflag:s4] =	ssyncset.s32 $0xFFFFF086  }
0x25: {  	[simem:s6], [sflag:s4] =	dma.local [hbm:s3], $0xF7A  }
0x26: {  	[smem:$0x3F9E] =	sst s1;
	(tag) =	ssettag s2;
	_ =	strace s9  }
0x27: {  	s1 =	sld [smem:$0x3FAE]  }
0x28: {  	s2 =	sld [smem:$0x3FAF]  }
0x29: {  	s4 =	sld [smem:$0x3FB1]  }
0x2a: {  	p0 =	seq.s32 s5, $0x0;
	s5 =	sld [smem:$0x3FB2]  }
0x2b: {  	s6 =	sld [smem:$0x3FB3]  }
0x2c: {  	s7 =	sld [smem:$0x3FB4]  }
0x2d: {  	s3 =	simm.s32 $0x108;
	s8 =	sld [smem:$0x3FB5]  }
0x2e: {  	s3 =	simm.s32 @!p0 $0x1082;
	s9 =	sld [smem:$0x3FB6]  }
0x2f: {  	lr =	sadd.s32 s0, s3;
	s0 =	sld [smem:$0x3FAD]  }
0x30: {  	s3 =	sld [smem:$0x3FB0]  }
0x31: {  	[smem:$0x3FB9] =	sst s10  }
0x32: {  	s10 =	sld [smem:$0x3FB7];
	_ =	sdelay $0x3  }
0x33: {  	p0 =	seq.s32 s10, $0x1;
	s10 =	sld [smem:$0x3FB9];
	_ =	sdelay $0x3  }
0x34: {  	[smem:$0x3FB9] =	sst s10  }
0x35: {  	s10 =	sld [smem:$0x3FB8];
	_ =	sdelay $0x3  }
0x36: {  	p1 =	seq.s32 s10, $0x1;
	s10 =	sld [smem:$0x3FB9];
	_ =	sdelay $0x3  }
0x37: {  	[smem:$0x3FB9] =	sst s10  }
0x38: {  	s10 =	sld [smem:$0x3FBA]  }
0x39: {  	_ = 	snop;
	(pc) =	sbr.ind lr, $3  }
0x3a: {  	_ = 	snop  }
0x3b: {  	_ = 	snop  }
0x3c: {  	p2 =	seq.s32 s10, $0x1;
	s10 =	sld [smem:$0x3FB9]  }
0x3d: {  	_ =	shalt  }
0x3e: {  	_ =	shalt  }
0x3f: {  	_ =	shalt  }
0x40: {  	_ =	shalt  }
0x41: {  	_ =	shalt  }
0x42: {  	_ =	shalt  }
0x43: {  	_ =	shalt  }
0x44: {  	_ =	shalt  }
0x45: {  	_ =	shalt  }
0x46: {  	_ =	shalt  }
0x47: {  	_ =	shalt  }
0x48: {  	_ =	shalt  }
0x49: {  	_ =	shalt  }
0x4a: {  	_ =	shalt  }
0x4b: {  	_ =	shalt  }
0x4c: {  	_ =	shalt  }
0x4d: {  	_ =	shalt  }
0x4e: {  	_ =	shalt  }
0x4f: {  	_ =	shalt  }
0x50: {  	_ =	shalt  }
0x51: {  	_ =	shalt  }
0x52: {  	_ =	shalt  }
0x53: {  	_ =	shalt  }
0x54: {  	_ =	shalt  }
0x55: {  	_ =	shalt  }
0x56: {  	_ =	shalt  }
0x57: {  	_ =	shalt  }
0x58: {  	_ =	shalt  }
0x59: {  	_ =	shalt  }
0x5a: {  	_ =	shalt  }
0x5b: {  	_ =	shalt  }
0x5c: {  	_ =	shalt  }
0x5d: {  	_ =	shalt  }
0x5e: {  	_ =	shalt  }
0x5f: {  	_ =	shalt  }
0x60: {  	_ =	shalt  }
0x61: {  	_ =	shalt  }
0x62: {  	_ =	shalt  }
0x63: {  	_ =	shalt  }
0x64: {  	_ =	shalt  }
0x65: {  	_ =	shalt  }
0x66: {  	_ =	shalt  }
0x67: {  	_ =	shalt  }
0x68: {  	_ =	shalt  }
0x69: {  	_ =	shalt  }
0x6a: {  	_ =	shalt  }
0x6b: {  	_ =	shalt  }
0x6c: {  	_ =	shalt  }
0x6d: {  	_ =	shalt  }
0x6e: {  	_ =	shalt  }
0x6f: {  	_ =	shalt  }
0x70: {  	_ =	shalt  }
0x71: {  	_ =	shalt  }
0x72: {  	_ =	shalt  }
0x73: {  	_ =	shalt  }
0x74: {  	_ =	shalt  }
0x75: {  	_ =	shalt  }
0x76: {  	_ =	shalt  }
0x77: {  	_ =	shalt  }
0x78: {  	_ =	shalt  }
0x79: {  	_ =	shalt  }
0x7a: {  	_ =	shalt  }
0x7b: {  	_ =	shalt  }
0x7c: {  	_ =	shalt  }
0x7d: {  	_ =	shalt  }
0x7e: {  	_ =	shalt  }
0x7f: {  	_ =	shalt  }
0x80: {  	_ =	shalt  }
0x81: {  	_ =	shalt  }
0x82: {  	_ =	shalt  }
0x83: {  	_ =	shalt  }
0x84: {  	_ =	shalt  }
0x85: {  	_ =	shalt  }
0x86: {  	_ =	shalt  }
0x87: {  	_ =	shalt  }
.Lfunc_end0:
.L_simem_size_0:
called_computation_lowered:
.L_overlay_start_0:
0x88: {  	s2 =	sld [smem:$0x3FD9]  }
0x89: {  	s3 =	sld [smem:$0x3FFE];
	_ =	sdelay $0x1  }
0x8a: {  	s1 =	srdreg.scid  }
0x8b: {  	s0 =	sand.u32 $0x1, s1  }
0x8c: {  	s17 =	sshll.u32 s0, $0xA;
	s2 =	sadd.s32 s3, s2  }
0x8d: {  	s2 =	sadd.s32 s2, s17  }
0x8e: {  	[smem:$0x3FC5] =	sst s2  }
0x8f: {  	_ = 	snop  }
0x90: {  	s2 =	sld [smem:$0x3FC9]  }
0x91: {  	s18 =	sld [smem:$0x3FD0];
	(tm) =	ssettm $0x1  }
0x92: {  	s4 =	sld [smem:$0x3FFB];
	_ =	sdelay $0x3  }
0x93: {  	_ =	strace s4  }
0x94: {  	s4 =	sld [smem:$0x3FFC];
	_ =	sdelay $0x3  }
0x95: {  	_ =	strace s4  }
0x96: {  	s4 =	sld [smem:$0x3FFD];
	_ =	sdelay $0x3  }
0x97: {  	_ =	strace s4  }
0x98: {  	_ =	strace $0x8FFFFFFF  }
0x99: {  	s19 =	sld [smem:$0x3FDB];
	_ =	sdelay $0x1  }
0x9a: {  	s5 =	simm.s32 $_scs_section_size  }
0x9b: {  	s6 =	simm.s32 $_size__tile_overlayer_lowered;
	s7 =	simm.s32 $_tile_overlayer_lowered  }
0x9c: {  	s22 =	simm.s32 $0x1BFF;
	s21 =	sshll.u32 s7, $0x1;
	s4 =	sadd.s32 s5, s19  }
0x9d: {  	s8 =	simm.s32 $0x0;
	s20 =	sshll.u32 s6, $0x1;
	s6 =	sadd.s32 s21, s4  }
0x9e: {  	[timem:s8], [sflag:s22] =	dma.local [hbm:s6], s20  }
0x9f: {  	_ =	swait.ge [sflag:s22], s20  }
0xa0: {  	s5 =	ssub.s32 $0x0, s20;
	[sflag:s22] =	ssyncset.done $0x0  }
0xa1: {  	[sflag:s22] =	ssyncadd.s32 s5;
	_ =	sdelay $0x1  }
0xa2: {  	s23 =	simm.s32 $0x1B8B  }
0xa3: {  	_ =	swait.ge [sflag:s23], $0x1  }
0xa4: {  	[sflag:s23] =	ssyncset.done $0x0  }
0xa5: {  	s25 =	simm.s32 $0x1B8E;
	s24 =	sld [smem:$0x3FFE];
	[sflag:s23] =	ssyncadd.s32 $0xFFFFFFFF  }
0xa6: {  	s26 =	simm.s32 $execute0_lowered;
	[smem:$0x3FD2] =	sst s25  }
0xa7: {  	s6 =	sshll.u32 s26, $0x1;
	_ =	strace $0x80000046;
	[dreg:$0x1] =	wrdreg $0xFFFFFFFF  }
0xa8: {  	s28 =	simm.s32 $_size_execute0_lowered;
	s4 =	sadd.s32 s4, s6;
	[dreg:$0x0] =	wrdreg $0x0  }
0xa9: {  	s6 =	sshll.u32 s28, $0x1;
	[dreg:$0x2] =	wrdreg s4  }
0xaa: {  	[dreg:$0x3] =	wrdreg s6  }
0xab: {  	[dreg:$0x4] =	wrdreg $0xC0  }
0xac: {  	_ =	task [dreg:s8], $0x5FFFF  }
0xad: {  	[dreg:$0x1] =	wrdreg $0xFFFFFFFF  }
0xae: {  	[dreg:$0x0] =	wrdreg $0x60  }
0xaf: {  	[dreg:$0x2] =	wrdreg s2  }
0xb0: {  	[dreg:$0x3] =	wrdreg s24  }
0xb1: {  	[dreg:$0x4] =	wrdreg s18  }
0xb2: {  	[dreg:$0x5] =	wrdreg $0x9  }
0xb3: {  	_ =	task.clear_ibuf [dreg:s8], $0x6FFFF;
	_ =	strace $0x90000046  }
0xb4: {  	s29 =	simm.s32 $0x9;
	_ =	strace $0x80000048  }
0xb5: {  	_ =	swait.ge [sflag:s29], $0x1  }
0xb6: {  	[sflag:s29] =	ssyncadd.s32 $0xFFFFFFFF  }
0xb7: {  	_ =	strace $0x90000048  }
0xb8: {  	_ =	sfence  }
0xb9: {  	s30 =	sld [smem:$0x0];
	_ =	sdelay $0x2  }
0xba: {  	s31 =	sshll.u32 s1, $0xD;
	s1 =	sshrl.u32 s1, $0x2  }
0xbb: {  	s3 =	sand.u32 $0x4000, s31;
	s1 =	sadd.s32 s1, s30  }
0xbc: {  	s0 =	sor.u32 s3, s0;
	s1 =	sshll.u32 s1, $0x11  }
0xbd: {  	s0 =	sor.u32 s1, s0  }
0xbe: {  	s0 =	sadd.s32 $0x8F2B, s0  }
0xbf: {  	[sflag:s0] =	ssyncadd.remote.s32 $0x1  }
0xc0: {  	_ =	sfence.sel $0xFFFF  }
0xc1: {  	[dreg:$0x0] =	wrdreg $0xFFFFFFFF;
	(pc) =	sbr.abs _section_cstart, $3  }
0xc2: {  	[dreg:$0x1] =	wrdreg $0xFFFFFFFF  }
0xc3: {  	_ =	task.clear_ibuf [dreg:s8], $0x2FFFF;
	_ =	strace $0x9FFFFFFF  }
0xc4: {  	(tm) =	ssettm $0x7FFFFFFF  }
0xc5: {  	_ =	shalt  }
tec
execute0_lowered:
.L_overlay_start_1:
0x0: {  	(tag) =	ssettag $0x1  }
0x1: {  	s5 =	rddreg [dreg:$0x0]  }
0x2: {  	s4 =	rddreg [dreg:$0x1]  }
0x3: {  	s6 =	rddreg [dreg:$0x2];
	s1 =	simm.s32 $0x0;
	s7 =	srdreg.scid  }
0x4: {  	s0 =	stileid.u32;
	[smem:$0x7FF] =	sst s1;
	s2 =	sadd.s32 $0x800, s4  }
0x5: {  	s7 =	sand.u32 $0x1, s7;
	s8 =	sshll.u32 s0, $0x1;
	s24 =	sadd.s32 $0xC00, s4  }
0x6: {  	_ =	strace $0x80000047;
	s9 =	ssub.s32 $0x2, s7;
	s7 =	sor.u32 s7, s8  }
0x7: {  	[dreg:$0xa] =	wrdreg s2;
	s10 =	sshll.u32 s7, $0xD;
	s7 =	sshll.u32 s7, $0x6  }
0x8: {  	vm0 =	vcmask $0x300;
	[dreg:$0xb] =	wrdreg s24;
	s26 =	sadd.s32 s10, s5;
	s28 =	sadd.s32 s6, s7  }
0x9: {  	vm1 =	vcmask $0x704;
	vm2 =	vcmask $0xB08;
	vm3 =	vcmask $0xF0C;
	s29 =	sadd.s32 $0x3C0000, s26;
	[dreg:$0xc] =	wrdreg s28  }
0xa: {  	vm4 =	vcmask $0x1310;
	vm5 =	vcmask $0x1714;
	vm6 =	vcmask $0x1B18;
	s25 =	sshrl.u32 s9, $0x1;
	s30 =	sadd.s32 $0x3C1000, s26;
	[dreg:$0xd] =	wrdreg s29  }
0xb: {  	vm7 =	vcmask $0x1F1C;
	vm8 =	vcmask $0x2320;
	vm9 =	vcmask $0x2724;
	s9 =	ssub.s32 s9, s25;
	s0 =	sadd.s32 $0x20, s28;
	[dreg:$0xe] =	wrdreg s30  }
0xc: {  	vm10 =	vcmask $0x2B28;
	vm11 =	vcmask $0x2F2C;
	vm12 =	vcmask $0x3330;
	s31 =	smax.u32 s9, $0x1;
	[dreg:$0xf] =	wrdreg s0  }
0xd: {  	s3 =	simm.s32 $0x3;
	vm13 =	vcmask $0x3734;
	vm14 =	vcmask $0x3B38;
	vm15 =	vmmov $0xff;
	s2 =	simm.s32 $0x0;
	[dreg:$0x10] =	wrdreg s31  }
.LBB2_1:
0xe: {  	[dreg:$0x11] =	wrdreg s2  }
0xf: {  	s0 =	rddreg [dreg:$0xa];
	s24 =	simm.s32 $0x10000  }
0x10: {  	[tilespmem:s24], [sflag:$0x3] =	stream.linear.gather [hbm4b:s0+s1], $0x2000, $0x38;
	[tilespmem:$0x12300] =	vst v63  }
0x11: {  	_ =	swait.ge [sflag:s3], $0x2000  }
0x12: {  	[sflag:s3] =	ssyncset.done $0x0  }
0x13: {  	s26 =	simm.s32 $0x12000;
	s25 =	rddreg [dreg:$0xb];
	[sflag:s3] =	ssyncadd.s32 $0xFFFFE000  }
0x14: {  	[tilespmem:s26], [sflag:$0x3] =	stream.linear.gather [hbm4b:s25+s1], $0x80, $0x38;
	[tilespmem:$0x12300] =	vst v63  }
0x15: {  	_ =	swait.ge [sflag:s3], $0x80  }
0x16: {  	[sflag:s3] =	ssyncset.done $0x0  }
0x17: {  	s28 =	rddreg [dreg:$0xd];
	[sflag:s3] =	ssyncadd.s32 $0xFFFFFF80  }
0x18: {  	v0 =	vld [tilespmem:$0x12000];
	[tilespmem:s1], [sflag:$0x1] =	stream.linear.gather [hbm4b:s28+s1], $0x8000, $0x38  }
0x19: {  	s30 =	simm.s32 $0x8000;
	s31 =	simm.s32 $0x1;
	s29 =	rddreg [dreg:$0xe]  }
0x1a: {  	[tilespmem:s30], [sflag:$0x2] =	stream.linear.gather [hbm4b:s29+s1], $0x8000, $0x38;
	[tilespmem:$0x12300] =	vst v63  }
0x1b: {  	_ =	swait.ge [sflag:s31], $0x8000  }
0x1c: {  	[sflag:s31] =	ssyncset.done $0x0  }
0x1d: {  	s1 =	simm.s32 $0x0;
	[sflag:s31] =	ssyncadd.s32 $0xFFFF8000  }
.LBB2_2:
0x1e: {  	s20 =	sshll.u32 s1, $0xC  }
0x1f: {  	s19 =	sshll.u32 s1, $0x2;
	s21 =	sshll.u32 s1, $0x9;
	s20 =	sand.u32 $0x6000, s20  }
0x20: {  	s0 =	sor.u32 $0x2, s19;
	s28 =	sand.u32 $0x200, s21;
	[dreg:$0x4] =	wrdreg s20  }
0x21: {  	s21 =	simm.s32 $0x10000;
	[dreg:$0x5] =	wrdreg s28;
	s20 =	simm.s32 $0x0  }
0x22: {  	v23 =	vld [tilespmem:s21+$0x0];
	s22 =	rddreg [dreg:$0x4];
	s24 =	sand.u32 $0x1C00, s20;
	s26 =	sand.u32 $0x3F0, s20  }
0x23: {  	s29 =	sshll.u32 s0, $0x7;
	s23 =	rddreg [dreg:$0x5];
	s22 =	sadd.s32 s24, s22;
	v7 =	vld [tilespmem:s26+$0x11000]  }
0x24: {  	v19 =	vimm.f32 $0.0e+00;
	v36 =	vimm.f32 $0.0e+00;
	v40 =	vimm.f32 $0.0e+00;
	s30 =	sand.u32 $0x300, s29;
	s31 =	sand.u32 $0x70, s20;
	v13 =	vld [tilespmem:s26+$0x10800];
	s23 =	sadd.s32 s23, s22  }
0x25: {  	v46 =	vimm.f32 $0.0e+00;
	v15 =	vimm.f32 $0.0e+00;
	v25 =	vimm.f32 $0.0e+00;
	[dreg:$0x6] =	wrdreg s30;
	v2 =	vld [tilespmem:s26+$0x11800];
	s23 =	sadd.s32 s31, s23  }
0x26: {  	v34 =	vimm.f32 $0.0e+00;
	v12 =	vimm.f32 $0.0e+00;
	v38 =	vimm.f32 $0.0e+00;
	s25 =	rddreg [dreg:$0x6];
	v32 =	vld [tilespmem:s23+$0x80]  }
0x27: {  	v18 =	vimm.f32 $0.0e+00;
	v17 =	vimm.f32 $0.0e+00;
	v42 =	vimm.f32 $0.0e+00;
	s22 =	sadd.s32 s25, s22;
	v1 =	vld [tilespmem:s23+$0x180]  }
0x28: {  	v43 =	vimm.f32 $0.0e+00;
	v27 =	vimm.f32 $0.0e+00;
	v21 =	vimm.f32 $0.0e+00;
	s22 =	sadd.s32 s31, s22;
	v35 =	vld [tilespmem:s23+$0x0]  }
0x29: {  	v24 =	vimm.f32 $0.0e+00;
	v22 =	vimm.f32 $0.0e+00;
	v48 =	vimm.f32 $0.0e+00;
	v16 =	vld [tilespmem:s22+$0x0]  }
0x2a: {  	v33 =	vimm.f32 $0.0e+00;
	v14 =	vimm.f32 $0.0e+00;
	v47 =	vimm.f32 $0.0e+00;
	v3 =	vld [tilespmem:s26+$0x11C00]  }
0x2b: {  	v11 =	vimm.f32 $0.0e+00;
	v37 =	vimm.f32 $0.0e+00;
	v10 =	vld [tilespmem:s26+$0x10C00];
	v4 =	vmul.f32 v32, v23  }
0x2c: {  	v41 =	vimm.f32 $0.0e+00;
	v5 =	vmul.f32 v32, v2;
	v45 =	vmul.f32 v32, v7  }
0x2d: {  	v8 =	vimm.f32 $0.0e+00;
	v26 =	vmul.f32 v1, v23;
	v50 =	vmul.f32 v32, v13  }
0x2e: {  	v44 =	vimm.f32 $0.0e+00;
	v9 =	vld [tilespmem:s26+$0x11400];
	v51 =	vmul.f32 v35, v23;
	v20 =	vmul.f32 v16, v2  }
0x2f: {  	v49 =	vimm.f32 $0.0e+00;
	v6 =	vmul.f32 v16, v3;
	v30 =	vmul.f32 v16, v13  }
0x30: {  	[dreg:$0x13] =	wrdreg s1;
	v29 =	vmul.f32 v16, v10;
	v31 =	vadd.f32 v5, v19;
	v39 =	vadd.f32 v4, v19  }
0x31: {  	[dreg:$0x14] =	wrdreg s0;
	v28 =	vld [tilespmem:s26+$0x10400];
	s22 =	simm.s32 $0x10;
	v5 =	vimm.f32 $0.0e+00;
	v4 =	vadd.f32 v6, v19;
	v6 =	vimm.f32 $0.0e+00  }
.LBB2_3:
0x32: {  	v53 =	vmul.f32 v35, v10  }
0x33: {  	v61 =	vmul.f32 v16, v9;
	v54 =	vmul.f32 v1, v3  }
0x34: {  	v56 =	vmul.f32 v32, v9;
	v58 =	vmul.f32 v32, v10  }
0x35: {  	v60 =	vmul.f32 v35, v13;
	v62 =	vmul.f32 v32, v3  }
0x36: {  	v19 =	vadd.f32 v30, v19;
	v30 =	vmul.f32 v1, v2;
	v36 =	vadd.f32 v45, v36  }
0x37: {  	v45 =	vmul.f32 v16, v7;
	v40 =	vadd.f32 v50, v40;
	v46 =	vadd.f32 v51, v46  }
0x38: {  	s21 =	sadd.s32 $0x10, s21;
	s24 =	smov.u32 s22;
	v51 =	vmul.f32 v35, v7;
	v12 =	vadd.f32 v20, v12;
	v24 =	vadd.f32 v29, v24  }
0x39: {  	s20 =	sadd.s32 $0x80, s20;
	v57 =	vld [tilespmem:s21+$0x0];
	s19 =	sand.u32 $0x3F0, s24;
	v22 =	vadd.f32 v26, v22;
	v26 =	vmul.f32 v1, v7;
	v15 =	vadd.f32 v61, v15  }
0x3a: {  	s23 =	rddreg [dreg:$0x4];
	s26 =	sand.u32 $0x1C00, s20;
	v29 =	vmul.f32 v1, v9;
	v59 =	vld [tilespmem:s19+$0x11400];
	v34 =	vadd.f32 v56, v34;
	v38 =	vadd.f32 v58, v38  }
0x3b: {  	s25 =	rddreg [dreg:$0x5];
	s26 =	sadd.s32 s26, s23;
	v20 =	vld [tilespmem:s19+$0x11000];
	v58 =	vmul.f32 v35, v9;
	v48 =	vadd.f32 v60, v48;
	v33 =	vadd.f32 v62, v33  }
0x3c: {  	s29 =	sand.u32 $0x70, s24;
	v63 =	vld [tilespmem:s19+$0x11800];
	v61 =	vmul.f32 v35, v3;
	v5 =	vadd.f32 v54, v5;
	v47 =	vadd.f32 v53, v47;
	s25 =	sadd.s32 s25, s26  }
0x3d: {  	s28 =	rddreg [dreg:$0x6];
	v3 =	vld [tilespmem:s19+$0x11C00];
	v18 =	vadd.f32 v45, v18;
	v42 =	vadd.f32 v51, v42;
	v55 =	vmul.f32 v16, v28;
	s30 =	sadd.s32 s29, s25  }
0x3e: {  	s31 =	sadd.s32 s28, s26;
	v11 =	vadd.f32 v26, v11;
	v52 =	vmul.f32 v32, v28;
	v16 =	vmul.f32 v16, v23;
	v32 =	vld [tilespmem:s30+$0x80]  }
0x3f: {  	v6 =	vadd.f32 v30, v6;
	s25 =	sadd.s32 s29, s31;
	v25 =	vadd.f32 v55, v25;
	v55 =	vmul.f32 v1, v13;
	v13 =	vld [tilespmem:s19+$0x10800]  }
0x40: {  	v8 =	vadd.f32 v29, v8;
	v50 =	vmul.f32 v1, v28;
	v27 =	vadd.f32 v16, v27;
	v16 =	vld [tilespmem:s25+$0x0]  }
0x41: {  	v62 =	vmul.f32 v35, v28;
	v37 =	vadd.f32 v61, v37;
	v7 =	vmovc v20;
	v20 =	vmul.f32 v35, v2;
	v35 =	vld [tilespmem:s30+$0x0]  }
0x42: {  	v44 =	vadd.f32 v58, v44;
	v23 =	vmovc v57;
	v17 =	vadd.f32 v55, v17;
	v55 =	vmul.f32 v1, v10;
	v10 =	vld [tilespmem:s19+$0x10C00]  }
0x43: {  	p0 =	sne.s32 s22, $0x3F0;
	v43 =	vadd.f32 v52, v43;
	v21 =	vadd.f32 v50, v21;
	v2 =	vmovc v63;
	v1 =	vld [tilespmem:s30+$0x180];
	v29 =	vmul.f32 v32, v23  }
.Ltmp0:
0x44: {  	v49 =	vadd.f32 v62, v49;
	v26 =	vmul.f32 v32, v2;
	v45 =	vmul.f32 v32, v7;
	(pc) =	sbr.rel @p0 .LBB2_3-.Ltmp0, $4  }
0x45: {  	v41 =	vadd.f32 v20, v41;
	v20 =	vmul.f32 v16, v2;
	v63 =	vmul.f32 v16, v3  }
0x46: {  	v14 =	vadd.f32 v55, v14;
	v50 =	vmul.f32 v32, v13;
	v30 =	vmul.f32 v16, v13  }
0x47: {  	v31 =	vadd.f32 v26, v31;
	v39 =	vadd.f32 v29, v39;
	v51 =	vmul.f32 v35, v23  }
0x48: {  	s22 =	sadd.s32 $0x10, s22;
	v28 =	vld [tilespmem:s19+$0x10400];
	v9 =	vmovc v59;
	v26 =	vmul.f32 v1, v23;
	v29 =	vmul.f32 v16, v10;
	v4 =	vadd.f32 v63, v4  }
0x49: {  	_ =	sdelay $0x3  }
0x4a: {  	v52 =	vmul.f32 v35, v28  }
0x4b: {  	v46 =	vadd.f32 v51, v46  }
0x4c: {  	v49 =	vadd.f32 v52, v49  }
0x4d: {  	[tilespmem:$0x12080] =	vst v46  }
0x4e: {  	[tilespmem:$0x12090] =	vst v49  }
0x4f: {  	v57 =	vld [tilespmem:$0x12088];
	_ =	sdelay $0x3  }
0x50: {  	v58 =	vmul.f32 v35, v13  }
0x51: {  	v46 =	vadd.f32 v57, v46  }
0x52: {  	v48 =	vadd.f32 v58, v48  }
0x53: {  	[tilespmem:$0x12080] =	vst v46  }
0x54: {  	[tilespmem:$0x120A0] =	vst v48;
	v59 =	vld [tilespmem:$0x12084]  }
0x55: {  	v60 =	vld [tilespmem:$0x12098];
	_ =	sdelay $0x3  }
0x56: {  	v61 =	vmul.f32 v35, v10;
	v46 =	vadd.f32 v59, v46  }
0x57: {  	v49 =	vadd.f32 v60, v49  }
0x58: {  	v47 =	vadd.f32 v61, v47;
	[tilespmem:$0x12080] =	vst v46  }
0x59: {  	v52 =	vld [tilespmem:$0x12082];
	[tilespmem:$0x12090] =	vst v49  }
0x5a: {  	[tilespmem:$0x120B0] =	vst v47;
	v62 =	vld [tilespmem:$0x12094]  }
0x5b: {  	v53 =	vld [tilespmem:$0x120A8];
	_ =	sdelay $0x3  }
0x5c: {  	v63 =	vmul.f32 v32, v28;
	v49 =	vadd.f32 v62, v49  }
0x5d: {  	v48 =	vadd.f32 v53, v48;
	v57 =	vmul.f32 v35, v7;
	[tilespmem:$0x12080] =	vst v39  }
0x5e: {  	v43 =	vadd.f32 v63, v43;
	[tilespmem:$0x12090] =	vst v49  }
0x5f: {  	v42 =	vadd.f32 v57, v42;
	v54 =	vld [tilespmem:$0x12092];
	[tilespmem:$0x120A0] =	vst v48  }
0x60: {  	[tilespmem:$0x12090] =	vst v43;
	v58 =	vld [tilespmem:$0x120A4]  }
0x61: {  	[tilespmem:$0x120C0] =	vst v42;
	v59 =	vld [tilespmem:$0x12088]  }
0x62: {  	v55 =	vld [tilespmem:$0x120B8];
	_ =	sdelay $0x2  }
0x63: {  	v48 =	vadd.f32 v58, v48  }
0x64: {  	v39 =	vadd.f32 v59, v39  }
0x65: {  	v60 =	vmul.f32 v35, v9;
	v47 =	vadd.f32 v55, v47;
	[tilespmem:$0x120A0] =	vst v48  }
0x66: {  	v40 =	vadd.f32 v50, v40;
	[tilespmem:$0x12080] =	vst v39;
	v50 =	vld [tilespmem:$0x120A2]  }
0x67: {  	v44 =	vadd.f32 v60, v44;
	[tilespmem:$0x120B0] =	vst v47;
	v61 =	vld [tilespmem:$0x12084]  }
0x68: {  	[tilespmem:$0x120A0] =	vst v40;
	v62 =	vld [tilespmem:$0x120B4]  }
0x69: {  	[tilespmem:$0x120D0] =	vst v44;
	v63 =	vld [tilespmem:$0x12098]  }
0x6a: {  	v56 =	vld [tilespmem:$0x120C8];
	_ =	sdelay $0x1  }
0x6b: {  	v39 =	vadd.f32 v61, v39  }
0x6c: {  	v47 =	vadd.f32 v62, v47  }
0x6d: {  	v60 =	vmul.f32 v32, v10;
	v43 =	vadd.f32 v63, v43;
	[tilespmem:$0x12080] =	vst v39  }
0x6e: {  	v42 =	vadd.f32 v56, v42;
	v61 =	vmul.f32 v35, v2;
	[tilespmem:$0x120B0] =	vst v47;
	v55 =	vld [tilespmem:$0x12082]  }
0x6f: {  	v38 =	vadd.f32 v60, v38;
	[tilespmem:$0x12090] =	vst v43;
	v51 =	vld [tilespmem:$0x120B2]  }
0x70: {  	v41 =	vadd.f32 v61, v41;
	[tilespmem:$0x120C0] =	vst v42;
	v62 =	vld [tilespmem:$0x12094]  }
0x71: {  	[tilespmem:$0x120B0] =	vst v38;
	v63 =	vld [tilespmem:$0x120C4]  }
0x72: {  	[tilespmem:$0x120E0] =	vst v41;
	v57 =	vld [tilespmem:$0x120A8]  }
0x73: {  	v58 =	vld [tilespmem:$0x120D8];
	_ =	sdelay $0x1  }
0x74: {  	v43 =	vadd.f32 v62, v43  }
0x75: {  	v42 =	vadd.f32 v63, v42  }
0x76: {  	v40 =	vadd.f32 v57, v40;
	[tilespmem:$0x12090] =	vst v43  }
0x77: {  	v60 =	vmul.f32 v35, v3;
	v44 =	vadd.f32 v58, v44;
	[tilespmem:$0x120C0] =	vst v42;
	v53 =	vld [tilespmem:$0x12092]  }
0x78: {  	v36 =	vadd.f32 v45, v36;
	[tilespmem:$0x120A0] =	vst v40;
	v45 =	vld [tilespmem:$0x120C2]  }
0x79: {  	v35 =	vadd.f32 v60, v37;
	[tilespmem:$0x120D0] =	vst v44;
	v61 =	vld [tilespmem:$0x120A4]  }
0x7a: {  	[tilespmem:$0x120C0] =	vst v36;
	v62 =	vld [tilespmem:$0x120D4]  }
0x7b: {  	[tilespmem:$0x120F0] =	vst v35;
	v63 =	vld [tilespmem:$0x120B8]  }
0x7c: {  	v60 =	vld [tilespmem:$0x120E8];
	_ =	sdelay $0x1  }
0x7d: {  	v37 =	vadd.f32 v61, v40  }
0x7e: {  	v40 =	vadd.f32 v62, v44  }
0x7f: {  	v61 =	vmul.f32 v32, v9;
	v38 =	vadd.f32 v63, v38;
	[tilespmem:$0x120A0] =	vst v37  }
0x80: {  	v41 =	vadd.f32 v60, v41;
	[tilespmem:$0x120D0] =	vst v40;
	v56 =	vld [tilespmem:$0x120A2]  }
0x81: {  	v34 =	vadd.f32 v61, v34;
	[tilespmem:$0x120B0] =	vst v38;
	v44 =	vld [tilespmem:$0x120D2]  }
0x82: {  	[tilespmem:$0x120E0] =	vst v41;
	v57 =	vld [tilespmem:$0x120B4]  }
0x83: {  	[tilespmem:$0x120D0] =	vst v34;
	v58 =	vld [tilespmem:$0x120E4]  }
0x84: {  	v59 =	vld [tilespmem:$0x120C8]  }
0x85: {  	v60 =	vld [tilespmem:$0x120F8];
	_ =	sdelay $0x1  }
0x86: {  	v38 =	vadd.f32 v57, v38  }
0x87: {  	v41 =	vadd.f32 v58, v41  }
0x88: {  	v36 =	vadd.f32 v59, v36;
	[tilespmem:$0x120B0] =	vst v38  }
0x89: {  	v35 =	vadd.f32 v60, v35;
	[tilespmem:$0x120E0] =	vst v41;
	v57 =	vld [tilespmem:$0x120B2]  }
0x8a: {  	[tilespmem:$0x120C0] =	vst v36;
	v58 =	vld [tilespmem:$0x120E2]  }
0x8b: {  	[tilespmem:$0x120F0] =	vst v35;
	v59 =	vld [tilespmem:$0x120C4]  }
0x8c: {  	[tilespmem:$0x120E0] =	vst v31;
	v60 =	vld [tilespmem:$0x120F4]  }
0x8d: {  	v61 =	vld [tilespmem:$0x120D8];
	_ =	sdelay $0x2  }
0x8e: {  	v36 =	vadd.f32 v59, v36  }
0x8f: {  	v62 =	vmul.f32 v32, v3;
	v35 =	vadd.f32 v60, v35  }
0x90: {  	v34 =	vadd.f32 v61, v34;
	[tilespmem:$0x120C0] =	vst v36  }
0x91: {  	v32 =	vadd.f32 v62, v33;
	[tilespmem:$0x120F0] =	vst v35;
	v59 =	vld [tilespmem:$0x120C2]  }
0x92: {  	[tilespmem:$0x120D0] =	vst v34;
	v33 =	vld [tilespmem:$0x120F2]  }
0x93: {  	v46 =	vadd.f32 v52, v46;
	v60 =	vld [tilespmem:$0x120D4];
	[tilespmem:$0x120F0] =	vst v32  }
0x94: {  	v63 =	vld [tilespmem:$0x120E8]  }
0x95: {  	(v2sf) =	vpush v46, $0x0;
	v49 =	vadd.f32 v54, v49  }
0x96: {  	(v2sf) =	vpush v46, $0x1  }
0x97: {  	(v2sf) =	vpush v49, $0x0  }
0x98: {  	v34 =	vadd.f32 v60, v34;
	v60 =	vadd.f32 v50, v48  }
0x99: {  	(v2sf) =	vpush v49, $0x1;
	v61 =	vadd.f32 v63, v31  }
0x9a: {  	v47 =	vadd.f32 v51, v47;
	[tilespmem:$0x120D0] =	vst v34;
	(v2sf) =	vpush v60, $0x0  }
0x9b: {  	v62 =	vld [tilespmem:$0x120D2];
	(v2sf) =	vpush v60, $0x1;
	[tilespmem:$0x120E0] =	vst v61  }
0x9c: {  	v42 =	vadd.f32 v45, v42;
	(v2sf) =	vpush v47, $0x0;
	v63 =	vld [tilespmem:$0x120E4]  }
0x9d: {  	v49 =	vld [tilespmem:$0x120F8];
	(v2sf) =	vpush v47, $0x1  }
0x9e: {  	v40 =	vadd.f32 v44, v40;
	(v2sf) =	vpush v42, $0x0  }
0x9f: {  	v41 =	vadd.f32 v58, v41;
	(v2sf) =	vpush v42, $0x1  }
0xa0: {  	v33 =	vadd.f32 v33, v35;
	(v2sf) =	vpush v40, $0x0  }
0xa1: {  	(v2sf) =	vpush v40, $0x1;
	v31 =	vadd.f32 v63, v61  }
0xa2: {  	v32 =	vadd.f32 v49, v32;
	(v2sf) =	vpush v41, $0x0  }
0xa3: {  	(v2sf) =	vpush v41, $0x1;
	[tilespmem:$0x120E0] =	vst v31  }
0xa4: {  	v50 =	vadd.f32 v55, v39;
	(v2sf) =	vpush v33, $0x0;
	v51 =	vld [tilespmem:$0x120E2];
	[tilespmem:$0x120F0] =	vst v32  }
0xa5: {  	s0 =	spop (v2sf);
	v52 =	vadd.f32 v53, v43;
	(v2sf) =	vpush v33, $0x1;
	v53 =	vld [tilespmem:$0x120F4]  }
0xa6: {  	s21 =	spop (v2sf);
	(v2sf) =	vpush v50, $0x0  }
0xa7: {  	s22 =	spop (v2sf);
	(v2sf) =	vpush v50, $0x1  }
0xa8: {  	s23 =	spop (v2sf);
	v54 =	vadd.f32 v56, v37;
	(v2sf) =	vpush v52, $0x0  }
0xa9: {  	v55 =	vadd.f32 v57, v38;
	(v2sf) =	vpush v52, $0x1;
	s24 =	spop (v2sf)  }
0xaa: {  	(v2sf) =	vpush v54, $0x0;
	s25 =	spop (v2sf);
	v32 =	vadd.f32 v53, v32  }
0xab: {  	s26 =	spop (v2sf);
	(v2sf) =	vpush v54, $0x1  }
0xac: {  	v56 =	vadd.f32 v59, v36;
	s28 =	spop (v2sf);
	(v2sf) =	vpush v55, $0x0;
	[tilespmem:$0x120F0] =	vst v32  }
0xad: {  	s29 =	spop (v2sf);
	(v2sf) =	vpush v55, $0x1;
	v57 =	vld [tilespmem:$0x120F2]  }
0xae: {  	v34 =	vadd.f32 v62, v34;
	s30 =	spop (v2sf);
	(v2sf) =	vpush v56, $0x0  }
0xaf: {  	s31 =	spop (v2sf);
	(v2sf) =	vpush v56, $0x1  }
0xb0: {  	[dreg:$0x16] =	wrdreg s0;
	v31 =	vadd.f32 v51, v31;
	s0 =	spop (v2sf);
	(v2sf) =	vpush v34, $0x0  }
0xb1: {  	s1 =	spop (v2sf);
	(v2sf) =	vpush v34, $0x1  }
0xb2: {  	s10 =	spop (v2sf);
	(v2sf) =	vpush v31, $0x0;
	v32 =	vadd.f32 v57, v32  }
0xb3: {  	s12 =	spop (v2sf);
	(v2sf) =	vpush v31, $0x1  }
0xb4: {  	s13 =	spop (v2sf);
	(v2sf) =	vpush v32, $0x0  }
0xb5: {  	s3 =	spop (v2sf);
	(v2sf) =	vpush v32, $0x1  }
0xb6: {  	s4 =	spop (v2sf)  }
0xb7: {  	s15 =	spop (v2sf)  }
0xb8: {  	s6 =	spop (v2sf)  }
0xb9: {  	s7 =	spop (v2sf)  }
0xba: {  	s8 =	spop (v2sf)  }
0xbb: {  	s9 =	spop (v2sf)  }
0xbc: {  	s5 =	spop (v2sf)  }
0xbd: {  	s14 =	spop (v2sf)  }
0xbe: {  	s16 =	spop (v2sf)  }
0xbf: {  	s2 =	spop (v2sf)  }
0xc0: {  	s11 =	spop (v2sf)  }
0xc1: {  	s17 =	spop (v2sf)  }
0xc2: {  	s19 =	spop (v2sf)  }
0xc3: {  	s18 =	spop (v2sf)  }
0xc4: {  	s20 =	spop (v2sf)  }
0xc5: {  	s18 =	sadd.f32 s20, s18  }
0xc6: {  	s20 =	rddreg [dreg:$0x16]  }
0xc7: {  	s20 =	sadd.f32 s21, s20  }
0xc8: {  	s23 =	sadd.f32 s23, s22;
	v58 =	vmov s18  }
0xc9: {  	s25 =	sadd.f32 s25, s24;
	v31 =	vsel vm0, s20, v58  }
0xca: {  	s22 =	sadd.f32 s28, s26;
	v31 =	vsel vm1, s23, v31  }
0xcb: {  	s23 =	sadd.f32 s30, s29;
	v31 =	vsel vm2, s25, v31  }
0xcc: {  	s0 =	sadd.f32 s0, s31;
	v31 =	vsel vm3, s22, v31  }
0xcd: {  	s1 =	sadd.f32 s10, s1;
	v31 =	vsel vm4, s23, v31  }
0xce: {  	s24 =	sadd.f32 s13, s12;
	v31 =	vsel vm5, s0, v31  }
0xcf: {  	s25 =	sadd.f32 s4, s3;
	v31 =	vsel vm6, s1, v31  }
0xd0: {  	s26 =	sadd.f32 s6, s15;
	v31 =	vsel vm7, s24, v31  }
0xd1: {  	s28 =	sadd.f32 s8, s7;
	v31 =	vsel vm8, s25, v31  }
0xd2: {  	s29 =	sadd.f32 s5, s9;
	v31 =	vsel vm9, s26, v31  }
0xd3: {  	s30 =	sadd.f32 s16, s14;
	v31 =	vsel vm10, s28, v31  }
0xd4: {  	s2 =	sadd.f32 s11, s2;
	v31 =	vsel vm11, s29, v31  }
0xd5: {  	s31 =	sadd.f32 s19, s17;
	v31 =	vsel vm12, s30, v31  }
0xd6: {  	v31 =	vsel vm13, s2, v31  }
0xd7: {  	v31 =	vsel vm14, s31, v31  }
0xd8: {  	v31 =	vadd.f32 v31, v0;
	_ =	sdelay $0x1  }
0xd9: {  	[tilespmem:$0x12180] =	vst v31  }
0xda: {  	v59 =	vld [tilespmem:$0x12184];
	_ =	sdelay $0x4  }
0xdb: {  	v32 =	vmax.f32 v31, v59  }
0xdc: {  	[tilespmem:$0x12180] =	vst v32  }
0xdd: {  	v60 =	vld [tilespmem:$0x12182];
	_ =	sdelay $0x4  }
0xde: {  	v32 =	vmax.f32 v32, v60  }
0xdf: {  	[tilespmem:$0x12180] =	vst v32  }
0xe0: {  	v61 =	vld [tilespmem:$0x12181];
	_ =	sdelay $0x4  }
0xe1: {  	v32 =	vmax.f32 v32, v61  }
0xe2: {  	v33 =	vbroadcast v32, $0x0;
	v32 =	vbroadcast v32, $0x8;
	_ =	sdelay $0x1  }
0xe3: {  	v32 =	vsel vm15, v33, v32  }
0xe4: {  	v31 =	vsub.f32 v31, v32;
	_ =	sdelay $0x1  }
0xe5: {  	v31 =	vmul.f32 $1.442695020e+00, v31;
	_ =	sdelay $0x1  }
0xe6: {  	(erf) = vpow2.f32 v31;
	_ =	sdelay $0x8  }
0xe7: {  	v31 =	vpop (erf)  }
0xe8: {  	[tilespmem:$0x12180] =	vst v31  }
0xe9: {  	v62 =	vld [tilespmem:$0x12184];
	_ =	sdelay $0x4  }
0xea: {  	v32 =	vadd.f32 v31, v62;
	_ =	sdelay $0x1  }
0xeb: {  	[tilespmem:$0x12180] =	vst v32  }
0xec: {  	v63 =	vld [tilespmem:$0x12182];
	_ =	sdelay $0x4  }
0xed: {  	v32 =	vadd.f32 v32, v63;
	_ =	sdelay $0x1  }
0xee: {  	[tilespmem:$0x12180] =	vst v32  }
0xef: {  	v36 =	vld [tilespmem:$0x12181];
	_ =	sdelay $0x4  }
0xf0: {  	v32 =	vadd.f32 v32, v36;
	_ =	sdelay $0x1  }
0xf1: {  	v33 =	vbroadcast v32, $0x0;
	v32 =	vbroadcast v32, $0x8;
	_ =	sdelay $0x1  }
0xf2: {  	v32 =	vsel vm15, v33, v32  }
0xf3: {  	(erf) = vrcp.f32 v32;
	_ =	sdelay $0x8  }
0xf4: {  	v23 =	vmul.f32 v16, v23;
	s3 =	rddreg [dreg:$0x13];
	v32 =	vpop (erf)  }
0xf5: {  	v37 =	vmul.f32 v16, v28;
	s0 =	sshll.u32 s3, $0x5;
	v31 =	vmul.f32 v32, v31  }
0xf6: {  	v23 =	vadd.f32 v23, v27;
	s0 =	sand.u32 $0x3FFFFFE0, s0  }
0xf7: {  	v25 =	vadd.f32 v37, v25;
	[tilespmem:s0+$0x12200] =	vst v31  }
0xf8: {  	[tilespmem:$0x12080] =	vst v23  }
0xf9: {  	[tilespmem:$0x12090] =	vst v25  }
0xfa: {  	v38 =	vld [tilespmem:$0x12088];
	_ =	sdelay $0x4  }
0xfb: {  	v23 =	vadd.f32 v38, v23  }
0xfc: {  	v19 =	vadd.f32 v30, v19  }
0xfd: {  	[tilespmem:$0x12080] =	vst v23  }
0xfe: {  	[tilespmem:$0x120A0] =	vst v19;
	v39 =	vld [tilespmem:$0x12084]  }
0xff: {  	v40 =	vld [tilespmem:$0x12098];
	_ =	sdelay $0x3  }
0x100: {  	v23 =	vadd.f32 v39, v23  }
0x101: {  	v25 =	vadd.f32 v40, v25  }
0x102: {  	v24 =	vadd.f32 v29, v24;
	[tilespmem:$0x12080] =	vst v23  }
0x103: {  	v27 =	vld [tilespmem:$0x12082];
	[tilespmem:$0x12090] =	vst v25  }
0x104: {  	[tilespmem:$0x120B0] =	vst v24;
	v41 =	vld [tilespmem:$0x12094]  }
0x105: {  	v42 =	vld [tilespmem:$0x120A8];
	_ =	sdelay $0x2  }
0x106: {  	v22 =	vadd.f32 v26, v22  }
0x107: {  	v43 =	vmul.f32 v1, v28;
	v25 =	vadd.f32 v41, v25  }
0x108: {  	v44 =	vmul.f32 v16, v7;
	v19 =	vadd.f32 v42, v19;
	[tilespmem:$0x12080] =	vst v22  }
0x109: {  	v21 =	vadd.f32 v43, v21;
	[tilespmem:$0x12090] =	vst v25  }
0x10a: {  	v18 =	vadd.f32 v44, v18;
	v26 =	vld [tilespmem:$0x12092];
	[tilespmem:$0x120A0] =	vst v19  }
0x10b: {  	[tilespmem:$0x12090] =	vst v21;
	v45 =	vld [tilespmem:$0x120A4]  }
0x10c: {  	[tilespmem:$0x120C0] =	vst v18;
	v46 =	vld [tilespmem:$0x12088]  }
0x10d: {  	v47 =	vld [tilespmem:$0x120B8];
	_ =	sdelay $0x2  }
0x10e: {  	v19 =	vadd.f32 v45, v19  }
0x10f: {  	v48 =	vmul.f32 v1, v13;
	v22 =	vadd.f32 v46, v22  }
0x110: {  	v49 =	vmul.f32 v16, v9;
	v24 =	vadd.f32 v47, v24;
	[tilespmem:$0x120A0] =	vst v19  }
0x111: {  	v13 =	vadd.f32 v48, v17;
	[tilespmem:$0x12080] =	vst v22;
	v17 =	vld [tilespmem:$0x120A2]  }
0x112: {  	v15 =	vadd.f32 v49, v15;
	[tilespmem:$0x120B0] =	vst v24;
	v50 =	vld [tilespmem:$0x12084]  }
0x113: {  	[tilespmem:$0x120A0] =	vst v13;
	v51 =	vld [tilespmem:$0x120B4]  }
0x114: {  	[tilespmem:$0x120D0] =	vst v15;
	v52 =	vld [tilespmem:$0x12098]  }
0x115: {  	v53 =	vld [tilespmem:$0x120C8];
	_ =	sdelay $0x1  }
0x116: {  	v16 =	vadd.f32 v50, v22  }
0x117: {  	v54 =	vadd.f32 v51, v24  }
0x118: {  	v55 =	vmul.f32 v1, v10;
	v21 =	vadd.f32 v52, v21;
	[tilespmem:$0x12080] =	vst v16  }
0x119: {  	v18 =	vadd.f32 v53, v18;
	[tilespmem:$0x120B0] =	vst v54;
	v24 =	vld [tilespmem:$0x12082]  }
0x11a: {  	v10 =	vadd.f32 v55, v14;
	[tilespmem:$0x12090] =	vst v21;
	v56 =	vld [tilespmem:$0x120B2]  }
0x11b: {  	v12 =	vadd.f32 v20, v12;
	[tilespmem:$0x120C0] =	vst v18;
	v57 =	vld [tilespmem:$0x12094]  }
0x11c: {  	[tilespmem:$0x120B0] =	vst v10;
	v58 =	vld [tilespmem:$0x120C4]  }
0x11d: {  	[tilespmem:$0x120E0] =	vst v12;
	v59 =	vld [tilespmem:$0x120A8]  }
0x11e: {  	v60 =	vld [tilespmem:$0x120D8];
	_ =	sdelay $0x1  }
0x11f: {  	v20 =	vadd.f32 v57, v21  }
0x120: {  	v18 =	vadd.f32 v58, v18  }
0x121: {  	v61 =	vmul.f32 v1, v7;
	v13 =	vadd.f32 v59, v13;
	[tilespmem:$0x12090] =	vst v20  }
0x122: {  	v15 =	vadd.f32 v60, v15;
	[tilespmem:$0x120C0] =	vst v18;
	v62 =	vld [tilespmem:$0x12092]  }
0x123: {  	v7 =	vadd.f32 v61, v11;
	[tilespmem:$0x120A0] =	vst v13;
	v63 =	vld [tilespmem:$0x120C2]  }
0x124: {  	[tilespmem:$0x120D0] =	vst v15;
	v33 =	vld [tilespmem:$0x120A4]  }
0x125: {  	[tilespmem:$0x120C0] =	vst v7;
	v34 =	vld [tilespmem:$0x120D4]  }
0x126: {  	[tilespmem:$0x120F0] =	vst v4;
	v35 =	vld [tilespmem:$0x120B8]  }
0x127: {  	v31 =	vld [tilespmem:$0x120E8];
	_ =	sdelay $0x1  }
0x128: {  	v13 =	vadd.f32 v33, v13  }
0x129: {  	v15 =	vadd.f32 v34, v15  }
0x12a: {  	v36 =	vmul.f32 v1, v9;
	v10 =	vadd.f32 v35, v10;
	[tilespmem:$0x120A0] =	vst v13  }
0x12b: {  	v12 =	vadd.f32 v31, v12;
	[tilespmem:$0x120D0] =	vst v15;
	v37 =	vld [tilespmem:$0x120A2]  }
0x12c: {  	v8 =	vadd.f32 v36, v8;
	[tilespmem:$0x120B0] =	vst v10;
	v38 =	vld [tilespmem:$0x120D2]  }
0x12d: {  	[tilespmem:$0x120E0] =	vst v12;
	v39 =	vld [tilespmem:$0x120B4]  }
0x12e: {  	[tilespmem:$0x120D0] =	vst v8;
	v40 =	vld [tilespmem:$0x120E4]  }
0x12f: {  	v41 =	vld [tilespmem:$0x120C8]  }
0x130: {  	v42 =	vld [tilespmem:$0x120F8];
	_ =	sdelay $0x1  }
0x131: {  	v10 =	vadd.f32 v39, v10  }
0x132: {  	v12 =	vadd.f32 v40, v12  }
0x133: {  	v2 =	vmul.f32 v1, v2;
	v7 =	vadd.f32 v41, v7;
	[tilespmem:$0x120B0] =	vst v10  }
0x134: {  	v43 =	vadd.f32 v42, v4;
	[tilespmem:$0x120E0] =	vst v12;
	v44 =	vld [tilespmem:$0x120B2]  }
0x135: {  	v2 =	vadd.f32 v2, v6;
	[tilespmem:$0x120C0] =	vst v7;
	v45 =	vld [tilespmem:$0x120E2]  }
0x136: {  	[tilespmem:$0x120F0] =	vst v43;
	v46 =	vld [tilespmem:$0x120C4]  }
0x137: {  	[tilespmem:$0x120E0] =	vst v2;
	v47 =	vld [tilespmem:$0x120F4]  }
0x138: {  	v48 =	vld [tilespmem:$0x120D8];
	_ =	sdelay $0x2  }
0x139: {  	v7 =	vadd.f32 v46, v7  }
0x13a: {  	v1 =	vmul.f32 v1, v3;
	v4 =	vadd.f32 v47, v43  }
0x13b: {  	v3 =	vadd.f32 v48, v8;
	[tilespmem:$0x120C0] =	vst v7  }
0x13c: {  	v1 =	vadd.f32 v1, v5;
	[tilespmem:$0x120F0] =	vst v4;
	v49 =	vld [tilespmem:$0x120C2]  }
0x13d: {  	v23 =	vadd.f32 v27, v23;
	[tilespmem:$0x120D0] =	vst v3;
	v50 =	vld [tilespmem:$0x120F2]  }
0x13e: {  	v51 =	vld [tilespmem:$0x120D4];
	[tilespmem:$0x120F0] =	vst v1  }
0x13f: {  	(v2sf) =	vpush v23, $0x0;
	v25 =	vadd.f32 v26, v25;
	v52 =	vld [tilespmem:$0x120E8]  }
0x140: {  	(v2sf) =	vpush v23, $0x1  }
0x141: {  	(v2sf) =	vpush v25, $0x0;
	v17 =	vadd.f32 v17, v19  }
0x142: {  	(v2sf) =	vpush v25, $0x1  }
0x143: {  	(v2sf) =	vpush v17, $0x0;
	v3 =	vadd.f32 v51, v3  }
0x144: {  	v14 =	vadd.f32 v56, v54;
	v2 =	vadd.f32 v52, v2  }
0x145: {  	(v2sf) =	vpush v17, $0x1;
	[tilespmem:$0x120D0] =	vst v3  }
0x146: {  	(v2sf) =	vpush v14, $0x0;
	v11 =	vadd.f32 v63, v18;
	v53 =	vld [tilespmem:$0x120D2];
	[tilespmem:$0x120E0] =	vst v2  }
0x147: {  	(v2sf) =	vpush v14, $0x1;
	v54 =	vld [tilespmem:$0x120E4]  }
0x148: {  	(v2sf) =	vpush v11, $0x0;
	v9 =	vadd.f32 v38, v15;
	v55 =	vld [tilespmem:$0x120F8]  }
0x149: {  	(v2sf) =	vpush v11, $0x1  }
0x14a: {  	(v2sf) =	vpush v9, $0x0;
	v6 =	vadd.f32 v45, v12  }
0x14b: {  	(v2sf) =	vpush v9, $0x1  }
0x14c: {  	(v2sf) =	vpush v6, $0x0;
	v2 =	vadd.f32 v54, v2  }
0x14d: {  	v4 =	vadd.f32 v50, v4;
	v1 =	vadd.f32 v55, v1  }
0x14e: {  	(v2sf) =	vpush v6, $0x1;
	[tilespmem:$0x120E0] =	vst v2  }
0x14f: {  	v56 =	vadd.f32 v24, v16;
	(v2sf) =	vpush v4, $0x0;
	v57 =	vld [tilespmem:$0x120E2];
	[tilespmem:$0x120F0] =	vst v1  }
0x150: {  	s4 =	spop (v2sf);
	(v2sf) =	vpush v4, $0x1;
	v59 =	vld [tilespmem:$0x120F4]  }
0x151: {  	s1 =	spop (v2sf);
	v58 =	vadd.f32 v62, v20;
	(v2sf) =	vpush v56, $0x0  }
0x152: {  	s2 =	spop (v2sf);
	(v2sf) =	vpush v56, $0x1  }
0x153: {  	s3 =	spop (v2sf);
	v60 =	vadd.f32 v37, v13;
	(v2sf) =	vpush v58, $0x0  }
0x154: {  	[dreg:$0x17] =	wrdreg s4;
	s4 =	spop (v2sf);
	v61 =	vadd.f32 v44, v10;
	(v2sf) =	vpush v58, $0x1  }
0x155: {  	s5 =	spop (v2sf);
	(v2sf) =	vpush v60, $0x0;
	v1 =	vadd.f32 v59, v1  }
0x156: {  	s6 =	spop (v2sf);
	(v2sf) =	vpush v60, $0x1  }
0x157: {  	s7 =	spop (v2sf);
	v62 =	vadd.f32 v49, v7;
	(v2sf) =	vpush v61, $0x0;
	[tilespmem:$0x120F0] =	vst v1  }
0x158: {  	s8 =	spop (v2sf);
	(v2sf) =	vpush v61, $0x1;
	v63 =	vld [tilespmem:$0x120F2]  }
0x159: {  	s9 =	spop (v2sf);
	v3 =	vadd.f32 v53, v3;
	(v2sf) =	vpush v62, $0x0  }
0x15a: {  	s10 =	spop (v2sf);
	(v2sf) =	vpush v62, $0x1  }
0x15b: {  	s11 =	spop (v2sf);
	(v2sf) =	vpush v3, $0x0;
	v2 =	vadd.f32 v57, v2  }
0x15c: {  	s12 =	spop (v2sf);
	(v2sf) =	vpush v3, $0x1  }
0x15d: {  	s13 =	spop (v2sf);
	(v2sf) =	vpush v2, $0x0;
	v1 =	vadd.f32 v63, v1  }
0x15e: {  	s14 =	spop (v2sf);
	(v2sf) =	vpush v2, $0x1  }
0x15f: {  	s15 =	spop (v2sf);
	(v2sf) =	vpush v1, $0x0  }
0x160: {  	s16 =	spop (v2sf);
	(v2sf) =	vpush v1, $0x1  }
0x161: {  	s17 =	spop (v2sf)  }
0x162: {  	s18 =	spop (v2sf)  }
0x163: {  	s19 =	spop (v2sf)  }
0x164: {  	s20 =	spop (v2sf)  }
0x165: {  	s21 =	spop (v2sf)  }
0x166: {  	s22 =	spop (v2sf)  }
0x167: {  	s23 =	spop (v2sf)  }
0x168: {  	s24 =	spop (v2sf)  }
0x169: {  	s25 =	spop (v2sf)  }
0x16a: {  	s26 =	spop (v2sf)  }
0x16b: {  	s28 =	spop (v2sf)  }
0x16c: {  	s29 =	spop (v2sf)  }
0x16d: {  	s30 =	spop (v2sf)  }
0x16e: {  	s31 =	spop (v2sf)  }
0x16f: {  	s0 =	spop (v2sf)  }
0x170: {  	s0 =	sadd.f32 s0, s31  }
0x171: {  	s31 =	rddreg [dreg:$0x17]  }
0x172: {  	s1 =	sadd.f32 s1, s31  }
0x173: {  	s2 =	sadd.f32 s3, s2;
	v1 =	vmov s0  }
0x174: {  	s5 =	sadd.f32 s5, s4;
	v1 =	vsel vm0, s1, v1  }
0x175: {  	s7 =	sadd.f32 s7, s6;
	v1 =	vsel vm1, s2, v1  }
0x176: {  	s9 =	sadd.f32 s9, s8;
	v1 =	vsel vm2, s5, v1  }
0x177: {  	s11 =	sadd.f32 s11, s10;
	v1 =	vsel vm3, s7, v1  }
0x178: {  	s13 =	sadd.f32 s13, s12;
	v1 =	vsel vm4, s9, v1  }
0x179: {  	s15 =	sadd.f32 s15, s14;
	v1 =	vsel vm5, s11, v1  }
0x17a: {  	s17 =	sadd.f32 s17, s16;
	v1 =	vsel vm6, s13, v1  }
0x17b: {  	s19 =	sadd.f32 s19, s18;
	v1 =	vsel vm7, s15, v1  }
0x17c: {  	s21 =	sadd.f32 s21, s20;
	v1 =	vsel vm8, s17, v1  }
0x17d: {  	s23 =	sadd.f32 s23, s22;
	v1 =	vsel vm9, s19, v1  }
0x17e: {  	s25 =	sadd.f32 s25, s24;
	v1 =	vsel vm10, s21, v1  }
0x17f: {  	s28 =	sadd.f32 s28, s26;
	v1 =	vsel vm11, s23, v1  }
0x180: {  	s29 =	sadd.f32 s30, s29;
	v1 =	vsel vm12, s25, v1  }
0x181: {  	v1 =	vsel vm13, s28, v1  }
0x182: {  	v1 =	vsel vm14, s29, v1  }
0x183: {  	v1 =	vadd.f32 v1, v0;
	_ =	sdelay $0x1  }
0x184: {  	[tilespmem:$0x12180] =	vst v1  }
0x185: {  	v2 =	vld [tilespmem:$0x12184];
	_ =	sdelay $0x4  }
0x186: {  	v2 =	vmax.f32 v1, v2  }
0x187: {  	[tilespmem:$0x12180] =	vst v2  }
0x188: {  	v3 =	vld [tilespmem:$0x12182];
	_ =	sdelay $0x4  }
0x189: {  	v2 =	vmax.f32 v2, v3  }
0x18a: {  	[tilespmem:$0x12180] =	vst v2  }
0x18b: {  	v3 =	vld [tilespmem:$0x12181];
	_ =	sdelay $0x4  }
0x18c: {  	v2 =	vmax.f32 v2, v3  }
0x18d: {  	v3 =	vbroadcast v2, $0x0;
	v2 =	vbroadcast v2, $0x8;
	_ =	sdelay $0x1  }
0x18e: {  	v2 =	vsel vm15, v3, v2  }
0x18f: {  	v1 =	vsub.f32 v1, v2;
	_ =	sdelay $0x1  }
0x190: {  	v1 =	vmul.f32 $1.442695020e+00, v1;
	_ =	sdelay $0x1  }
0x191: {  	(erf) = vpow2.f32 v1;
	_ =	sdelay $0x8  }
0x192: {  	v1 =	vpop (erf)  }
0x193: {  	[tilespmem:$0x12180] =	vst v1  }
0x194: {  	v2 =	vld [tilespmem:$0x12184];
	_ =	sdelay $0x4  }
0x195: {  	v2 =	vadd.f32 v1, v2;
	_ =	sdelay $0x1  }
0x196: {  	[tilespmem:$0x12180] =	vst v2  }
0x197: {  	v3 =	vld [tilespmem:$0x12182];
	_ =	sdelay $0x4  }
0x198: {  	v2 =	vadd.f32 v2, v3;
	_ =	sdelay $0x1  }
0x199: {  	[tilespmem:$0x12180] =	vst v2  }
0x19a: {  	v3 =	vld [tilespmem:$0x12181];
	_ =	sdelay $0x4  }
0x19b: {  	v2 =	vadd.f32 v2, v3;
	_ =	sdelay $0x1  }
0x19c: {  	v3 =	vbroadcast v2, $0x0;
	v2 =	vbroadcast v2, $0x8;
	_ =	sdelay $0x1  }
0x19d: {  	v2 =	vsel vm15, v3, v2  }
0x19e: {  	(erf) = vrcp.f32 v2;
	_ =	sdelay $0x4  }
0x19f: {  	s30 =	rddreg [dreg:$0x13]  }
0x1a0: {  	s1 =	sadd.s32 $0x1, s30  }
0x1a1: {  	p0 =	sne.s32 s1, $0x8  }
.Ltmp1:
0x1a2: {  	_ = 	snop;
	(pc) =	sbr.rel @p0 .LBB2_2-.Ltmp1, $4  }
0x1a3: {  	s31 =	rddreg [dreg:$0x14];
	v2 =	vpop (erf)  }
0x1a4: {  	s0 =	sshll.u32 s31, $0x3;
	v1 =	vmul.f32 v2, v1  }
0x1a5: {  	s0 =	sand.u32 $0x3FFFFFF8, s0  }
0x1a6: {  	[tilespmem:s0+$0x12200] =	vst v1  }
0x1a7: {  	s2 =	simm.s32 $0x0  }
0x1a8: {  	s0 =	rddreg [dreg:$0xc];
	s1 =	simm.s32 $0x12200;
	s30 =	simm.s32 $0x3  }
0x1a9: {  	[hbm4b:s0+s2] =	stream.linear.scatter [tilespmem:s1], [sflag:$0x3], $0x100, $0x38;
	[tilespmem:$0x12300] =	vst v63  }
0x1aa: {  	_ =	swait.ge [sflag:s30], $0x100  }
0x1ab: {  	[sflag:s30] =	ssyncset.done $0x0  }
0x1ac: {  	s31 =	simm.s32 $0x2;
	[sflag:s30] =	ssyncadd.s32 $0xFFFFFF00  }
0x1ad: {  	_ =	swait.ge [sflag:s31], $0x8000  }
0x1ae: {  	[sflag:s31] =	ssyncset.done $0x0  }
0x1af: {  	s2 =	simm.s32 $0x0;
	[sflag:s31] =	ssyncadd.s32 $0xFFFF8000  }
.LBB2_6:
0x1b0: {  	s0 =	sshll.u32 s2, $0x2;
	s1 =	sshll.u32 s2, $0xC;
	s21 =	sshll.u32 s2, $0x9  }
0x1b1: {  	s5 =	simm.s32 $0x0;
	s22 =	sand.u32 $0x6000, s1;
	s23 =	sand.u32 $0x200, s21  }
0x1b2: {  	s3 =	sor.u32 $0x2, s0;
	[dreg:$0x8] =	wrdreg s23;
	s0 =	sor.u32 $0x8000, s22  }
0x1b3: {  	s21 =	simm.s32 $0x10000;
	s29 =	sand.u32 $0x1C00, s5;
	[dreg:$0x7] =	wrdreg s0  }
0x1b4: {  	s4 =	sand.u32 $0x3F0, s5;
	s24 =	sshll.u32 s3, $0x7;
	v23 =	vld [tilespmem:s21+$0x0];
	s26 =	rddreg [dreg:$0x7]  }
0x1b5: {  	v7 =	vld [tilespmem:s4+$0x11000];
	s25 =	sand.u32 $0x300, s24;
	s28 =	rddreg [dreg:$0x8];
	s0 =	sadd.s32 s29, s26  }
0x1b6: {  	v19 =	vimm.f32 $0.0e+00;
	v36 =	vimm.f32 $0.0e+00;
	v40 =	vimm.f32 $0.0e+00;
	s31 =	sand.u32 $0x70, s5;
	v13 =	vld [tilespmem:s4+$0x10800];
	[dreg:$0x9] =	wrdreg s25;
	s1 =	sadd.s32 s28, s0  }
0x1b7: {  	v46 =	vimm.f32 $0.0e+00;
	v15 =	vimm.f32 $0.0e+00;
	v25 =	vimm.f32 $0.0e+00;
	v2 =	vld [tilespmem:s4+$0x11800];
	s30 =	rddreg [dreg:$0x9];
	s1 =	sadd.s32 s31, s1  }
0x1b8: {  	v34 =	vimm.f32 $0.0e+00;
	v12 =	vimm.f32 $0.0e+00;
	v38 =	vimm.f32 $0.0e+00;
	s0 =	sadd.s32 s30, s0;
	v32 =	vld [tilespmem:s1+$0x80]  }
0x1b9: {  	v18 =	vimm.f32 $0.0e+00;
	v17 =	vimm.f32 $0.0e+00;
	v42 =	vimm.f32 $0.0e+00;
	v3 =	vld [tilespmem:s4+$0x11C00];
	s0 =	sadd.s32 s31, s0  }
0x1ba: {  	v43 =	vimm.f32 $0.0e+00;
	v27 =	vimm.f32 $0.0e+00;
	v21 =	vimm.f32 $0.0e+00;
	v16 =	vld [tilespmem:s0+$0x0]  }
0x1bb: {  	v24 =	vimm.f32 $0.0e+00;
	v22 =	vimm.f32 $0.0e+00;
	v48 =	vimm.f32 $0.0e+00;
	v1 =	vld [tilespmem:s1+$0x180]  }
0x1bc: {  	v33 =	vimm.f32 $0.0e+00;
	v14 =	vimm.f32 $0.0e+00;
	v47 =	vimm.f32 $0.0e+00;
	v35 =	vld [tilespmem:s1+$0x0]  }
0x1bd: {  	v11 =	vimm.f32 $0.0e+00;
	v37 =	vimm.f32 $0.0e+00;
	v10 =	vld [tilespmem:s4+$0x10C00];
	v4 =	vmul.f32 v32, v23  }
0x1be: {  	v41 =	vimm.f32 $0.0e+00;
	v5 =	vmul.f32 v32, v2;
	v45 =	vmul.f32 v32, v7  }
0x1bf: {  	v9 =	vimm.f32 $0.0e+00;
	v20 =	vmul.f32 v16, v2;
	v6 =	vmul.f32 v16, v3  }
0x1c0: {  	v44 =	vimm.f32 $0.0e+00;
	v8 =	vld [tilespmem:s4+$0x11400];
	v26 =	vmul.f32 v1, v23;
	v50 =	vmul.f32 v32, v13  }
0x1c1: {  	v49 =	vimm.f32 $0.0e+00;
	v30 =	vmul.f32 v16, v13;
	v51 =	vmul.f32 v35, v23  }
0x1c2: {  	[dreg:$0x12] =	wrdreg s2;
	v29 =	vmul.f32 v16, v10;
	v31 =	vadd.f32 v5, v19;
	v39 =	vadd.f32 v4, v19  }
0x1c3: {  	[dreg:$0x15] =	wrdreg s3;
	s22 =	simm.s32 $0x10;
	v28 =	vld [tilespmem:s4+$0x10400];
	s23 =	simm.s32 $0x0;
	v4 =	vadd.f32 v6, v19;
	v5 =	vimm.f32 $0.0e+00;
	v6 =	vimm.f32 $0.0e+00  }
.LBB2_7:
0x1c4: {  	v53 =	vmul.f32 v35, v10  }
0x1c5: {  	v61 =	vmul.f32 v16, v8;
	v54 =	vmul.f32 v1, v3  }
0x1c6: {  	v56 =	vmul.f32 v32, v8;
	v58 =	vmul.f32 v32, v10  }
0x1c7: {  	v60 =	vmul.f32 v35, v13;
	v62 =	vmul.f32 v32, v3  }
0x1c8: {  	v19 =	vadd.f32 v30, v19;
	v30 =	vmul.f32 v1, v2;
	v36 =	vadd.f32 v45, v36  }
0x1c9: {  	v45 =	vmul.f32 v16, v7;
	v40 =	vadd.f32 v50, v40;
	v46 =	vadd.f32 v51, v46  }
0x1ca: {  	s21 =	sadd.s32 $0x10, s21;
	s1 =	smov.u32 s22;
	v51 =	vmul.f32 v35, v7;
	v12 =	vadd.f32 v20, v12;
	v24 =	vadd.f32 v29, v24  }
0x1cb: {  	s23 =	sadd.s32 $0x80, s23;
	v57 =	vld [tilespmem:s21+$0x0];
	s24 =	sand.u32 $0x3F0, s1;
	v22 =	vadd.f32 v26, v22;
	v26 =	vmul.f32 v1, v7;
	v15 =	vadd.f32 v61, v15  }
0x1cc: {  	s0 =	rddreg [dreg:$0x7];
	s3 =	sand.u32 $0x1C00, s23;
	v29 =	vmul.f32 v1, v8;
	v59 =	vld [tilespmem:s24+$0x11400];
	v34 =	vadd.f32 v56, v34;
	v38 =	vadd.f32 v58, v38  }
0x1cd: {  	s2 =	rddreg [dreg:$0x8];
	s0 =	sadd.s32 s3, s0;
	v20 =	vld [tilespmem:s24+$0x11000];
	v58 =	vmul.f32 v35, v8;
	v48 =	vadd.f32 v60, v48;
	v33 =	vadd.f32 v62, v33  }
0x1ce: {  	s30 =	sand.u32 $0x70, s1;
	v63 =	vld [tilespmem:s24+$0x11800];
	v61 =	vmul.f32 v35, v3;
	v5 =	vadd.f32 v54, v5;
	v47 =	vadd.f32 v53, v47;
	s2 =	sadd.s32 s2, s0  }
0x1cf: {  	s4 =	rddreg [dreg:$0x9];
	v3 =	vld [tilespmem:s24+$0x11C00];
	v18 =	vadd.f32 v45, v18;
	v42 =	vadd.f32 v51, v42;
	v55 =	vmul.f32 v16, v28;
	s31 =	sadd.s32 s30, s2  }
0x1d0: {  	s0 =	sadd.s32 s4, s0;
	v11 =	vadd.f32 v26, v11;
	v52 =	vmul.f32 v32, v28;
	v16 =	vmul.f32 v16, v23;
	v32 =	vld [tilespmem:s31+$0x80]  }
0x1d1: {  	v6 =	vadd.f32 v30, v6;
	s0 =	sadd.s32 s30, s0;
	v25 =	vadd.f32 v55, v25;
	v55 =	vmul.f32 v1, v13;
	v13 =	vld [tilespmem:s24+$0x10800]  }
0x1d2: {  	v9 =	vadd.f32 v29, v9;
	v50 =	vmul.f32 v1, v28;
	v27 =	vadd.f32 v16, v27;
	v16 =	vld [tilespmem:s0+$0x0]  }
0x1d3: {  	v62 =	vmul.f32 v35, v28;
	v37 =	vadd.f32 v61, v37;
	v7 =	vmovc v20;
	v20 =	vmul.f32 v35, v2;
	v35 =	vld [tilespmem:s31+$0x0]  }
0x1d4: {  	v44 =	vadd.f32 v58, v44;
	v23 =	vmovc v57;
	v17 =	vadd.f32 v55, v17;
	v55 =	vmul.f32 v1, v10;
	v10 =	vld [tilespmem:s24+$0x10C00]  }
0x1d5: {  	p0 =	sne.s32 s22, $0x3F0;
	v43 =	vadd.f32 v52, v43;
	v21 =	vadd.f32 v50, v21;
	v2 =	vmovc v63;
	v1 =	vld [tilespmem:s31+$0x180];
	v29 =	vmul.f32 v32, v23  }
.Ltmp2:
0x1d6: {  	v49 =	vadd.f32 v62, v49;
	v26 =	vmul.f32 v32, v2;
	v45 =	vmul.f32 v32, v7;
	(pc) =	sbr.rel @p0 .LBB2_7-.Ltmp2, $4  }
0x1d7: {  	v41 =	vadd.f32 v20, v41;
	v20 =	vmul.f32 v16, v2;
	v63 =	vmul.f32 v16, v3  }
0x1d8: {  	v14 =	vadd.f32 v55, v14;
	v50 =	vmul.f32 v32, v13;
	v30 =	vmul.f32 v16, v13  }
0x1d9: {  	v31 =	vadd.f32 v26, v31;
	v39 =	vadd.f32 v29, v39;
	v51 =	vmul.f32 v35, v23  }
0x1da: {  	s22 =	sadd.s32 $0x10, s22;
	v28 =	vld [tilespmem:s24+$0x10400];
	v8 =	vmovc v59;
	v26 =	vmul.f32 v1, v23;
	v29 =	vmul.f32 v16, v10;
	v4 =	vadd.f32 v63, v4  }
0x1db: {  	_ =	sdelay $0x3  }
0x1dc: {  	v52 =	vmul.f32 v35, v28  }
0x1dd: {  	v46 =	vadd.f32 v51, v46  }
0x1de: {  	v49 =	vadd.f32 v52, v49  }
0x1df: {  	[tilespmem:$0x12080] =	vst v46  }
0x1e0: {  	[tilespmem:$0x12090] =	vst v49  }
0x1e1: {  	v57 =	vld [tilespmem:$0x12088];
	_ =	sdelay $0x3  }
0x1e2: {  	v58 =	vmul.f32 v35, v13  }
0x1e3: {  	v46 =	vadd.f32 v57, v46  }
0x1e4: {  	v48 =	vadd.f32 v58, v48  }
0x1e5: {  	[tilespmem:$0x12080] =	vst v46  }
0x1e6: {  	[tilespmem:$0x120A0] =	vst v48;
	v59 =	vld [tilespmem:$0x12084]  }
0x1e7: {  	v60 =	vld [tilespmem:$0x12098];
	_ =	sdelay $0x3  }
0x1e8: {  	v61 =	vmul.f32 v35, v10;
	v46 =	vadd.f32 v59, v46  }
0x1e9: {  	v49 =	vadd.f32 v60, v49  }
0x1ea: {  	v47 =	vadd.f32 v61, v47;
	[tilespmem:$0x12080] =	vst v46  }
0x1eb: {  	v52 =	vld [tilespmem:$0x12082];
	[tilespmem:$0x12090] =	vst v49  }
0x1ec: {  	[tilespmem:$0x120B0] =	vst v47;
	v62 =	vld [tilespmem:$0x12094]  }
0x1ed: {  	v53 =	vld [tilespmem:$0x120A8];
	_ =	sdelay $0x3  }
0x1ee: {  	v63 =	vmul.f32 v32, v28;
	v49 =	vadd.f32 v62, v49  }
0x1ef: {  	v48 =	vadd.f32 v53, v48;
	v57 =	vmul.f32 v35, v7;
	[tilespmem:$0x12080] =	vst v39  }
0x1f0: {  	v43 =	vadd.f32 v63, v43;
	[tilespmem:$0x12090] =	vst v49  }
0x1f1: {  	v42 =	vadd.f32 v57, v42;
	v54 =	vld [tilespmem:$0x12092];
	[tilespmem:$0x120A0] =	vst v48  }
0x1f2: {  	[tilespmem:$0x12090] =	vst v43;
	v58 =	vld [tilespmem:$0x120A4]  }
0x1f3: {  	[tilespmem:$0x120C0] =	vst v42;
	v59 =	vld [tilespmem:$0x12088]  }
0x1f4: {  	v55 =	vld [tilespmem:$0x120B8];
	_ =	sdelay $0x2  }
0x1f5: {  	v48 =	vadd.f32 v58, v48  }
0x1f6: {  	v39 =	vadd.f32 v59, v39  }
0x1f7: {  	v60 =	vmul.f32 v35, v8;
	v47 =	vadd.f32 v55, v47;
	[tilespmem:$0x120A0] =	vst v48  }
0x1f8: {  	v40 =	vadd.f32 v50, v40;
	[tilespmem:$0x12080] =	vst v39;
	v50 =	vld [tilespmem:$0x120A2]  }
0x1f9: {  	v44 =	vadd.f32 v60, v44;
	[tilespmem:$0x120B0] =	vst v47;
	v61 =	vld [tilespmem:$0x12084]  }
0x1fa: {  	[tilespmem:$0x120A0] =	vst v40;
	v62 =	vld [tilespmem:$0x120B4]  }
0x1fb: {  	[tilespmem:$0x120D0] =	vst v44;
	v63 =	vld [tilespmem:$0x12098]  }
0x1fc: {  	v56 =	vld [tilespmem:$0x120C8];
	_ =	sdelay $0x1  }
0x1fd: {  	v39 =	vadd.f32 v61, v39  }
0x1fe: {  	v47 =	vadd.f32 v62, v47  }
0x1ff: {  	v60 =	vmul.f32 v32, v10;
	v43 =	vadd.f32 v63, v43;
	[tilespmem:$0x12080] =	vst v39  }
0x200: {  	v42 =	vadd.f32 v56, v42;
	v61 =	vmul.f32 v35, v2;
	[tilespmem:$0x120B0] =	vst v47;
	v55 =	vld [tilespmem:$0x12082]  }
0x201: {  	v38 =	vadd.f32 v60, v38;
	[tilespmem:$0x12090] =	vst v43;
	v51 =	vld [tilespmem:$0x120B2]  }
0x202: {  	v41 =	vadd.f32 v61, v41;
	[tilespmem:$0x120C0] =	vst v42;
	v62 =	vld [tilespmem:$0x12094]  }
0x203: {  	[tilespmem:$0x120B0] =	vst v38;
	v63 =	vld [tilespmem:$0x120C4]  }
0x204: {  	[tilespmem:$0x120E0] =	vst v41;
	v57 =	vld [tilespmem:$0x120A8]  }
0x205: {  	v58 =	vld [tilespmem:$0x120D8];
	_ =	sdelay $0x1  }
0x206: {  	v43 =	vadd.f32 v62, v43  }
0x207: {  	v42 =	vadd.f32 v63, v42  }
0x208: {  	v40 =	vadd.f32 v57, v40;
	[tilespmem:$0x12090] =	vst v43  }
0x209: {  	v60 =	vmul.f32 v35, v3;
	v44 =	vadd.f32 v58, v44;
	[tilespmem:$0x120C0] =	vst v42;
	v53 =	vld [tilespmem:$0x12092]  }
0x20a: {  	v36 =	vadd.f32 v45, v36;
	[tilespmem:$0x120A0] =	vst v40;
	v45 =	vld [tilespmem:$0x120C2]  }
0x20b: {  	v35 =	vadd.f32 v60, v37;
	[tilespmem:$0x120D0] =	vst v44;
	v61 =	vld [tilespmem:$0x120A4]  }
0x20c: {  	[tilespmem:$0x120C0] =	vst v36;
	v62 =	vld [tilespmem:$0x120D4]  }
0x20d: {  	[tilespmem:$0x120F0] =	vst v35;
	v63 =	vld [tilespmem:$0x120B8]  }
0x20e: {  	v60 =	vld [tilespmem:$0x120E8];
	_ =	sdelay $0x1  }
0x20f: {  	v37 =	vadd.f32 v61, v40  }
0x210: {  	v40 =	vadd.f32 v62, v44  }
0x211: {  	v61 =	vmul.f32 v32, v8;
	v38 =	vadd.f32 v63, v38;
	[tilespmem:$0x120A0] =	vst v37  }
0x212: {  	v41 =	vadd.f32 v60, v41;
	[tilespmem:$0x120D0] =	vst v40;
	v56 =	vld [tilespmem:$0x120A2]  }
0x213: {  	v34 =	vadd.f32 v61, v34;
	[tilespmem:$0x120B0] =	vst v38;
	v44 =	vld [tilespmem:$0x120D2]  }
0x214: {  	[tilespmem:$0x120E0] =	vst v41;
	v57 =	vld [tilespmem:$0x120B4]  }
0x215: {  	[tilespmem:$0x120D0] =	vst v34;
	v58 =	vld [tilespmem:$0x120E4]  }
0x216: {  	v59 =	vld [tilespmem:$0x120C8]  }
0x217: {  	v60 =	vld [tilespmem:$0x120F8];
	_ =	sdelay $0x1  }
0x218: {  	v38 =	vadd.f32 v57, v38  }
0x219: {  	v41 =	vadd.f32 v58, v41  }
0x21a: {  	v36 =	vadd.f32 v59, v36;
	[tilespmem:$0x120B0] =	vst v38  }
0x21b: {  	v35 =	vadd.f32 v60, v35;
	[tilespmem:$0x120E0] =	vst v41;
	v57 =	vld [tilespmem:$0x120B2]  }
0x21c: {  	[tilespmem:$0x120C0] =	vst v36;
	v58 =	vld [tilespmem:$0x120E2]  }
0x21d: {  	[tilespmem:$0x120F0] =	vst v35;
	v59 =	vld [tilespmem:$0x120C4]  }
0x21e: {  	[tilespmem:$0x120E0] =	vst v31;
	v60 =	vld [tilespmem:$0x120F4]  }
0x21f: {  	v61 =	vld [tilespmem:$0x120D8];
	_ =	sdelay $0x2  }
0x220: {  	v36 =	vadd.f32 v59, v36  }
0x221: {  	v62 =	vmul.f32 v32, v3;
	v35 =	vadd.f32 v60, v35  }
0x222: {  	v34 =	vadd.f32 v61, v34;
	[tilespmem:$0x120C0] =	vst v36  }
0x223: {  	v32 =	vadd.f32 v62, v33;
	[tilespmem:$0x120F0] =	vst v35;
	v59 =	vld [tilespmem:$0x120C2]  }
0x224: {  	[tilespmem:$0x120D0] =	vst v34;
	v33 =	vld [tilespmem:$0x120F2]  }
0x225: {  	v46 =	vadd.f32 v52, v46;
	v60 =	vld [tilespmem:$0x120D4];
	[tilespmem:$0x120F0] =	vst v32  }
0x226: {  	v63 =	vld [tilespmem:$0x120E8]  }
0x227: {  	(v2sf) =	vpush v46, $0x0;
	v49 =	vadd.f32 v54, v49  }
0x228: {  	(v2sf) =	vpush v46, $0x1  }
0x229: {  	(v2sf) =	vpush v49, $0x0  }
0x22a: {  	v34 =	vadd.f32 v60, v34;
	v60 =	vadd.f32 v50, v48  }
0x22b: {  	(v2sf) =	vpush v49, $0x1;
	v61 =	vadd.f32 v63, v31  }
0x22c: {  	v47 =	vadd.f32 v51, v47;
	[tilespmem:$0x120D0] =	vst v34;
	(v2sf) =	vpush v60, $0x0  }
0x22d: {  	v62 =	vld [tilespmem:$0x120D2];
	(v2sf) =	vpush v60, $0x1;
	[tilespmem:$0x120E0] =	vst v61  }
0x22e: {  	v42 =	vadd.f32 v45, v42;
	(v2sf) =	vpush v47, $0x0;
	v63 =	vld [tilespmem:$0x120E4]  }
0x22f: {  	v49 =	vld [tilespmem:$0x120F8];
	(v2sf) =	vpush v47, $0x1  }
0x230: {  	v40 =	vadd.f32 v44, v40;
	(v2sf) =	vpush v42, $0x0  }
0x231: {  	v41 =	vadd.f32 v58, v41;
	(v2sf) =	vpush v42, $0x1  }
0x232: {  	v33 =	vadd.f32 v33, v35;
	(v2sf) =	vpush v40, $0x0  }
0x233: {  	(v2sf) =	vpush v40, $0x1;
	v31 =	vadd.f32 v63, v61  }
0x234: {  	v32 =	vadd.f32 v49, v32;
	(v2sf) =	vpush v41, $0x0  }
0x235: {  	(v2sf) =	vpush v41, $0x1;
	[tilespmem:$0x120E0] =	vst v31  }
0x236: {  	v50 =	vadd.f32 v55, v39;
	(v2sf) =	vpush v33, $0x0;
	v51 =	vld [tilespmem:$0x120E2];
	[tilespmem:$0x120F0] =	vst v32  }
0x237: {  	s0 =	spop (v2sf);
	v52 =	vadd.f32 v53, v43;
	(v2sf) =	vpush v33, $0x1;
	v53 =	vld [tilespmem:$0x120F4]  }
0x238: {  	s1 =	spop (v2sf);
	(v2sf) =	vpush v50, $0x0  }
0x239: {  	s2 =	spop (v2sf);
	(v2sf) =	vpush v50, $0x1  }
0x23a: {  	s3 =	spop (v2sf);
	v54 =	vadd.f32 v56, v37;
	(v2sf) =	vpush v52, $0x0  }
0x23b: {  	v55 =	vadd.f32 v57, v38;
	(v2sf) =	vpush v52, $0x1;
	s4 =	spop (v2sf)  }
0x23c: {  	(v2sf) =	vpush v54, $0x0;
	s5 =	spop (v2sf);
	v32 =	vadd.f32 v53, v32  }
0x23d: {  	s6 =	spop (v2sf);
	(v2sf) =	vpush v54, $0x1  }
0x23e: {  	v56 =	vadd.f32 v59, v36;
	s7 =	spop (v2sf);
	(v2sf) =	vpush v55, $0x0;
	[tilespmem:$0x120F0] =	vst v32  }
0x23f: {  	s8 =	spop (v2sf);
	(v2sf) =	vpush v55, $0x1;
	v57 =	vld [tilespmem:$0x120F2]  }
0x240: {  	v34 =	vadd.f32 v62, v34;
	s9 =	spop (v2sf);
	(v2sf) =	vpush v56, $0x0  }
0x241: {  	s10 =	spop (v2sf);
	(v2sf) =	vpush v56, $0x1  }
0x242: {  	v31 =	vadd.f32 v51, v31;
	s11 =	spop (v2sf);
	(v2sf) =	vpush v34, $0x0  }
0x243: {  	s12 =	spop (v2sf);
	(v2sf) =	vpush v34, $0x1  }
0x244: {  	s13 =	spop (v2sf);
	(v2sf) =	vpush v31, $0x0;
	v32 =	vadd.f32 v57, v32  }
0x245: {  	s14 =	spop (v2sf);
	(v2sf) =	vpush v31, $0x1  }
0x246: {  	s15 =	spop (v2sf);
	(v2sf) =	vpush v32, $0x0  }
0x247: {  	s16 =	spop (v2sf);
	(v2sf) =	vpush v32, $0x1  }
0x248: {  	s17 =	spop (v2sf)  }
0x249: {  	s21 =	spop (v2sf)  }
0x24a: {  	s22 =	spop (v2sf)  }
0x24b: {  	s23 =	spop (v2sf)  }
0x24c: {  	s24 =	spop (v2sf)  }
0x24d: {  	s25 =	spop (v2sf)  }
0x24e: {  	s26 =	spop (v2sf)  }
0x24f: {  	s28 =	spop (v2sf)  }
0x250: {  	s29 =	spop (v2sf)  }
0x251: {  	s30 =	spop (v2sf)  }
0x252: {  	s31 =	spop (v2sf)  }
0x253: {  	s18 =	spop (v2sf)  }
0x254: {  	s20 =	spop (v2sf)  }
0x255: {  	s19 =	spop (v2sf)  }
0x256: {  	[dreg:$0x18] =	wrdreg s0;
	s0 =	spop (v2sf)  }
0x257: {  	s0 =	sadd.f32 s0, s19  }
0x258: {  	s19 =	rddreg [dreg:$0x18]  }
0x259: {  	s1 =	sadd.f32 s1, s19  }
0x25a: {  	s2 =	sadd.f32 s3, s2;
	v58 =	vmov s0  }
0x25b: {  	s5 =	sadd.f32 s5, s4;
	v31 =	vsel vm0, s1, v58  }
0x25c: {  	s7 =	sadd.f32 s7, s6;
	v31 =	vsel vm1, s2, v31  }
0x25d: {  	s9 =	sadd.f32 s9, s8;
	v31 =	vsel vm2, s5, v31  }
0x25e: {  	s11 =	sadd.f32 s11, s10;
	v31 =	vsel vm3, s7, v31  }
0x25f: {  	s13 =	sadd.f32 s13, s12;
	v31 =	vsel vm4, s9, v31  }
0x260: {  	s15 =	sadd.f32 s15, s14;
	v31 =	vsel vm5, s11, v31  }
0x261: {  	s19 =	sadd.f32 s17, s16;
	v31 =	vsel vm6, s13, v31  }
0x262: {  	s22 =	sadd.f32 s22, s21;
	v31 =	vsel vm7, s15, v31  }
0x263: {  	s24 =	sadd.f32 s24, s23;
	v31 =	vsel vm8, s19, v31  }
0x264: {  	s26 =	sadd.f32 s26, s25;
	v31 =	vsel vm9, s22, v31  }
0x265: {  	s29 =	sadd.f32 s29, s28;
	v31 =	vsel vm10, s24, v31  }
0x266: {  	s30 =	sadd.f32 s31, s30;
	v31 =	vsel vm11, s26, v31  }
0x267: {  	s31 =	sadd.f32 s20, s18;
	v31 =	vsel vm12, s29, v31  }
0x268: {  	v31 =	vsel vm13, s30, v31  }
0x269: {  	v31 =	vsel vm14, s31, v31  }
0x26a: {  	v31 =	vadd.f32 v31, v0;
	_ =	sdelay $0x1  }
0x26b: {  	[tilespmem:$0x12180] =	vst v31  }
0x26c: {  	v59 =	vld [tilespmem:$0x12184];
	_ =	sdelay $0x4  }
0x26d: {  	v32 =	vmax.f32 v31, v59  }
0x26e: {  	[tilespmem:$0x12180] =	vst v32  }
0x26f: {  	v60 =	vld [tilespmem:$0x12182];
	_ =	sdelay $0x4  }
0x270: {  	v32 =	vmax.f32 v32, v60  }
0x271: {  	[tilespmem:$0x12180] =	vst v32  }
0x272: {  	v61 =	vld [tilespmem:$0x12181];
	_ =	sdelay $0x4  }
0x273: {  	v32 =	vmax.f32 v32, v61  }
0x274: {  	v33 =	vbroadcast v32, $0x0;
	v32 =	vbroadcast v32, $0x8;
	_ =	sdelay $0x1  }
0x275: {  	v32 =	vsel vm15, v33, v32  }
0x276: {  	v31 =	vsub.f32 v31, v32;
	_ =	sdelay $0x1  }
0x277: {  	v31 =	vmul.f32 $1.442695020e+00, v31;
	_ =	sdelay $0x1  }
0x278: {  	(erf) = vpow2.f32 v31;
	_ =	sdelay $0x8  }
0x279: {  	v31 =	vpop (erf)  }
0x27a: {  	[tilespmem:$0x12180] =	vst v31  }
0x27b: {  	v62 =	vld [tilespmem:$0x12184];
	_ =	sdelay $0x4  }
0x27c: {  	v32 =	vadd.f32 v31, v62;
	_ =	sdelay $0x1  }
0x27d: {  	[tilespmem:$0x12180] =	vst v32  }
0x27e: {  	v63 =	vld [tilespmem:$0x12182];
	_ =	sdelay $0x4  }
0x27f: {  	v32 =	vadd.f32 v32, v63;
	_ =	sdelay $0x1  }
0x280: {  	[tilespmem:$0x12180] =	vst v32  }
0x281: {  	v36 =	vld [tilespmem:$0x12181];
	_ =	sdelay $0x4  }
0x282: {  	v32 =	vadd.f32 v32, v36;
	_ =	sdelay $0x1  }
0x283: {  	v33 =	vbroadcast v32, $0x0;
	v32 =	vbroadcast v32, $0x8;
	_ =	sdelay $0x1  }
0x284: {  	v32 =	vsel vm15, v33, v32  }
0x285: {  	(erf) = vrcp.f32 v32;
	_ =	sdelay $0x8  }
0x286: {  	v23 =	vmul.f32 v16, v23;
	s3 =	rddreg [dreg:$0x12];
	v32 =	vpop (erf)  }
0x287: {  	v37 =	vmul.f32 v16, v28;
	s0 =	sshll.u32 s3, $0x5;
	v31 =	vmul.f32 v32, v31  }
0x288: {  	v23 =	vadd.f32 v23, v27;
	s0 =	sand.u32 $0x3FFFFFE0, s0  }
0x289: {  	v25 =	vadd.f32 v37, v25;
	[tilespmem:s0+$0x12200] =	vst v31  }
0x28a: {  	[tilespmem:$0x12080] =	vst v23  }
0x28b: {  	[tilespmem:$0x12090] =	vst v25  }
0x28c: {  	v38 =	vld [tilespmem:$0x12088];
	_ =	sdelay $0x4  }
0x28d: {  	v23 =	vadd.f32 v38, v23  }
0x28e: {  	v19 =	vadd.f32 v30, v19  }
0x28f: {  	[tilespmem:$0x12080] =	vst v23  }
0x290: {  	[tilespmem:$0x120A0] =	vst v19;
	v39 =	vld [tilespmem:$0x12084]  }
0x291: {  	v40 =	vld [tilespmem:$0x12098];
	_ =	sdelay $0x3  }
0x292: {  	v23 =	vadd.f32 v39, v23  }
0x293: {  	v25 =	vadd.f32 v40, v25  }
0x294: {  	v24 =	vadd.f32 v29, v24;
	[tilespmem:$0x12080] =	vst v23  }
0x295: {  	v27 =	vld [tilespmem:$0x12082];
	[tilespmem:$0x12090] =	vst v25  }
0x296: {  	[tilespmem:$0x120B0] =	vst v24;
	v41 =	vld [tilespmem:$0x12094]  }
0x297: {  	v42 =	vld [tilespmem:$0x120A8];
	_ =	sdelay $0x2  }
0x298: {  	v22 =	vadd.f32 v26, v22  }
0x299: {  	v43 =	vmul.f32 v1, v28;
	v25 =	vadd.f32 v41, v25  }
0x29a: {  	v44 =	vmul.f32 v16, v7;
	v19 =	vadd.f32 v42, v19;
	[tilespmem:$0x12080] =	vst v22  }
0x29b: {  	v21 =	vadd.f32 v43, v21;
	[tilespmem:$0x12090] =	vst v25  }
0x29c: {  	v18 =	vadd.f32 v44, v18;
	v26 =	vld [tilespmem:$0x12092];
	[tilespmem:$0x120A0] =	vst v19  }
0x29d: {  	[tilespmem:$0x12090] =	vst v21;
	v45 =	vld [tilespmem:$0x120A4]  }
0x29e: {  	[tilespmem:$0x120C0] =	vst v18;
	v46 =	vld [tilespmem:$0x12088]  }
0x29f: {  	v47 =	vld [tilespmem:$0x120B8];
	_ =	sdelay $0x2  }
0x2a0: {  	v19 =	vadd.f32 v45, v19  }
0x2a1: {  	v48 =	vmul.f32 v1, v13;
	v22 =	vadd.f32 v46, v22  }
0x2a2: {  	v49 =	vmul.f32 v16, v8;
	v24 =	vadd.f32 v47, v24;
	[tilespmem:$0x120A0] =	vst v19  }
0x2a3: {  	v13 =	vadd.f32 v48, v17;
	[tilespmem:$0x12080] =	vst v22;
	v17 =	vld [tilespmem:$0x120A2]  }
0x2a4: {  	v15 =	vadd.f32 v49, v15;
	[tilespmem:$0x120B0] =	vst v24;
	v50 =	vld [tilespmem:$0x12084]  }
0x2a5: {  	[tilespmem:$0x120A0] =	vst v13;
	v51 =	vld [tilespmem:$0x120B4]  }
0x2a6: {  	[tilespmem:$0x120D0] =	vst v15;
	v52 =	vld [tilespmem:$0x12098]  }
0x2a7: {  	v53 =	vld [tilespmem:$0x120C8];
	_ =	sdelay $0x1  }
0x2a8: {  	v16 =	vadd.f32 v50, v22  }
0x2a9: {  	v54 =	vadd.f32 v51, v24  }
0x2aa: {  	v55 =	vmul.f32 v1, v10;
	v21 =	vadd.f32 v52, v21;
	[tilespmem:$0x12080] =	vst v16  }
0x2ab: {  	v18 =	vadd.f32 v53, v18;
	[tilespmem:$0x120B0] =	vst v54;
	v24 =	vld [tilespmem:$0x12082]  }
0x2ac: {  	v10 =	vadd.f32 v55, v14;
	[tilespmem:$0x12090] =	vst v21;
	v56 =	vld [tilespmem:$0x120B2]  }
0x2ad: {  	v12 =	vadd.f32 v20, v12;
	[tilespmem:$0x120C0] =	vst v18;
	v57 =	vld [tilespmem:$0x12094]  }
0x2ae: {  	[tilespmem:$0x120B0] =	vst v10;
	v58 =	vld [tilespmem:$0x120C4]  }
0x2af: {  	[tilespmem:$0x120E0] =	vst v12;
	v59 =	vld [tilespmem:$0x120A8]  }
0x2b0: {  	v60 =	vld [tilespmem:$0x120D8];
	_ =	sdelay $0x1  }
0x2b1: {  	v20 =	vadd.f32 v57, v21  }
0x2b2: {  	v18 =	vadd.f32 v58, v18  }
0x2b3: {  	v61 =	vmul.f32 v1, v7;
	v13 =	vadd.f32 v59, v13;
	[tilespmem:$0x12090] =	vst v20  }
0x2b4: {  	v15 =	vadd.f32 v60, v15;
	[tilespmem:$0x120C0] =	vst v18;
	v62 =	vld [tilespmem:$0x12092]  }
0x2b5: {  	v7 =	vadd.f32 v61, v11;
	[tilespmem:$0x120A0] =	vst v13;
	v63 =	vld [tilespmem:$0x120C2]  }
0x2b6: {  	[tilespmem:$0x120D0] =	vst v15;
	v33 =	vld [tilespmem:$0x120A4]  }
0x2b7: {  	[tilespmem:$0x120C0] =	vst v7;
	v34 =	vld [tilespmem:$0x120D4]  }
0x2b8: {  	[tilespmem:$0x120F0] =	vst v4;
	v35 =	vld [tilespmem:$0x120B8]  }
0x2b9: {  	v31 =	vld [tilespmem:$0x120E8];
	_ =	sdelay $0x1  }
0x2ba: {  	v13 =	vadd.f32 v33, v13  }
0x2bb: {  	v15 =	vadd.f32 v34, v15  }
0x2bc: {  	v36 =	vmul.f32 v1, v8;
	v10 =	vadd.f32 v35, v10;
	[tilespmem:$0x120A0] =	vst v13  }
0x2bd: {  	v12 =	vadd.f32 v31, v12;
	[tilespmem:$0x120D0] =	vst v15;
	v37 =	vld [tilespmem:$0x120A2]  }
0x2be: {  	v8 =	vadd.f32 v36, v9;
	[tilespmem:$0x120B0] =	vst v10;
	v38 =	vld [tilespmem:$0x120D2]  }
0x2bf: {  	[tilespmem:$0x120E0] =	vst v12;
	v39 =	vld [tilespmem:$0x120B4]  }
0x2c0: {  	[tilespmem:$0x120D0] =	vst v8;
	v40 =	vld [tilespmem:$0x120E4]  }
0x2c1: {  	v41 =	vld [tilespmem:$0x120C8]  }
0x2c2: {  	v42 =	vld [tilespmem:$0x120F8];
	_ =	sdelay $0x1  }
0x2c3: {  	v10 =	vadd.f32 v39, v10  }
0x2c4: {  	v12 =	vadd.f32 v40, v12  }
0x2c5: {  	v2 =	vmul.f32 v1, v2;
	v7 =	vadd.f32 v41, v7;
	[tilespmem:$0x120B0] =	vst v10  }
0x2c6: {  	v43 =	vadd.f32 v42, v4;
	[tilespmem:$0x120E0] =	vst v12;
	v44 =	vld [tilespmem:$0x120B2]  }
0x2c7: {  	v2 =	vadd.f32 v2, v6;
	[tilespmem:$0x120C0] =	vst v7;
	v45 =	vld [tilespmem:$0x120E2]  }
0x2c8: {  	[tilespmem:$0x120F0] =	vst v43;
	v46 =	vld [tilespmem:$0x120C4]  }
0x2c9: {  	[tilespmem:$0x120E0] =	vst v2;
	v47 =	vld [tilespmem:$0x120F4]  }
0x2ca: {  	v48 =	vld [tilespmem:$0x120D8];
	_ =	sdelay $0x2  }
0x2cb: {  	v7 =	vadd.f32 v46, v7  }
0x2cc: {  	v1 =	vmul.f32 v1, v3;
	v4 =	vadd.f32 v47, v43  }
0x2cd: {  	v3 =	vadd.f32 v48, v8;
	[tilespmem:$0x120C0] =	vst v7  }
0x2ce: {  	v1 =	vadd.f32 v1, v5;
	[tilespmem:$0x120F0] =	vst v4;
	v49 =	vld [tilespmem:$0x120C2]  }
0x2cf: {  	v23 =	vadd.f32 v27, v23;
	[tilespmem:$0x120D0] =	vst v3;
	v50 =	vld [tilespmem:$0x120F2]  }
0x2d0: {  	v51 =	vld [tilespmem:$0x120D4];
	[tilespmem:$0x120F0] =	vst v1  }
0x2d1: {  	(v2sf) =	vpush v23, $0x0;
	v25 =	vadd.f32 v26, v25;
	v52 =	vld [tilespmem:$0x120E8]  }
0x2d2: {  	(v2sf) =	vpush v23, $0x1  }
0x2d3: {  	(v2sf) =	vpush v25, $0x0;
	v17 =	vadd.f32 v17, v19  }
0x2d4: {  	(v2sf) =	vpush v25, $0x1  }
0x2d5: {  	(v2sf) =	vpush v17, $0x0;
	v3 =	vadd.f32 v51, v3  }
0x2d6: {  	v14 =	vadd.f32 v56, v54;
	v2 =	vadd.f32 v52, v2  }
0x2d7: {  	(v2sf) =	vpush v17, $0x1;
	[tilespmem:$0x120D0] =	vst v3  }
0x2d8: {  	(v2sf) =	vpush v14, $0x0;
	v11 =	vadd.f32 v63, v18;
	v53 =	vld [tilespmem:$0x120D2];
	[tilespmem:$0x120E0] =	vst v2  }
0x2d9: {  	(v2sf) =	vpush v14, $0x1;
	v54 =	vld [tilespmem:$0x120E4]  }
0x2da: {  	(v2sf) =	vpush v11, $0x0;
	v9 =	vadd.f32 v38, v15;
	v55 =	vld [tilespmem:$0x120F8]  }
0x2db: {  	(v2sf) =	vpush v11, $0x1  }
0x2dc: {  	(v2sf) =	vpush v9, $0x0;
	v6 =	vadd.f32 v45, v12  }
0x2dd: {  	(v2sf) =	vpush v9, $0x1  }
0x2de: {  	(v2sf) =	vpush v6, $0x0;
	v2 =	vadd.f32 v54, v2  }
0x2df: {  	v4 =	vadd.f32 v50, v4;
	v1 =	vadd.f32 v55, v1  }
0x2e0: {  	(v2sf) =	vpush v6, $0x1;
	[tilespmem:$0x120E0] =	vst v2  }
0x2e1: {  	v56 =	vadd.f32 v24, v16;
	(v2sf) =	vpush v4, $0x0;
	v57 =	vld [tilespmem:$0x120E2];
	[tilespmem:$0x120F0] =	vst v1  }
0x2e2: {  	s4 =	spop (v2sf);
	(v2sf) =	vpush v4, $0x1;
	v59 =	vld [tilespmem:$0x120F4]  }
0x2e3: {  	s1 =	spop (v2sf);
	v58 =	vadd.f32 v62, v20;
	(v2sf) =	vpush v56, $0x0  }
0x2e4: {  	s2 =	spop (v2sf);
	(v2sf) =	vpush v56, $0x1  }
0x2e5: {  	s3 =	spop (v2sf);
	v60 =	vadd.f32 v37, v13;
	(v2sf) =	vpush v58, $0x0  }
0x2e6: {  	[dreg:$0x19] =	wrdreg s4;
	s4 =	spop (v2sf);
	v61 =	vadd.f32 v44, v10;
	(v2sf) =	vpush v58, $0x1  }
0x2e7: {  	s5 =	spop (v2sf);
	(v2sf) =	vpush v60, $0x0;
	v1 =	vadd.f32 v59, v1  }
0x2e8: {  	s6 =	spop (v2sf);
	(v2sf) =	vpush v60, $0x1  }
0x2e9: {  	s7 =	spop (v2sf);
	v62 =	vadd.f32 v49, v7;
	(v2sf) =	vpush v61, $0x0;
	[tilespmem:$0x120F0] =	vst v1  }
0x2ea: {  	s8 =	spop (v2sf);
	(v2sf) =	vpush v61, $0x1;
	v63 =	vld [tilespmem:$0x120F2]  }
0x2eb: {  	s9 =	spop (v2sf);
	v3 =	vadd.f32 v53, v3;
	(v2sf) =	vpush v62, $0x0  }
0x2ec: {  	s10 =	spop (v2sf);
	(v2sf) =	vpush v62, $0x1  }
0x2ed: {  	s11 =	spop (v2sf);
	(v2sf) =	vpush v3, $0x0;
	v2 =	vadd.f32 v57, v2  }
0x2ee: {  	s12 =	spop (v2sf);
	(v2sf) =	vpush v3, $0x1  }
0x2ef: {  	s13 =	spop (v2sf);
	(v2sf) =	vpush v2, $0x0;
	v1 =	vadd.f32 v63, v1  }
0x2f0: {  	s14 =	spop (v2sf);
	(v2sf) =	vpush v2, $0x1  }
0x2f1: {  	s15 =	spop (v2sf);
	(v2sf) =	vpush v1, $0x0  }
0x2f2: {  	s16 =	spop (v2sf);
	(v2sf) =	vpush v1, $0x1  }
0x2f3: {  	s17 =	spop (v2sf)  }
0x2f4: {  	s18 =	spop (v2sf)  }
0x2f5: {  	s19 =	spop (v2sf)  }
0x2f6: {  	s20 =	spop (v2sf)  }
0x2f7: {  	s21 =	spop (v2sf)  }
0x2f8: {  	s22 =	spop (v2sf)  }
0x2f9: {  	s23 =	spop (v2sf)  }
0x2fa: {  	s24 =	spop (v2sf)  }
0x2fb: {  	s25 =	spop (v2sf)  }
0x2fc: {  	s26 =	spop (v2sf)  }
0x2fd: {  	s28 =	spop (v2sf)  }
0x2fe: {  	s29 =	spop (v2sf)  }
0x2ff: {  	s30 =	spop (v2sf)  }
0x300: {  	s31 =	spop (v2sf)  }
0x301: {  	s0 =	spop (v2sf)  }
0x302: {  	s0 =	sadd.f32 s0, s31  }
0x303: {  	s31 =	rddreg [dreg:$0x19]  }
0x304: {  	s1 =	sadd.f32 s1, s31  }
0x305: {  	s2 =	sadd.f32 s3, s2;
	v1 =	vmov s0  }
0x306: {  	s5 =	sadd.f32 s5, s4;
	v1 =	vsel vm0, s1, v1  }
0x307: {  	s7 =	sadd.f32 s7, s6;
	v1 =	vsel vm1, s2, v1  }
0x308: {  	s9 =	sadd.f32 s9, s8;
	v1 =	vsel vm2, s5, v1  }
0x309: {  	s11 =	sadd.f32 s11, s10;
	v1 =	vsel vm3, s7, v1  }
0x30a: {  	s13 =	sadd.f32 s13, s12;
	v1 =	vsel vm4, s9, v1  }
0x30b: {  	s15 =	sadd.f32 s15, s14;
	v1 =	vsel vm5, s11, v1  }
0x30c: {  	s17 =	sadd.f32 s17, s16;
	v1 =	vsel vm6, s13, v1  }
0x30d: {  	s19 =	sadd.f32 s19, s18;
	v1 =	vsel vm7, s15, v1  }
0x30e: {  	s21 =	sadd.f32 s21, s20;
	v1 =	vsel vm8, s17, v1  }
0x30f: {  	s23 =	sadd.f32 s23, s22;
	v1 =	vsel vm9, s19, v1  }
0x310: {  	s25 =	sadd.f32 s25, s24;
	v1 =	vsel vm10, s21, v1  }
0x311: {  	s28 =	sadd.f32 s28, s26;
	v1 =	vsel vm11, s23, v1  }
0x312: {  	s29 =	sadd.f32 s30, s29;
	v1 =	vsel vm12, s25, v1  }
0x313: {  	v1 =	vsel vm13, s28, v1  }
0x314: {  	v1 =	vsel vm14, s29, v1  }
0x315: {  	v1 =	vadd.f32 v1, v0;
	_ =	sdelay $0x1  }
0x316: {  	[tilespmem:$0x12180] =	vst v1  }
0x317: {  	v2 =	vld [tilespmem:$0x12184];
	_ =	sdelay $0x4  }
0x318: {  	v2 =	vmax.f32 v1, v2  }
0x319: {  	[tilespmem:$0x12180] =	vst v2  }
0x31a: {  	v3 =	vld [tilespmem:$0x12182];
	_ =	sdelay $0x4  }
0x31b: {  	v2 =	vmax.f32 v2, v3  }
0x31c: {  	[tilespmem:$0x12180] =	vst v2  }
0x31d: {  	v3 =	vld [tilespmem:$0x12181];
	_ =	sdelay $0x4  }
0x31e: {  	v2 =	vmax.f32 v2, v3  }
0x31f: {  	v3 =	vbroadcast v2, $0x0;
	v2 =	vbroadcast v2, $0x8;
	_ =	sdelay $0x1  }
0x320: {  	v2 =	vsel vm15, v3, v2  }
0x321: {  	v1 =	vsub.f32 v1, v2;
	_ =	sdelay $0x1  }
0x322: {  	v1 =	vmul.f32 $1.442695020e+00, v1;
	_ =	sdelay $0x1  }
0x323: {  	(erf) = vpow2.f32 v1;
	_ =	sdelay $0x8  }
0x324: {  	v1 =	vpop (erf)  }
0x325: {  	[tilespmem:$0x12180] =	vst v1  }
0x326: {  	v2 =	vld [tilespmem:$0x12184];
	_ =	sdelay $0x4  }
0x327: {  	v2 =	vadd.f32 v1, v2;
	_ =	sdelay $0x1  }
0x328: {  	[tilespmem:$0x12180] =	vst v2  }
0x329: {  	v3 =	vld [tilespmem:$0x12182];
	_ =	sdelay $0x4  }
0x32a: {  	v2 =	vadd.f32 v2, v3;
	_ =	sdelay $0x1  }
0x32b: {  	[tilespmem:$0x12180] =	vst v2  }
0x32c: {  	v3 =	vld [tilespmem:$0x12181];
	_ =	sdelay $0x4  }
0x32d: {  	v2 =	vadd.f32 v2, v3;
	_ =	sdelay $0x1  }
0x32e: {  	v3 =	vbroadcast v2, $0x0;
	v2 =	vbroadcast v2, $0x8;
	_ =	sdelay $0x1  }
0x32f: {  	v2 =	vsel vm15, v3, v2  }
0x330: {  	(erf) = vrcp.f32 v2;
	_ =	sdelay $0x4  }
0x331: {  	s30 =	rddreg [dreg:$0x12]  }
0x332: {  	s2 =	sadd.s32 $0x1, s30  }
0x333: {  	p0 =	sne.s32 s2, $0x8  }
.Ltmp3:
0x334: {  	_ = 	snop;
	(pc) =	sbr.rel @p0 .LBB2_6-.Ltmp3, $4  }
0x335: {  	s31 =	rddreg [dreg:$0x15];
	v2 =	vpop (erf)  }
0x336: {  	s0 =	sshll.u32 s31, $0x3;
	v1 =	vmul.f32 v2, v1  }
0x337: {  	s0 =	sand.u32 $0x3FFFFFF8, s0  }
0x338: {  	[tilespmem:s0+$0x12200] =	vst v1  }
0x339: {  	s1 =	simm.s32 $0x0  }
0x33a: {  	s0 =	rddreg [dreg:$0xf];
	s2 =	simm.s32 $0x12200;
	s3 =	simm.s32 $0x3  }
0x33b: {  	[hbm4b:s0+s1] =	stream.linear.scatter [tilespmem:s2], [sflag:$0x3], $0x100, $0x38;
	[tilespmem:$0x12300] =	vst v63  }
0x33c: {  	_ =	swait.ge [sflag:s3], $0x100  }
0x33d: {  	s30 =	rddreg [dreg:$0x11]  }
0x33e: {  	s31 =	rddreg [dreg:$0x10];
	s2 =	sadd.s32 $0x1, s30  }
0x33f: {  	p0 =	sne.s32 s2, s31  }
.Ltmp4:
0x340: {  	_ = 	snop;
	(pc) =	sbr.rel @p0 .LBB2_1-.Ltmp4, $3  }
0x341: {  	_ =	sdelay $0x1  }
0x342: {  	[sflag:s3] =	ssyncset.done $0x0  }
0x343: {  	[sflag:s3] =	ssyncadd.s32 $0xFFFFFF00  }
0x344: {  	_ =	sfence.sel $0x180000  }
0x345: {  	[bflag:$0x0] =	sbarrier.arrive $0xFFFF  }
0x346: {  	_ =	strace $0x90000047  }
0x347: {  	s0 =	stileid.u32;
	[bflag:$0x2] =	sbarrier.arrive $0xFFFF  }
0x348: {  	p0 =	sne.s32 s0, $0x0;
	s0 =	rddreg [dreg:$0x3]  }
0x349: {  	s0 =	sadd.s32 @!p0 $0x100000, s0  }
0x34a: {  	[sflag:s0] =	ssyncadd.tile.s32 @!p0 $0x1;
	_ =	shalt  }
.Lfunc_end2:
_tile_overlayer_lowered:
.L_overlay_start_2:
0x34b: {  	(tag) =	ssettag $0x2  }
0x34c: {  	s0 =	rddreg [dreg:$0x0];
	s2 =	stileid.u32  }
0x34d: {  	s1 =	rddreg [dreg:$0x1];
	p0 =	sne.s32 s2, $0x0  }
0x34e: {  	s3 =	rddreg [dreg:$0x2];
	[bflag:$0x3] =	sbarrier.arrive $0xFFFF;
	s2 =	simm.s32 @!p0 $0x1C03  }
0x34f: {  	[timem:s3], [sflag:s2] =	dma.local @!p0 [hbm:s0], s1  }
0x350: {  	s0 =	simm.s32 @!p0 $0x3  }
0x351: {  	_ =	swait.ge @!p0 [sflag:s0], s1  }
0x352: {  	s1 =	ssub.s32 @!p0 $0x0, s1;
	[sflag:s0] =	ssyncset.done @!p0 $0x0  }
0x353: {  	[sflag:s0] =	ssyncadd.s32 @!p0 s1  }
0x354: {  	[bflag:$0x3] =	sbarrier.arrive $0xFFFF  }
0x355: {  	_ =	shalt  }

</sc_bundles>
